<compile_context>
chip_gen: v7x
topology: tpu7x:2x2x1
jax: 0.10.2.dev20260603
libtpu: 0.0.44.dev20260713+nightly
codegen_flags: <defaults>
</compile_context>

<pallas_src>
import jax
import jax.numpy as jnp
from jax import lax
from jax.experimental import pallas as pl
from jax.experimental.pallas import tpu as pltpu
from jax.experimental.pallas import tpu_sc as plsc

DIM = 32
BATCH = 16384
SB = 1
NBUF = 8


def _sc_body(u_idx_hbm, i_idx_hbm, j_idx_hbm, ut, it,
             pos_out, neg_out,
             idx_u, idx_i, idx_j, gran_a, gran_b, gran_c, gran_d,
             gran_e, gran_f, gran_g, gran_h,
             pos_v, neg_v, sem):
    info = plsc.get_sparse_core_info()
    nc = info.num_cores
    nw = nc * info.num_subcores
    b_per_w = BATCH // nw

    wid = lax.axis_index("s") * nc + lax.axis_index("c")
    base = wid * b_per_w

    pltpu.sync_copy(u_idx_hbm.at[pl.ds(wid * 4, 4)], idx_u)
    pltpu.sync_copy(i_idx_hbm.at[pl.ds(wid * 4, 4)], idx_i)
    pltpu.sync_copy(j_idx_hbm.at[pl.ds(wid * 4, 4)], idx_j)

    lanes16 = lax.iota(jnp.int32, 16)
    c0 = lanes16
    c1 = lanes16 + 16
    bufs = (gran_a, gran_b, gran_c, gran_d, gran_e, gran_f, gran_g, gran_h)
    n_sb = 16 // SB

    def fire(ivs, sb, buf):
        iu, ii, ij = ivs
        copies = []
        for k in range(SB):
            l = sb * SB + k
            for t, (iv, src) in enumerate(((iu, ut), (ii, it), (ij, it))):
                r = iv[l]
                rblk = pl.multiple_of((r >> 7) << 7, 128)
                copies.append(pltpu.async_copy(
                    src.at[:, pl.ds(rblk, 128)], buf.at[k * 3 + t], sem))
        return copies

    def extract(ivs, sb, buf, acc_p, acc_n):
        iu, ii, ij = ivs
        for k in range(SB):
            l = sb * SB + k
            qu = jnp.full((16,), k * 3 + 0, jnp.int32)
            qi = jnp.full((16,), k * 3 + 1, jnp.int32)
            qj = jnp.full((16,), k * 3 + 2, jnp.int32)
            lu = jnp.full((16,), iu[l] & 127, jnp.int32)
            li = jnp.full((16,), ii[l] & 127, jnp.int32)
            lj = jnp.full((16,), ij[l] & 127, jnp.int32)
            u0 = plsc.load_gather(buf, [qu, c0, lu])
            u1 = plsc.load_gather(buf, [qu, c1, lu])
            i0 = plsc.load_gather(buf, [qi, c0, li])
            i1 = plsc.load_gather(buf, [qi, c1, li])
            j0 = plsc.load_gather(buf, [qj, c0, lj])
            j1 = plsc.load_gather(buf, [qj, c1, lj])
            ps = jnp.sum(u0 * i0 + u1 * i1)
            ns = jnp.sum(u0 * j0 + u1 * j1)
            sel = lanes16 == l
            acc_p = jnp.where(sel, ps, acc_p)
            acc_n = jnp.where(sel, ns, acc_n)
        return acc_p, acc_n

    def body16(g, _):
        d0 = g // 8
        m = (g % 8) * 16
        ivs = (idx_u[d0, pl.ds(m, 16)],
               idx_i[d0, pl.ds(m, 16)],
               idx_j[d0, pl.ds(m, 16)])

        acc_p = jnp.zeros((16,), jnp.float32)
        acc_n = jnp.zeros((16,), jnp.float32)
        pending = [fire(ivs, sb, bufs[sb]) for sb in range(NBUF - 1)]
        for sb in range(n_sb):
            if sb + NBUF - 1 < n_sb:
                pending.append(
                    fire(ivs, sb + NBUF - 1, bufs[(sb + NBUF - 1) % NBUF]))
            for cp in pending.pop(0):
                cp.wait()
            acc_p, acc_n = extract(ivs, sb, bufs[sb % NBUF], acc_p, acc_n)
        pos_v[pl.ds(g * 16, 16)] = acc_p
        neg_v[pl.ds(g * 16, 16)] = acc_n
        return 0

    lax.fori_loop(0, b_per_w // 16, body16, 0)

    pltpu.sync_copy(pos_v, pos_out.at[pl.ds(base, b_per_w)])
    pltpu.sync_copy(neg_v, neg_out.at[pl.ds(base, b_per_w)])


def kernel(batch_user, batch_pos_item, batch_neg_item, user_emb, item_emb):
    info = plsc.get_sparse_core_info()
    nw = info.num_cores * info.num_subcores
    b_per_w = BATCH // nw

    ut = user_emb.T
    it = item_emb.T

    u_idx = batch_user.reshape(BATCH // 128, 128)
    i_idx = batch_pos_item.reshape(BATCH // 128, 128)
    j_idx = batch_neg_item.reshape(BATCH // 128, 128)

    mesh = plsc.VectorSubcoreMesh(core_axis_name="c", subcore_axis_name="s")
    run = pl.kernel(
        _sc_body,
        mesh=mesh,
        compiler_params=pltpu.CompilerParams(
            needs_layout_passes=False, use_tc_tiling_on_sc=True),
        out_type=(
            jax.ShapeDtypeStruct((BATCH,), jnp.float32),
            jax.ShapeDtypeStruct((BATCH,), jnp.float32),
        ),
        scratch_types=[
            pltpu.VMEM((4, 128), jnp.int32),
            pltpu.VMEM((4, 128), jnp.int32),
            pltpu.VMEM((4, 128), jnp.int32),
            pltpu.VMEM((3 * SB, DIM, 128), jnp.float32),
            pltpu.VMEM((3 * SB, DIM, 128), jnp.float32),
            pltpu.VMEM((3 * SB, DIM, 128), jnp.float32),
            pltpu.VMEM((3 * SB, DIM, 128), jnp.float32),
            pltpu.VMEM((3 * SB, DIM, 128), jnp.float32),
            pltpu.VMEM((3 * SB, DIM, 128), jnp.float32),
            pltpu.VMEM((3 * SB, DIM, 128), jnp.float32),
            pltpu.VMEM((3 * SB, DIM, 128), jnp.float32),
            pltpu.VMEM((b_per_w,), jnp.float32),
            pltpu.VMEM((b_per_w,), jnp.float32),
            pltpu.SemaphoreType.DMA,
        ],
    )
    pos, neg = run(u_idx, i_idx, j_idx, ut, it)
    return (pos.reshape(BATCH, 1), neg.reshape(BATCH, 1))

# --- scband reference (transcript-rebuilt; emitter-appended) ---
"""Pipeline reference for scband-base-model-14791867367545 (READ-ONLY COPY).

The authoritative reference and input builder live on the scoring server;
editing this copy changes nothing except your own understanding.
"""

import jax, jax.numpy as jnp
import numpy as np

USER_NUM = 1000000
ITEM_NUM = 1000000
DIM = 32
BATCH = 16384

def setup_inputs(seed: int = 0) -> dict:
    key = jax.random.key(seed)
    k1, k2, k3, k4, k5 = jax.random.split(key, 5)
    batch_user = jax.random.randint(k1, (BATCH,), 0, USER_NUM, dtype=jnp.int64 if jax.config.jax_enable_x64 else jnp.int32).astype(jnp.int32)
    batch_pos_item = jax.random.randint(k2, (BATCH,), 0, ITEM_NUM).astype(jnp.int32)
    batch_neg_item = jax.random.randint(k3, (BATCH,), 0, ITEM_NUM).astype(jnp.int32)
    user_emb = jax.random.normal(k4, (USER_NUM, DIM), dtype=jnp.float32) * 0.01
    item_emb = jax.random.normal(k5, (ITEM_NUM, DIM), dtype=jnp.float32) * 0.01
    return {
        'batch_user': batch_user,
        'batch_pos_item': batch_pos_item,
        'batch_neg_item': batch_neg_item,
        'user_emb': user_emb,
        'item_emb': item_emb,
    }

def reference(batch_user, batch_pos_item, batch_neg_item, user_emb, item_emb):
    u = jnp.take(user_emb, batch_user, axis=0)
    i = jnp.take(item_emb, batch_pos_item, axis=0)
    j = jnp.take(item_emb, batch_neg_item, axis=0)
    pos_score = jnp.sum(u * i, axis=1, keepdims=True)
    neg_score = jnp.sum(u * j, axis=1, keepdims=True)
    return (pos_score, neg_score)

if __name__ == "__main__":
    import jax
    _d = setup_inputs()
    print(jax.jit(kernel)(*tuple(_d.values())))

</pallas_src>

<mosaic_0001>
#map = affine_map<(d0, d1) -> (0, 0)>
#map1 = affine_map<(d0, d1) -> (0)>
module attributes {stable_mosaic.version = 14 : i64} {
  func.func @_sc_body(%arg0: i32, %arg1: i32, %arg2: memref<128x128xi32, #tpu.memory_space<hbm>>, %arg3: memref<128x128xi32, #tpu.memory_space<hbm>>, %arg4: memref<128x128xi32, #tpu.memory_space<hbm>>, %arg5: memref<32x1000000xf32, #tpu.memory_space<hbm>>, %arg6: memref<32x1000000xf32, #tpu.memory_space<hbm>>, %arg7: memref<16384xf32, #tpu.memory_space<hbm>>, %arg8: memref<16384xf32, #tpu.memory_space<hbm>>, %arg9: memref<4x128xi32, #tpu.memory_space<vmem>>, %arg10: memref<4x128xi32, #tpu.memory_space<vmem>>, %arg11: memref<4x128xi32, #tpu.memory_space<vmem>>, %arg12: memref<3x32x128xf32, #tpu.memory_space<vmem>>, %arg13: memref<3x32x128xf32, #tpu.memory_space<vmem>>, %arg14: memref<3x32x128xf32, #tpu.memory_space<vmem>>, %arg15: memref<3x32x128xf32, #tpu.memory_space<vmem>>, %arg16: memref<3x32x128xf32, #tpu.memory_space<vmem>>, %arg17: memref<3x32x128xf32, #tpu.memory_space<vmem>>, %arg18: memref<3x32x128xf32, #tpu.memory_space<vmem>>, %arg19: memref<3x32x128xf32, #tpu.memory_space<vmem>>, %arg20: memref<512xf32, #tpu.memory_space<vmem>>, %arg21: memref<512xf32, #tpu.memory_space<vmem>>, %arg22: memref<!tpu.dma_semaphore, #tpu.memory_space<semaphore_mem>>) attributes {dimension_semantics = [#tpu.dimension_semantics<core_parallel>, #tpu.dimension_semantics<subcore_parallel>], iteration_bounds = array<i64: 2, 16>, scalar_prefetch = 0 : i64, scratch_operands = 14 : i64, tpu.core_type = #tpu.core_type<sc_vector_subcore>, window_params = [{transform_indices = #map}, {transform_indices = #map}, {transform_indices = #map}, {transform_indices = #map}, {transform_indices = #map}, {transform_indices = #map1}, {transform_indices = #map1}]} {
    %mul3A = arith.constant 2 : i32
    %mul3A_0 = arith.muli %arg1, %mul3A : i32
    %add3A = arith.addi %mul3A_0, %arg0 : i32
    %mul3A_1 = arith.constant 512 : i32
    %mul3A_2 = arith.muli %add3A, %mul3A_1 : i32
    %mul3A_3 = arith.constant 4 : i32
    %mul3A_4 = arith.muli %add3A, %mul3A_3 : i32
    "tpu.region"() ({
      %run_scoped3A = tpu.sem_alloc : memref<!tpu.dma_semaphore, #tpu.memory_space<semaphore_mem>>
      %dma_start3A = arith.constant 0 : i32
      %dma_start3A_18 = tpu.memref_slice %arg2[%mul3A_4, %dma_start3A] : memref<128x128xi32, #tpu.memory_space<hbm>> -> memref<4x128xi32, #tpu.memory_space<hbm>>
      %dma_start3A_19 = arith.constant 0 : i32
      %dma_start3A_20 = tpu.memref_slice %arg2[%mul3A_4, %dma_start3A_19] : memref<128x128xi32, #tpu.memory_space<hbm>> -> memref<4x128xi32, #tpu.memory_space<hbm>>
      tpu.enqueue_dma source(%dma_start3A_20 : memref<4x128xi32, #tpu.memory_space<hbm>>) target(%arg9 : memref<4x128xi32, #tpu.memory_space<vmem>>) target_semaphore(%run_scoped3A : memref<!tpu.dma_semaphore, #tpu.memory_space<semaphore_mem>>)
      %dma_wait3A = arith.constant 0 : i32
      %dma_wait3A_21 = tpu.memref_slice %arg2[%mul3A_4, %dma_wait3A] : memref<128x128xi32, #tpu.memory_space<hbm>> -> memref<4x128xi32, #tpu.memory_space<hbm>>
      %dma_wait3A_22 = arith.constant 0 : i32
      %dma_wait3A_23 = tpu.memref_slice %arg2[%mul3A_4, %dma_wait3A_22] : memref<128x128xi32, #tpu.memory_space<hbm>> -> memref<4x128xi32, #tpu.memory_space<hbm>>
      tpu.wait_dma2 semaphore(%run_scoped3A : memref<!tpu.dma_semaphore, #tpu.memory_space<semaphore_mem>>) src(%dma_wait3A_23 : memref<4x128xi32, #tpu.memory_space<hbm>>) dst(%arg9 : memref<4x128xi32, #tpu.memory_space<vmem>>)
      tpu.yield
    }) : () -> ()
    %mul3A_5 = arith.constant 4 : i32
    %mul3A_6 = arith.muli %add3A, %mul3A_5 : i32
    "tpu.region"() ({
      %run_scoped3A = tpu.sem_alloc : memref<!tpu.dma_semaphore, #tpu.memory_space<semaphore_mem>>
      %dma_start3A = arith.constant 0 : i32
      %dma_start3A_18 = tpu.memref_slice %arg3[%mul3A_6, %dma_start3A] : memref<128x128xi32, #tpu.memory_space<hbm>> -> memref<4x128xi32, #tpu.memory_space<hbm>>
      %dma_start3A_19 = arith.constant 0 : i32
      %dma_start3A_20 = tpu.memref_slice %arg3[%mul3A_6, %dma_start3A_19] : memref<128x128xi32, #tpu.memory_space<hbm>> -> memref<4x128xi32, #tpu.memory_space<hbm>>
      tpu.enqueue_dma source(%dma_start3A_20 : memref<4x128xi32, #tpu.memory_space<hbm>>) target(%arg10 : memref<4x128xi32, #tpu.memory_space<vmem>>) target_semaphore(%run_scoped3A : memref<!tpu.dma_semaphore, #tpu.memory_space<semaphore_mem>>)
      %dma_wait3A = arith.constant 0 : i32
      %dma_wait3A_21 = tpu.memref_slice %arg3[%mul3A_6, %dma_wait3A] : memref<128x128xi32, #tpu.memory_space<hbm>> -> memref<4x128xi32, #tpu.memory_space<hbm>>
      %dma_wait3A_22 = arith.constant 0 : i32
      %dma_wait3A_23 = tpu.memref_slice %arg3[%mul3A_6, %dma_wait3A_22] : memref<128x128xi32, #tpu.memory_space<hbm>> -> memref<4x128xi32, #tpu.memory_space<hbm>>
      tpu.wait_dma2 semaphore(%run_scoped3A : memref<!tpu.dma_semaphore, #tpu.memory_space<semaphore_mem>>) src(%dma_wait3A_23 : memref<4x128xi32, #tpu.memory_space<hbm>>) dst(%arg10 : memref<4x128xi32, #tpu.memory_space<vmem>>)
      tpu.yield
    }) : () -> ()
    %mul3A_7 = arith.constant 4 : i32
    %mul3A_8 = arith.muli %add3A, %mul3A_7 : i32
    "tpu.region"() ({
      %run_scoped3A = tpu.sem_alloc : memref<!tpu.dma_semaphore, #tpu.memory_space<semaphore_mem>>
      %dma_start3A = arith.constant 0 : i32
      %dma_start3A_18 = tpu.memref_slice %arg4[%mul3A_8, %dma_start3A] : memref<128x128xi32, #tpu.memory_space<hbm>> -> memref<4x128xi32, #tpu.memory_space<hbm>>
      %dma_start3A_19 = arith.constant 0 : i32
      %dma_start3A_20 = tpu.memref_slice %arg4[%mul3A_8, %dma_start3A_19] : memref<128x128xi32, #tpu.memory_space<hbm>> -> memref<4x128xi32, #tpu.memory_space<hbm>>
      tpu.enqueue_dma source(%dma_start3A_20 : memref<4x128xi32, #tpu.memory_space<hbm>>) target(%arg11 : memref<4x128xi32, #tpu.memory_space<vmem>>) target_semaphore(%run_scoped3A : memref<!tpu.dma_semaphore, #tpu.memory_space<semaphore_mem>>)
      %dma_wait3A = arith.constant 0 : i32
      %dma_wait3A_21 = tpu.memref_slice %arg4[%mul3A_8, %dma_wait3A] : memref<128x128xi32, #tpu.memory_space<hbm>> -> memref<4x128xi32, #tpu.memory_space<hbm>>
      %dma_wait3A_22 = arith.constant 0 : i32
      %dma_wait3A_23 = tpu.memref_slice %arg4[%mul3A_8, %dma_wait3A_22] : memref<128x128xi32, #tpu.memory_space<hbm>> -> memref<4x128xi32, #tpu.memory_space<hbm>>
      tpu.wait_dma2 semaphore(%run_scoped3A : memref<!tpu.dma_semaphore, #tpu.memory_space<semaphore_mem>>) src(%dma_wait3A_23 : memref<4x128xi32, #tpu.memory_space<hbm>>) dst(%arg11 : memref<4x128xi32, #tpu.memory_space<vmem>>)
      tpu.yield
    }) : () -> ()
    %iota3A = tpu.iota {dimensions = array<i32: 0>} : vector<16xi32>
    %add3A_9 = arith.constant 16 : i32
    %add3A_10 = vector.broadcast %add3A_9 : i32 to vector<16xi32>
    %add3A_11 = arith.addi %iota3A, %add3A_10 : vector<16xi32>
    %scan3A = arith.constant 0 : i32
    %scan3A_12 = arith.constant 0 : i32
    %scan3A_13 = arith.constant 32 : i32
    %scan3A_14 = arith.addi %scan3A_12, %scan3A_13 : i32
    %scan3A_15 = arith.constant 1 : i32
    %scan3A_16 = scf.for %scan3A_18 = %scan3A_12 to %scan3A_14 step %scan3A_15 iter_args(%scan3A_19 = %scan3A) -> (i32)  : i32 {
      %jit3A = arith.constant 8 : i32
      %div3A = arith.divsi %scan3A_18, %jit3A : i32
      %sign3A = arith.constant 0 : i32
      %sign3A_20 = arith.cmpi sgt, %scan3A_18, %sign3A : i32
      %sign3A_21 = arith.extui %sign3A_20 : i1 to i32
      %sign3A_22 = arith.constant 0 : i32
      %sign3A_23 = arith.cmpi slt, %scan3A_18, %sign3A_22 : i32
      %sign3A_24 = arith.extui %sign3A_23 : i1 to i32
      %sign3A_25 = arith.subi %sign3A_21, %sign3A_24 : i32
      %sign3A_26 = arith.constant 0 : i32
      %sign3A_27 = arith.cmpi sgt, %jit3A, %sign3A_26 : i32
      %sign3A_28 = arith.extui %sign3A_27 : i1 to i32
      %sign3A_29 = arith.constant 0 : i32
      %sign3A_30 = arith.cmpi slt, %jit3A, %sign3A_29 : i32
      %sign3A_31 = arith.extui %sign3A_30 : i1 to i32
      %sign3A_32 = arith.subi %sign3A_28, %sign3A_31 : i32
      %ne3A = arith.cmpi ne, %sign3A_25, %sign3A_32 : i32
      %rem3A = arith.remsi %scan3A_18, %jit3A : i32
      %ne3A_33 = arith.constant 0 : i32
      %ne3A_34 = arith.cmpi ne, %rem3A, %ne3A_33 : i32
      %and3A = arith.andi %ne3A, %ne3A_34 : i1
      %sub3A = arith.constant 1 : i32
      %sub3A_35 = arith.subi %div3A, %sub3A : i32
      %select_n3A = arith.select %and3A, %sub3A_35, %div3A : i32
      %jit3A_36 = arith.constant 8 : i32
      %eq3A = arith.constant 0 : i32
      %eq3A_37 = arith.cmpi eq, %jit3A_36, %eq3A : i32
      %jit3A_38 = arith.constant 1 : i32
      %select_n3A_39 = arith.select %eq3A_37, %jit3A_38, %jit3A_36 : i32
      %rem3A_40 = arith.remsi %scan3A_18, %select_n3A_39 : i32
      %ne3A_41 = arith.constant 0 : i32
      %ne3A_42 = arith.cmpi ne, %rem3A_40, %ne3A_41 : i32
      %lt3A = arith.constant 0 : i32
      %lt3A_43 = arith.cmpi slt, %rem3A_40, %lt3A : i32
      %lt3A_44 = arith.constant 0 : i32
      %lt3A_45 = arith.cmpi slt, %select_n3A_39, %lt3A_44 : i32
      %ne3A_46 = arith.xori %lt3A_43, %lt3A_45 : i1
      %and3A_47 = arith.andi %ne3A_46, %ne3A_42 : i1
      %add3A_48 = arith.addi %rem3A_40, %select_n3A_39 : i32
      %select_n3A_49 = arith.select %and3A_47, %add3A_48, %rem3A_40 : i32
      %mul3A_50 = arith.constant 16 : i32
      %mul3A_51 = arith.muli %select_n3A_49, %mul3A_50 : i32
      %get3A = arith.index_cast %select_n3A : i32 to index
      %get3A_52 = arith.index_cast %mul3A_51 : i32 to index
      %get3A_53 = tpu.vector_load %arg9[%get3A, %get3A_52] {strides = array<i32>} : memref<4x128xi32, #tpu.memory_space<vmem>>, vector<16xi32>,
      %get3A_54 = arith.index_cast %select_n3A : i32 to index
      %get3A_55 = arith.index_cast %mul3A_51 : i32 to index
      %get3A_56 = tpu.vector_load %arg10[%get3A_54, %get3A_55] {strides = array<i32>} : memref<4x128xi32, #tpu.memory_space<vmem>>, vector<16xi32>,
      %get3A_57 = arith.index_cast %select_n3A : i32 to index
      %get3A_58 = arith.index_cast %mul3A_51 : i32 to index
      %get3A_59 = tpu.vector_load %arg11[%get3A_57, %get3A_58] {strides = array<i32>} : memref<4x128xi32, #tpu.memory_space<vmem>>, vector<16xi32>,
      %broadcast_in_dim3A = arith.constant 0.000000e+00 : f32
      %broadcast_in_dim3A_60 = vector.broadcast %broadcast_in_dim3A : f32 to vector<16xf32>
      %broadcast_in_dim3A_61 = arith.constant 0.000000e+00 : f32
      %broadcast_in_dim3A_62 = vector.broadcast %broadcast_in_dim3A_61 : f32 to vector<16xf32>
      %slice3A = vector.extract_strided_slice %get3A_53 {offsets = [0], sizes = [1], strides = [1]} : vector<16xi32> to vector<1xi32>
      %squeeze3A = vector.extract %slice3A[0] : i32 from vector<1xi32>
      %shift_right_arithmetic3A = arith.constant 7 : i32
      %shift_right_arithmetic3A_63 = arith.shrsi %squeeze3A, %shift_right_arithmetic3A : i32
      %shift_left3A = arith.constant 7 : i32
      %shift_left3A_64 = arith.shli %shift_right_arithmetic3A_63, %shift_left3A : i32
      %multiple_of3A = tpu.assume_multiple %shift_left3A_64, 128 : i32
      %dma_start3A = arith.constant 0 : i32
      %dma_start3A_65 = arith.constant 0 : i32
      %dma_start3A_66 = arith.constant 0 : i32
      %dma_start3A_67 = tpu.memref_slice %arg12[%dma_start3A, %dma_start3A_65, %dma_start3A_66] : memref<3x32x128xf32, #tpu.memory_space<vmem>> -> memref<1x32x128xf32, #tpu.memory_space<vmem>>
      %dma_start3A_68 = tpu.memref_squeeze %dma_start3A_67 : memref<1x32x128xf32, #tpu.memory_space<vmem>> -> memref<32x128xf32, #tpu.memory_space<vmem>>
      %dma_start3A_69 = arith.constant 0 : i32
      %dma_start3A_70 = tpu.memref_slice %arg5[%dma_start3A_69, %multiple_of3A] : memref<32x1000000xf32, #tpu.memory_space<hbm>> -> memref<32x128xf32, #tpu.memory_space<hbm>>
      %dma_start3A_71 = arith.constant 0 : i32
      %dma_start3A_72 = arith.constant 0 : i32
      %dma_start3A_73 = tpu.memref_slice %arg12[%dma_start3A, %dma_start3A_71, %dma_start3A_72] : memref<3x32x128xf32, #tpu.memory_space<vmem>> -> memref<1x32x128xf32, #tpu.memory_space<vmem>>
      %dma_start3A_74 = tpu.memref_squeeze %dma_start3A_73 : memref<1x32x128xf32, #tpu.memory_space<vmem>> -> memref<32x128xf32, #tpu.memory_space<vmem>>
      %dma_start3A_75 = arith.constant 0 : i32
      %dma_start3A_76 = tpu.memref_slice %arg5[%dma_start3A_75, %multiple_of3A] : memref<32x1000000xf32, #tpu.memory_space<hbm>> -> memref<32x128xf32, #tpu.memory_space<hbm>>
      tpu.enqueue_dma source(%dma_start3A_76 : memref<32x128xf32, #tpu.memory_space<hbm>>) target(%dma_start3A_74 : memref<32x128xf32, #tpu.memory_space<vmem>>) target_semaphore(%arg22 : memref<!tpu.dma_semaphore, #tpu.memory_space<semaphore_mem>>)
      %slice3A_77 = vector.extract_strided_slice %get3A_56 {offsets = [0], sizes = [1], strides = [1]} : vector<16xi32> to vector<1xi32>
      %squeeze3A_78 = vector.extract %slice3A_77[0] : i32 from vector<1xi32>
      %shift_right_arithmetic3A_79 = arith.constant 7 : i32
      %shift_right_arithmetic3A_80 = arith.shrsi %squeeze3A_78, %shift_right_arithmetic3A_79 : i32
      %shift_left3A_81 = arith.constant 7 : i32
      %shift_left3A_82 = arith.shli %shift_right_arithmetic3A_80, %shift_left3A_81 : i32
      %multiple_of3A_83 = tpu.assume_multiple %shift_left3A_82, 128 : i32
      %dma_start3A_84 = arith.constant 1 : i32
      %dma_start3A_85 = arith.constant 0 : i32
      %dma_start3A_86 = arith.constant 0 : i32
      %dma_start3A_87 = tpu.memref_slice %arg12[%dma_start3A_84, %dma_start3A_85, %dma_start3A_86] : memref<3x32x128xf32, #tpu.memory_space<vmem>> -> memref<1x32x128xf32, #tpu.memory_space<vmem>>
      %dma_start3A_88 = tpu.memref_squeeze %dma_start3A_87 : memref<1x32x128xf32, #tpu.memory_space<vmem>> -> memref<32x128xf32, #tpu.memory_space<vmem>>
      %dma_start3A_89 = arith.constant 0 : i32
      %dma_start3A_90 = tpu.memref_slice %arg6[%dma_start3A_89, %multiple_of3A_83] : memref<32x1000000xf32, #tpu.memory_space<hbm>> -> memref<32x128xf32, #tpu.memory_space<hbm>>
      %dma_start3A_91 = arith.constant 0 : i32
      %dma_start3A_92 = arith.constant 0 : i32
      %dma_start3A_93 = tpu.memref_slice %arg12[%dma_start3A_84, %dma_start3A_91, %dma_start3A_92] : memref<3x32x128xf32, #tpu.memory_space<vmem>> -> memref<1x32x128xf32, #tpu.memory_space<vmem>>
      %dma_start3A_94 = tpu.memref_squeeze %dma_start3A_93 : memref<1x32x128xf32, #tpu.memory_space<vmem>> -> memref<32x128xf32, #tpu.memory_space<vmem>>
      %dma_start3A_95 = arith.constant 0 : i32
      %dma_start3A_96 = tpu.memref_slice %arg6[%dma_start3A_95, %multiple_of3A_83] : memref<32x1000000xf32, #tpu.memory_space<hbm>> -> memref<32x128xf32, #tpu.memory_space<hbm>>
      tpu.enqueue_dma source(%dma_start3A_96 : memref<32x128xf32, #tpu.memory_space<hbm>>) target(%dma_start3A_94 : memref<32x128xf32, #tpu.memory_space<vmem>>) target_semaphore(%arg22 : memref<!tpu.dma_semaphore, #tpu.memory_space<semaphore_mem>>)
      %slice3A_97 = vector.extract_strided_slice %get3A_59 {offsets = [0], sizes = [1], strides = [1]} : vector<16xi32> to vector<1xi32>
      %squeeze3A_98 = vector.extract %slice3A_97[0] : i32 from vector<1xi32>
      %shift_right_arithmetic3A_99 = arith.constant 7 : i32
      %shift_right_arithmetic3A_100 = arith.shrsi %squeeze3A_98, %shift_right_arithmetic3A_99 : i32
      %shift_left3A_101 = arith.constant 7 : i32
      %shift_left3A_102 = arith.shli %shift_right_arithmetic3A_100, %shift_left3A_101 : i32
      %multiple_of3A_103 = tpu.assume_multiple %shift_left3A_102, 128 : i32
      %dma_start3A_104 = arith.constant 2 : i32
      %dma_start3A_105 = arith.constant 0 : i32
      %dma_start3A_106 = arith.constant 0 : i32
      %dma_start3A_107 = tpu.memref_slice %arg12[%dma_start3A_104, %dma_start3A_105, %dma_start3A_106] : memref<3x32x128xf32, #tpu.memory_space<vmem>> -> memref<1x32x128xf32, #tpu.memory_space<vmem>>
      %dma_start3A_108 = tpu.memref_squeeze %dma_start3A_107 : memref<1x32x128xf32, #tpu.memory_space<vmem>> -> memref<32x128xf32, #tpu.memory_space<vmem>>
      %dma_start3A_109 = arith.constant 0 : i32
      %dma_start3A_110 = tpu.memref_slice %arg6[%dma_start3A_109, %multiple_of3A_103] : memref<32x1000000xf32, #tpu.memory_space<hbm>> -> memref<32x128xf32, #tpu.memory_space<hbm>>
      %dma_start3A_111 = arith.constant 0 : i32
      %dma_start3A_112 = arith.constant 0 : i32
      %dma_start3A_113 = tpu.memref_slice %arg12[%dma_start3A_104, %dma_start3A_111, %dma_start3A_112] : memref<3x32x128xf32, #tpu.memory_space<vmem>> -> memref<1x32x128xf32, #tpu.memory_space<vmem>>
      %dma_start3A_114 = tpu.memref_squeeze %dma_start3A_113 : memref<1x32x128xf32, #tpu.memory_space<vmem>> -> memref<32x128xf32, #tpu.memory_space<vmem>>
      %dma_start3A_115 = arith.constant 0 : i32
      %dma_start3A_116 = tpu.memref_slice %arg6[%dma_start3A_115, %multiple_of3A_103] : memref<32x1000000xf32, #tpu.memory_space<hbm>> -> memref<32x128xf32, #tpu.memory_space<hbm>>
      tpu.enqueue_dma source(%dma_start3A_116 : memref<32x128xf32, #tpu.memory_space<hbm>>) target(%dma_start3A_114 : memref<32x128xf32, #tpu.memory_space<vmem>>) target_semaphore(%arg22 : memref<!tpu.dma_semaphore, #tpu.memory_space<semaphore_mem>>)
      %slice3A_117 = vector.extract_strided_slice %get3A_53 {offsets = [1], sizes = [1], strides = [1]} : vector<16xi32> to vector<1xi32>
      %squeeze3A_118 = vector.extract %slice3A_117[0] : i32 from vector<1xi32>
      %shift_right_arithmetic3A_119 = arith.constant 7 : i32
      %shift_right_arithmetic3A_120 = arith.shrsi %squeeze3A_118, %shift_right_arithmetic3A_119 : i32
      %shift_left3A_121 = arith.constant 7 : i32
      %shift_left3A_122 = arith.shli %shift_right_arithmetic3A_120, %shift_left3A_121 : i32
      %multiple_of3A_123 = tpu.assume_multiple %shift_left3A_122, 128 : i32
      %dma_start3A_124 = arith.constant 0 : i32
      %dma_start3A_125 = arith.constant 0 : i32
      %dma_start3A_126 = arith.constant 0 : i32
      %dma_start3A_127 = tpu.memref_slice %arg13[%dma_start3A_124, %dma_start3A_125, %dma_start3A_126] : memref<3x32x128xf32, #tpu.memory_space<vmem>> -> memref<1x32x128xf32, #tpu.memory_space<vmem>>
      %dma_start3A_128 = tpu.memref_squeeze %dma_start3A_127 : memref<1x32x128xf32, #tpu.memory_space<vmem>> -> memref<32x128xf32, #tpu.memory_space<vmem>>
      %dma_start3A_129 = arith.constant 0 : i32
      %dma_start3A_130 = tpu.memref_slice %arg5[%dma_start3A_129, %multiple_of3A_123] : memref<32x1000000xf32, #tpu.memory_space<hbm>> -> memref<32x128xf32, #tpu.memory_space<hbm>>
      %dma_start3A_131 = arith.constant 0 : i32
      %dma_start3A_132 = arith.constant 0 : i32
      %dma_start3A_133 = tpu.memref_slice %arg13[%dma_start3A_124, %dma_start3A_131, %dma_start3A_132] : memref<3x32x128xf32, #tpu.memory_space<vmem>> -> memref<1x32x128xf32, #tpu.memory_space<vmem>>
      %dma_start3A_134 = tpu.memref_squeeze %dma_start3A_133 : memref<1x32x128xf32, #tpu.memory_space<vmem>> -> memref<32x128xf32, #tpu.memory_space<vmem>>
      %dma_start3A_135 = arith.constant 0 : i32
      %dma_start3A_136 = tpu.memref_slice %arg5[%dma_start3A_135, %multiple_of3A_123] : memref<32x1000000xf32, #tpu.memory_space<hbm>> -> memref<32x128xf32, #tpu.memory_space<hbm>>
      tpu.enqueue_dma source(%dma_start3A_136 : memref<32x128xf32, #tpu.memory_space<hbm>>) target(%dma_start3A_134 : memref<32x128xf32, #tpu.memory_space<vmem>>) target_semaphore(%arg22 : memref<!tpu.dma_semaphore, #tpu.memory_space<semaphore_mem>>)
      %slice3A_137 = vector.extract_strided_slice %get3A_56 {offsets = [1], sizes = [1], strides = [1]} : vector<16xi32> to vector<1xi32>
      %squeeze3A_138 = vector.extract %slice3A_137[0] : i32 from vector<1xi32>
      %shift_right_arithmetic3A_139 = arith.constant 7 : i32
      %shift_right_arithmetic3A_140 = arith.shrsi %squeeze3A_138, %shift_right_arithmetic3A_139 : i32
      %shift_left3A_141 = arith.constant 7 : i32
      %shift_left3A_142 = arith.shli %shift_right_arithmetic3A_140, %shift_left3A_141 : i32
      %multiple_of3A_143 = tpu.assume_multiple %shift_left3A_142, 128 : i32
      %dma_start3A_144 = arith.constant 1 : i32
      %dma_start3A_145 = arith.constant 0 : i32
      %dma_start3A_146 = arith.constant 0 : i32
      %dma_start3A_147 = tpu.memref_slice %arg13[%dma_start3A_144, %dma_start3A_145, %dma_start3A_146] : memref<3x32x128xf32, #tpu.memory_space<vmem>> -> memref<1x32x128xf32, #tpu.memory_space<vmem>>
      %dma_start3A_148 = tpu.memref_squeeze %dma_start3A_147 : memref<1x32x128xf32, #tpu.memory_space<vmem>> -> memref<32x128xf32, #tpu.memory_space<vmem>>
      %dma_start3A_149 = arith.constant 0 : i32
      %dma_start3A_150 = tpu.memref_slice %arg6[%dma_start3A_149, %multiple_of3A_143] : memref<32x1000000xf32, #tpu.memory_space<hbm>> -> memref<32x128xf32, #tpu.memory_space<hbm>>
      %dma_start3A_151 = arith.constant 0 : i32
      %dma_start3A_152 = arith.constant 0 : i32
      %dma_start3A_153 = tpu.memref_slice %arg13[%dma_start3A_144, %dma_start3A_151, %dma_start3A_152] : memref<3x32x128xf32, #tpu.memory_space<vmem>> -> memref<1x32x128xf32, #tpu.memory_space<vmem>>
      %dma_start3A_154 = tpu.memref_squeeze %dma_start3A_153 : memref<1x32x128xf32, #tpu.memory_space<vmem>> -> memref<32x128xf32, #tpu.memory_space<vmem>>
      %dma_start3A_155 = arith.constant 0 : i32
      %dma_start3A_156 = tpu.memref_slice %arg6[%dma_start3A_155, %multiple_of3A_143] : memref<32x1000000xf32, #tpu.memory_space<hbm>> -> memref<32x128xf32, #tpu.memory_space<hbm>>
      tpu.enqueue_dma source(%dma_start3A_156 : memref<32x128xf32, #tpu.memory_space<hbm>>) target(%dma_start3A_154 : memref<32x128xf32, #tpu.memory_space<vmem>>) target_semaphore(%arg22 : memref<!tpu.dma_semaphore, #tpu.memory_space<semaphore_mem>>)
      %slice3A_157 = vector.extract_strided_slice %get3A_59 {offsets = [1], sizes = [1], strides = [1]} : vector<16xi32> to vector<1xi32>
      %squeeze3A_158 = vector.extract %slice3A_157[0] : i32 from vector<1xi32>
      %shift_right_arithmetic3A_159 = arith.constant 7 : i32
      %shift_right_arithmetic3A_160 = arith.shrsi %squeeze3A_158, %shift_right_arithmetic3A_159 : i32
      %shift_left3A_161 = arith.constant 7 : i32
      %shift_left3A_162 = arith.shli %shift_right_arithmetic3A_160, %shift_left3A_161 : i32
      %multiple_of3A_163 = tpu.assume_multiple %shift_left3A_162, 128 : i32
      %dma_start3A_164 = arith.constant 2 : i32
      %dma_start3A_165 = arith.constant 0 : i32
      %dma_start3A_166 = arith.constant 0 : i32
      %dma_start3A_167 = tpu.memref_slice %arg13[%dma_start3A_164, %dma_start3A_165, %dma_start3A_166] : memref<3x32x128xf32, #tpu.memory_space<vmem>> -> memref<1x32x128xf32, #tpu.memory_space<vmem>>
      %dma_start3A_168 = tpu.memref_squeeze %dma_start3A_167 : memref<1x32x128xf32, #tpu.memory_space<vmem>> -> memref<32x128xf32, #tpu.memory_space<vmem>>
      %dma_start3A_169 = arith.constant 0 : i32
      %dma_start3A_170 = tpu.memref_slice %arg6[%dma_start3A_169, %multiple_of3A_163] : memref<32x1000000xf32, #tpu.memory_space<hbm>> -> memref<32x128xf32, #tpu.memory_space<hbm>>
      %dma_start3A_171 = arith.constant 0 : i32
      %dma_start3A_172 = arith.constant 0 : i32
      %dma_start3A_173 = tpu.memref_slice %arg13[%dma_start3A_164, %dma_start3A_171, %dma_start3A_172] : memref<3x32x128xf32, #tpu.memory_space<vmem>> -> memref<1x32x128xf32, #tpu.memory_space<vmem>>
      %dma_start3A_174 = tpu.memref_squeeze %dma_start3A_173 : memref<1x32x128xf32, #tpu.memory_space<vmem>> -> memref<32x128xf32, #tpu.memory_space<vmem>>
      %dma_start3A_175 = arith.constant 0 : i32
      %dma_start3A_176 = tpu.memref_slice %arg6[%dma_start3A_175, %multiple_of3A_163] : memref<32x1000000xf32, #tpu.memory_space<hbm>> -> memref<32x128xf32, #tpu.memory_space<hbm>>
      tpu.enqueue_dma source(%dma_start3A_176 : memref<32x128xf32, #tpu.memory_space<hbm>>) target(%dma_start3A_174 : memref<32x128xf32, #tpu.memory_space<vmem>>) target_semaphore(%arg22 : memref<!tpu.dma_semaphore, #tpu.memory_space<semaphore_mem>>)
      %slice3A_177 = vector.extract_strided_slice %get3A_53 {offsets = [2], sizes = [1], strides = [1]} : vector<16xi32> to vector<1xi32>
      %squeeze3A_178 = vector.extract %slice3A_177[0] : i32 from vector<1xi32>
      %shift_right_arithmetic3A_179 = arith.constant 7 : i32
      %shift_right_arithmetic3A_180 = arith.shrsi %squeeze3A_178, %shift_right_arithmetic3A_179 : i32
      %shift_left3A_181 = arith.constant 7 : i32
      %shift_left3A_182 = arith.shli %shift_right_arithmetic3A_180, %shift_left3A_181 : i32
      %multiple_of3A_183 = tpu.assume_multiple %shift_left3A_182, 128 : i32
      %dma_start3A_184 = arith.constant 0 : i32
      %dma_start3A_185 = arith.constant 0 : i32
      %dma_start3A_186 = arith.constant 0 : i32
      %dma_start3A_187 = tpu.memref_slice %arg14[%dma_start3A_184, %dma_start3A_185, %dma_start3A_186] : memref<3x32x128xf32, #tpu.memory_space<vmem>> -> memref<1x32x128xf32, #tpu.memory_space<vmem>>
      %dma_start3A_188 = tpu.memref_squeeze %dma_start3A_187 : memref<1x32x128xf32, #tpu.memory_space<vmem>> -> memref<32x128xf32, #tpu.memory_space<vmem>>
      %dma_start3A_189 = arith.constant 0 : i32
      %dma_start3A_190 = tpu.memref_slice %arg5[%dma_start3A_189, %multiple_of3A_183] : memref<32x1000000xf32, #tpu.memory_space<hbm>> -> memref<32x128xf32, #tpu.memory_space<hbm>>
      %dma_start3A_191 = arith.constant 0 : i32
      %dma_start3A_192 = arith.constant 0 : i32
      %dma_start3A_193 = tpu.memref_slice %arg14[%dma_start3A_184, %dma_start3A_191, %dma_start3A_192] : memref<3x32x128xf32, #tpu.memory_space<vmem>> -> memref<1x32x128xf32, #tpu.memory_space<vmem>>
      %dma_start3A_194 = tpu.memref_squeeze %dma_start3A_193 : memref<1x32x128xf32, #tpu.memory_space<vmem>> -> memref<32x128xf32, #tpu.memory_space<vmem>>
      %dma_start3A_195 = arith.constant 0 : i32
      %dma_start3A_196 = tpu.memref_slice %arg5[%dma_start3A_195, %multiple_of3A_183] : memref<32x1000000xf32, #tpu.memory_space<hbm>> -> memref<32x128xf32, #tpu.memory_space<hbm>>
      tpu.enqueue_dma source(%dma_start3A_196 : memref<32x128xf32, #tpu.memory_space<hbm>>) target(%dma_start3A_194 : memref<32x128xf32, #tpu.memory_space<vmem>>) target_semaphore(%arg22 : memref<!tpu.dma_semaphore, #tpu.memory_space<semaphore_mem>>)
      %slice3A_197 = vector.extract_strided_slice %get3A_56 {offsets = [2], sizes = [1], strides = [1]} : vector<16xi32> to vector<1xi32>
      %squeeze3A_198 = vector.extract %slice3A_197[0] : i32 from vector<1xi32>
      %shift_right_arithmetic3A_199 = arith.constant 7 : i32
      %shift_right_arithmetic3A_200 = arith.shrsi %squeeze3A_198, %shift_right_arithmetic3A_199 : i32
      %shift_left3A_201 = arith.constant 7 : i32
      %shift_left3A_202 = arith.shli %shift_right_arithmetic3A_200, %shift_left3A_201 : i32
      %multiple_of3A_203 = tpu.assume_multiple %shift_left3A_202, 128 : i32
      %dma_start3A_204 = arith.constant 1 : i32
      %dma_start3A_205 = arith.constant 0 : i32
      %dma_start3A_206 = arith.constant 0 : i32
      %dma_start3A_207 = tpu.memref_slice %arg14[%dma_start3A_204, %dma_start3A_205, %dma_start3A_206] : memref<3x32x128xf32, #tpu.memory_space<vmem>> -> memref<1x32x128xf32, #tpu.memory_space<vmem>>
      %dma_start3A_208 = tpu.memref_squeeze %dma_start3A_207 : memref<1x32x128xf32, #tpu.memory_space<vmem>> -> memref<32x128xf32, #tpu.memory_space<vmem>>
      %dma_start3A_209 = arith.constant 0 : i32
      %dma_start3A_210 = tpu.memref_slice %arg6[%dma_start3A_209, %multiple_of3A_203] : memref<32x1000000xf32, #tpu.memory_space<hbm>> -> memref<32x128xf32, #tpu.memory_space<hbm>>
      %dma_start3A_211 = arith.constant 0 : i32
      %dma_start3A_212 = arith.constant 0 : i32
      %dma_start3A_213 = tpu.memref_slice %arg14[%dma_start3A_204, %dma_start3A_211, %dma_start3A_212] : memref<3x32x128xf32, #tpu.memory_space<vmem>> -> memref<1x32x128xf32, #tpu.memory_space<vmem>>
      %dma_start3A_214 = tpu.memref_squeeze %dma_start3A_213 : memref<1x32x128xf32, #tpu.memory_space<vmem>> -> memref<32x128xf32, #tpu.memory_space<vmem>>
      %dma_start3A_215 = arith.constant 0 : i32
      %dma_start3A_216 = tpu.memref_slice %arg6[%dma_start3A_215, %multiple_of3A_203] : memref<32x1000000xf32, #tpu.memory_space<hbm>> -> memref<32x128xf32, #tpu.memory_space<hbm>>
      tpu.enqueue_dma source(%dma_start3A_216 : memref<32x128xf32, #tpu.memory_space<hbm>>) target(%dma_start3A_214 : memref<32x128xf32, #tpu.memory_space<vmem>>) target_semaphore(%arg22 : memref<!tpu.dma_semaphore, #tpu.memory_space<semaphore_mem>>)
      %slice3A_217 = vector.extract_strided_slice %get3A_59 {offsets = [2], sizes = [1], strides = [1]} : vector<16xi32> to vector<1xi32>
      %squeeze3A_218 = vector.extract %slice3A_217[0] : i32 from vector<1xi32>
      %shift_right_arithmetic3A_219 = arith.constant 7 : i32
      %shift_right_arithmetic3A_220 = arith.shrsi %squeeze3A_218, %shift_right_arithmetic3A_219 : i32
      %shift_left3A_221 = arith.constant 7 : i32
      %shift_left3A_222 = arith.shli %shift_right_arithmetic3A_220, %shift_left3A_221 : i32
      %multiple_of3A_223 = tpu.assume_multiple %shift_left3A_222, 128 : i32
      %dma_start3A_224 = arith.constant 2 : i32
      %dma_start3A_225 = arith.constant 0 : i32
      %dma_start3A_226 = arith.constant 0 : i32
      %dma_start3A_227 = tpu.memref_slice %arg14[%dma_start3A_224, %dma_start3A_225, %dma_start3A_226] : memref<3x32x128xf32, #tpu.memory_space<vmem>> -> memref<1x32x128xf32, #tpu.memory_space<vmem>>
      %dma_start3A_228 = tpu.memref_squeeze %dma_start3A_227 : memref<1x32x128xf32, #tpu.memory_space<vmem>> -> memref<32x128xf32, #tpu.memory_space<vmem>>
      %dma_start3A_229 = arith.constant 0 : i32
      %dma_start3A_230 = tpu.memref_slice %arg6[%dma_start3A_229, %multiple_of3A_223] : memref<32x1000000xf32, #tpu.memory_space<hbm>> -> memref<32x128xf32, #tpu.memory_space<hbm>>
      %dma_start3A_231 = arith.constant 0 : i32
      %dma_start3A_232 = arith.constant 0 : i32
      %dma_start3A_233 = tpu.memref_slice %arg14[%dma_start3A_224, %dma_start3A_231, %dma_start3A_232] : memref<3x32x128xf32, #tpu.memory_space<vmem>> -> memref<1x32x128xf32, #tpu.memory_space<vmem>>
      %dma_start3A_234 = tpu.memref_squeeze %dma_start3A_233 : memref<1x32x128xf32, #tpu.memory_space<vmem>> -> memref<32x128xf32, #tpu.memory_space<vmem>>
      %dma_start3A_235 = arith.constant 0 : i32
      %dma_start3A_236 = tpu.memref_slice %arg6[%dma_start3A_235, %multiple_of3A_223] : memref<32x1000000xf32, #tpu.memory_space<hbm>> -> memref<32x128xf32, #tpu.memory_space<hbm>>
      tpu.enqueue_dma source(%dma_start3A_236 : memref<32x128xf32, #tpu.memory_space<hbm>>) target(%dma_start3A_234 : memref<32x128xf32, #tpu.memory_space<vmem>>) target_semaphore(%arg22 : memref<!tpu.dma_semaphore, #tpu.memory_space<semaphore_mem>>)
      %slice3A_237 = vector.extract_strided_slice %get3A_53 {offsets = [3], sizes = [1], strides = [1]} : vector<16xi32> to vector<1xi32>
      %squeeze3A_238 = vector.extract %slice3A_237[0] : i32 from vector<1xi32>
      %shift_right_arithmetic3A_239 = arith.constant 7 : i32
      %shift_right_arithmetic3A_240 = arith.shrsi %squeeze3A_238, %shift_right_arithmetic3A_239 : i32
      %shift_left3A_241 = arith.constant 7 : i32
      %shift_left3A_242 = arith.shli %shift_right_arithmetic3A_240, %shift_left3A_241 : i32
      %multiple_of3A_243 = tpu.assume_multiple %shift_left3A_242, 128 : i32
      %dma_start3A_244 = arith.constant 0 : i32
      %dma_start3A_245 = arith.constant 0 : i32
      %dma_start3A_246 = arith.constant 0 : i32
      %dma_start3A_247 = tpu.memref_slice %arg15[%dma_start3A_244, %dma_start3A_245, %dma_start3A_246] : memref<3x32x128xf32, #tpu.memory_space<vmem>> -> memref<1x32x128xf32, #tpu.memory_space<vmem>>
      %dma_start3A_248 = tpu.memref_squeeze %dma_start3A_247 : memref<1x32x128xf32, #tpu.memory_space<vmem>> -> memref<32x128xf32, #tpu.memory_space<vmem>>
      %dma_start3A_249 = arith.constant 0 : i32
      %dma_start3A_250 = tpu.memref_slice %arg5[%dma_start3A_249, %multiple_of3A_243] : memref<32x1000000xf32, #tpu.memory_space<hbm>> -> memref<32x128xf32, #tpu.memory_space<hbm>>
      %dma_start3A_251 = arith.constant 0 : i32
      %dma_start3A_252 = arith.constant 0 : i32
      %dma_start3A_253 = tpu.memref_slice %arg15[%dma_start3A_244, %dma_start3A_251, %dma_start3A_252] : memref<3x32x128xf32, #tpu.memory_space<vmem>> -> memref<1x32x128xf32, #tpu.memory_space<vmem>>
      %dma_start3A_254 = tpu.memref_squeeze %dma_start3A_253 : memref<1x32x128xf32, #tpu.memory_space<vmem>> -> memref<32x128xf32, #tpu.memory_space<vmem>>
      %dma_start3A_255 = arith.constant 0 : i32
      %dma_start3A_256 = tpu.memref_slice %arg5[%dma_start3A_255, %multiple_of3A_243] : memref<32x1000000xf32, #tpu.memory_space<hbm>> -> memref<32x128xf32, #tpu.memory_space<hbm>>
      tpu.enqueue_dma source(%dma_start3A_256 : memref<32x128xf32, #tpu.memory_space<hbm>>) target(%dma_start3A_254 : memref<32x128xf32, #tpu.memory_space<vmem>>) target_semaphore(%arg22 : memref<!tpu.dma_semaphore, #tpu.memory_space<semaphore_mem>>)
      %slice3A_257 = vector.extract_strided_slice %get3A_56 {offsets = [3], sizes = [1], strides = [1]} : vector<16xi32> to vector<1xi32>
      %squeeze3A_258 = vector.extract %slice3A_257[0] : i32 from vector<1xi32>
      %shift_right_arithmetic3A_259 = arith.constant 7 : i32
      %shift_right_arithmetic3A_260 = arith.shrsi %squeeze3A_258, %shift_right_arithmetic3A_259 : i32
      %shift_left3A_261 = arith.constant 7 : i32
      %shift_left3A_262 = arith.shli %shift_right_arithmetic3A_260, %shift_left3A_261 : i32
      %multiple_of3A_263 = tpu.assume_multiple %shift_left3A_262, 128 : i32
      %dma_start3A_264 = arith.constant 1 : i32
      %dma_start3A_265 = arith.constant 0 : i32
      %dma_start3A_266 = arith.constant 0 : i32
      %dma_start3A_267 = tpu.memref_slice %arg15[%dma_start3A_264, %dma_start3A_265, %dma_start3A_266] : memref<3x32x128xf32, #tpu.memory_space<vmem>> -> memref<1x32x128xf32, #tpu.memory_space<vmem>>
      %dma_start3A_268 = tpu.memref_squeeze %dma_start3A_267 : memref<1x32x128xf32, #tpu.memory_space<vmem>> -> memref<32x128xf32, #tpu.memory_space<vmem>>
      %dma_start3A_269 = arith.constant 0 : i32
      %dma_start3A_270 = tpu.memref_slice %arg6[%dma_start3A_269, %multiple_of3A_263] : memref<32x1000000xf32, #tpu.memory_space<hbm>> -> memref<32x128xf32, #tpu.memory_space<hbm>>
      %dma_start3A_271 = arith.constant 0 : i32
      %dma_start3A_272 = arith.constant 0 : i32
      %dma_start3A_273 = tpu.memref_slice %arg15[%dma_start3A_264, %dma_start3A_271, %dma_start3A_272] : memref<3x32x128xf32, #tpu.memory_space<vmem>> -> memref<1x32x128xf32, #tpu.memory_space<vmem>>
      %dma_start3A_274 = tpu.memref_squeeze %dma_start3A_273 : memref<1x32x128xf32, #tpu.memory_space<vmem>> -> memref<32x128xf32, #tpu.memory_space<vmem>>
      %dma_start3A_275 = arith.constant 0 : i32
      %dma_start3A_276 = tpu.memref_slice %arg6[%dma_start3A_275, %multiple_of3A_263] : memref<32x1000000xf32, #tpu.memory_space<hbm>> -> memref<32x128xf32, #tpu.memory_space<hbm>>
      tpu.enqueue_dma source(%dma_start3A_276 : memref<32x128xf32, #tpu.memory_space<hbm>>) target(%dma_start3A_274 : memref<32x128xf32, #tpu.memory_space<vmem>>) target_semaphore(%arg22 : memref<!tpu.dma_semaphore, #tpu.memory_space<semaphore_mem>>)
      %slice3A_277 = vector.extract_strided_slice %get3A_59 {offsets = [3], sizes = [1], strides = [1]} : vector<16xi32> to vector<1xi32>
      %squeeze3A_278 = vector.extract %slice3A_277[0] : i32 from vector<1xi32>
      %shift_right_arithmetic3A_279 = arith.constant 7 : i32
      %shift_right_arithmetic3A_280 = arith.shrsi %squeeze3A_278, %shift_right_arithmetic3A_279 : i32
      %shift_left3A_281 = arith.constant 7 : i32
      %shift_left3A_282 = arith.shli %shift_right_arithmetic3A_280, %shift_left3A_281 : i32
      %multiple_of3A_283 = tpu.assume_multiple %shift_left3A_282, 128 : i32
      %dma_start3A_284 = arith.constant 2 : i32
      %dma_start3A_285 = arith.constant 0 : i32
      %dma_start3A_286 = arith.constant 0 : i32
      %dma_start3A_287 = tpu.memref_slice %arg15[%dma_start3A_284, %dma_start3A_285, %dma_start3A_286] : memref<3x32x128xf32, #tpu.memory_space<vmem>> -> memref<1x32x128xf32, #tpu.memory_space<vmem>>
      %dma_start3A_288 = tpu.memref_squeeze %dma_start3A_287 : memref<1x32x128xf32, #tpu.memory_space<vmem>> -> memref<32x128xf32, #tpu.memory_space<vmem>>
      %dma_start3A_289 = arith.constant 0 : i32
      %dma_start3A_290 = tpu.memref_slice %arg6[%dma_start3A_289, %multiple_of3A_283] : memref<32x1000000xf32, #tpu.memory_space<hbm>> -> memref<32x128xf32, #tpu.memory_space<hbm>>
      %dma_start3A_291 = arith.constant 0 : i32
      %dma_start3A_292 = arith.constant 0 : i32
      %dma_start3A_293 = tpu.memref_slice %arg15[%dma_start3A_284, %dma_start3A_291, %dma_start3A_292] : memref<3x32x128xf32, #tpu.memory_space<vmem>> -> memref<1x32x128xf32, #tpu.memory_space<vmem>>
      %dma_start3A_294 = tpu.memref_squeeze %dma_start3A_293 : memref<1x32x128xf32, #tpu.memory_space<vmem>> -> memref<32x128xf32, #tpu.memory_space<vmem>>
      %dma_start3A_295 = arith.constant 0 : i32
      %dma_start3A_296 = tpu.memref_slice %arg6[%dma_start3A_295, %multiple_of3A_283] : memref<32x1000000xf32, #tpu.memory_space<hbm>> -> memref<32x128xf32, #tpu.memory_space<hbm>>
      tpu.enqueue_dma source(%dma_start3A_296 : memref<32x128xf32, #tpu.memory_space<hbm>>) target(%dma_start3A_294 : memref<32x128xf32, #tpu.memory_space<vmem>>) target_semaphore(%arg22 : memref<!tpu.dma_semaphore, #tpu.memory_space<semaphore_mem>>)
      %slice3A_297 = vector.extract_strided_slice %get3A_53 {offsets = [4], sizes = [1], strides = [1]} : vector<16xi32> to vector<1xi32>
      %squeeze3A_298 = vector.extract %slice3A_297[0] : i32 from vector<1xi32>
      %shift_right_arithmetic3A_299 = arith.constant 7 : i32
      %shift_right_arithmetic3A_300 = arith.shrsi %squeeze3A_298, %shift_right_arithmetic3A_299 : i32
      %shift_left3A_301 = arith.constant 7 : i32
      %shift_left3A_302 = arith.shli %shift_right_arithmetic3A_300, %shift_left3A_301 : i32
      %multiple_of3A_303 = tpu.assume_multiple %shift_left3A_302, 128 : i32
      %dma_start3A_304 = arith.constant 0 : i32
      %dma_start3A_305 = arith.constant 0 : i32
      %dma_start3A_306 = arith.constant 0 : i32
      %dma_start3A_307 = tpu.memref_slice %arg16[%dma_start3A_304, %dma_start3A_305, %dma_start3A_306] : memref<3x32x128xf32, #tpu.memory_space<vmem>> -> memref<1x32x128xf32, #tpu.memory_space<vmem>>
      %dma_start3A_308 = tpu.memref_squeeze %dma_start3A_307 : memref<1x32x128xf32, #tpu.memory_space<vmem>> -> memref<32x128xf32, #tpu.memory_space<vmem>>
      %dma_start3A_309 = arith.constant 0 : i32
      %dma_start3A_310 = tpu.memref_slice %arg5[%dma_start3A_309, %multiple_of3A_303] : memref<32x1000000xf32, #tpu.memory_space<hbm>> -> memref<32x128xf32, #tpu.memory_space<hbm>>
      %dma_start3A_311 = arith.constant 0 : i32
      %dma_start3A_312 = arith.constant 0 : i32
      %dma_start3A_313 = tpu.memref_slice %arg16[%dma_start3A_304, %dma_start3A_311, %dma_start3A_312] : memref<3x32x128xf32, #tpu.memory_space<vmem>> -> memref<1x32x128xf32, #tpu.memory_space<vmem>>
      %dma_start3A_314 = tpu.memref_squeeze %dma_start3A_313 : memref<1x32x128xf32, #tpu.memory_space<vmem>> -> memref<32x128xf32, #tpu.memory_space<vmem>>
      %dma_start3A_315 = arith.constant 0 : i32
      %dma_start3A_316 = tpu.memref_slice %arg5[%dma_start3A_315, %multiple_of3A_303] : memref<32x1000000xf32, #tpu.memory_space<hbm>> -> memref<32x128xf32, #tpu.memory_space<hbm>>
      tpu.enqueue_dma source(%dma_start3A_316 : memref<32x128xf32, #tpu.memory_space<hbm>>) target(%dma_start3A_314 : memref<32x128xf32, #tpu.memory_space<vmem>>) target_semaphore(%arg22 : memref<!tpu.dma_semaphore, #tpu.memory_space<semaphore_mem>>)
      %slice3A_317 = vector.extract_strided_slice %get3A_56 {offsets = [4], sizes = [1], strides = [1]} : vector<16xi32> to vector<1xi32>
      %squeeze3A_318 = vector.extract %slice3A_317[0] : i32 from vector<1xi32>
      %shift_right_arithmetic3A_319 = arith.constant 7 : i32
      %shift_right_arithmetic3A_320 = arith.shrsi %squeeze3A_318, %shift_right_arithmetic3A_319 : i32
      %shift_left3A_321 = arith.constant 7 : i32
      %shift_left3A_322 = arith.shli %shift_right_arithmetic3A_320, %shift_left3A_321 : i32
      %multiple_of3A_323 = tpu.assume_multiple %shift_left3A_322, 128 : i32
      %dma_start3A_324 = arith.constant 1 : i32
      %dma_start3A_325 = arith.constant 0 : i32
      %dma_start3A_326 = arith.constant 0 : i32
      %dma_start3A_327 = tpu.memref_slice %arg16[%dma_start3A_324, %dma_start3A_325, %dma_start3A_326] : memref<3x32x128xf32, #tpu.memory_space<vmem>> -> memref<1x32x128xf32, #tpu.memory_space<vmem>>
      %dma_start3A_328 = tpu.memref_squeeze %dma_start3A_327 : memref<1x32x128xf32, #tpu.memory_space<vmem>> -> memref<32x128xf32, #tpu.memory_space<vmem>>
      %dma_start3A_329 = arith.constant 0 : i32
      %dma_start3A_330 = tpu.memref_slice %arg6[%dma_start3A_329, %multiple_of3A_323] : memref<32x1000000xf32, #tpu.memory_space<hbm>> -> memref<32x128xf32, #tpu.memory_space<hbm>>
      %dma_start3A_331 = arith.constant 0 : i32
      %dma_start3A_332 = arith.constant 0 : i32
      %dma_start3A_333 = tpu.memref_slice %arg16[%dma_start3A_324, %dma_start3A_331, %dma_start3A_332] : memref<3x32x128xf32, #tpu.memory_space<vmem>> -> memref<1x32x128xf32, #tpu.memory_space<vmem>>
      %dma_start3A_334 = tpu.memref_squeeze %dma_start3A_333 : memref<1x32x128xf32, #tpu.memory_space<vmem>> -> memref<32x128xf32, #tpu.memory_space<vmem>>
      %dma_start3A_335 = arith.constant 0 : i32
      %dma_start3A_336 = tpu.memref_slice %arg6[%dma_start3A_335, %multiple_of3A_323] : memref<32x1000000xf32, #tpu.memory_space<hbm>> -> memref<32x128xf32, #tpu.memory_space<hbm>>
      tpu.enqueue_dma source(%dma_start3A_336 : memref<32x128xf32, #tpu.memory_space<hbm>>) target(%dma_start3A_334 : memref<32x128xf32, #tpu.memory_space<vmem>>) target_semaphore(%arg22 : memref<!tpu.dma_semaphore, #tpu.memory_space<semaphore_mem>>)
      %slice3A_337 = vector.extract_strided_slice %get3A_59 {offsets = [4], sizes = [1], strides = [1]} : vector<16xi32> to vector<1xi32>
      %squeeze3A_338 = vector.extract %slice3A_337[0] : i32 from vector<1xi32>
      %shift_right_arithmetic3A_339 = arith.constant 7 : i32
      %shift_right_arithmetic3A_340 = arith.shrsi %squeeze3A_338, %shift_right_arithmetic3A_339 : i32
      %shift_left3A_341 = arith.constant 7 : i32
      %shift_left3A_342 = arith.shli %shift_right_arithmetic3A_340, %shift_left3A_341 : i32
      %multiple_of3A_343 = tpu.assume_multiple %shift_left3A_342, 128 : i32
      %dma_start3A_344 = arith.constant 2 : i32
      %dma_start3A_345 = arith.constant 0 : i32
      %dma_start3A_346 = arith.constant 0 : i32
      %dma_start3A_347 = tpu.memref_slice %arg16[%dma_start3A_344, %dma_start3A_345, %dma_start3A_346] : memref<3x32x128xf32, #tpu.memory_space<vmem>> -> memref<1x32x128xf32, #tpu.memory_space<vmem>>
      %dma_start3A_348 = tpu.memref_squeeze %dma_start3A_347 : memref<1x32x128xf32, #tpu.memory_space<vmem>> -> memref<32x128xf32, #tpu.memory_space<vmem>>
      %dma_start3A_349 = arith.constant 0 : i32
      %dma_start3A_350 = tpu.memref_slice %arg6[%dma_start3A_349, %multiple_of3A_343] : memref<32x1000000xf32, #tpu.memory_space<hbm>> -> memref<32x128xf32, #tpu.memory_space<hbm>>
      %dma_start3A_351 = arith.constant 0 : i32
      %dma_start3A_352 = arith.constant 0 : i32
      %dma_start3A_353 = tpu.memref_slice %arg16[%dma_start3A_344, %dma_start3A_351, %dma_start3A_352] : memref<3x32x128xf32, #tpu.memory_space<vmem>> -> memref<1x32x128xf32, #tpu.memory_space<vmem>>
      %dma_start3A_354 = tpu.memref_squeeze %dma_start3A_353 : memref<1x32x128xf32, #tpu.memory_space<vmem>> -> memref<32x128xf32, #tpu.memory_space<vmem>>
      %dma_start3A_355 = arith.constant 0 : i32
      %dma_start3A_356 = tpu.memref_slice %arg6[%dma_start3A_355, %multiple_of3A_343] : memref<32x1000000xf32, #tpu.memory_space<hbm>> -> memref<32x128xf32, #tpu.memory_space<hbm>>
      tpu.enqueue_dma source(%dma_start3A_356 : memref<32x128xf32, #tpu.memory_space<hbm>>) target(%dma_start3A_354 : memref<32x128xf32, #tpu.memory_space<vmem>>) target_semaphore(%arg22 : memref<!tpu.dma_semaphore, #tpu.memory_space<semaphore_mem>>)
      %slice3A_357 = vector.extract_strided_slice %get3A_53 {offsets = [5], sizes = [1], strides = [1]} : vector<16xi32> to vector<1xi32>
      %squeeze3A_358 = vector.extract %slice3A_357[0] : i32 from vector<1xi32>
      %shift_right_arithmetic3A_359 = arith.constant 7 : i32
      %shift_right_arithmetic3A_360 = arith.shrsi %squeeze3A_358, %shift_right_arithmetic3A_359 : i32
      %shift_left3A_361 = arith.constant 7 : i32
      %shift_left3A_362 = arith.shli %shift_right_arithmetic3A_360, %shift_left3A_361 : i32
      %multiple_of3A_363 = tpu.assume_multiple %shift_left3A_362, 128 : i32
      %dma_start3A_364 = arith.constant 0 : i32
      %dma_start3A_365 = arith.constant 0 : i32
      %dma_start3A_366 = arith.constant 0 : i32
      %dma_start3A_367 = tpu.memref_slice %arg17[%dma_start3A_364, %dma_start3A_365, %dma_start3A_366] : memref<3x32x128xf32, #tpu.memory_space<vmem>> -> memref<1x32x128xf32, #tpu.memory_space<vmem>>
      %dma_start3A_368 = tpu.memref_squeeze %dma_start3A_367 : memref<1x32x128xf32, #tpu.memory_space<vmem>> -> memref<32x128xf32, #tpu.memory_space<vmem>>
      %dma_start3A_369 = arith.constant 0 : i32
      %dma_start3A_370 = tpu.memref_slice %arg5[%dma_start3A_369, %multiple_of3A_363] : memref<32x1000000xf32, #tpu.memory_space<hbm>> -> memref<32x128xf32, #tpu.memory_space<hbm>>
      %dma_start3A_371 = arith.constant 0 : i32
      %dma_start3A_372 = arith.constant 0 : i32
      %dma_start3A_373 = tpu.memref_slice %arg17[%dma_start3A_364, %dma_start3A_371, %dma_start3A_372] : memref<3x32x128xf32, #tpu.memory_space<vmem>> -> memref<1x32x128xf32, #tpu.memory_space<vmem>>
      %dma_start3A_374 = tpu.memref_squeeze %dma_start3A_373 : memref<1x32x128xf32, #tpu.memory_space<vmem>> -> memref<32x128xf32, #tpu.memory_space<vmem>>
      %dma_start3A_375 = arith.constant 0 : i32
      %dma_start3A_376 = tpu.memref_slice %arg5[%dma_start3A_375, %multiple_of3A_363] : memref<32x1000000xf32, #tpu.memory_space<hbm>> -> memref<32x128xf32, #tpu.memory_space<hbm>>
      tpu.enqueue_dma source(%dma_start3A_376 : memref<32x128xf32, #tpu.memory_space<hbm>>) target(%dma_start3A_374 : memref<32x128xf32, #tpu.memory_space<vmem>>) target_semaphore(%arg22 : memref<!tpu.dma_semaphore, #tpu.memory_space<semaphore_mem>>)
      %slice3A_377 = vector.extract_strided_slice %get3A_56 {offsets = [5], sizes = [1], strides = [1]} : vector<16xi32> to vector<1xi32>
      %squeeze3A_378 = vector.extract %slice3A_377[0] : i32 from vector<1xi32>
      %shift_right_arithmetic3A_379 = arith.constant 7 : i32
      %shift_right_arithmetic3A_380 = arith.shrsi %squeeze3A_378, %shift_right_arithmetic3A_379 : i32
      %shift_left3A_381 = arith.constant 7 : i32
      %shift_left3A_382 = arith.shli %shift_right_arithmetic3A_380, %shift_left3A_381 : i32
      %multiple_of3A_383 = tpu.assume_multiple %shift_left3A_382, 128 : i32
      %dma_start3A_384 = arith.constant 1 : i32
      %dma_start3A_385 = arith.constant 0 : i32
      %dma_start3A_386 = arith.constant 0 : i32
      %dma_start3A_387 = tpu.memref_slice %arg17[%dma_start3A_384, %dma_start3A_385, %dma_start3A_386] : memref<3x32x128xf32, #tpu.memory_space<vmem>> -> memref<1x32x128xf32, #tpu.memory_space<vmem>>
      %dma_start3A_388 = tpu.memref_squeeze %dma_start3A_387 : memref<1x32x128xf32, #tpu.memory_space<vmem>> -> memref<32x128xf32, #tpu.memory_space<vmem>>
      %dma_start3A_389 = arith.constant 0 : i32
      %dma_start3A_390 = tpu.memref_slice %arg6[%dma_start3A_389, %multiple_of3A_383] : memref<32x1000000xf32, #tpu.memory_space<hbm>> -> memref<32x128xf32, #tpu.memory_space<hbm>>
      %dma_start3A_391 = arith.constant 0 : i32
      %dma_start3A_392 = arith.constant 0 : i32
      %dma_start3A_393 = tpu.memref_slice %arg17[%dma_start3A_384, %dma_start3A_391, %dma_start3A_392] : memref<3x32x128xf32, #tpu.memory_space<vmem>> -> memref<1x32x128xf32, #tpu.memory_space<vmem>>
      %dma_start3A_394 = tpu.memref_squeeze %dma_start3A_393 : memref<1x32x128xf32, #tpu.memory_space<vmem>> -> memref<32x128xf32, #tpu.memory_space<vmem>>
      %dma_start3A_395 = arith.constant 0 : i32
      %dma_start3A_396 = tpu.memref_slice %arg6[%dma_start3A_395, %multiple_of3A_383] : memref<32x1000000xf32, #tpu.memory_space<hbm>> -> memref<32x128xf32, #tpu.memory_space<hbm>>
      tpu.enqueue_dma source(%dma_start3A_396 : memref<32x128xf32, #tpu.memory_space<hbm>>) target(%dma_start3A_394 : memref<32x128xf32, #tpu.memory_space<vmem>>) target_semaphore(%arg22 : memref<!tpu.dma_semaphore, #tpu.memory_space<semaphore_mem>>)
      %slice3A_397 = vector.extract_strided_slice %get3A_59 {offsets = [5], sizes = [1], strides = [1]} : vector<16xi32> to vector<1xi32>
      %squeeze3A_398 = vector.extract %slice3A_397[0] : i32 from vector<1xi32>
      %shift_right_arithmetic3A_399 = arith.constant 7 : i32
      %shift_right_arithmetic3A_400 = arith.shrsi %squeeze3A_398, %shift_right_arithmetic3A_399 : i32
      %shift_left3A_401 = arith.constant 7 : i32
      %shift_left3A_402 = arith.shli %shift_right_arithmetic3A_400, %shift_left3A_401 : i32
      %multiple_of3A_403 = tpu.assume_multiple %shift_left3A_402, 128 : i32
      %dma_start3A_404 = arith.constant 2 : i32
      %dma_start3A_405 = arith.constant 0 : i32
      %dma_start3A_406 = arith.constant 0 : i32
      %dma_start3A_407 = tpu.memref_slice %arg17[%dma_start3A_404, %dma_start3A_405, %dma_start3A_406] : memref<3x32x128xf32, #tpu.memory_space<vmem>> -> memref<1x32x128xf32, #tpu.memory_space<vmem>>
      %dma_start3A_408 = tpu.memref_squeeze %dma_start3A_407 : memref<1x32x128xf32, #tpu.memory_space<vmem>> -> memref<32x128xf32, #tpu.memory_space<vmem>>
      %dma_start3A_409 = arith.constant 0 : i32
      %dma_start3A_410 = tpu.memref_slice %arg6[%dma_start3A_409, %multiple_of3A_403] : memref<32x1000000xf32, #tpu.memory_space<hbm>> -> memref<32x128xf32, #tpu.memory_space<hbm>>
      %dma_start3A_411 = arith.constant 0 : i32
      %dma_start3A_412 = arith.constant 0 : i32
      %dma_start3A_413 = tpu.memref_slice %arg17[%dma_start3A_404, %dma_start3A_411, %dma_start3A_412] : memref<3x32x128xf32, #tpu.memory_space<vmem>> -> memref<1x32x128xf32, #tpu.memory_space<vmem>>
      %dma_start3A_414 = tpu.memref_squeeze %dma_start3A_413 : memref<1x32x128xf32, #tpu.memory_space<vmem>> -> memref<32x128xf32, #tpu.memory_space<vmem>>
      %dma_start3A_415 = arith.constant 0 : i32
      %dma_start3A_416 = tpu.memref_slice %arg6[%dma_start3A_415, %multiple_of3A_403] : memref<32x1000000xf32, #tpu.memory_space<hbm>> -> memref<32x128xf32, #tpu.memory_space<hbm>>
      tpu.enqueue_dma source(%dma_start3A_416 : memref<32x128xf32, #tpu.memory_space<hbm>>) target(%dma_start3A_414 : memref<32x128xf32, #tpu.memory_space<vmem>>) target_semaphore(%arg22 : memref<!tpu.dma_semaphore, #tpu.memory_space<semaphore_mem>>)
      %slice3A_417 = vector.extract_strided_slice %get3A_53 {offsets = [6], sizes = [1], strides = [1]} : vector<16xi32> to vector<1xi32>
      %squeeze3A_418 = vector.extract %slice3A_417[0] : i32 from vector<1xi32>
      %shift_right_arithmetic3A_419 = arith.constant 7 : i32
      %shift_right_arithmetic3A_420 = arith.shrsi %squeeze3A_418, %shift_right_arithmetic3A_419 : i32
      %shift_left3A_421 = arith.constant 7 : i32
      %shift_left3A_422 = arith.shli %shift_right_arithmetic3A_420, %shift_left3A_421 : i32
      %multiple_of3A_423 = tpu.assume_multiple %shift_left3A_422, 128 : i32
      %dma_start3A_424 = arith.constant 0 : i32
      %dma_start3A_425 = arith.constant 0 : i32
      %dma_start3A_426 = arith.constant 0 : i32
      %dma_start3A_427 = tpu.memref_slice %arg18[%dma_start3A_424, %dma_start3A_425, %dma_start3A_426] : memref<3x32x128xf32, #tpu.memory_space<vmem>> -> memref<1x32x128xf32, #tpu.memory_space<vmem>>
      %dma_start3A_428 = tpu.memref_squeeze %dma_start3A_427 : memref<1x32x128xf32, #tpu.memory_space<vmem>> -> memref<32x128xf32, #tpu.memory_space<vmem>>
      %dma_start3A_429 = arith.constant 0 : i32
      %dma_start3A_430 = tpu.memref_slice %arg5[%dma_start3A_429, %multiple_of3A_423] : memref<32x1000000xf32, #tpu.memory_space<hbm>> -> memref<32x128xf32, #tpu.memory_space<hbm>>
      %dma_start3A_431 = arith.constant 0 : i32
      %dma_start3A_432 = arith.constant 0 : i32
      %dma_start3A_433 = tpu.memref_slice %arg18[%dma_start3A_424, %dma_start3A_431, %dma_start3A_432] : memref<3x32x128xf32, #tpu.memory_space<vmem>> -> memref<1x32x128xf32, #tpu.memory_space<vmem>>
      %dma_start3A_434 = tpu.memref_squeeze %dma_start3A_433 : memref<1x32x128xf32, #tpu.memory_space<vmem>> -> memref<32x128xf32, #tpu.memory_space<vmem>>
      %dma_start3A_435 = arith.constant 0 : i32
      %dma_start3A_436 = tpu.memref_slice %arg5[%dma_start3A_435, %multiple_of3A_423] : memref<32x1000000xf32, #tpu.memory_space<hbm>> -> memref<32x128xf32, #tpu.memory_space<hbm>>
      tpu.enqueue_dma source(%dma_start3A_436 : memref<32x128xf32, #tpu.memory_space<hbm>>) target(%dma_start3A_434 : memref<32x128xf32, #tpu.memory_space<vmem>>) target_semaphore(%arg22 : memref<!tpu.dma_semaphore, #tpu.memory_space<semaphore_mem>>)
      %slice3A_437 = vector.extract_strided_slice %get3A_56 {offsets = [6], sizes = [1], strides = [1]} : vector<16xi32> to vector<1xi32>
      %squeeze3A_438 = vector.extract %slice3A_437[0] : i32 from vector<1xi32>
      %shift_right_arithmetic3A_439 = arith.constant 7 : i32
      %shift_right_arithmetic3A_440 = arith.shrsi %squeeze3A_438, %shift_right_arithmetic3A_439 : i32
      %shift_left3A_441 = arith.constant 7 : i32
      %shift_left3A_442 = arith.shli %shift_right_arithmetic3A_440, %shift_left3A_441 : i32
      %multiple_of3A_443 = tpu.assume_multiple %shift_left3A_442, 128 : i32
      %dma_start3A_444 = arith.constant 1 : i32
      %dma_start3A_445 = arith.constant 0 : i32
      %dma_start3A_446 = arith.constant 0 : i32
      %dma_start3A_447 = tpu.memref_slice %arg18[%dma_start3A_444, %dma_start3A_445, %dma_start3A_446] : memref<3x32x128xf32, #tpu.memory_space<vmem>> -> memref<1x32x128xf32, #tpu.memory_space<vmem>>
      %dma_start3A_448 = tpu.memref_squeeze %dma_start3A_447 : memref<1x32x128xf32, #tpu.memory_space<vmem>> -> memref<32x128xf32, #tpu.memory_space<vmem>>
      %dma_start3A_449 = arith.constant 0 : i32
      %dma_start3A_450 = tpu.memref_slice %arg6[%dma_start3A_449, %multiple_of3A_443] : memref<32x1000000xf32, #tpu.memory_space<hbm>> -> memref<32x128xf32, #tpu.memory_space<hbm>>
      %dma_start3A_451 = arith.constant 0 : i32
      %dma_start3A_452 = arith.constant 0 : i32
      %dma_start3A_453 = tpu.memref_slice %arg18[%dma_start3A_444, %dma_start3A_451, %dma_start3A_452] : memref<3x32x128xf32, #tpu.memory_space<vmem>> -> memref<1x32x128xf32, #tpu.memory_space<vmem>>
      %dma_start3A_454 = tpu.memref_squeeze %dma_start3A_453 : memref<1x32x128xf32, #tpu.memory_space<vmem>> -> memref<32x128xf32, #tpu.memory_space<vmem>>
      %dma_start3A_455 = arith.constant 0 : i32
      %dma_start3A_456 = tpu.memref_slice %arg6[%dma_start3A_455, %multiple_of3A_443] : memref<32x1000000xf32, #tpu.memory_space<hbm>> -> memref<32x128xf32, #tpu.memory_space<hbm>>
      tpu.enqueue_dma source(%dma_start3A_456 : memref<32x128xf32, #tpu.memory_space<hbm>>) target(%dma_start3A_454 : memref<32x128xf32, #tpu.memory_space<vmem>>) target_semaphore(%arg22 : memref<!tpu.dma_semaphore, #tpu.memory_space<semaphore_mem>>)
      %slice3A_457 = vector.extract_strided_slice %get3A_59 {offsets = [6], sizes = [1], strides = [1]} : vector<16xi32> to vector<1xi32>
      %squeeze3A_458 = vector.extract %slice3A_457[0] : i32 from vector<1xi32>
      %shift_right_arithmetic3A_459 = arith.constant 7 : i32
      %shift_right_arithmetic3A_460 = arith.shrsi %squeeze3A_458, %shift_right_arithmetic3A_459 : i32
      %shift_left3A_461 = arith.constant 7 : i32
      %shift_left3A_462 = arith.shli %shift_right_arithmetic3A_460, %shift_left3A_461 : i32
      %multiple_of3A_463 = tpu.assume_multiple %shift_left3A_462, 128 : i32
      %dma_start3A_464 = arith.constant 2 : i32
      %dma_start3A_465 = arith.constant 0 : i32
      %dma_start3A_466 = arith.constant 0 : i32
      %dma_start3A_467 = tpu.memref_slice %arg18[%dma_start3A_464, %dma_start3A_465, %dma_start3A_466] : memref<3x32x128xf32, #tpu.memory_space<vmem>> -> memref<1x32x128xf32, #tpu.memory_space<vmem>>
      %dma_start3A_468 = tpu.memref_squeeze %dma_start3A_467 : memref<1x32x128xf32, #tpu.memory_space<vmem>> -> memref<32x128xf32, #tpu.memory_space<vmem>>
      %dma_start3A_469 = arith.constant 0 : i32
      %dma_start3A_470 = tpu.memref_slice %arg6[%dma_start3A_469, %multiple_of3A_463] : memref<32x1000000xf32, #tpu.memory_space<hbm>> -> memref<32x128xf32, #tpu.memory_space<hbm>>
      %dma_start3A_471 = arith.constant 0 : i32
      %dma_start3A_472 = arith.constant 0 : i32
      %dma_start3A_473 = tpu.memref_slice %arg18[%dma_start3A_464, %dma_start3A_471, %dma_start3A_472] : memref<3x32x128xf32, #tpu.memory_space<vmem>> -> memref<1x32x128xf32, #tpu.memory_space<vmem>>
      %dma_start3A_474 = tpu.memref_squeeze %dma_start3A_473 : memref<1x32x128xf32, #tpu.memory_space<vmem>> -> memref<32x128xf32, #tpu.memory_space<vmem>>
      %dma_start3A_475 = arith.constant 0 : i32
      %dma_start3A_476 = tpu.memref_slice %arg6[%dma_start3A_475, %multiple_of3A_463] : memref<32x1000000xf32, #tpu.memory_space<hbm>> -> memref<32x128xf32, #tpu.memory_space<hbm>>
      tpu.enqueue_dma source(%dma_start3A_476 : memref<32x128xf32, #tpu.memory_space<hbm>>) target(%dma_start3A_474 : memref<32x128xf32, #tpu.memory_space<vmem>>) target_semaphore(%arg22 : memref<!tpu.dma_semaphore, #tpu.memory_space<semaphore_mem>>)
      %slice3A_477 = vector.extract_strided_slice %get3A_53 {offsets = [7], sizes = [1], strides = [1]} : vector<16xi32> to vector<1xi32>
      %squeeze3A_478 = vector.extract %slice3A_477[0] : i32 from vector<1xi32>
      %shift_right_arithmetic3A_479 = arith.constant 7 : i32
      %shift_right_arithmetic3A_480 = arith.shrsi %squeeze3A_478, %shift_right_arithmetic3A_479 : i32
      %shift_left3A_481 = arith.constant 7 : i32
      %shift_left3A_482 = arith.shli %shift_right_arithmetic3A_480, %shift_left3A_481 : i32
      %multiple_of3A_483 = tpu.assume_multiple %shift_left3A_482, 128 : i32
      %dma_start3A_484 = arith.constant 0 : i32
      %dma_start3A_485 = arith.constant 0 : i32
      %dma_start3A_486 = arith.constant 0 : i32
      %dma_start3A_487 = tpu.memref_slice %arg19[%dma_start3A_484, %dma_start3A_485, %dma_start3A_486] : memref<3x32x128xf32, #tpu.memory_space<vmem>> -> memref<1x32x128xf32, #tpu.memory_space<vmem>>
      %dma_start3A_488 = tpu.memref_squeeze %dma_start3A_487 : memref<1x32x128xf32, #tpu.memory_space<vmem>> -> memref<32x128xf32, #tpu.memory_space<vmem>>
      %dma_start3A_489 = arith.constant 0 : i32
      %dma_start3A_490 = tpu.memref_slice %arg5[%dma_start3A_489, %multiple_of3A_483] : memref<32x1000000xf32, #tpu.memory_space<hbm>> -> memref<32x128xf32, #tpu.memory_space<hbm>>
      %dma_start3A_491 = arith.constant 0 : i32
      %dma_start3A_492 = arith.constant 0 : i32
      %dma_start3A_493 = tpu.memref_slice %arg19[%dma_start3A_484, %dma_start3A_491, %dma_start3A_492] : memref<3x32x128xf32, #tpu.memory_space<vmem>> -> memref<1x32x128xf32, #tpu.memory_space<vmem>>
      %dma_start3A_494 = tpu.memref_squeeze %dma_start3A_493 : memref<1x32x128xf32, #tpu.memory_space<vmem>> -> memref<32x128xf32, #tpu.memory_space<vmem>>
      %dma_start3A_495 = arith.constant 0 : i32
      %dma_start3A_496 = tpu.memref_slice %arg5[%dma_start3A_495, %multiple_of3A_483] : memref<32x1000000xf32, #tpu.memory_space<hbm>> -> memref<32x128xf32, #tpu.memory_space<hbm>>
      tpu.enqueue_dma source(%dma_start3A_496 : memref<32x128xf32, #tpu.memory_space<hbm>>) target(%dma_start3A_494 : memref<32x128xf32, #tpu.memory_space<vmem>>) target_semaphore(%arg22 : memref<!tpu.dma_semaphore, #tpu.memory_space<semaphore_mem>>)
      %slice3A_497 = vector.extract_strided_slice %get3A_56 {offsets = [7], sizes = [1], strides = [1]} : vector<16xi32> to vector<1xi32>
      %squeeze3A_498 = vector.extract %slice3A_497[0] : i32 from vector<1xi32>
      %shift_right_arithmetic3A_499 = arith.constant 7 : i32
      %shift_right_arithmetic3A_500 = arith.shrsi %squeeze3A_498, %shift_right_arithmetic3A_499 : i32
      %shift_left3A_501 = arith.constant 7 : i32
      %shift_left3A_502 = arith.shli %shift_right_arithmetic3A_500, %shift_left3A_501 : i32
      %multiple_of3A_503 = tpu.assume_multiple %shift_left3A_502, 128 : i32
      %dma_start3A_504 = arith.constant 1 : i32
      %dma_start3A_505 = arith.constant 0 : i32
      %dma_start3A_506 = arith.constant 0 : i32
      %dma_start3A_507 = tpu.memref_slice %arg19[%dma_start3A_504, %dma_start3A_505, %dma_start3A_506] : memref<3x32x128xf32, #tpu.memory_space<vmem>> -> memref<1x32x128xf32, #tpu.memory_space<vmem>>
      %dma_start3A_508 = tpu.memref_squeeze %dma_start3A_507 : memref<1x32x128xf32, #tpu.memory_space<vmem>> -> memref<32x128xf32, #tpu.memory_space<vmem>>
      %dma_start3A_509 = arith.constant 0 : i32
      %dma_start3A_510 = tpu.memref_slice %arg6[%dma_start3A_509, %multiple_of3A_503] : memref<32x1000000xf32, #tpu.memory_space<hbm>> -> memref<32x128xf32, #tpu.memory_space<hbm>>
      %dma_start3A_511 = arith.constant 0 : i32
      %dma_start3A_512 = arith.constant 0 : i32
      %dma_start3A_513 = tpu.memref_slice %arg19[%dma_start3A_504, %dma_start3A_511, %dma_start3A_512] : memref<3x32x128xf32, #tpu.memory_space<vmem>> -> memref<1x32x128xf32, #tpu.memory_space<vmem>>
      %dma_start3A_514 = tpu.memref_squeeze %dma_start3A_513 : memref<1x32x128xf32, #tpu.memory_space<vmem>> -> memref<32x128xf32, #tpu.memory_space<vmem>>
      %dma_start3A_515 = arith.constant 0 : i32
      %dma_start3A_516 = tpu.memref_slice %arg6[%dma_start3A_515, %multiple_of3A_503] : memref<32x1000000xf32, #tpu.memory_space<hbm>> -> memref<32x128xf32, #tpu.memory_space<hbm>>
      tpu.enqueue_dma source(%dma_start3A_516 : memref<32x128xf32, #tpu.memory_space<hbm>>) target(%dma_start3A_514 : memref<32x128xf32, #tpu.memory_space<vmem>>) target_semaphore(%arg22 : memref<!tpu.dma_semaphore, #tpu.memory_space<semaphore_mem>>)
      %slice3A_517 = vector.extract_strided_slice %get3A_59 {offsets = [7], sizes = [1], strides = [1]} : vector<16xi32> to vector<1xi32>
      %squeeze3A_518 = vector.extract %slice3A_517[0] : i32 from vector<1xi32>
      %shift_right_arithmetic3A_519 = arith.constant 7 : i32
      %shift_right_arithmetic3A_520 = arith.shrsi %squeeze3A_518, %shift_right_arithmetic3A_519 : i32
      %shift_left3A_521 = arith.constant 7 : i32
      %shift_left3A_522 = arith.shli %shift_right_arithmetic3A_520, %shift_left3A_521 : i32
      %multiple_of3A_523 = tpu.assume_multiple %shift_left3A_522, 128 : i32
      %dma_start3A_524 = arith.constant 2 : i32
      %dma_start3A_525 = arith.constant 0 : i32
      %dma_start3A_526 = arith.constant 0 : i32
      %dma_start3A_527 = tpu.memref_slice %arg19[%dma_start3A_524, %dma_start3A_525, %dma_start3A_526] : memref<3x32x128xf32, #tpu.memory_space<vmem>> -> memref<1x32x128xf32, #tpu.memory_space<vmem>>
      %dma_start3A_528 = tpu.memref_squeeze %dma_start3A_527 : memref<1x32x128xf32, #tpu.memory_space<vmem>> -> memref<32x128xf32, #tpu.memory_space<vmem>>
      %dma_start3A_529 = arith.constant 0 : i32
      %dma_start3A_530 = tpu.memref_slice %arg6[%dma_start3A_529, %multiple_of3A_523] : memref<32x1000000xf32, #tpu.memory_space<hbm>> -> memref<32x128xf32, #tpu.memory_space<hbm>>
      %dma_start3A_531 = arith.constant 0 : i32
      %dma_start3A_532 = arith.constant 0 : i32
      %dma_start3A_533 = tpu.memref_slice %arg19[%dma_start3A_524, %dma_start3A_531, %dma_start3A_532] : memref<3x32x128xf32, #tpu.memory_space<vmem>> -> memref<1x32x128xf32, #tpu.memory_space<vmem>>
      %dma_start3A_534 = tpu.memref_squeeze %dma_start3A_533 : memref<1x32x128xf32, #tpu.memory_space<vmem>> -> memref<32x128xf32, #tpu.memory_space<vmem>>
      %dma_start3A_535 = arith.constant 0 : i32
      %dma_start3A_536 = tpu.memref_slice %arg6[%dma_start3A_535, %multiple_of3A_523] : memref<32x1000000xf32, #tpu.memory_space<hbm>> -> memref<32x128xf32, #tpu.memory_space<hbm>>
      tpu.enqueue_dma source(%dma_start3A_536 : memref<32x128xf32, #tpu.memory_space<hbm>>) target(%dma_start3A_534 : memref<32x128xf32, #tpu.memory_space<vmem>>) target_semaphore(%arg22 : memref<!tpu.dma_semaphore, #tpu.memory_space<semaphore_mem>>)
      %dma_wait3A = arith.constant 0 : i32
      %dma_wait3A_537 = arith.constant 0 : i32
      %dma_wait3A_538 = arith.constant 0 : i32
      %dma_wait3A_539 = tpu.memref_slice %arg12[%dma_wait3A, %dma_wait3A_537, %dma_wait3A_538] : memref<3x32x128xf32, #tpu.memory_space<vmem>> -> memref<1x32x128xf32, #tpu.memory_space<vmem>>
      %dma_wait3A_540 = tpu.memref_squeeze %dma_wait3A_539 : memref<1x32x128xf32, #tpu.memory_space<vmem>> -> memref<32x128xf32, #tpu.memory_space<vmem>>
      %dma_wait3A_541 = arith.constant 0 : i32
      %dma_wait3A_542 = tpu.memref_slice %arg5[%dma_wait3A_541, %multiple_of3A] : memref<32x1000000xf32, #tpu.memory_space<hbm>> -> memref<32x128xf32, #tpu.memory_space<hbm>>
      %dma_wait3A_543 = arith.constant 0 : i32
      %dma_wait3A_544 = arith.constant 0 : i32
      %dma_wait3A_545 = tpu.memref_slice %arg12[%dma_wait3A, %dma_wait3A_543, %dma_wait3A_544] : memref<3x32x128xf32, #tpu.memory_space<vmem>> -> memref<1x32x128xf32, #tpu.memory_space<vmem>>
      %dma_wait3A_546 = tpu.memref_squeeze %dma_wait3A_545 : memref<1x32x128xf32, #tpu.memory_space<vmem>> -> memref<32x128xf32, #tpu.memory_space<vmem>>
      %dma_wait3A_547 = arith.constant 0 : i32
      %dma_wait3A_548 = tpu.memref_slice %arg5[%dma_wait3A_547, %multiple_of3A] : memref<32x1000000xf32, #tpu.memory_space<hbm>> -> memref<32x128xf32, #tpu.memory_space<hbm>>
      tpu.wait_dma2 semaphore(%arg22 : memref<!tpu.dma_semaphore, #tpu.memory_space<semaphore_mem>>) src(%dma_wait3A_548 : memref<32x128xf32, #tpu.memory_space<hbm>>) dst(%dma_wait3A_546 : memref<32x128xf32, #tpu.memory_space<vmem>>)
      %dma_wait3A_549 = arith.constant 1 : i32
      %dma_wait3A_550 = arith.constant 0 : i32
      %dma_wait3A_551 = arith.constant 0 : i32
      %dma_wait3A_552 = tpu.memref_slice %arg12[%dma_wait3A_549, %dma_wait3A_550, %dma_wait3A_551] : memref<3x32x128xf32, #tpu.memory_space<vmem>> -> memref<1x32x128xf32, #tpu.memory_space<vmem>>
      %dma_wait3A_553 = tpu.memref_squeeze %dma_wait3A_552 : memref<1x32x128xf32, #tpu.memory_space<vmem>> -> memref<32x128xf32, #tpu.memory_space<vmem>>
      %dma_wait3A_554 = arith.constant 0 : i32
      %dma_wait3A_555 = tpu.memref_slice %arg6[%dma_wait3A_554, %multiple_of3A_83] : memref<32x1000000xf32, #tpu.memory_space<hbm>> -> memref<32x128xf32, #tpu.memory_space<hbm>>
      %dma_wait3A_556 = arith.constant 0 : i32
      %dma_wait3A_557 = arith.constant 0 : i32
      %dma_wait3A_558 = tpu.memref_slice %arg12[%dma_wait3A_549, %dma_wait3A_556, %dma_wait3A_557] : memref<3x32x128xf32, #tpu.memory_space<vmem>> -> memref<1x32x128xf32, #tpu.memory_space<vmem>>
      %dma_wait3A_559 = tpu.memref_squeeze %dma_wait3A_558 : memref<1x32x128xf32, #tpu.memory_space<vmem>> -> memref<32x128xf32, #tpu.memory_space<vmem>>
      %dma_wait3A_560 = arith.constant 0 : i32
      %dma_wait3A_561 = tpu.memref_slice %arg6[%dma_wait3A_560, %multiple_of3A_83] : memref<32x1000000xf32, #tpu.memory_space<hbm>> -> memref<32x128xf32, #tpu.memory_space<hbm>>
      tpu.wait_dma2 semaphore(%arg22 : memref<!tpu.dma_semaphore, #tpu.memory_space<semaphore_mem>>) src(%dma_wait3A_561 : memref<32x128xf32, #tpu.memory_space<hbm>>) dst(%dma_wait3A_559 : memref<32x128xf32, #tpu.memory_space<vmem>>)
      %dma_wait3A_562 = arith.constant 2 : i32
      %dma_wait3A_563 = arith.constant 0 : i32
      %dma_wait3A_564 = arith.constant 0 : i32
      %dma_wait3A_565 = tpu.memref_slice %arg12[%dma_wait3A_562, %dma_wait3A_563, %dma_wait3A_564] : memref<3x32x128xf32, #tpu.memory_space<vmem>> -> memref<1x32x128xf32, #tpu.memory_space<vmem>>
      %dma_wait3A_566 = tpu.memref_squeeze %dma_wait3A_565 : memref<1x32x128xf32, #tpu.memory_space<vmem>> -> memref<32x128xf32, #tpu.memory_space<vmem>>
      %dma_wait3A_567 = arith.constant 0 : i32
      %dma_wait3A_568 = tpu.memref_slice %arg6[%dma_wait3A_567, %multiple_of3A_103] : memref<32x1000000xf32, #tpu.memory_space<hbm>> -> memref<32x128xf32, #tpu.memory_space<hbm>>
      %dma_wait3A_569 = arith.constant 0 : i32
      %dma_wait3A_570 = arith.constant 0 : i32
      %dma_wait3A_571 = tpu.memref_slice %arg12[%dma_wait3A_562, %dma_wait3A_569, %dma_wait3A_570] : memref<3x32x128xf32, #tpu.memory_space<vmem>> -> memref<1x32x128xf32, #tpu.memory_space<vmem>>
      %dma_wait3A_572 = tpu.memref_squeeze %dma_wait3A_571 : memref<1x32x128xf32, #tpu.memory_space<vmem>> -> memref<32x128xf32, #tpu.memory_space<vmem>>
      %dma_wait3A_573 = arith.constant 0 : i32
      %dma_wait3A_574 = tpu.memref_slice %arg6[%dma_wait3A_573, %multiple_of3A_103] : memref<32x1000000xf32, #tpu.memory_space<hbm>> -> memref<32x128xf32, #tpu.memory_space<hbm>>
      tpu.wait_dma2 semaphore(%arg22 : memref<!tpu.dma_semaphore, #tpu.memory_space<semaphore_mem>>) src(%dma_wait3A_574 : memref<32x128xf32, #tpu.memory_space<hbm>>) dst(%dma_wait3A_572 : memref<32x128xf32, #tpu.memory_space<vmem>>)
      %broadcast_in_dim3A_575 = arith.constant 0 : i32
      %broadcast_in_dim3A_576 = vector.broadcast %broadcast_in_dim3A_575 : i32 to vector<16xi32>
      %broadcast_in_dim3A_577 = arith.constant 1 : i32
      %broadcast_in_dim3A_578 = vector.broadcast %broadcast_in_dim3A_577 : i32 to vector<16xi32>
      %broadcast_in_dim3A_579 = arith.constant 2 : i32
      %broadcast_in_dim3A_580 = vector.broadcast %broadcast_in_dim3A_579 : i32 to vector<16xi32>
      %slice3A_581 = vector.extract_strided_slice %get3A_53 {offsets = [0], sizes = [1], strides = [1]} : vector<16xi32> to vector<1xi32>
      %squeeze3A_582 = vector.extract %slice3A_581[0] : i32 from vector<1xi32>
      %and3A_583 = arith.constant 127 : i32
      %and3A_584 = arith.andi %squeeze3A_582, %and3A_583 : i32
      %broadcast_in_dim3A_585 = vector.broadcast %and3A_584 : i32 to vector<16xi32>
      %slice3A_586 = vector.extract_strided_slice %get3A_56 {offsets = [0], sizes = [1], strides = [1]} : vector<16xi32> to vector<1xi32>
      %squeeze3A_587 = vector.extract %slice3A_586[0] : i32 from vector<1xi32>
      %and3A_588 = arith.constant 127 : i32
      %and3A_589 = arith.andi %squeeze3A_587, %and3A_588 : i32
      %broadcast_in_dim3A_590 = vector.broadcast %and3A_589 : i32 to vector<16xi32>
      %slice3A_591 = vector.extract_strided_slice %get3A_59 {offsets = [0], sizes = [1], strides = [1]} : vector<16xi32> to vector<1xi32>
      %squeeze3A_592 = vector.extract %slice3A_591[0] : i32 from vector<1xi32>
      %and3A_593 = arith.constant 127 : i32
      %and3A_594 = arith.andi %squeeze3A_592, %and3A_593 : i32
      %broadcast_in_dim3A_595 = vector.broadcast %and3A_594 : i32 to vector<16xi32>
      %gather3A = tpu.vector_load_idx %arg12[%broadcast_in_dim3A_576, %iota3A, %broadcast_in_dim3A_585] : memref<3x32x128xf32, #tpu.memory_space<vmem>>[vector<16xi32>, vector<16xi32>, vector<16xi32>], vector<16xf32>,
      %gather3A_596 = tpu.vector_load_idx %arg12[%broadcast_in_dim3A_576, %add3A_11, %broadcast_in_dim3A_585] : memref<3x32x128xf32, #tpu.memory_space<vmem>>[vector<16xi32>, vector<16xi32>, vector<16xi32>], vector<16xf32>,
      %gather3A_597 = tpu.vector_load_idx %arg12[%broadcast_in_dim3A_578, %iota3A, %broadcast_in_dim3A_590] : memref<3x32x128xf32, #tpu.memory_space<vmem>>[vector<16xi32>, vector<16xi32>, vector<16xi32>], vector<16xf32>,
      %gather3A_598 = tpu.vector_load_idx %arg12[%broadcast_in_dim3A_578, %add3A_11, %broadcast_in_dim3A_590] : memref<3x32x128xf32, #tpu.memory_space<vmem>>[vector<16xi32>, vector<16xi32>, vector<16xi32>], vector<16xf32>,
      %gather3A_599 = tpu.vector_load_idx %arg12[%broadcast_in_dim3A_580, %iota3A, %broadcast_in_dim3A_595] : memref<3x32x128xf32, #tpu.memory_space<vmem>>[vector<16xi32>, vector<16xi32>, vector<16xi32>], vector<16xf32>,
      %gather3A_600 = tpu.vector_load_idx %arg12[%broadcast_in_dim3A_580, %add3A_11, %broadcast_in_dim3A_595] : memref<3x32x128xf32, #tpu.memory_space<vmem>>[vector<16xi32>, vector<16xi32>, vector<16xi32>], vector<16xf32>,
      %mul3A_601 = arith.mulf %gather3A, %gather3A_597 : vector<16xf32>
      %mul3A_602 = arith.mulf %gather3A_596, %gather3A_598 : vector<16xf32>
      %add3A_603 = arith.addf %mul3A_601, %mul3A_602 : vector<16xf32>
      %reduce_sum3A = arith.constant true
      %reduce_sum3A_604 = vector.broadcast %reduce_sum3A : i1 to vector<16xi1>
      %reduce_sum3A_605 = tpu.scan <sum>, %add3A_603 masked %reduce_sum3A_604 : vector<16xf32>, vector<16xi1> -> vector<16xf32>
      %reduce_sum3A_606 = vector.extract %reduce_sum3A_605[15] : f32 from vector<16xf32>
      %mul3A_607 = arith.mulf %gather3A, %gather3A_599 : vector<16xf32>
      %mul3A_608 = arith.mulf %gather3A_596, %gather3A_600 : vector<16xf32>
      %add3A_609 = arith.addf %mul3A_607, %mul3A_608 : vector<16xf32>
      %reduce_sum3A_610 = arith.constant true
      %reduce_sum3A_611 = vector.broadcast %reduce_sum3A_610 : i1 to vector<16xi1>
      %reduce_sum3A_612 = tpu.scan <sum>, %add3A_609 masked %reduce_sum3A_611 : vector<16xf32>, vector<16xi1> -> vector<16xf32>
      %reduce_sum3A_613 = vector.extract %reduce_sum3A_612[15] : f32 from vector<16xf32>
      %eq3A_614 = arith.constant 0 : i32
      %eq3A_615 = vector.broadcast %eq3A_614 : i32 to vector<16xi32>
      %eq3A_616 = arith.cmpi eq, %iota3A, %eq3A_615 : vector<16xi32>
      %broadcast_in_dim3A_617 = vector.broadcast %reduce_sum3A_606 : f32 to vector<16xf32>
      %select_n3A_618 = arith.select %eq3A_616, %broadcast_in_dim3A_617, %broadcast_in_dim3A_60 : vector<16xi1>, vector<16xf32>
      %broadcast_in_dim3A_619 = vector.broadcast %reduce_sum3A_613 : f32 to vector<16xf32>
      %select_n3A_620 = arith.select %eq3A_616, %broadcast_in_dim3A_619, %broadcast_in_dim3A_62 : vector<16xi1>, vector<16xf32>
      %slice3A_621 = vector.extract_strided_slice %get3A_53 {offsets = [8], sizes = [1], strides = [1]} : vector<16xi32> to vector<1xi32>
      %squeeze3A_622 = vector.extract %slice3A_621[0] : i32 from vector<1xi32>
      %shift_right_arithmetic3A_623 = arith.constant 7 : i32
      %shift_right_arithmetic3A_624 = arith.shrsi %squeeze3A_622, %shift_right_arithmetic3A_623 : i32
      %shift_left3A_625 = arith.constant 7 : i32
      %shift_left3A_626 = arith.shli %shift_right_arithmetic3A_624, %shift_left3A_625 : i32
      %multiple_of3A_627 = tpu.assume_multiple %shift_left3A_626, 128 : i32
      %dma_start3A_628 = arith.constant 0 : i32
      %dma_start3A_629 = arith.constant 0 : i32
      %dma_start3A_630 = arith.constant 0 : i32
      %dma_start3A_631 = tpu.memref_slice %arg12[%dma_start3A_628, %dma_start3A_629, %dma_start3A_630] : memref<3x32x128xf32, #tpu.memory_space<vmem>> -> memref<1x32x128xf32, #tpu.memory_space<vmem>>
      %dma_start3A_632 = tpu.memref_squeeze %dma_start3A_631 : memref<1x32x128xf32, #tpu.memory_space<vmem>> -> memref<32x128xf32, #tpu.memory_space<vmem>>
      %dma_start3A_633 = arith.constant 0 : i32
      %dma_start3A_634 = tpu.memref_slice %arg5[%dma_start3A_633, %multiple_of3A_627] : memref<32x1000000xf32, #tpu.memory_space<hbm>> -> memref<32x128xf32, #tpu.memory_space<hbm>>
      %dma_start3A_635 = arith.constant 0 : i32
      %dma_start3A_636 = arith.constant 0 : i32
      %dma_start3A_637 = tpu.memref_slice %arg12[%dma_start3A_628, %dma_start3A_635, %dma_start3A_636] : memref<3x32x128xf32, #tpu.memory_space<vmem>> -> memref<1x32x128xf32, #tpu.memory_space<vmem>>
      %dma_start3A_638 = tpu.memref_squeeze %dma_start3A_637 : memref<1x32x128xf32, #tpu.memory_space<vmem>> -> memref<32x128xf32, #tpu.memory_space<vmem>>
      %dma_start3A_639 = arith.constant 0 : i32
      %dma_start3A_640 = tpu.memref_slice %arg5[%dma_start3A_639, %multiple_of3A_627] : memref<32x1000000xf32, #tpu.memory_space<hbm>> -> memref<32x128xf32, #tpu.memory_space<hbm>>
      tpu.enqueue_dma source(%dma_start3A_640 : memref<32x128xf32, #tpu.memory_space<hbm>>) target(%dma_start3A_638 : memref<32x128xf32, #tpu.memory_space<vmem>>) target_semaphore(%arg22 : memref<!tpu.dma_semaphore, #tpu.memory_space<semaphore_mem>>)
      %slice3A_641 = vector.extract_strided_slice %get3A_56 {offsets = [8], sizes = [1], strides = [1]} : vector<16xi32> to vector<1xi32>
      %squeeze3A_642 = vector.extract %slice3A_641[0] : i32 from vector<1xi32>
      %shift_right_arithmetic3A_643 = arith.constant 7 : i32
      %shift_right_arithmetic3A_644 = arith.shrsi %squeeze3A_642, %shift_right_arithmetic3A_643 : i32
      %shift_left3A_645 = arith.constant 7 : i32
      %shift_left3A_646 = arith.shli %shift_right_arithmetic3A_644, %shift_left3A_645 : i32
      %multiple_of3A_647 = tpu.assume_multiple %shift_left3A_646, 128 : i32
      %dma_start3A_648 = arith.constant 1 : i32
      %dma_start3A_649 = arith.constant 0 : i32
      %dma_start3A_650 = arith.constant 0 : i32
      %dma_start3A_651 = tpu.memref_slice %arg12[%dma_start3A_648, %dma_start3A_649, %dma_start3A_650] : memref<3x32x128xf32, #tpu.memory_space<vmem>> -> memref<1x32x128xf32, #tpu.memory_space<vmem>>
      %dma_start3A_652 = tpu.memref_squeeze %dma_start3A_651 : memref<1x32x128xf32, #tpu.memory_space<vmem>> -> memref<32x128xf32, #tpu.memory_space<vmem>>
      %dma_start3A_653 = arith.constant 0 : i32
      %dma_start3A_654 = tpu.memref_slice %arg6[%dma_start3A_653, %multiple_of3A_647] : memref<32x1000000xf32, #tpu.memory_space<hbm>> -> memref<32x128xf32, #tpu.memory_space<hbm>>
      %dma_start3A_655 = arith.constant 0 : i32
      %dma_start3A_656 = arith.constant 0 : i32
      %dma_start3A_657 = tpu.memref_slice %arg12[%dma_start3A_648, %dma_start3A_655, %dma_start3A_656] : memref<3x32x128xf32, #tpu.memory_space<vmem>> -> memref<1x32x128xf32, #tpu.memory_space<vmem>>
      %dma_start3A_658 = tpu.memref_squeeze %dma_start3A_657 : memref<1x32x128xf32, #tpu.memory_space<vmem>> -> memref<32x128xf32, #tpu.memory_space<vmem>>
      %dma_start3A_659 = arith.constant 0 : i32
      %dma_start3A_660 = tpu.memref_slice %arg6[%dma_start3A_659, %multiple_of3A_647] : memref<32x1000000xf32, #tpu.memory_space<hbm>> -> memref<32x128xf32, #tpu.memory_space<hbm>>
      tpu.enqueue_dma source(%dma_start3A_660 : memref<32x128xf32, #tpu.memory_space<hbm>>) target(%dma_start3A_658 : memref<32x128xf32, #tpu.memory_space<vmem>>) target_semaphore(%arg22 : memref<!tpu.dma_semaphore, #tpu.memory_space<semaphore_mem>>)
      %slice3A_661 = vector.extract_strided_slice %get3A_59 {offsets = [8], sizes = [1], strides = [1]} : vector<16xi32> to vector<1xi32>
      %squeeze3A_662 = vector.extract %slice3A_661[0] : i32 from vector<1xi32>
      %shift_right_arithmetic3A_663 = arith.constant 7 : i32
      %shift_right_arithmetic3A_664 = arith.shrsi %squeeze3A_662, %shift_right_arithmetic3A_663 : i32
      %shift_left3A_665 = arith.constant 7 : i32
      %shift_left3A_666 = arith.shli %shift_right_arithmetic3A_664, %shift_left3A_665 : i32
      %multiple_of3A_667 = tpu.assume_multiple %shift_left3A_666, 128 : i32
      %dma_start3A_668 = arith.constant 2 : i32
      %dma_start3A_669 = arith.constant 0 : i32
      %dma_start3A_670 = arith.constant 0 : i32
      %dma_start3A_671 = tpu.memref_slice %arg12[%dma_start3A_668, %dma_start3A_669, %dma_start3A_670] : memref<3x32x128xf32, #tpu.memory_space<vmem>> -> memref<1x32x128xf32, #tpu.memory_space<vmem>>
      %dma_start3A_672 = tpu.memref_squeeze %dma_start3A_671 : memref<1x32x128xf32, #tpu.memory_space<vmem>> -> memref<32x128xf32, #tpu.memory_space<vmem>>
      %dma_start3A_673 = arith.constant 0 : i32
      %dma_start3A_674 = tpu.memref_slice %arg6[%dma_start3A_673, %multiple_of3A_667] : memref<32x1000000xf32, #tpu.memory_space<hbm>> -> memref<32x128xf32, #tpu.memory_space<hbm>>
      %dma_start3A_675 = arith.constant 0 : i32
      %dma_start3A_676 = arith.constant 0 : i32
      %dma_start3A_677 = tpu.memref_slice %arg12[%dma_start3A_668, %dma_start3A_675, %dma_start3A_676] : memref<3x32x128xf32, #tpu.memory_space<vmem>> -> memref<1x32x128xf32, #tpu.memory_space<vmem>>
      %dma_start3A_678 = tpu.memref_squeeze %dma_start3A_677 : memref<1x32x128xf32, #tpu.memory_space<vmem>> -> memref<32x128xf32, #tpu.memory_space<vmem>>
      %dma_start3A_679 = arith.constant 0 : i32
      %dma_start3A_680 = tpu.memref_slice %arg6[%dma_start3A_679, %multiple_of3A_667] : memref<32x1000000xf32, #tpu.memory_space<hbm>> -> memref<32x128xf32, #tpu.memory_space<hbm>>
      tpu.enqueue_dma source(%dma_start3A_680 : memref<32x128xf32, #tpu.memory_space<hbm>>) target(%dma_start3A_678 : memref<32x128xf32, #tpu.memory_space<vmem>>) target_semaphore(%arg22 : memref<!tpu.dma_semaphore, #tpu.memory_space<semaphore_mem>>)
      %dma_wait3A_681 = arith.constant 0 : i32
      %dma_wait3A_682 = arith.constant 0 : i32
      %dma_wait3A_683 = arith.constant 0 : i32
      %dma_wait3A_684 = tpu.memref_slice %arg13[%dma_wait3A_681, %dma_wait3A_682, %dma_wait3A_683] : memref<3x32x128xf32, #tpu.memory_space<vmem>> -> memref<1x32x128xf32, #tpu.memory_space<vmem>>
      %dma_wait3A_685 = tpu.memref_squeeze %dma_wait3A_684 : memref<1x32x128xf32, #tpu.memory_space<vmem>> -> memref<32x128xf32, #tpu.memory_space<vmem>>
      %dma_wait3A_686 = arith.constant 0 : i32
      %dma_wait3A_687 = tpu.memref_slice %arg5[%dma_wait3A_686, %multiple_of3A_123] : memref<32x1000000xf32, #tpu.memory_space<hbm>> -> memref<32x128xf32, #tpu.memory_space<hbm>>
      %dma_wait3A_688 = arith.constant 0 : i32
      %dma_wait3A_689 = arith.constant 0 : i32
      %dma_wait3A_690 = tpu.memref_slice %arg13[%dma_wait3A_681, %dma_wait3A_688, %dma_wait3A_689] : memref<3x32x128xf32, #tpu.memory_space<vmem>> -> memref<1x32x128xf32, #tpu.memory_space<vmem>>
      %dma_wait3A_691 = tpu.memref_squeeze %dma_wait3A_690 : memref<1x32x128xf32, #tpu.memory_space<vmem>> -> memref<32x128xf32, #tpu.memory_space<vmem>>
      %dma_wait3A_692 = arith.constant 0 : i32
      %dma_wait3A_693 = tpu.memref_slice %arg5[%dma_wait3A_692, %multiple_of3A_123] : memref<32x1000000xf32, #tpu.memory_space<hbm>> -> memref<32x128xf32, #tpu.memory_space<hbm>>
      tpu.wait_dma2 semaphore(%arg22 : memref<!tpu.dma_semaphore, #tpu.memory_space<semaphore_mem>>) src(%dma_wait3A_693 : memref<32x128xf32, #tpu.memory_space<hbm>>) dst(%dma_wait3A_691 : memref<32x128xf32, #tpu.memory_space<vmem>>)
      %dma_wait3A_694 = arith.constant 1 : i32
      %dma_wait3A_695 = arith.constant 0 : i32
      %dma_wait3A_696 = arith.constant 0 : i32
      %dma_wait3A_697 = tpu.memref_slice %arg13[%dma_wait3A_694, %dma_wait3A_695, %dma_wait3A_696] : memref<3x32x128xf32, #tpu.memory_space<vmem>> -> memref<1x32x128xf32, #tpu.memory_space<vmem>>
      %dma_wait3A_698 = tpu.memref_squeeze %dma_wait3A_697 : memref<1x32x128xf32, #tpu.memory_space<vmem>> -> memref<32x128xf32, #tpu.memory_space<vmem>>
      %dma_wait3A_699 = arith.constant 0 : i32
      %dma_wait3A_700 = tpu.memref_slice %arg6[%dma_wait3A_699, %multiple_of3A_143] : memref<32x1000000xf32, #tpu.memory_space<hbm>> -> memref<32x128xf32, #tpu.memory_space<hbm>>
      %dma_wait3A_701 = arith.constant 0 : i32
      %dma_wait3A_702 = arith.constant 0 : i32
      %dma_wait3A_703 = tpu.memref_slice %arg13[%dma_wait3A_694, %dma_wait3A_701, %dma_wait3A_702] : memref<3x32x128xf32, #tpu.memory_space<vmem>> -> memref<1x32x128xf32, #tpu.memory_space<vmem>>
      %dma_wait3A_704 = tpu.memref_squeeze %dma_wait3A_703 : memref<1x32x128xf32, #tpu.memory_space<vmem>> -> memref<32x128xf32, #tpu.memory_space<vmem>>
      %dma_wait3A_705 = arith.constant 0 : i32
      %dma_wait3A_706 = tpu.memref_slice %arg6[%dma_wait3A_705, %multiple_of3A_143] : memref<32x1000000xf32, #tpu.memory_space<hbm>> -> memref<32x128xf32, #tpu.memory_space<hbm>>
      tpu.wait_dma2 semaphore(%arg22 : memref<!tpu.dma_semaphore, #tpu.memory_space<semaphore_mem>>) src(%dma_wait3A_706 : memref<32x128xf32, #tpu.memory_space<hbm>>) dst(%dma_wait3A_704 : memref<32x128xf32, #tpu.memory_space<vmem>>)
      %dma_wait3A_707 = arith.constant 2 : i32
      %dma_wait3A_708 = arith.constant 0 : i32
      %dma_wait3A_709 = arith.constant 0 : i32
      %dma_wait3A_710 = tpu.memref_slice %arg13[%dma_wait3A_707, %dma_wait3A_708, %dma_wait3A_709] : memref<3x32x128xf32, #tpu.memory_space<vmem>> -> memref<1x32x128xf32, #tpu.memory_space<vmem>>
      %dma_wait3A_711 = tpu.memref_squeeze %dma_wait3A_710 : memref<1x32x128xf32, #tpu.memory_space<vmem>> -> memref<32x128xf32, #tpu.memory_space<vmem>>
      %dma_wait3A_712 = arith.constant 0 : i32
      %dma_wait3A_713 = tpu.memref_slice %arg6[%dma_wait3A_712, %multiple_of3A_163] : memref<32x1000000xf32, #tpu.memory_space<hbm>> -> memref<32x128xf32, #tpu.memory_space<hbm>>
      %dma_wait3A_714 = arith.constant 0 : i32
      %dma_wait3A_715 = arith.constant 0 : i32
      %dma_wait3A_716 = tpu.memref_slice %arg13[%dma_wait3A_707, %dma_wait3A_714, %dma_wait3A_715] : memref<3x32x128xf32, #tpu.memory_space<vmem>> -> memref<1x32x128xf32, #tpu.memory_space<vmem>>
      %dma_wait3A_717 = tpu.memref_squeeze %dma_wait3A_716 : memref<1x32x128xf32, #tpu.memory_space<vmem>> -> memref<32x128xf32, #tpu.memory_space<vmem>>
      %dma_wait3A_718 = arith.constant 0 : i32
      %dma_wait3A_719 = tpu.memref_slice %arg6[%dma_wait3A_718, %multiple_of3A_163] : memref<32x1000000xf32, #tpu.memory_space<hbm>> -> memref<32x128xf32, #tpu.memory_space<hbm>>
      tpu.wait_dma2 semaphore(%arg22 : memref<!tpu.dma_semaphore, #tpu.memory_space<semaphore_mem>>) src(%dma_wait3A_719 : memref<32x128xf32, #tpu.memory_space<hbm>>) dst(%dma_wait3A_717 : memref<32x128xf32, #tpu.memory_space<vmem>>)
      %broadcast_in_dim3A_720 = arith.constant 0 : i32
      %broadcast_in_dim3A_721 = vector.broadcast %broadcast_in_dim3A_720 : i32 to vector<16xi32>
      %broadcast_in_dim3A_722 = arith.constant 1 : i32
      %broadcast_in_dim3A_723 = vector.broadcast %broadcast_in_dim3A_722 : i32 to vector<16xi32>
      %broadcast_in_dim3A_724 = arith.constant 2 : i32
      %broadcast_in_dim3A_725 = vector.broadcast %broadcast_in_dim3A_724 : i32 to vector<16xi32>
      %slice3A_726 = vector.extract_strided_slice %get3A_53 {offsets = [1], sizes = [1], strides = [1]} : vector<16xi32> to vector<1xi32>
      %squeeze3A_727 = vector.extract %slice3A_726[0] : i32 from vector<1xi32>
      %and3A_728 = arith.constant 127 : i32
      %and3A_729 = arith.andi %squeeze3A_727, %and3A_728 : i32
      %broadcast_in_dim3A_730 = vector.broadcast %and3A_729 : i32 to vector<16xi32>
      %slice3A_731 = vector.extract_strided_slice %get3A_56 {offsets = [1], sizes = [1], strides = [1]} : vector<16xi32> to vector<1xi32>
      %squeeze3A_732 = vector.extract %slice3A_731[0] : i32 from vector<1xi32>
      %and3A_733 = arith.constant 127 : i32
      %and3A_734 = arith.andi %squeeze3A_732, %and3A_733 : i32
      %broadcast_in_dim3A_735 = vector.broadcast %and3A_734 : i32 to vector<16xi32>
      %slice3A_736 = vector.extract_strided_slice %get3A_59 {offsets = [1], sizes = [1], strides = [1]} : vector<16xi32> to vector<1xi32>
      %squeeze3A_737 = vector.extract %slice3A_736[0] : i32 from vector<1xi32>
      %and3A_738 = arith.constant 127 : i32
      %and3A_739 = arith.andi %squeeze3A_737, %and3A_738 : i32
      %broadcast_in_dim3A_740 = vector.broadcast %and3A_739 : i32 to vector<16xi32>
      %gather3A_741 = tpu.vector_load_idx %arg13[%broadcast_in_dim3A_721, %iota3A, %broadcast_in_dim3A_730] : memref<3x32x128xf32, #tpu.memory_space<vmem>>[vector<16xi32>, vector<16xi32>, vector<16xi32>], vector<16xf32>,
      %gather3A_742 = tpu.vector_load_idx %arg13[%broadcast_in_dim3A_721, %add3A_11, %broadcast_in_dim3A_730] : memref<3x32x128xf32, #tpu.memory_space<vmem>>[vector<16xi32>, vector<16xi32>, vector<16xi32>], vector<16xf32>,
      %gather3A_743 = tpu.vector_load_idx %arg13[%broadcast_in_dim3A_723, %iota3A, %broadcast_in_dim3A_735] : memref<3x32x128xf32, #tpu.memory_space<vmem>>[vector<16xi32>, vector<16xi32>, vector<16xi32>], vector<16xf32>,
      %gather3A_744 = tpu.vector_load_idx %arg13[%broadcast_in_dim3A_723, %add3A_11, %broadcast_in_dim3A_735] : memref<3x32x128xf32, #tpu.memory_space<vmem>>[vector<16xi32>, vector<16xi32>, vector<16xi32>], vector<16xf32>,
      %gather3A_745 = tpu.vector_load_idx %arg13[%broadcast_in_dim3A_725, %iota3A, %broadcast_in_dim3A_740] : memref<3x32x128xf32, #tpu.memory_space<vmem>>[vector<16xi32>, vector<16xi32>, vector<16xi32>], vector<16xf32>,
      %gather3A_746 = tpu.vector_load_idx %arg13[%broadcast_in_dim3A_725, %add3A_11, %broadcast_in_dim3A_740] : memref<3x32x128xf32, #tpu.memory_space<vmem>>[vector<16xi32>, vector<16xi32>, vector<16xi32>], vector<16xf32>,
      %mul3A_747 = arith.mulf %gather3A_741, %gather3A_743 : vector<16xf32>
      %mul3A_748 = arith.mulf %gather3A_742, %gather3A_744 : vector<16xf32>
      %add3A_749 = arith.addf %mul3A_747, %mul3A_748 : vector<16xf32>
      %reduce_sum3A_750 = arith.constant true
      %reduce_sum3A_751 = vector.broadcast %reduce_sum3A_750 : i1 to vector<16xi1>
      %reduce_sum3A_752 = tpu.scan <sum>, %add3A_749 masked %reduce_sum3A_751 : vector<16xf32>, vector<16xi1> -> vector<16xf32>
      %reduce_sum3A_753 = vector.extract %reduce_sum3A_752[15] : f32 from vector<16xf32>
      %mul3A_754 = arith.mulf %gather3A_741, %gather3A_745 : vector<16xf32>
      %mul3A_755 = arith.mulf %gather3A_742, %gather3A_746 : vector<16xf32>
      %add3A_756 = arith.addf %mul3A_754, %mul3A_755 : vector<16xf32>
      %reduce_sum3A_757 = arith.constant true
      %reduce_sum3A_758 = vector.broadcast %reduce_sum3A_757 : i1 to vector<16xi1>
      %reduce_sum3A_759 = tpu.scan <sum>, %add3A_756 masked %reduce_sum3A_758 : vector<16xf32>, vector<16xi1> -> vector<16xf32>
      %reduce_sum3A_760 = vector.extract %reduce_sum3A_759[15] : f32 from vector<16xf32>
      %eq3A_761 = arith.constant 1 : i32
      %eq3A_762 = vector.broadcast %eq3A_761 : i32 to vector<16xi32>
      %eq3A_763 = arith.cmpi eq, %iota3A, %eq3A_762 : vector<16xi32>
      %broadcast_in_dim3A_764 = vector.broadcast %reduce_sum3A_753 : f32 to vector<16xf32>
      %select_n3A_765 = arith.select %eq3A_763, %broadcast_in_dim3A_764, %select_n3A_618 : vector<16xi1>, vector<16xf32>
      %broadcast_in_dim3A_766 = vector.broadcast %reduce_sum3A_760 : f32 to vector<16xf32>
      %select_n3A_767 = arith.select %eq3A_763, %broadcast_in_dim3A_766, %select_n3A_620 : vector<16xi1>, vector<16xf32>
      %slice3A_768 = vector.extract_strided_slice %get3A_53 {offsets = [9], sizes = [1], strides = [1]} : vector<16xi32> to vector<1xi32>
      %squeeze3A_769 = vector.extract %slice3A_768[0] : i32 from vector<1xi32>
      %shift_right_arithmetic3A_770 = arith.constant 7 : i32
      %shift_right_arithmetic3A_771 = arith.shrsi %squeeze3A_769, %shift_right_arithmetic3A_770 : i32
      %shift_left3A_772 = arith.constant 7 : i32
      %shift_left3A_773 = arith.shli %shift_right_arithmetic3A_771, %shift_left3A_772 : i32
      %multiple_of3A_774 = tpu.assume_multiple %shift_left3A_773, 128 : i32
      %dma_start3A_775 = arith.constant 0 : i32
      %dma_start3A_776 = arith.constant 0 : i32
      %dma_start3A_777 = arith.constant 0 : i32
      %dma_start3A_778 = tpu.memref_slice %arg13[%dma_start3A_775, %dma_start3A_776, %dma_start3A_777] : memref<3x32x128xf32, #tpu.memory_space<vmem>> -> memref<1x32x128xf32, #tpu.memory_space<vmem>>
      %dma_start3A_779 = tpu.memref_squeeze %dma_start3A_778 : memref<1x32x128xf32, #tpu.memory_space<vmem>> -> memref<32x128xf32, #tpu.memory_space<vmem>>
      %dma_start3A_780 = arith.constant 0 : i32
      %dma_start3A_781 = tpu.memref_slice %arg5[%dma_start3A_780, %multiple_of3A_774] : memref<32x1000000xf32, #tpu.memory_space<hbm>> -> memref<32x128xf32, #tpu.memory_space<hbm>>
      %dma_start3A_782 = arith.constant 0 : i32
      %dma_start3A_783 = arith.constant 0 : i32
      %dma_start3A_784 = tpu.memref_slice %arg13[%dma_start3A_775, %dma_start3A_782, %dma_start3A_783] : memref<3x32x128xf32, #tpu.memory_space<vmem>> -> memref<1x32x128xf32, #tpu.memory_space<vmem>>
      %dma_start3A_785 = tpu.memref_squeeze %dma_start3A_784 : memref<1x32x128xf32, #tpu.memory_space<vmem>> -> memref<32x128xf32, #tpu.memory_space<vmem>>
      %dma_start3A_786 = arith.constant 0 : i32
      %dma_start3A_787 = tpu.memref_slice %arg5[%dma_start3A_786, %multiple_of3A_774] : memref<32x1000000xf32, #tpu.memory_space<hbm>> -> memref<32x128xf32, #tpu.memory_space<hbm>>
      tpu.enqueue_dma source(%dma_start3A_787 : memref<32x128xf32, #tpu.memory_space<hbm>>) target(%dma_start3A_785 : memref<32x128xf32, #tpu.memory_space<vmem>>) target_semaphore(%arg22 : memref<!tpu.dma_semaphore, #tpu.memory_space<semaphore_mem>>)
      %slice3A_788 = vector.extract_strided_slice %get3A_56 {offsets = [9], sizes = [1], strides = [1]} : vector<16xi32> to vector<1xi32>
      %squeeze3A_789 = vector.extract %slice3A_788[0] : i32 from vector<1xi32>
      %shift_right_arithmetic3A_790 = arith.constant 7 : i32
      %shift_right_arithmetic3A_791 = arith.shrsi %squeeze3A_789, %shift_right_arithmetic3A_790 : i32
      %shift_left3A_792 = arith.constant 7 : i32
      %shift_left3A_793 = arith.shli %shift_right_arithmetic3A_791, %shift_left3A_792 : i32
      %multiple_of3A_794 = tpu.assume_multiple %shift_left3A_793, 128 : i32
      %dma_start3A_795 = arith.constant 1 : i32
      %dma_start3A_796 = arith.constant 0 : i32
      %dma_start3A_797 = arith.constant 0 : i32
      %dma_start3A_798 = tpu.memref_slice %arg13[%dma_start3A_795, %dma_start3A_796, %dma_start3A_797] : memref<3x32x128xf32, #tpu.memory_space<vmem>> -> memref<1x32x128xf32, #tpu.memory_space<vmem>>
      %dma_start3A_799 = tpu.memref_squeeze %dma_start3A_798 : memref<1x32x128xf32, #tpu.memory_space<vmem>> -> memref<32x128xf32, #tpu.memory_space<vmem>>
      %dma_start3A_800 = arith.constant 0 : i32
      %dma_start3A_801 = tpu.memref_slice %arg6[%dma_start3A_800, %multiple_of3A_794] : memref<32x1000000xf32, #tpu.memory_space<hbm>> -> memref<32x128xf32, #tpu.memory_space<hbm>>
      %dma_start3A_802 = arith.constant 0 : i32
      %dma_start3A_803 = arith.constant 0 : i32
      %dma_start3A_804 = tpu.memref_slice %arg13[%dma_start3A_795, %dma_start3A_802, %dma_start3A_803] : memref<3x32x128xf32, #tpu.memory_space<vmem>> -> memref<1x32x128xf32, #tpu.memory_space<vmem>>
      %dma_start3A_805 = tpu.memref_squeeze %dma_start3A_804 : memref<1x32x128xf32, #tpu.memory_space<vmem>> -> memref<32x128xf32, #tpu.memory_space<vmem>>
      %dma_start3A_806 = arith.constant 0 : i32
      %dma_start3A_807 = tpu.memref_slice %arg6[%dma_start3A_806, %multiple_of3A_794] : memref<32x1000000xf32, #tpu.memory_space<hbm>> -> memref<32x128xf32, #tpu.memory_space<hbm>>
      tpu.enqueue_dma source(%dma_start3A_807 : memref<32x128xf32, #tpu.memory_space<hbm>>) target(%dma_start3A_805 : memref<32x128xf32, #tpu.memory_space<vmem>>) target_semaphore(%arg22 : memref<!tpu.dma_semaphore, #tpu.memory_space<semaphore_mem>>)
      %slice3A_808 = vector.extract_strided_slice %get3A_59 {offsets = [9], sizes = [1], strides = [1]} : vector<16xi32> to vector<1xi32>
      %squeeze3A_809 = vector.extract %slice3A_808[0] : i32 from vector<1xi32>
      %shift_right_arithmetic3A_810 = arith.constant 7 : i32
      %shift_right_arithmetic3A_811 = arith.shrsi %squeeze3A_809, %shift_right_arithmetic3A_810 : i32
      %shift_left3A_812 = arith.constant 7 : i32
      %shift_left3A_813 = arith.shli %shift_right_arithmetic3A_811, %shift_left3A_812 : i32
      %multiple_of3A_814 = tpu.assume_multiple %shift_left3A_813, 128 : i32
      %dma_start3A_815 = arith.constant 2 : i32
      %dma_start3A_816 = arith.constant 0 : i32
      %dma_start3A_817 = arith.constant 0 : i32
      %dma_start3A_818 = tpu.memref_slice %arg13[%dma_start3A_815, %dma_start3A_816, %dma_start3A_817] : memref<3x32x128xf32, #tpu.memory_space<vmem>> -> memref<1x32x128xf32, #tpu.memory_space<vmem>>
      %dma_start3A_819 = tpu.memref_squeeze %dma_start3A_818 : memref<1x32x128xf32, #tpu.memory_space<vmem>> -> memref<32x128xf32, #tpu.memory_space<vmem>>
      %dma_start3A_820 = arith.constant 0 : i32
      %dma_start3A_821 = tpu.memref_slice %arg6[%dma_start3A_820, %multiple_of3A_814] : memref<32x1000000xf32, #tpu.memory_space<hbm>> -> memref<32x128xf32, #tpu.memory_space<hbm>>
      %dma_start3A_822 = arith.constant 0 : i32
      %dma_start3A_823 = arith.constant 0 : i32
      %dma_start3A_824 = tpu.memref_slice %arg13[%dma_start3A_815, %dma_start3A_822, %dma_start3A_823] : memref<3x32x128xf32, #tpu.memory_space<vmem>> -> memref<1x32x128xf32, #tpu.memory_space<vmem>>
      %dma_start3A_825 = tpu.memref_squeeze %dma_start3A_824 : memref<1x32x128xf32, #tpu.memory_space<vmem>> -> memref<32x128xf32, #tpu.memory_space<vmem>>
      %dma_start3A_826 = arith.constant 0 : i32
      %dma_start3A_827 = tpu.memref_slice %arg6[%dma_start3A_826, %multiple_of3A_814] : memref<32x1000000xf32, #tpu.memory_space<hbm>> -> memref<32x128xf32, #tpu.memory_space<hbm>>
      tpu.enqueue_dma source(%dma_start3A_827 : memref<32x128xf32, #tpu.memory_space<hbm>>) target(%dma_start3A_825 : memref<32x128xf32, #tpu.memory_space<vmem>>) target_semaphore(%arg22 : memref<!tpu.dma_semaphore, #tpu.memory_space<semaphore_mem>>)
      %dma_wait3A_828 = arith.constant 0 : i32
      %dma_wait3A_829 = arith.constant 0 : i32
      %dma_wait3A_830 = arith.constant 0 : i32
      %dma_wait3A_831 = tpu.memref_slice %arg14[%dma_wait3A_828, %dma_wait3A_829, %dma_wait3A_830] : memref<3x32x128xf32, #tpu.memory_space<vmem>> -> memref<1x32x128xf32, #tpu.memory_space<vmem>>
      %dma_wait3A_832 = tpu.memref_squeeze %dma_wait3A_831 : memref<1x32x128xf32, #tpu.memory_space<vmem>> -> memref<32x128xf32, #tpu.memory_space<vmem>>
      %dma_wait3A_833 = arith.constant 0 : i32
      %dma_wait3A_834 = tpu.memref_slice %arg5[%dma_wait3A_833, %multiple_of3A_183] : memref<32x1000000xf32, #tpu.memory_space<hbm>> -> memref<32x128xf32, #tpu.memory_space<hbm>>
      %dma_wait3A_835 = arith.constant 0 : i32
      %dma_wait3A_836 = arith.constant 0 : i32
      %dma_wait3A_837 = tpu.memref_slice %arg14[%dma_wait3A_828, %dma_wait3A_835, %dma_wait3A_836] : memref<3x32x128xf32, #tpu.memory_space<vmem>> -> memref<1x32x128xf32, #tpu.memory_space<vmem>>
      %dma_wait3A_838 = tpu.memref_squeeze %dma_wait3A_837 : memref<1x32x128xf32, #tpu.memory_space<vmem>> -> memref<32x128xf32, #tpu.memory_space<vmem>>
      %dma_wait3A_839 = arith.constant 0 : i32
      %dma_wait3A_840 = tpu.memref_slice %arg5[%dma_wait3A_839, %multiple_of3A_183] : memref<32x1000000xf32, #tpu.memory_space<hbm>> -> memref<32x128xf32, #tpu.memory_space<hbm>>
      tpu.wait_dma2 semaphore(%arg22 : memref<!tpu.dma_semaphore, #tpu.memory_space<semaphore_mem>>) src(%dma_wait3A_840 : memref<32x128xf32, #tpu.memory_space<hbm>>) dst(%dma_wait3A_838 : memref<32x128xf32, #tpu.memory_space<vmem>>)
      %dma_wait3A_841 = arith.constant 1 : i32
      %dma_wait3A_842 = arith.constant 0 : i32
      %dma_wait3A_843 = arith.constant 0 : i32
      %dma_wait3A_844 = tpu.memref_slice %arg14[%dma_wait3A_841, %dma_wait3A_842, %dma_wait3A_843] : memref<3x32x128xf32, #tpu.memory_space<vmem>> -> memref<1x32x128xf32, #tpu.memory_space<vmem>>
      %dma_wait3A_845 = tpu.memref_squeeze %dma_wait3A_844 : memref<1x32x128xf32, #tpu.memory_space<vmem>> -> memref<32x128xf32, #tpu.memory_space<vmem>>
      %dma_wait3A_846 = arith.constant 0 : i32
      %dma_wait3A_847 = tpu.memref_slice %arg6[%dma_wait3A_846, %multiple_of3A_203] : memref<32x1000000xf32, #tpu.memory_space<hbm>> -> memref<32x128xf32, #tpu.memory_space<hbm>>
      %dma_wait3A_848 = arith.constant 0 : i32
      %dma_wait3A_849 = arith.constant 0 : i32
      %dma_wait3A_850 = tpu.memref_slice %arg14[%dma_wait3A_841, %dma_wait3A_848, %dma_wait3A_849] : memref<3x32x128xf32, #tpu.memory_space<vmem>> -> memref<1x32x128xf32, #tpu.memory_space<vmem>>
      %dma_wait3A_851 = tpu.memref_squeeze %dma_wait3A_850 : memref<1x32x128xf32, #tpu.memory_space<vmem>> -> memref<32x128xf32, #tpu.memory_space<vmem>>
      %dma_wait3A_852 = arith.constant 0 : i32
      %dma_wait3A_853 = tpu.memref_slice %arg6[%dma_wait3A_852, %multiple_of3A_203] : memref<32x1000000xf32, #tpu.memory_space<hbm>> -> memref<32x128xf32, #tpu.memory_space<hbm>>
      tpu.wait_dma2 semaphore(%arg22 : memref<!tpu.dma_semaphore, #tpu.memory_space<semaphore_mem>>) src(%dma_wait3A_853 : memref<32x128xf32, #tpu.memory_space<hbm>>) dst(%dma_wait3A_851 : memref<32x128xf32, #tpu.memory_space<vmem>>)
      %dma_wait3A_854 = arith.constant 2 : i32
      %dma_wait3A_855 = arith.constant 0 : i32
      %dma_wait3A_856 = arith.constant 0 : i32
      %dma_wait3A_857 = tpu.memref_slice %arg14[%dma_wait3A_854, %dma_wait3A_855, %dma_wait3A_856] : memref<3x32x128xf32, #tpu.memory_space<vmem>> -> memref<1x32x128xf32, #tpu.memory_space<vmem>>
      %dma_wait3A_858 = tpu.memref_squeeze %dma_wait3A_857 : memref<1x32x128xf32, #tpu.memory_space<vmem>> -> memref<32x128xf32, #tpu.memory_space<vmem>>
      %dma_wait3A_859 = arith.constant 0 : i32
      %dma_wait3A_860 = tpu.memref_slice %arg6[%dma_wait3A_859, %multiple_of3A_223] : memref<32x1000000xf32, #tpu.memory_space<hbm>> -> memref<32x128xf32, #tpu.memory_space<hbm>>
      %dma_wait3A_861 = arith.constant 0 : i32
      %dma_wait3A_862 = arith.constant 0 : i32
      %dma_wait3A_863 = tpu.memref_slice %arg14[%dma_wait3A_854, %dma_wait3A_861, %dma_wait3A_862] : memref<3x32x128xf32, #tpu.memory_space<vmem>> -> memref<1x32x128xf32, #tpu.memory_space<vmem>>
      %dma_wait3A_864 = tpu.memref_squeeze %dma_wait3A_863 : memref<1x32x128xf32, #tpu.memory_space<vmem>> -> memref<32x128xf32, #tpu.memory_space<vmem>>
      %dma_wait3A_865 = arith.constant 0 : i32
      %dma_wait3A_866 = tpu.memref_slice %arg6[%dma_wait3A_865, %multiple_of3A_223] : memref<32x1000000xf32, #tpu.memory_space<hbm>> -> memref<32x128xf32, #tpu.memory_space<hbm>>
      tpu.wait_dma2 semaphore(%arg22 : memref<!tpu.dma_semaphore, #tpu.memory_space<semaphore_mem>>) src(%dma_wait3A_866 : memref<32x128xf32, #tpu.memory_space<hbm>>) dst(%dma_wait3A_864 : memref<32x128xf32, #tpu.memory_space<vmem>>)
      %broadcast_in_dim3A_867 = arith.constant 0 : i32
      %broadcast_in_dim3A_868 = vector.broadcast %broadcast_in_dim3A_867 : i32 to vector<16xi32>
      %broadcast_in_dim3A_869 = arith.constant 1 : i32
      %broadcast_in_dim3A_870 = vector.broadcast %broadcast_in_dim3A_869 : i32 to vector<16xi32>
      %broadcast_in_dim3A_871 = arith.constant 2 : i32
      %broadcast_in_dim3A_872 = vector.broadcast %broadcast_in_dim3A_871 : i32 to vector<16xi32>
      %slice3A_873 = vector.extract_strided_slice %get3A_53 {offsets = [2], sizes = [1], strides = [1]} : vector<16xi32> to vector<1xi32>
      %squeeze3A_874 = vector.extract %slice3A_873[0] : i32 from vector<1xi32>
      %and3A_875 = arith.constant 127 : i32
      %and3A_876 = arith.andi %squeeze3A_874, %and3A_875 : i32
      %broadcast_in_dim3A_877 = vector.broadcast %and3A_876 : i32 to vector<16xi32>
      %slice3A_878 = vector.extract_strided_slice %get3A_56 {offsets = [2], sizes = [1], strides = [1]} : vector<16xi32> to vector<1xi32>
      %squeeze3A_879 = vector.extract %slice3A_878[0] : i32 from vector<1xi32>
      %and3A_880 = arith.constant 127 : i32
      %and3A_881 = arith.andi %squeeze3A_879, %and3A_880 : i32
      %broadcast_in_dim3A_882 = vector.broadcast %and3A_881 : i32 to vector<16xi32>
      %slice3A_883 = vector.extract_strided_slice %get3A_59 {offsets = [2], sizes = [1], strides = [1]} : vector<16xi32> to vector<1xi32>
      %squeeze3A_884 = vector.extract %slice3A_883[0] : i32 from vector<1xi32>
      %and3A_885 = arith.constant 127 : i32
      %and3A_886 = arith.andi %squeeze3A_884, %and3A_885 : i32
      %broadcast_in_dim3A_887 = vector.broadcast %and3A_886 : i32 to vector<16xi32>
      %gather3A_888 = tpu.vector_load_idx %arg14[%broadcast_in_dim3A_868, %iota3A, %broadcast_in_dim3A_877] : memref<3x32x128xf32, #tpu.memory_space<vmem>>[vector<16xi32>, vector<16xi32>, vector<16xi32>], vector<16xf32>,
      %gather3A_889 = tpu.vector_load_idx %arg14[%broadcast_in_dim3A_868, %add3A_11, %broadcast_in_dim3A_877] : memref<3x32x128xf32, #tpu.memory_space<vmem>>[vector<16xi32>, vector<16xi32>, vector<16xi32>], vector<16xf32>,
      %gather3A_890 = tpu.vector_load_idx %arg14[%broadcast_in_dim3A_870, %iota3A, %broadcast_in_dim3A_882] : memref<3x32x128xf32, #tpu.memory_space<vmem>>[vector<16xi32>, vector<16xi32>, vector<16xi32>], vector<16xf32>,
      %gather3A_891 = tpu.vector_load_idx %arg14[%broadcast_in_dim3A_870, %add3A_11, %broadcast_in_dim3A_882] : memref<3x32x128xf32, #tpu.memory_space<vmem>>[vector<16xi32>, vector<16xi32>, vector<16xi32>], vector<16xf32>,
      %gather3A_892 = tpu.vector_load_idx %arg14[%broadcast_in_dim3A_872, %iota3A, %broadcast_in_dim3A_887] : memref<3x32x128xf32, #tpu.memory_space<vmem>>[vector<16xi32>, vector<16xi32>, vector<16xi32>], vector<16xf32>,
      %gather3A_893 = tpu.vector_load_idx %arg14[%broadcast_in_dim3A_872, %add3A_11, %broadcast_in_dim3A_887] : memref<3x32x128xf32, #tpu.memory_space<vmem>>[vector<16xi32>, vector<16xi32>, vector<16xi32>], vector<16xf32>,
      %mul3A_894 = arith.mulf %gather3A_888, %gather3A_890 : vector<16xf32>
      %mul3A_895 = arith.mulf %gather3A_889, %gather3A_891 : vector<16xf32>
      %add3A_896 = arith.addf %mul3A_894, %mul3A_895 : vector<16xf32>
      %reduce_sum3A_897 = arith.constant true
      %reduce_sum3A_898 = vector.broadcast %reduce_sum3A_897 : i1 to vector<16xi1>
      %reduce_sum3A_899 = tpu.scan <sum>, %add3A_896 masked %reduce_sum3A_898 : vector<16xf32>, vector<16xi1> -> vector<16xf32>
      %reduce_sum3A_900 = vector.extract %reduce_sum3A_899[15] : f32 from vector<16xf32>
      %mul3A_901 = arith.mulf %gather3A_888, %gather3A_892 : vector<16xf32>
      %mul3A_902 = arith.mulf %gather3A_889, %gather3A_893 : vector<16xf32>
      %add3A_903 = arith.addf %mul3A_901, %mul3A_902 : vector<16xf32>
      %reduce_sum3A_904 = arith.constant true
      %reduce_sum3A_905 = vector.broadcast %reduce_sum3A_904 : i1 to vector<16xi1>
      %reduce_sum3A_906 = tpu.scan <sum>, %add3A_903 masked %reduce_sum3A_905 : vector<16xf32>, vector<16xi1> -> vector<16xf32>
      %reduce_sum3A_907 = vector.extract %reduce_sum3A_906[15] : f32 from vector<16xf32>
      %eq3A_908 = arith.constant 2 : i32
      %eq3A_909 = vector.broadcast %eq3A_908 : i32 to vector<16xi32>
      %eq3A_910 = arith.cmpi eq, %iota3A, %eq3A_909 : vector<16xi32>
      %broadcast_in_dim3A_911 = vector.broadcast %reduce_sum3A_900 : f32 to vector<16xf32>
      %select_n3A_912 = arith.select %eq3A_910, %broadcast_in_dim3A_911, %select_n3A_765 : vector<16xi1>, vector<16xf32>
      %broadcast_in_dim3A_913 = vector.broadcast %reduce_sum3A_907 : f32 to vector<16xf32>
      %select_n3A_914 = arith.select %eq3A_910, %broadcast_in_dim3A_913, %select_n3A_767 : vector<16xi1>, vector<16xf32>
      %slice3A_915 = vector.extract_strided_slice %get3A_53 {offsets = [10], sizes = [1], strides = [1]} : vector<16xi32> to vector<1xi32>
      %squeeze3A_916 = vector.extract %slice3A_915[0] : i32 from vector<1xi32>
      %shift_right_arithmetic3A_917 = arith.constant 7 : i32
      %shift_right_arithmetic3A_918 = arith.shrsi %squeeze3A_916, %shift_right_arithmetic3A_917 : i32
      %shift_left3A_919 = arith.constant 7 : i32
      %shift_left3A_920 = arith.shli %shift_right_arithmetic3A_918, %shift_left3A_919 : i32
      %multiple_of3A_921 = tpu.assume_multiple %shift_left3A_920, 128 : i32
      %dma_start3A_922 = arith.constant 0 : i32
      %dma_start3A_923 = arith.constant 0 : i32
      %dma_start3A_924 = arith.constant 0 : i32
      %dma_start3A_925 = tpu.memref_slice %arg14[%dma_start3A_922, %dma_start3A_923, %dma_start3A_924] : memref<3x32x128xf32, #tpu.memory_space<vmem>> -> memref<1x32x128xf32, #tpu.memory_space<vmem>>
      %dma_start3A_926 = tpu.memref_squeeze %dma_start3A_925 : memref<1x32x128xf32, #tpu.memory_space<vmem>> -> memref<32x128xf32, #tpu.memory_space<vmem>>
      %dma_start3A_927 = arith.constant 0 : i32
      %dma_start3A_928 = tpu.memref_slice %arg5[%dma_start3A_927, %multiple_of3A_921] : memref<32x1000000xf32, #tpu.memory_space<hbm>> -> memref<32x128xf32, #tpu.memory_space<hbm>>
      %dma_start3A_929 = arith.constant 0 : i32
      %dma_start3A_930 = arith.constant 0 : i32
      %dma_start3A_931 = tpu.memref_slice %arg14[%dma_start3A_922, %dma_start3A_929, %dma_start3A_930] : memref<3x32x128xf32, #tpu.memory_space<vmem>> -> memref<1x32x128xf32, #tpu.memory_space<vmem>>
      %dma_start3A_932 = tpu.memref_squeeze %dma_start3A_931 : memref<1x32x128xf32, #tpu.memory_space<vmem>> -> memref<32x128xf32, #tpu.memory_space<vmem>>
      %dma_start3A_933 = arith.constant 0 : i32
      %dma_start3A_934 = tpu.memref_slice %arg5[%dma_start3A_933, %multiple_of3A_921] : memref<32x1000000xf32, #tpu.memory_space<hbm>> -> memref<32x128xf32, #tpu.memory_space<hbm>>
      tpu.enqueue_dma source(%dma_start3A_934 : memref<32x128xf32, #tpu.memory_space<hbm>>) target(%dma_start3A_932 : memref<32x128xf32, #tpu.memory_space<vmem>>) target_semaphore(%arg22 : memref<!tpu.dma_semaphore, #tpu.memory_space<semaphore_mem>>)
      %slice3A_935 = vector.extract_strided_slice %get3A_56 {offsets = [10], sizes = [1], strides = [1]} : vector<16xi32> to vector<1xi32>
      %squeeze3A_936 = vector.extract %slice3A_935[0] : i32 from vector<1xi32>
      %shift_right_arithmetic3A_937 = arith.constant 7 : i32
      %shift_right_arithmetic3A_938 = arith.shrsi %squeeze3A_936, %shift_right_arithmetic3A_937 : i32
      %shift_left3A_939 = arith.constant 7 : i32
      %shift_left3A_940 = arith.shli %shift_right_arithmetic3A_938, %shift_left3A_939 : i32
      %multiple_of3A_941 = tpu.assume_multiple %shift_left3A_940, 128 : i32
      %dma_start3A_942 = arith.constant 1 : i32
      %dma_start3A_943 = arith.constant 0 : i32
      %dma_start3A_944 = arith.constant 0 : i32
      %dma_start3A_945 = tpu.memref_slice %arg14[%dma_start3A_942, %dma_start3A_943, %dma_start3A_944] : memref<3x32x128xf32, #tpu.memory_space<vmem>> -> memref<1x32x128xf32, #tpu.memory_space<vmem>>
      %dma_start3A_946 = tpu.memref_squeeze %dma_start3A_945 : memref<1x32x128xf32, #tpu.memory_space<vmem>> -> memref<32x128xf32, #tpu.memory_space<vmem>>
      %dma_start3A_947 = arith.constant 0 : i32
      %dma_start3A_948 = tpu.memref_slice %arg6[%dma_start3A_947, %multiple_of3A_941] : memref<32x1000000xf32, #tpu.memory_space<hbm>> -> memref<32x128xf32, #tpu.memory_space<hbm>>
      %dma_start3A_949 = arith.constant 0 : i32
      %dma_start3A_950 = arith.constant 0 : i32
      %dma_start3A_951 = tpu.memref_slice %arg14[%dma_start3A_942, %dma_start3A_949, %dma_start3A_950] : memref<3x32x128xf32, #tpu.memory_space<vmem>> -> memref<1x32x128xf32, #tpu.memory_space<vmem>>
      %dma_start3A_952 = tpu.memref_squeeze %dma_start3A_951 : memref<1x32x128xf32, #tpu.memory_space<vmem>> -> memref<32x128xf32, #tpu.memory_space<vmem>>
      %dma_start3A_953 = arith.constant 0 : i32
      %dma_start3A_954 = tpu.memref_slice %arg6[%dma_start3A_953, %multiple_of3A_941] : memref<32x1000000xf32, #tpu.memory_space<hbm>> -> memref<32x128xf32, #tpu.memory_space<hbm>>
      tpu.enqueue_dma source(%dma_start3A_954 : memref<32x128xf32, #tpu.memory_space<hbm>>) target(%dma_start3A_952 : memref<32x128xf32, #tpu.memory_space<vmem>>) target_semaphore(%arg22 : memref<!tpu.dma_semaphore, #tpu.memory_space<semaphore_mem>>)
      %slice3A_955 = vector.extract_strided_slice %get3A_59 {offsets = [10], sizes = [1], strides = [1]} : vector<16xi32> to vector<1xi32>
      %squeeze3A_956 = vector.extract %slice3A_955[0] : i32 from vector<1xi32>
      %shift_right_arithmetic3A_957 = arith.constant 7 : i32
      %shift_right_arithmetic3A_958 = arith.shrsi %squeeze3A_956, %shift_right_arithmetic3A_957 : i32
      %shift_left3A_959 = arith.constant 7 : i32
      %shift_left3A_960 = arith.shli %shift_right_arithmetic3A_958, %shift_left3A_959 : i32
      %multiple_of3A_961 = tpu.assume_multiple %shift_left3A_960, 128 : i32
      %dma_start3A_962 = arith.constant 2 : i32
      %dma_start3A_963 = arith.constant 0 : i32
      %dma_start3A_964 = arith.constant 0 : i32
      %dma_start3A_965 = tpu.memref_slice %arg14[%dma_start3A_962, %dma_start3A_963, %dma_start3A_964] : memref<3x32x128xf32, #tpu.memory_space<vmem>> -> memref<1x32x128xf32, #tpu.memory_space<vmem>>
      %dma_start3A_966 = tpu.memref_squeeze %dma_start3A_965 : memref<1x32x128xf32, #tpu.memory_space<vmem>> -> memref<32x128xf32, #tpu.memory_space<vmem>>
      %dma_start3A_967 = arith.constant 0 : i32
      %dma_start3A_968 = tpu.memref_slice %arg6[%dma_start3A_967, %multiple_of3A_961] : memref<32x1000000xf32, #tpu.memory_space<hbm>> -> memref<32x128xf32, #tpu.memory_space<hbm>>
      %dma_start3A_969 = arith.constant 0 : i32
      %dma_start3A_970 = arith.constant 0 : i32
      %dma_start3A_971 = tpu.memref_slice %arg14[%dma_start3A_962, %dma_start3A_969, %dma_start3A_970] : memref<3x32x128xf32, #tpu.memory_space<vmem>> -> memref<1x32x128xf32, #tpu.memory_space<vmem>>
      %dma_start3A_972 = tpu.memref_squeeze %dma_start3A_971 : memref<1x32x128xf32, #tpu.memory_space<vmem>> -> memref<32x128xf32, #tpu.memory_space<vmem>>
      %dma_start3A_973 = arith.constant 0 : i32
      %dma_start3A_974 = tpu.memref_slice %arg6[%dma_start3A_973, %multiple_of3A_961] : memref<32x1000000xf32, #tpu.memory_space<hbm>> -> memref<32x128xf32, #tpu.memory_space<hbm>>
      tpu.enqueue_dma source(%dma_start3A_974 : memref<32x128xf32, #tpu.memory_space<hbm>>) target(%dma_start3A_972 : memref<32x128xf32, #tpu.memory_space<vmem>>) target_semaphore(%arg22 : memref<!tpu.dma_semaphore, #tpu.memory_space<semaphore_mem>>)
      %dma_wait3A_975 = arith.constant 0 : i32
      %dma_wait3A_976 = arith.constant 0 : i32
      %dma_wait3A_977 = arith.constant 0 : i32
      %dma_wait3A_978 = tpu.memref_slice %arg15[%dma_wait3A_975, %dma_wait3A_976, %dma_wait3A_977] : memref<3x32x128xf32, #tpu.memory_space<vmem>> -> memref<1x32x128xf32, #tpu.memory_space<vmem>>
      %dma_wait3A_979 = tpu.memref_squeeze %dma_wait3A_978 : memref<1x32x128xf32, #tpu.memory_space<vmem>> -> memref<32x128xf32, #tpu.memory_space<vmem>>
      %dma_wait3A_980 = arith.constant 0 : i32
      %dma_wait3A_981 = tpu.memref_slice %arg5[%dma_wait3A_980, %multiple_of3A_243] : memref<32x1000000xf32, #tpu.memory_space<hbm>> -> memref<32x128xf32, #tpu.memory_space<hbm>>
      %dma_wait3A_982 = arith.constant 0 : i32
      %dma_wait3A_983 = arith.constant 0 : i32
      %dma_wait3A_984 = tpu.memref_slice %arg15[%dma_wait3A_975, %dma_wait3A_982, %dma_wait3A_983] : memref<3x32x128xf32, #tpu.memory_space<vmem>> -> memref<1x32x128xf32, #tpu.memory_space<vmem>>
      %dma_wait3A_985 = tpu.memref_squeeze %dma_wait3A_984 : memref<1x32x128xf32, #tpu.memory_space<vmem>> -> memref<32x128xf32, #tpu.memory_space<vmem>>
      %dma_wait3A_986 = arith.constant 0 : i32
      %dma_wait3A_987 = tpu.memref_slice %arg5[%dma_wait3A_986, %multiple_of3A_243] : memref<32x1000000xf32, #tpu.memory_space<hbm>> -> memref<32x128xf32, #tpu.memory_space<hbm>>
      tpu.wait_dma2 semaphore(%arg22 : memref<!tpu.dma_semaphore, #tpu.memory_space<semaphore_mem>>) src(%dma_wait3A_987 : memref<32x128xf32, #tpu.memory_space<hbm>>) dst(%dma_wait3A_985 : memref<32x128xf32, #tpu.memory_space<vmem>>)
      %dma_wait3A_988 = arith.constant 1 : i32
      %dma_wait3A_989 = arith.constant 0 : i32
      %dma_wait3A_990 = arith.constant 0 : i32
      %dma_wait3A_991 = tpu.memref_slice %arg15[%dma_wait3A_988, %dma_wait3A_989, %dma_wait3A_990] : memref<3x32x128xf32, #tpu.memory_space<vmem>> -> memref<1x32x128xf32, #tpu.memory_space<vmem>>
      %dma_wait3A_992 = tpu.memref_squeeze %dma_wait3A_991 : memref<1x32x128xf32, #tpu.memory_space<vmem>> -> memref<32x128xf32, #tpu.memory_space<vmem>>
      %dma_wait3A_993 = arith.constant 0 : i32
      %dma_wait3A_994 = tpu.memref_slice %arg6[%dma_wait3A_993, %multiple_of3A_263] : memref<32x1000000xf32, #tpu.memory_space<hbm>> -> memref<32x128xf32, #tpu.memory_space<hbm>>
      %dma_wait3A_995 = arith.constant 0 : i32
      %dma_wait3A_996 = arith.constant 0 : i32
      %dma_wait3A_997 = tpu.memref_slice %arg15[%dma_wait3A_988, %dma_wait3A_995, %dma_wait3A_996] : memref<3x32x128xf32, #tpu.memory_space<vmem>> -> memref<1x32x128xf32, #tpu.memory_space<vmem>>
      %dma_wait3A_998 = tpu.memref_squeeze %dma_wait3A_997 : memref<1x32x128xf32, #tpu.memory_space<vmem>> -> memref<32x128xf32, #tpu.memory_space<vmem>>
      %dma_wait3A_999 = arith.constant 0 : i32
      %dma_wait3A_1000 = tpu.memref_slice %arg6[%dma_wait3A_999, %multiple_of3A_263] : memref<32x1000000xf32, #tpu.memory_space<hbm>> -> memref<32x128xf32, #tpu.memory_space<hbm>>
      tpu.wait_dma2 semaphore(%arg22 : memref<!tpu.dma_semaphore, #tpu.memory_space<semaphore_mem>>) src(%dma_wait3A_1000 : memref<32x128xf32, #tpu.memory_space<hbm>>) dst(%dma_wait3A_998 : memref<32x128xf32, #tpu.memory_space<vmem>>)
      %dma_wait3A_1001 = arith.constant 2 : i32
      %dma_wait3A_1002 = arith.constant 0 : i32
      %dma_wait3A_1003 = arith.constant 0 : i32
      %dma_wait3A_1004 = tpu.memref_slice %arg15[%dma_wait3A_1001, %dma_wait3A_1002, %dma_wait3A_1003] : memref<3x32x128xf32, #tpu.memory_space<vmem>> -> memref<1x32x128xf32, #tpu.memory_space<vmem>>
      %dma_wait3A_1005 = tpu.memref_squeeze %dma_wait3A_1004 : memref<1x32x128xf32, #tpu.memory_space<vmem>> -> memref<32x128xf32, #tpu.memory_space<vmem>>
      %dma_wait3A_1006 = arith.constant 0 : i32
      %dma_wait3A_1007 = tpu.memref_slice %arg6[%dma_wait3A_1006, %multiple_of3A_283] : memref<32x1000000xf32, #tpu.memory_space<hbm>> -> memref<32x128xf32, #tpu.memory_space<hbm>>
      %dma_wait3A_1008 = arith.constant 0 : i32
      %dma_wait3A_1009 = arith.constant 0 : i32
      %dma_wait3A_1010 = tpu.memref_slice %arg15[%dma_wait3A_1001, %dma_wait3A_1008, %dma_wait3A_1009] : memref<3x32x128xf32, #tpu.memory_space<vmem>> -> memref<1x32x128xf32, #tpu.memory_space<vmem>>
      %dma_wait3A_1011 = tpu.memref_squeeze %dma_wait3A_1010 : memref<1x32x128xf32, #tpu.memory_space<vmem>> -> memref<32x128xf32, #tpu.memory_space<vmem>>
      %dma_wait3A_1012 = arith.constant 0 : i32
      %dma_wait3A_1013 = tpu.memref_slice %arg6[%dma_wait3A_1012, %multiple_of3A_283] : memref<32x1000000xf32, #tpu.memory_space<hbm>> -> memref<32x128xf32, #tpu.memory_space<hbm>>
      tpu.wait_dma2 semaphore(%arg22 : memref<!tpu.dma_semaphore, #tpu.memory_space<semaphore_mem>>) src(%dma_wait3A_1013 : memref<32x128xf32, #tpu.memory_space<hbm>>) dst(%dma_wait3A_1011 : memref<32x128xf32, #tpu.memory_space<vmem>>)
      %broadcast_in_dim3A_1014 = arith.constant 0 : i32
      %broadcast_in_dim3A_1015 = vector.broadcast %broadcast_in_dim3A_1014 : i32 to vector<16xi32>
      %broadcast_in_dim3A_1016 = arith.constant 1 : i32
      %broadcast_in_dim3A_1017 = vector.broadcast %broadcast_in_dim3A_1016 : i32 to vector<16xi32>
      %broadcast_in_dim3A_1018 = arith.constant 2 : i32
      %broadcast_in_dim3A_1019 = vector.broadcast %broadcast_in_dim3A_1018 : i32 to vector<16xi32>
      %slice3A_1020 = vector.extract_strided_slice %get3A_53 {offsets = [3], sizes = [1], strides = [1]} : vector<16xi32> to vector<1xi32>
      %squeeze3A_1021 = vector.extract %slice3A_1020[0] : i32 from vector<1xi32>
      %and3A_1022 = arith.constant 127 : i32
      %and3A_1023 = arith.andi %squeeze3A_1021, %and3A_1022 : i32
      %broadcast_in_dim3A_1024 = vector.broadcast %and3A_1023 : i32 to vector<16xi32>
      %slice3A_1025 = vector.extract_strided_slice %get3A_56 {offsets = [3], sizes = [1], strides = [1]} : vector<16xi32> to vector<1xi32>
      %squeeze3A_1026 = vector.extract %slice3A_1025[0] : i32 from vector<1xi32>
      %and3A_1027 = arith.constant 127 : i32
      %and3A_1028 = arith.andi %squeeze3A_1026, %and3A_1027 : i32
      %broadcast_in_dim3A_1029 = vector.broadcast %and3A_1028 : i32 to vector<16xi32>
      %slice3A_1030 = vector.extract_strided_slice %get3A_59 {offsets = [3], sizes = [1], strides = [1]} : vector<16xi32> to vector<1xi32>
      %squeeze3A_1031 = vector.extract %slice3A_1030[0] : i32 from vector<1xi32>
      %and3A_1032 = arith.constant 127 : i32
      %and3A_1033 = arith.andi %squeeze3A_1031, %and3A_1032 : i32
      %broadcast_in_dim3A_1034 = vector.broadcast %and3A_1033 : i32 to vector<16xi32>
      %gather3A_1035 = tpu.vector_load_idx %arg15[%broadcast_in_dim3A_1015, %iota3A, %broadcast_in_dim3A_1024] : memref<3x32x128xf32, #tpu.memory_space<vmem>>[vector<16xi32>, vector<16xi32>, vector<16xi32>], vector<16xf32>,
      %gather3A_1036 = tpu.vector_load_idx %arg15[%broadcast_in_dim3A_1015, %add3A_11, %broadcast_in_dim3A_1024] : memref<3x32x128xf32, #tpu.memory_space<vmem>>[vector<16xi32>, vector<16xi32>, vector<16xi32>], vector<16xf32>,
      %gather3A_1037 = tpu.vector_load_idx %arg15[%broadcast_in_dim3A_1017, %iota3A, %broadcast_in_dim3A_1029] : memref<3x32x128xf32, #tpu.memory_space<vmem>>[vector<16xi32>, vector<16xi32>, vector<16xi32>], vector<16xf32>,
      %gather3A_1038 = tpu.vector_load_idx %arg15[%broadcast_in_dim3A_1017, %add3A_11, %broadcast_in_dim3A_1029] : memref<3x32x128xf32, #tpu.memory_space<vmem>>[vector<16xi32>, vector<16xi32>, vector<16xi32>], vector<16xf32>,
      %gather3A_1039 = tpu.vector_load_idx %arg15[%broadcast_in_dim3A_1019, %iota3A, %broadcast_in_dim3A_1034] : memref<3x32x128xf32, #tpu.memory_space<vmem>>[vector<16xi32>, vector<16xi32>, vector<16xi32>], vector<16xf32>,
      %gather3A_1040 = tpu.vector_load_idx %arg15[%broadcast_in_dim3A_1019, %add3A_11, %broadcast_in_dim3A_1034] : memref<3x32x128xf32, #tpu.memory_space<vmem>>[vector<16xi32>, vector<16xi32>, vector<16xi32>], vector<16xf32>,
      %mul3A_1041 = arith.mulf %gather3A_1035, %gather3A_1037 : vector<16xf32>
      %mul3A_1042 = arith.mulf %gather3A_1036, %gather3A_1038 : vector<16xf32>
      %add3A_1043 = arith.addf %mul3A_1041, %mul3A_1042 : vector<16xf32>
      %reduce_sum3A_1044 = arith.constant true
      %reduce_sum3A_1045 = vector.broadcast %reduce_sum3A_1044 : i1 to vector<16xi1>
      %reduce_sum3A_1046 = tpu.scan <sum>, %add3A_1043 masked %reduce_sum3A_1045 : vector<16xf32>, vector<16xi1> -> vector<16xf32>
      %reduce_sum3A_1047 = vector.extract %reduce_sum3A_1046[15] : f32 from vector<16xf32>
      %mul3A_1048 = arith.mulf %gather3A_1035, %gather3A_1039 : vector<16xf32>
      %mul3A_1049 = arith.mulf %gather3A_1036, %gather3A_1040 : vector<16xf32>
      %add3A_1050 = arith.addf %mul3A_1048, %mul3A_1049 : vector<16xf32>
      %reduce_sum3A_1051 = arith.constant true
      %reduce_sum3A_1052 = vector.broadcast %reduce_sum3A_1051 : i1 to vector<16xi1>
      %reduce_sum3A_1053 = tpu.scan <sum>, %add3A_1050 masked %reduce_sum3A_1052 : vector<16xf32>, vector<16xi1> -> vector<16xf32>
      %reduce_sum3A_1054 = vector.extract %reduce_sum3A_1053[15] : f32 from vector<16xf32>
      %eq3A_1055 = arith.constant 3 : i32
      %eq3A_1056 = vector.broadcast %eq3A_1055 : i32 to vector<16xi32>
      %eq3A_1057 = arith.cmpi eq, %iota3A, %eq3A_1056 : vector<16xi32>
      %broadcast_in_dim3A_1058 = vector.broadcast %reduce_sum3A_1047 : f32 to vector<16xf32>
      %select_n3A_1059 = arith.select %eq3A_1057, %broadcast_in_dim3A_1058, %select_n3A_912 : vector<16xi1>, vector<16xf32>
      %broadcast_in_dim3A_1060 = vector.broadcast %reduce_sum3A_1054 : f32 to vector<16xf32>
      %select_n3A_1061 = arith.select %eq3A_1057, %broadcast_in_dim3A_1060, %select_n3A_914 : vector<16xi1>, vector<16xf32>
      %slice3A_1062 = vector.extract_strided_slice %get3A_53 {offsets = [11], sizes = [1], strides = [1]} : vector<16xi32> to vector<1xi32>
      %squeeze3A_1063 = vector.extract %slice3A_1062[0] : i32 from vector<1xi32>
      %shift_right_arithmetic3A_1064 = arith.constant 7 : i32
      %shift_right_arithmetic3A_1065 = arith.shrsi %squeeze3A_1063, %shift_right_arithmetic3A_1064 : i32
      %shift_left3A_1066 = arith.constant 7 : i32
      %shift_left3A_1067 = arith.shli %shift_right_arithmetic3A_1065, %shift_left3A_1066 : i32
      %multiple_of3A_1068 = tpu.assume_multiple %shift_left3A_1067, 128 : i32
      %dma_start3A_1069 = arith.constant 0 : i32
      %dma_start3A_1070 = arith.constant 0 : i32
      %dma_start3A_1071 = arith.constant 0 : i32
      %dma_start3A_1072 = tpu.memref_slice %arg15[%dma_start3A_1069, %dma_start3A_1070, %dma_start3A_1071] : memref<3x32x128xf32, #tpu.memory_space<vmem>> -> memref<1x32x128xf32, #tpu.memory_space<vmem>>
      %dma_start3A_1073 = tpu.memref_squeeze %dma_start3A_1072 : memref<1x32x128xf32, #tpu.memory_space<vmem>> -> memref<32x128xf32, #tpu.memory_space<vmem>>
      %dma_start3A_1074 = arith.constant 0 : i32
      %dma_start3A_1075 = tpu.memref_slice %arg5[%dma_start3A_1074, %multiple_of3A_1068] : memref<32x1000000xf32, #tpu.memory_space<hbm>> -> memref<32x128xf32, #tpu.memory_space<hbm>>
      %dma_start3A_1076 = arith.constant 0 : i32
      %dma_start3A_1077 = arith.constant 0 : i32
      %dma_start3A_1078 = tpu.memref_slice %arg15[%dma_start3A_1069, %dma_start3A_1076, %dma_start3A_1077] : memref<3x32x128xf32, #tpu.memory_space<vmem>> -> memref<1x32x128xf32, #tpu.memory_space<vmem>>
      %dma_start3A_1079 = tpu.memref_squeeze %dma_start3A_1078 : memref<1x32x128xf32, #tpu.memory_space<vmem>> -> memref<32x128xf32, #tpu.memory_space<vmem>>
      %dma_start3A_1080 = arith.constant 0 : i32
      %dma_start3A_1081 = tpu.memref_slice %arg5[%dma_start3A_1080, %multiple_of3A_1068] : memref<32x1000000xf32, #tpu.memory_space<hbm>> -> memref<32x128xf32, #tpu.memory_space<hbm>>
      tpu.enqueue_dma source(%dma_start3A_1081 : memref<32x128xf32, #tpu.memory_space<hbm>>) target(%dma_start3A_1079 : memref<32x128xf32, #tpu.memory_space<vmem>>) target_semaphore(%arg22 : memref<!tpu.dma_semaphore, #tpu.memory_space<semaphore_mem>>)
      %slice3A_1082 = vector.extract_strided_slice %get3A_56 {offsets = [11], sizes = [1], strides = [1]} : vector<16xi32> to vector<1xi32>
      %squeeze3A_1083 = vector.extract %slice3A_1082[0] : i32 from vector<1xi32>
      %shift_right_arithmetic3A_1084 = arith.constant 7 : i32
      %shift_right_arithmetic3A_1085 = arith.shrsi %squeeze3A_1083, %shift_right_arithmetic3A_1084 : i32
      %shift_left3A_1086 = arith.constant 7 : i32
      %shift_left3A_1087 = arith.shli %shift_right_arithmetic3A_1085, %shift_left3A_1086 : i32
      %multiple_of3A_1088 = tpu.assume_multiple %shift_left3A_1087, 128 : i32
      %dma_start3A_1089 = arith.constant 1 : i32
      %dma_start3A_1090 = arith.constant 0 : i32
      %dma_start3A_1091 = arith.constant 0 : i32
      %dma_start3A_1092 = tpu.memref_slice %arg15[%dma_start3A_1089, %dma_start3A_1090, %dma_start3A_1091] : memref<3x32x128xf32, #tpu.memory_space<vmem>> -> memref<1x32x128xf32, #tpu.memory_space<vmem>>
      %dma_start3A_1093 = tpu.memref_squeeze %dma_start3A_1092 : memref<1x32x128xf32, #tpu.memory_space<vmem>> -> memref<32x128xf32, #tpu.memory_space<vmem>>
      %dma_start3A_1094 = arith.constant 0 : i32
      %dma_start3A_1095 = tpu.memref_slice %arg6[%dma_start3A_1094, %multiple_of3A_1088] : memref<32x1000000xf32, #tpu.memory_space<hbm>> -> memref<32x128xf32, #tpu.memory_space<hbm>>
      %dma_start3A_1096 = arith.constant 0 : i32
      %dma_start3A_1097 = arith.constant 0 : i32
      %dma_start3A_1098 = tpu.memref_slice %arg15[%dma_start3A_1089, %dma_start3A_1096, %dma_start3A_1097] : memref<3x32x128xf32, #tpu.memory_space<vmem>> -> memref<1x32x128xf32, #tpu.memory_space<vmem>>
      %dma_start3A_1099 = tpu.memref_squeeze %dma_start3A_1098 : memref<1x32x128xf32, #tpu.memory_space<vmem>> -> memref<32x128xf32, #tpu.memory_space<vmem>>
      %dma_start3A_1100 = arith.constant 0 : i32
      %dma_start3A_1101 = tpu.memref_slice %arg6[%dma_start3A_1100, %multiple_of3A_1088] : memref<32x1000000xf32, #tpu.memory_space<hbm>> -> memref<32x128xf32, #tpu.memory_space<hbm>>
      tpu.enqueue_dma source(%dma_start3A_1101 : memref<32x128xf32, #tpu.memory_space<hbm>>) target(%dma_start3A_1099 : memref<32x128xf32, #tpu.memory_space<vmem>>) target_semaphore(%arg22 : memref<!tpu.dma_semaphore, #tpu.memory_space<semaphore_mem>>)
      %slice3A_1102 = vector.extract_strided_slice %get3A_59 {offsets = [11], sizes = [1], strides = [1]} : vector<16xi32> to vector<1xi32>
      %squeeze3A_1103 = vector.extract %slice3A_1102[0] : i32 from vector<1xi32>
      %shift_right_arithmetic3A_1104 = arith.constant 7 : i32
      %shift_right_arithmetic3A_1105 = arith.shrsi %squeeze3A_1103, %shift_right_arithmetic3A_1104 : i32
      %shift_left3A_1106 = arith.constant 7 : i32
      %shift_left3A_1107 = arith.shli %shift_right_arithmetic3A_1105, %shift_left3A_1106 : i32
      %multiple_of3A_1108 = tpu.assume_multiple %shift_left3A_1107, 128 : i32
      %dma_start3A_1109 = arith.constant 2 : i32
      %dma_start3A_1110 = arith.constant 0 : i32
      %dma_start3A_1111 = arith.constant 0 : i32
      %dma_start3A_1112 = tpu.memref_slice %arg15[%dma_start3A_1109, %dma_start3A_1110, %dma_start3A_1111] : memref<3x32x128xf32, #tpu.memory_space<vmem>> -> memref<1x32x128xf32, #tpu.memory_space<vmem>>
      %dma_start3A_1113 = tpu.memref_squeeze %dma_start3A_1112 : memref<1x32x128xf32, #tpu.memory_space<vmem>> -> memref<32x128xf32, #tpu.memory_space<vmem>>
      %dma_start3A_1114 = arith.constant 0 : i32
      %dma_start3A_1115 = tpu.memref_slice %arg6[%dma_start3A_1114, %multiple_of3A_1108] : memref<32x1000000xf32, #tpu.memory_space<hbm>> -> memref<32x128xf32, #tpu.memory_space<hbm>>
      %dma_start3A_1116 = arith.constant 0 : i32
      %dma_start3A_1117 = arith.constant 0 : i32
      %dma_start3A_1118 = tpu.memref_slice %arg15[%dma_start3A_1109, %dma_start3A_1116, %dma_start3A_1117] : memref<3x32x128xf32, #tpu.memory_space<vmem>> -> memref<1x32x128xf32, #tpu.memory_space<vmem>>
      %dma_start3A_1119 = tpu.memref_squeeze %dma_start3A_1118 : memref<1x32x128xf32, #tpu.memory_space<vmem>> -> memref<32x128xf32, #tpu.memory_space<vmem>>
      %dma_start3A_1120 = arith.constant 0 : i32
      %dma_start3A_1121 = tpu.memref_slice %arg6[%dma_start3A_1120, %multiple_of3A_1108] : memref<32x1000000xf32, #tpu.memory_space<hbm>> -> memref<32x128xf32, #tpu.memory_space<hbm>>
      tpu.enqueue_dma source(%dma_start3A_1121 : memref<32x128xf32, #tpu.memory_space<hbm>>) target(%dma_start3A_1119 : memref<32x128xf32, #tpu.memory_space<vmem>>) target_semaphore(%arg22 : memref<!tpu.dma_semaphore, #tpu.memory_space<semaphore_mem>>)
      %dma_wait3A_1122 = arith.constant 0 : i32
      %dma_wait3A_1123 = arith.constant 0 : i32
      %dma_wait3A_1124 = arith.constant 0 : i32
      %dma_wait3A_1125 = tpu.memref_slice %arg16[%dma_wait3A_1122, %dma_wait3A_1123, %dma_wait3A_1124] : memref<3x32x128xf32, #tpu.memory_space<vmem>> -> memref<1x32x128xf32, #tpu.memory_space<vmem>>
      %dma_wait3A_1126 = tpu.memref_squeeze %dma_wait3A_1125 : memref<1x32x128xf32, #tpu.memory_space<vmem>> -> memref<32x128xf32, #tpu.memory_space<vmem>>
      %dma_wait3A_1127 = arith.constant 0 : i32
      %dma_wait3A_1128 = tpu.memref_slice %arg5[%dma_wait3A_1127, %multiple_of3A_303] : memref<32x1000000xf32, #tpu.memory_space<hbm>> -> memref<32x128xf32, #tpu.memory_space<hbm>>
      %dma_wait3A_1129 = arith.constant 0 : i32
      %dma_wait3A_1130 = arith.constant 0 : i32
      %dma_wait3A_1131 = tpu.memref_slice %arg16[%dma_wait3A_1122, %dma_wait3A_1129, %dma_wait3A_1130] : memref<3x32x128xf32, #tpu.memory_space<vmem>> -> memref<1x32x128xf32, #tpu.memory_space<vmem>>
      %dma_wait3A_1132 = tpu.memref_squeeze %dma_wait3A_1131 : memref<1x32x128xf32, #tpu.memory_space<vmem>> -> memref<32x128xf32, #tpu.memory_space<vmem>>
      %dma_wait3A_1133 = arith.constant 0 : i32
      %dma_wait3A_1134 = tpu.memref_slice %arg5[%dma_wait3A_1133, %multiple_of3A_303] : memref<32x1000000xf32, #tpu.memory_space<hbm>> -> memref<32x128xf32, #tpu.memory_space<hbm>>
      tpu.wait_dma2 semaphore(%arg22 : memref<!tpu.dma_semaphore, #tpu.memory_space<semaphore_mem>>) src(%dma_wait3A_1134 : memref<32x128xf32, #tpu.memory_space<hbm>>) dst(%dma_wait3A_1132 : memref<32x128xf32, #tpu.memory_space<vmem>>)
      %dma_wait3A_1135 = arith.constant 1 : i32
      %dma_wait3A_1136 = arith.constant 0 : i32
      %dma_wait3A_1137 = arith.constant 0 : i32
      %dma_wait3A_1138 = tpu.memref_slice %arg16[%dma_wait3A_1135, %dma_wait3A_1136, %dma_wait3A_1137] : memref<3x32x128xf32, #tpu.memory_space<vmem>> -> memref<1x32x128xf32, #tpu.memory_space<vmem>>
      %dma_wait3A_1139 = tpu.memref_squeeze %dma_wait3A_1138 : memref<1x32x128xf32, #tpu.memory_space<vmem>> -> memref<32x128xf32, #tpu.memory_space<vmem>>
      %dma_wait3A_1140 = arith.constant 0 : i32
      %dma_wait3A_1141 = tpu.memref_slice %arg6[%dma_wait3A_1140, %multiple_of3A_323] : memref<32x1000000xf32, #tpu.memory_space<hbm>> -> memref<32x128xf32, #tpu.memory_space<hbm>>
      %dma_wait3A_1142 = arith.constant 0 : i32
      %dma_wait3A_1143 = arith.constant 0 : i32
      %dma_wait3A_1144 = tpu.memref_slice %arg16[%dma_wait3A_1135, %dma_wait3A_1142, %dma_wait3A_1143] : memref<3x32x128xf32, #tpu.memory_space<vmem>> -> memref<1x32x128xf32, #tpu.memory_space<vmem>>
      %dma_wait3A_1145 = tpu.memref_squeeze %dma_wait3A_1144 : memref<1x32x128xf32, #tpu.memory_space<vmem>> -> memref<32x128xf32, #tpu.memory_space<vmem>>
      %dma_wait3A_1146 = arith.constant 0 : i32
      %dma_wait3A_1147 = tpu.memref_slice %arg6[%dma_wait3A_1146, %multiple_of3A_323] : memref<32x1000000xf32, #tpu.memory_space<hbm>> -> memref<32x128xf32, #tpu.memory_space<hbm>>
      tpu.wait_dma2 semaphore(%arg22 : memref<!tpu.dma_semaphore, #tpu.memory_space<semaphore_mem>>) src(%dma_wait3A_1147 : memref<32x128xf32, #tpu.memory_space<hbm>>) dst(%dma_wait3A_1145 : memref<32x128xf32, #tpu.memory_space<vmem>>)
      %dma_wait3A_1148 = arith.constant 2 : i32
      %dma_wait3A_1149 = arith.constant 0 : i32
      %dma_wait3A_1150 = arith.constant 0 : i32
      %dma_wait3A_1151 = tpu.memref_slice %arg16[%dma_wait3A_1148, %dma_wait3A_1149, %dma_wait3A_1150] : memref<3x32x128xf32, #tpu.memory_space<vmem>> -> memref<1x32x128xf32, #tpu.memory_space<vmem>>
      %dma_wait3A_1152 = tpu.memref_squeeze %dma_wait3A_1151 : memref<1x32x128xf32, #tpu.memory_space<vmem>> -> memref<32x128xf32, #tpu.memory_space<vmem>>
      %dma_wait3A_1153 = arith.constant 0 : i32
      %dma_wait3A_1154 = tpu.memref_slice %arg6[%dma_wait3A_1153, %multiple_of3A_343] : memref<32x1000000xf32, #tpu.memory_space<hbm>> -> memref<32x128xf32, #tpu.memory_space<hbm>>
      %dma_wait3A_1155 = arith.constant 0 : i32
      %dma_wait3A_1156 = arith.constant 0 : i32
      %dma_wait3A_1157 = tpu.memref_slice %arg16[%dma_wait3A_1148, %dma_wait3A_1155, %dma_wait3A_1156] : memref<3x32x128xf32, #tpu.memory_space<vmem>> -> memref<1x32x128xf32, #tpu.memory_space<vmem>>
      %dma_wait3A_1158 = tpu.memref_squeeze %dma_wait3A_1157 : memref<1x32x128xf32, #tpu.memory_space<vmem>> -> memref<32x128xf32, #tpu.memory_space<vmem>>
      %dma_wait3A_1159 = arith.constant 0 : i32
      %dma_wait3A_1160 = tpu.memref_slice %arg6[%dma_wait3A_1159, %multiple_of3A_343] : memref<32x1000000xf32, #tpu.memory_space<hbm>> -> memref<32x128xf32, #tpu.memory_space<hbm>>
      tpu.wait_dma2 semaphore(%arg22 : memref<!tpu.dma_semaphore, #tpu.memory_space<semaphore_mem>>) src(%dma_wait3A_1160 : memref<32x128xf32, #tpu.memory_space<hbm>>) dst(%dma_wait3A_1158 : memref<32x128xf32, #tpu.memory_space<vmem>>)
      %broadcast_in_dim3A_1161 = arith.constant 0 : i32
      %broadcast_in_dim3A_1162 = vector.broadcast %broadcast_in_dim3A_1161 : i32 to vector<16xi32>
      %broadcast_in_dim3A_1163 = arith.constant 1 : i32
      %broadcast_in_dim3A_1164 = vector.broadcast %broadcast_in_dim3A_1163 : i32 to vector<16xi32>
      %broadcast_in_dim3A_1165 = arith.constant 2 : i32
      %broadcast_in_dim3A_1166 = vector.broadcast %broadcast_in_dim3A_1165 : i32 to vector<16xi32>
      %slice3A_1167 = vector.extract_strided_slice %get3A_53 {offsets = [4], sizes = [1], strides = [1]} : vector<16xi32> to vector<1xi32>
      %squeeze3A_1168 = vector.extract %slice3A_1167[0] : i32 from vector<1xi32>
      %and3A_1169 = arith.constant 127 : i32
      %and3A_1170 = arith.andi %squeeze3A_1168, %and3A_1169 : i32
      %broadcast_in_dim3A_1171 = vector.broadcast %and3A_1170 : i32 to vector<16xi32>
      %slice3A_1172 = vector.extract_strided_slice %get3A_56 {offsets = [4], sizes = [1], strides = [1]} : vector<16xi32> to vector<1xi32>
      %squeeze3A_1173 = vector.extract %slice3A_1172[0] : i32 from vector<1xi32>
      %and3A_1174 = arith.constant 127 : i32
      %and3A_1175 = arith.andi %squeeze3A_1173, %and3A_1174 : i32
      %broadcast_in_dim3A_1176 = vector.broadcast %and3A_1175 : i32 to vector<16xi32>
      %slice3A_1177 = vector.extract_strided_slice %get3A_59 {offsets = [4], sizes = [1], strides = [1]} : vector<16xi32> to vector<1xi32>
      %squeeze3A_1178 = vector.extract %slice3A_1177[0] : i32 from vector<1xi32>
      %and3A_1179 = arith.constant 127 : i32
      %and3A_1180 = arith.andi %squeeze3A_1178, %and3A_1179 : i32
      %broadcast_in_dim3A_1181 = vector.broadcast %and3A_1180 : i32 to vector<16xi32>
      %gather3A_1182 = tpu.vector_load_idx %arg16[%broadcast_in_dim3A_1162, %iota3A, %broadcast_in_dim3A_1171] : memref<3x32x128xf32, #tpu.memory_space<vmem>>[vector<16xi32>, vector<16xi32>, vector<16xi32>], vector<16xf32>,
      %gather3A_1183 = tpu.vector_load_idx %arg16[%broadcast_in_dim3A_1162, %add3A_11, %broadcast_in_dim3A_1171] : memref<3x32x128xf32, #tpu.memory_space<vmem>>[vector<16xi32>, vector<16xi32>, vector<16xi32>], vector<16xf32>,
      %gather3A_1184 = tpu.vector_load_idx %arg16[%broadcast_in_dim3A_1164, %iota3A, %broadcast_in_dim3A_1176] : memref<3x32x128xf32, #tpu.memory_space<vmem>>[vector<16xi32>, vector<16xi32>, vector<16xi32>], vector<16xf32>,
      %gather3A_1185 = tpu.vector_load_idx %arg16[%broadcast_in_dim3A_1164, %add3A_11, %broadcast_in_dim3A_1176] : memref<3x32x128xf32, #tpu.memory_space<vmem>>[vector<16xi32>, vector<16xi32>, vector<16xi32>], vector<16xf32>,
      %gather3A_1186 = tpu.vector_load_idx %arg16[%broadcast_in_dim3A_1166, %iota3A, %broadcast_in_dim3A_1181] : memref<3x32x128xf32, #tpu.memory_space<vmem>>[vector<16xi32>, vector<16xi32>, vector<16xi32>], vector<16xf32>,
      %gather3A_1187 = tpu.vector_load_idx %arg16[%broadcast_in_dim3A_1166, %add3A_11, %broadcast_in_dim3A_1181] : memref<3x32x128xf32, #tpu.memory_space<vmem>>[vector<16xi32>, vector<16xi32>, vector<16xi32>], vector<16xf32>,
      %mul3A_1188 = arith.mulf %gather3A_1182, %gather3A_1184 : vector<16xf32>
      %mul3A_1189 = arith.mulf %gather3A_1183, %gather3A_1185 : vector<16xf32>
      %add3A_1190 = arith.addf %mul3A_1188, %mul3A_1189 : vector<16xf32>
      %reduce_sum3A_1191 = arith.constant true
      %reduce_sum3A_1192 = vector.broadcast %reduce_sum3A_1191 : i1 to vector<16xi1>
      %reduce_sum3A_1193 = tpu.scan <sum>, %add3A_1190 masked %reduce_sum3A_1192 : vector<16xf32>, vector<16xi1> -> vector<16xf32>
      %reduce_sum3A_1194 = vector.extract %reduce_sum3A_1193[15] : f32 from vector<16xf32>
      %mul3A_1195 = arith.mulf %gather3A_1182, %gather3A_1186 : vector<16xf32>
      %mul3A_1196 = arith.mulf %gather3A_1183, %gather3A_1187 : vector<16xf32>
      %add3A_1197 = arith.addf %mul3A_1195, %mul3A_1196 : vector<16xf32>
      %reduce_sum3A_1198 = arith.constant true
      %reduce_sum3A_1199 = vector.broadcast %reduce_sum3A_1198 : i1 to vector<16xi1>
      %reduce_sum3A_1200 = tpu.scan <sum>, %add3A_1197 masked %reduce_sum3A_1199 : vector<16xf32>, vector<16xi1> -> vector<16xf32>
      %reduce_sum3A_1201 = vector.extract %reduce_sum3A_1200[15] : f32 from vector<16xf32>
      %eq3A_1202 = arith.constant 4 : i32
      %eq3A_1203 = vector.broadcast %eq3A_1202 : i32 to vector<16xi32>
      %eq3A_1204 = arith.cmpi eq, %iota3A, %eq3A_1203 : vector<16xi32>
      %broadcast_in_dim3A_1205 = vector.broadcast %reduce_sum3A_1194 : f32 to vector<16xf32>
      %select_n3A_1206 = arith.select %eq3A_1204, %broadcast_in_dim3A_1205, %select_n3A_1059 : vector<16xi1>, vector<16xf32>
      %broadcast_in_dim3A_1207 = vector.broadcast %reduce_sum3A_1201 : f32 to vector<16xf32>
      %select_n3A_1208 = arith.select %eq3A_1204, %broadcast_in_dim3A_1207, %select_n3A_1061 : vector<16xi1>, vector<16xf32>
      %slice3A_1209 = vector.extract_strided_slice %get3A_53 {offsets = [12], sizes = [1], strides = [1]} : vector<16xi32> to vector<1xi32>
      %squeeze3A_1210 = vector.extract %slice3A_1209[0] : i32 from vector<1xi32>
      %shift_right_arithmetic3A_1211 = arith.constant 7 : i32
      %shift_right_arithmetic3A_1212 = arith.shrsi %squeeze3A_1210, %shift_right_arithmetic3A_1211 : i32
      %shift_left3A_1213 = arith.constant 7 : i32
      %shift_left3A_1214 = arith.shli %shift_right_arithmetic3A_1212, %shift_left3A_1213 : i32
      %multiple_of3A_1215 = tpu.assume_multiple %shift_left3A_1214, 128 : i32
      %dma_start3A_1216 = arith.constant 0 : i32
      %dma_start3A_1217 = arith.constant 0 : i32
      %dma_start3A_1218 = arith.constant 0 : i32
      %dma_start3A_1219 = tpu.memref_slice %arg16[%dma_start3A_1216, %dma_start3A_1217, %dma_start3A_1218] : memref<3x32x128xf32, #tpu.memory_space<vmem>> -> memref<1x32x128xf32, #tpu.memory_space<vmem>>
      %dma_start3A_1220 = tpu.memref_squeeze %dma_start3A_1219 : memref<1x32x128xf32, #tpu.memory_space<vmem>> -> memref<32x128xf32, #tpu.memory_space<vmem>>
      %dma_start3A_1221 = arith.constant 0 : i32
      %dma_start3A_1222 = tpu.memref_slice %arg5[%dma_start3A_1221, %multiple_of3A_1215] : memref<32x1000000xf32, #tpu.memory_space<hbm>> -> memref<32x128xf32, #tpu.memory_space<hbm>>
      %dma_start3A_1223 = arith.constant 0 : i32
      %dma_start3A_1224 = arith.constant 0 : i32
      %dma_start3A_1225 = tpu.memref_slice %arg16[%dma_start3A_1216, %dma_start3A_1223, %dma_start3A_1224] : memref<3x32x128xf32, #tpu.memory_space<vmem>> -> memref<1x32x128xf32, #tpu.memory_space<vmem>>
      %dma_start3A_1226 = tpu.memref_squeeze %dma_start3A_1225 : memref<1x32x128xf32, #tpu.memory_space<vmem>> -> memref<32x128xf32, #tpu.memory_space<vmem>>
      %dma_start3A_1227 = arith.constant 0 : i32
      %dma_start3A_1228 = tpu.memref_slice %arg5[%dma_start3A_1227, %multiple_of3A_1215] : memref<32x1000000xf32, #tpu.memory_space<hbm>> -> memref<32x128xf32, #tpu.memory_space<hbm>>
      tpu.enqueue_dma source(%dma_start3A_1228 : memref<32x128xf32, #tpu.memory_space<hbm>>) target(%dma_start3A_1226 : memref<32x128xf32, #tpu.memory_space<vmem>>) target_semaphore(%arg22 : memref<!tpu.dma_semaphore, #tpu.memory_space<semaphore_mem>>)
      %slice3A_1229 = vector.extract_strided_slice %get3A_56 {offsets = [12], sizes = [1], strides = [1]} : vector<16xi32> to vector<1xi32>
      %squeeze3A_1230 = vector.extract %slice3A_1229[0] : i32 from vector<1xi32>
      %shift_right_arithmetic3A_1231 = arith.constant 7 : i32
      %shift_right_arithmetic3A_1232 = arith.shrsi %squeeze3A_1230, %shift_right_arithmetic3A_1231 : i32
      %shift_left3A_1233 = arith.constant 7 : i32
      %shift_left3A_1234 = arith.shli %shift_right_arithmetic3A_1232, %shift_left3A_1233 : i32
      %multiple_of3A_1235 = tpu.assume_multiple %shift_left3A_1234, 128 : i32
      %dma_start3A_1236 = arith.constant 1 : i32
      %dma_start3A_1237 = arith.constant 0 : i32
      %dma_start3A_1238 = arith.constant 0 : i32
      %dma_start3A_1239 = tpu.memref_slice %arg16[%dma_start3A_1236, %dma_start3A_1237, %dma_start3A_1238] : memref<3x32x128xf32, #tpu.memory_space<vmem>> -> memref<1x32x128xf32, #tpu.memory_space<vmem>>
      %dma_start3A_1240 = tpu.memref_squeeze %dma_start3A_1239 : memref<1x32x128xf32, #tpu.memory_space<vmem>> -> memref<32x128xf32, #tpu.memory_space<vmem>>
      %dma_start3A_1241 = arith.constant 0 : i32
      %dma_start3A_1242 = tpu.memref_slice %arg6[%dma_start3A_1241, %multiple_of3A_1235] : memref<32x1000000xf32, #tpu.memory_space<hbm>> -> memref<32x128xf32, #tpu.memory_space<hbm>>
      %dma_start3A_1243 = arith.constant 0 : i32
      %dma_start3A_1244 = arith.constant 0 : i32
      %dma_start3A_1245 = tpu.memref_slice %arg16[%dma_start3A_1236, %dma_start3A_1243, %dma_start3A_1244] : memref<3x32x128xf32, #tpu.memory_space<vmem>> -> memref<1x32x128xf32, #tpu.memory_space<vmem>>
      %dma_start3A_1246 = tpu.memref_squeeze %dma_start3A_1245 : memref<1x32x128xf32, #tpu.memory_space<vmem>> -> memref<32x128xf32, #tpu.memory_space<vmem>>
      %dma_start3A_1247 = arith.constant 0 : i32
      %dma_start3A_1248 = tpu.memref_slice %arg6[%dma_start3A_1247, %multiple_of3A_1235] : memref<32x1000000xf32, #tpu.memory_space<hbm>> -> memref<32x128xf32, #tpu.memory_space<hbm>>
      tpu.enqueue_dma source(%dma_start3A_1248 : memref<32x128xf32, #tpu.memory_space<hbm>>) target(%dma_start3A_1246 : memref<32x128xf32, #tpu.memory_space<vmem>>) target_semaphore(%arg22 : memref<!tpu.dma_semaphore, #tpu.memory_space<semaphore_mem>>)
      %slice3A_1249 = vector.extract_strided_slice %get3A_59 {offsets = [12], sizes = [1], strides = [1]} : vector<16xi32> to vector<1xi32>
      %squeeze3A_1250 = vector.extract %slice3A_1249[0] : i32 from vector<1xi32>
      %shift_right_arithmetic3A_1251 = arith.constant 7 : i32
      %shift_right_arithmetic3A_1252 = arith.shrsi %squeeze3A_1250, %shift_right_arithmetic3A_1251 : i32
      %shift_left3A_1253 = arith.constant 7 : i32
      %shift_left3A_1254 = arith.shli %shift_right_arithmetic3A_1252, %shift_left3A_1253 : i32
      %multiple_of3A_1255 = tpu.assume_multiple %shift_left3A_1254, 128 : i32
      %dma_start3A_1256 = arith.constant 2 : i32
      %dma_start3A_1257 = arith.constant 0 : i32
      %dma_start3A_1258 = arith.constant 0 : i32
      %dma_start3A_1259 = tpu.memref_slice %arg16[%dma_start3A_1256, %dma_start3A_1257, %dma_start3A_1258] : memref<3x32x128xf32, #tpu.memory_space<vmem>> -> memref<1x32x128xf32, #tpu.memory_space<vmem>>
      %dma_start3A_1260 = tpu.memref_squeeze %dma_start3A_1259 : memref<1x32x128xf32, #tpu.memory_space<vmem>> -> memref<32x128xf32, #tpu.memory_space<vmem>>
      %dma_start3A_1261 = arith.constant 0 : i32
      %dma_start3A_1262 = tpu.memref_slice %arg6[%dma_start3A_1261, %multiple_of3A_1255] : memref<32x1000000xf32, #tpu.memory_space<hbm>> -> memref<32x128xf32, #tpu.memory_space<hbm>>
      %dma_start3A_1263 = arith.constant 0 : i32
      %dma_start3A_1264 = arith.constant 0 : i32
      %dma_start3A_1265 = tpu.memref_slice %arg16[%dma_start3A_1256, %dma_start3A_1263, %dma_start3A_1264] : memref<3x32x128xf32, #tpu.memory_space<vmem>> -> memref<1x32x128xf32, #tpu.memory_space<vmem>>
      %dma_start3A_1266 = tpu.memref_squeeze %dma_start3A_1265 : memref<1x32x128xf32, #tpu.memory_space<vmem>> -> memref<32x128xf32, #tpu.memory_space<vmem>>
      %dma_start3A_1267 = arith.constant 0 : i32
      %dma_start3A_1268 = tpu.memref_slice %arg6[%dma_start3A_1267, %multiple_of3A_1255] : memref<32x1000000xf32, #tpu.memory_space<hbm>> -> memref<32x128xf32, #tpu.memory_space<hbm>>
      tpu.enqueue_dma source(%dma_start3A_1268 : memref<32x128xf32, #tpu.memory_space<hbm>>) target(%dma_start3A_1266 : memref<32x128xf32, #tpu.memory_space<vmem>>) target_semaphore(%arg22 : memref<!tpu.dma_semaphore, #tpu.memory_space<semaphore_mem>>)
      %dma_wait3A_1269 = arith.constant 0 : i32
      %dma_wait3A_1270 = arith.constant 0 : i32
      %dma_wait3A_1271 = arith.constant 0 : i32
      %dma_wait3A_1272 = tpu.memref_slice %arg17[%dma_wait3A_1269, %dma_wait3A_1270, %dma_wait3A_1271] : memref<3x32x128xf32, #tpu.memory_space<vmem>> -> memref<1x32x128xf32, #tpu.memory_space<vmem>>
      %dma_wait3A_1273 = tpu.memref_squeeze %dma_wait3A_1272 : memref<1x32x128xf32, #tpu.memory_space<vmem>> -> memref<32x128xf32, #tpu.memory_space<vmem>>
      %dma_wait3A_1274 = arith.constant 0 : i32
      %dma_wait3A_1275 = tpu.memref_slice %arg5[%dma_wait3A_1274, %multiple_of3A_363] : memref<32x1000000xf32, #tpu.memory_space<hbm>> -> memref<32x128xf32, #tpu.memory_space<hbm>>
      %dma_wait3A_1276 = arith.constant 0 : i32
      %dma_wait3A_1277 = arith.constant 0 : i32
      %dma_wait3A_1278 = tpu.memref_slice %arg17[%dma_wait3A_1269, %dma_wait3A_1276, %dma_wait3A_1277] : memref<3x32x128xf32, #tpu.memory_space<vmem>> -> memref<1x32x128xf32, #tpu.memory_space<vmem>>
      %dma_wait3A_1279 = tpu.memref_squeeze %dma_wait3A_1278 : memref<1x32x128xf32, #tpu.memory_space<vmem>> -> memref<32x128xf32, #tpu.memory_space<vmem>>
      %dma_wait3A_1280 = arith.constant 0 : i32
      %dma_wait3A_1281 = tpu.memref_slice %arg5[%dma_wait3A_1280, %multiple_of3A_363] : memref<32x1000000xf32, #tpu.memory_space<hbm>> -> memref<32x128xf32, #tpu.memory_space<hbm>>
      tpu.wait_dma2 semaphore(%arg22 : memref<!tpu.dma_semaphore, #tpu.memory_space<semaphore_mem>>) src(%dma_wait3A_1281 : memref<32x128xf32, #tpu.memory_space<hbm>>) dst(%dma_wait3A_1279 : memref<32x128xf32, #tpu.memory_space<vmem>>)
      %dma_wait3A_1282 = arith.constant 1 : i32
      %dma_wait3A_1283 = arith.constant 0 : i32
      %dma_wait3A_1284 = arith.constant 0 : i32
      %dma_wait3A_1285 = tpu.memref_slice %arg17[%dma_wait3A_1282, %dma_wait3A_1283, %dma_wait3A_1284] : memref<3x32x128xf32, #tpu.memory_space<vmem>> -> memref<1x32x128xf32, #tpu.memory_space<vmem>>
      %dma_wait3A_1286 = tpu.memref_squeeze %dma_wait3A_1285 : memref<1x32x128xf32, #tpu.memory_space<vmem>> -> memref<32x128xf32, #tpu.memory_space<vmem>>
      %dma_wait3A_1287 = arith.constant 0 : i32
      %dma_wait3A_1288 = tpu.memref_slice %arg6[%dma_wait3A_1287, %multiple_of3A_383] : memref<32x1000000xf32, #tpu.memory_space<hbm>> -> memref<32x128xf32, #tpu.memory_space<hbm>>
      %dma_wait3A_1289 = arith.constant 0 : i32
      %dma_wait3A_1290 = arith.constant 0 : i32
      %dma_wait3A_1291 = tpu.memref_slice %arg17[%dma_wait3A_1282, %dma_wait3A_1289, %dma_wait3A_1290] : memref<3x32x128xf32, #tpu.memory_space<vmem>> -> memref<1x32x128xf32, #tpu.memory_space<vmem>>
      %dma_wait3A_1292 = tpu.memref_squeeze %dma_wait3A_1291 : memref<1x32x128xf32, #tpu.memory_space<vmem>> -> memref<32x128xf32, #tpu.memory_space<vmem>>
      %dma_wait3A_1293 = arith.constant 0 : i32
      %dma_wait3A_1294 = tpu.memref_slice %arg6[%dma_wait3A_1293, %multiple_of3A_383] : memref<32x1000000xf32, #tpu.memory_space<hbm>> -> memref<32x128xf32, #tpu.memory_space<hbm>>
      tpu.wait_dma2 semaphore(%arg22 : memref<!tpu.dma_semaphore, #tpu.memory_space<semaphore_mem>>) src(%dma_wait3A_1294 : memref<32x128xf32, #tpu.memory_space<hbm>>) dst(%dma_wait3A_1292 : memref<32x128xf32, #tpu.memory_space<vmem>>)
      %dma_wait3A_1295 = arith.constant 2 : i32
      %dma_wait3A_1296 = arith.constant 0 : i32
      %dma_wait3A_1297 = arith.constant 0 : i32
      %dma_wait3A_1298 = tpu.memref_slice %arg17[%dma_wait3A_1295, %dma_wait3A_1296, %dma_wait3A_1297] : memref<3x32x128xf32, #tpu.memory_space<vmem>> -> memref<1x32x128xf32, #tpu.memory_space<vmem>>
      %dma_wait3A_1299 = tpu.memref_squeeze %dma_wait3A_1298 : memref<1x32x128xf32, #tpu.memory_space<vmem>> -> memref<32x128xf32, #tpu.memory_space<vmem>>
      %dma_wait3A_1300 = arith.constant 0 : i32
      %dma_wait3A_1301 = tpu.memref_slice %arg6[%dma_wait3A_1300, %multiple_of3A_403] : memref<32x1000000xf32, #tpu.memory_space<hbm>> -> memref<32x128xf32, #tpu.memory_space<hbm>>
      %dma_wait3A_1302 = arith.constant 0 : i32
      %dma_wait3A_1303 = arith.constant 0 : i32
      %dma_wait3A_1304 = tpu.memref_slice %arg17[%dma_wait3A_1295, %dma_wait3A_1302, %dma_wait3A_1303] : memref<3x32x128xf32, #tpu.memory_space<vmem>> -> memref<1x32x128xf32, #tpu.memory_space<vmem>>
      %dma_wait3A_1305 = tpu.memref_squeeze %dma_wait3A_1304 : memref<1x32x128xf32, #tpu.memory_space<vmem>> -> memref<32x128xf32, #tpu.memory_space<vmem>>
      %dma_wait3A_1306 = arith.constant 0 : i32
      %dma_wait3A_1307 = tpu.memref_slice %arg6[%dma_wait3A_1306, %multiple_of3A_403] : memref<32x1000000xf32, #tpu.memory_space<hbm>> -> memref<32x128xf32, #tpu.memory_space<hbm>>
      tpu.wait_dma2 semaphore(%arg22 : memref<!tpu.dma_semaphore, #tpu.memory_space<semaphore_mem>>) src(%dma_wait3A_1307 : memref<32x128xf32, #tpu.memory_space<hbm>>) dst(%dma_wait3A_1305 : memref<32x128xf32, #tpu.memory_space<vmem>>)
      %broadcast_in_dim3A_1308 = arith.constant 0 : i32
      %broadcast_in_dim3A_1309 = vector.broadcast %broadcast_in_dim3A_1308 : i32 to vector<16xi32>
      %broadcast_in_dim3A_1310 = arith.constant 1 : i32
      %broadcast_in_dim3A_1311 = vector.broadcast %broadcast_in_dim3A_1310 : i32 to vector<16xi32>
      %broadcast_in_dim3A_1312 = arith.constant 2 : i32
      %broadcast_in_dim3A_1313 = vector.broadcast %broadcast_in_dim3A_1312 : i32 to vector<16xi32>
      %slice3A_1314 = vector.extract_strided_slice %get3A_53 {offsets = [5], sizes = [1], strides = [1]} : vector<16xi32> to vector<1xi32>
      %squeeze3A_1315 = vector.extract %slice3A_1314[0] : i32 from vector<1xi32>
      %and3A_1316 = arith.constant 127 : i32
      %and3A_1317 = arith.andi %squeeze3A_1315, %and3A_1316 : i32
      %broadcast_in_dim3A_1318 = vector.broadcast %and3A_1317 : i32 to vector<16xi32>
      %slice3A_1319 = vector.extract_strided_slice %get3A_56 {offsets = [5], sizes = [1], strides = [1]} : vector<16xi32> to vector<1xi32>
      %squeeze3A_1320 = vector.extract %slice3A_1319[0] : i32 from vector<1xi32>
      %and3A_1321 = arith.constant 127 : i32
      %and3A_1322 = arith.andi %squeeze3A_1320, %and3A_1321 : i32
      %broadcast_in_dim3A_1323 = vector.broadcast %and3A_1322 : i32 to vector<16xi32>
      %slice3A_1324 = vector.extract_strided_slice %get3A_59 {offsets = [5], sizes = [1], strides = [1]} : vector<16xi32> to vector<1xi32>
      %squeeze3A_1325 = vector.extract %slice3A_1324[0] : i32 from vector<1xi32>
      %and3A_1326 = arith.constant 127 : i32
      %and3A_1327 = arith.andi %squeeze3A_1325, %and3A_1326 : i32
      %broadcast_in_dim3A_1328 = vector.broadcast %and3A_1327 : i32 to vector<16xi32>
      %gather3A_1329 = tpu.vector_load_idx %arg17[%broadcast_in_dim3A_1309, %iota3A, %broadcast_in_dim3A_1318] : memref<3x32x128xf32, #tpu.memory_space<vmem>>[vector<16xi32>, vector<16xi32>, vector<16xi32>], vector<16xf32>,
      %gather3A_1330 = tpu.vector_load_idx %arg17[%broadcast_in_dim3A_1309, %add3A_11, %broadcast_in_dim3A_1318] : memref<3x32x128xf32, #tpu.memory_space<vmem>>[vector<16xi32>, vector<16xi32>, vector<16xi32>], vector<16xf32>,
      %gather3A_1331 = tpu.vector_load_idx %arg17[%broadcast_in_dim3A_1311, %iota3A, %broadcast_in_dim3A_1323] : memref<3x32x128xf32, #tpu.memory_space<vmem>>[vector<16xi32>, vector<16xi32>, vector<16xi32>], vector<16xf32>,
      %gather3A_1332 = tpu.vector_load_idx %arg17[%broadcast_in_dim3A_1311, %add3A_11, %broadcast_in_dim3A_1323] : memref<3x32x128xf32, #tpu.memory_space<vmem>>[vector<16xi32>, vector<16xi32>, vector<16xi32>], vector<16xf32>,
      %gather3A_1333 = tpu.vector_load_idx %arg17[%broadcast_in_dim3A_1313, %iota3A, %broadcast_in_dim3A_1328] : memref<3x32x128xf32, #tpu.memory_space<vmem>>[vector<16xi32>, vector<16xi32>, vector<16xi32>], vector<16xf32>,
      %gather3A_1334 = tpu.vector_load_idx %arg17[%broadcast_in_dim3A_1313, %add3A_11, %broadcast_in_dim3A_1328] : memref<3x32x128xf32, #tpu.memory_space<vmem>>[vector<16xi32>, vector<16xi32>, vector<16xi32>], vector<16xf32>,
      %mul3A_1335 = arith.mulf %gather3A_1329, %gather3A_1331 : vector<16xf32>
      %mul3A_1336 = arith.mulf %gather3A_1330, %gather3A_1332 : vector<16xf32>
      %add3A_1337 = arith.addf %mul3A_1335, %mul3A_1336 : vector<16xf32>
      %reduce_sum3A_1338 = arith.constant true
      %reduce_sum3A_1339 = vector.broadcast %reduce_sum3A_1338 : i1 to vector<16xi1>
      %reduce_sum3A_1340 = tpu.scan <sum>, %add3A_1337 masked %reduce_sum3A_1339 : vector<16xf32>, vector<16xi1> -> vector<16xf32>
      %reduce_sum3A_1341 = vector.extract %reduce_sum3A_1340[15] : f32 from vector<16xf32>
      %mul3A_1342 = arith.mulf %gather3A_1329, %gather3A_1333 : vector<16xf32>
      %mul3A_1343 = arith.mulf %gather3A_1330, %gather3A_1334 : vector<16xf32>
      %add3A_1344 = arith.addf %mul3A_1342, %mul3A_1343 : vector<16xf32>
      %reduce_sum3A_1345 = arith.constant true
      %reduce_sum3A_1346 = vector.broadcast %reduce_sum3A_1345 : i1 to vector<16xi1>
      %reduce_sum3A_1347 = tpu.scan <sum>, %add3A_1344 masked %reduce_sum3A_1346 : vector<16xf32>, vector<16xi1> -> vector<16xf32>
      %reduce_sum3A_1348 = vector.extract %reduce_sum3A_1347[15] : f32 from vector<16xf32>
      %eq3A_1349 = arith.constant 5 : i32
      %eq3A_1350 = vector.broadcast %eq3A_1349 : i32 to vector<16xi32>
      %eq3A_1351 = arith.cmpi eq, %iota3A, %eq3A_1350 : vector<16xi32>
      %broadcast_in_dim3A_1352 = vector.broadcast %reduce_sum3A_1341 : f32 to vector<16xf32>
      %select_n3A_1353 = arith.select %eq3A_1351, %broadcast_in_dim3A_1352, %select_n3A_1206 : vector<16xi1>, vector<16xf32>
      %broadcast_in_dim3A_1354 = vector.broadcast %reduce_sum3A_1348 : f32 to vector<16xf32>
      %select_n3A_1355 = arith.select %eq3A_1351, %broadcast_in_dim3A_1354, %select_n3A_1208 : vector<16xi1>, vector<16xf32>
      %slice3A_1356 = vector.extract_strided_slice %get3A_53 {offsets = [13], sizes = [1], strides = [1]} : vector<16xi32> to vector<1xi32>
      %squeeze3A_1357 = vector.extract %slice3A_1356[0] : i32 from vector<1xi32>
      %shift_right_arithmetic3A_1358 = arith.constant 7 : i32
      %shift_right_arithmetic3A_1359 = arith.shrsi %squeeze3A_1357, %shift_right_arithmetic3A_1358 : i32
      %shift_left3A_1360 = arith.constant 7 : i32
      %shift_left3A_1361 = arith.shli %shift_right_arithmetic3A_1359, %shift_left3A_1360 : i32
      %multiple_of3A_1362 = tpu.assume_multiple %shift_left3A_1361, 128 : i32
      %dma_start3A_1363 = arith.constant 0 : i32
      %dma_start3A_1364 = arith.constant 0 : i32
      %dma_start3A_1365 = arith.constant 0 : i32
      %dma_start3A_1366 = tpu.memref_slice %arg17[%dma_start3A_1363, %dma_start3A_1364, %dma_start3A_1365] : memref<3x32x128xf32, #tpu.memory_space<vmem>> -> memref<1x32x128xf32, #tpu.memory_space<vmem>>
      %dma_start3A_1367 = tpu.memref_squeeze %dma_start3A_1366 : memref<1x32x128xf32, #tpu.memory_space<vmem>> -> memref<32x128xf32, #tpu.memory_space<vmem>>
      %dma_start3A_1368 = arith.constant 0 : i32
      %dma_start3A_1369 = tpu.memref_slice %arg5[%dma_start3A_1368, %multiple_of3A_1362] : memref<32x1000000xf32, #tpu.memory_space<hbm>> -> memref<32x128xf32, #tpu.memory_space<hbm>>
      %dma_start3A_1370 = arith.constant 0 : i32
      %dma_start3A_1371 = arith.constant 0 : i32
      %dma_start3A_1372 = tpu.memref_slice %arg17[%dma_start3A_1363, %dma_start3A_1370, %dma_start3A_1371] : memref<3x32x128xf32, #tpu.memory_space<vmem>> -> memref<1x32x128xf32, #tpu.memory_space<vmem>>
      %dma_start3A_1373 = tpu.memref_squeeze %dma_start3A_1372 : memref<1x32x128xf32, #tpu.memory_space<vmem>> -> memref<32x128xf32, #tpu.memory_space<vmem>>
      %dma_start3A_1374 = arith.constant 0 : i32
      %dma_start3A_1375 = tpu.memref_slice %arg5[%dma_start3A_1374, %multiple_of3A_1362] : memref<32x1000000xf32, #tpu.memory_space<hbm>> -> memref<32x128xf32, #tpu.memory_space<hbm>>
      tpu.enqueue_dma source(%dma_start3A_1375 : memref<32x128xf32, #tpu.memory_space<hbm>>) target(%dma_start3A_1373 : memref<32x128xf32, #tpu.memory_space<vmem>>) target_semaphore(%arg22 : memref<!tpu.dma_semaphore, #tpu.memory_space<semaphore_mem>>)
      %slice3A_1376 = vector.extract_strided_slice %get3A_56 {offsets = [13], sizes = [1], strides = [1]} : vector<16xi32> to vector<1xi32>
      %squeeze3A_1377 = vector.extract %slice3A_1376[0] : i32 from vector<1xi32>
      %shift_right_arithmetic3A_1378 = arith.constant 7 : i32
      %shift_right_arithmetic3A_1379 = arith.shrsi %squeeze3A_1377, %shift_right_arithmetic3A_1378 : i32
      %shift_left3A_1380 = arith.constant 7 : i32
      %shift_left3A_1381 = arith.shli %shift_right_arithmetic3A_1379, %shift_left3A_1380 : i32
      %multiple_of3A_1382 = tpu.assume_multiple %shift_left3A_1381, 128 : i32
      %dma_start3A_1383 = arith.constant 1 : i32
      %dma_start3A_1384 = arith.constant 0 : i32
      %dma_start3A_1385 = arith.constant 0 : i32
      %dma_start3A_1386 = tpu.memref_slice %arg17[%dma_start3A_1383, %dma_start3A_1384, %dma_start3A_1385] : memref<3x32x128xf32, #tpu.memory_space<vmem>> -> memref<1x32x128xf32, #tpu.memory_space<vmem>>
      %dma_start3A_1387 = tpu.memref_squeeze %dma_start3A_1386 : memref<1x32x128xf32, #tpu.memory_space<vmem>> -> memref<32x128xf32, #tpu.memory_space<vmem>>
      %dma_start3A_1388 = arith.constant 0 : i32
      %dma_start3A_1389 = tpu.memref_slice %arg6[%dma_start3A_1388, %multiple_of3A_1382] : memref<32x1000000xf32, #tpu.memory_space<hbm>> -> memref<32x128xf32, #tpu.memory_space<hbm>>
      %dma_start3A_1390 = arith.constant 0 : i32
      %dma_start3A_1391 = arith.constant 0 : i32
      %dma_start3A_1392 = tpu.memref_slice %arg17[%dma_start3A_1383, %dma_start3A_1390, %dma_start3A_1391] : memref<3x32x128xf32, #tpu.memory_space<vmem>> -> memref<1x32x128xf32, #tpu.memory_space<vmem>>
      %dma_start3A_1393 = tpu.memref_squeeze %dma_start3A_1392 : memref<1x32x128xf32, #tpu.memory_space<vmem>> -> memref<32x128xf32, #tpu.memory_space<vmem>>
      %dma_start3A_1394 = arith.constant 0 : i32
      %dma_start3A_1395 = tpu.memref_slice %arg6[%dma_start3A_1394, %multiple_of3A_1382] : memref<32x1000000xf32, #tpu.memory_space<hbm>> -> memref<32x128xf32, #tpu.memory_space<hbm>>
      tpu.enqueue_dma source(%dma_start3A_1395 : memref<32x128xf32, #tpu.memory_space<hbm>>) target(%dma_start3A_1393 : memref<32x128xf32, #tpu.memory_space<vmem>>) target_semaphore(%arg22 : memref<!tpu.dma_semaphore, #tpu.memory_space<semaphore_mem>>)
      %slice3A_1396 = vector.extract_strided_slice %get3A_59 {offsets = [13], sizes = [1], strides = [1]} : vector<16xi32> to vector<1xi32>
      %squeeze3A_1397 = vector.extract %slice3A_1396[0] : i32 from vector<1xi32>
      %shift_right_arithmetic3A_1398 = arith.constant 7 : i32
      %shift_right_arithmetic3A_1399 = arith.shrsi %squeeze3A_1397, %shift_right_arithmetic3A_1398 : i32
      %shift_left3A_1400 = arith.constant 7 : i32
      %shift_left3A_1401 = arith.shli %shift_right_arithmetic3A_1399, %shift_left3A_1400 : i32
      %multiple_of3A_1402 = tpu.assume_multiple %shift_left3A_1401, 128 : i32
      %dma_start3A_1403 = arith.constant 2 : i32
      %dma_start3A_1404 = arith.constant 0 : i32
      %dma_start3A_1405 = arith.constant 0 : i32
      %dma_start3A_1406 = tpu.memref_slice %arg17[%dma_start3A_1403, %dma_start3A_1404, %dma_start3A_1405] : memref<3x32x128xf32, #tpu.memory_space<vmem>> -> memref<1x32x128xf32, #tpu.memory_space<vmem>>
      %dma_start3A_1407 = tpu.memref_squeeze %dma_start3A_1406 : memref<1x32x128xf32, #tpu.memory_space<vmem>> -> memref<32x128xf32, #tpu.memory_space<vmem>>
      %dma_start3A_1408 = arith.constant 0 : i32
      %dma_start3A_1409 = tpu.memref_slice %arg6[%dma_start3A_1408, %multiple_of3A_1402] : memref<32x1000000xf32, #tpu.memory_space<hbm>> -> memref<32x128xf32, #tpu.memory_space<hbm>>
      %dma_start3A_1410 = arith.constant 0 : i32
      %dma_start3A_1411 = arith.constant 0 : i32
      %dma_start3A_1412 = tpu.memref_slice %arg17[%dma_start3A_1403, %dma_start3A_1410, %dma_start3A_1411] : memref<3x32x128xf32, #tpu.memory_space<vmem>> -> memref<1x32x128xf32, #tpu.memory_space<vmem>>
      %dma_start3A_1413 = tpu.memref_squeeze %dma_start3A_1412 : memref<1x32x128xf32, #tpu.memory_space<vmem>> -> memref<32x128xf32, #tpu.memory_space<vmem>>
      %dma_start3A_1414 = arith.constant 0 : i32
      %dma_start3A_1415 = tpu.memref_slice %arg6[%dma_start3A_1414, %multiple_of3A_1402] : memref<32x1000000xf32, #tpu.memory_space<hbm>> -> memref<32x128xf32, #tpu.memory_space<hbm>>
      tpu.enqueue_dma source(%dma_start3A_1415 : memref<32x128xf32, #tpu.memory_space<hbm>>) target(%dma_start3A_1413 : memref<32x128xf32, #tpu.memory_space<vmem>>) target_semaphore(%arg22 : memref<!tpu.dma_semaphore, #tpu.memory_space<semaphore_mem>>)
      %dma_wait3A_1416 = arith.constant 0 : i32
      %dma_wait3A_1417 = arith.constant 0 : i32
      %dma_wait3A_1418 = arith.constant 0 : i32
      %dma_wait3A_1419 = tpu.memref_slice %arg18[%dma_wait3A_1416, %dma_wait3A_1417, %dma_wait3A_1418] : memref<3x32x128xf32, #tpu.memory_space<vmem>> -> memref<1x32x128xf32, #tpu.memory_space<vmem>>
      %dma_wait3A_1420 = tpu.memref_squeeze %dma_wait3A_1419 : memref<1x32x128xf32, #tpu.memory_space<vmem>> -> memref<32x128xf32, #tpu.memory_space<vmem>>
      %dma_wait3A_1421 = arith.constant 0 : i32
      %dma_wait3A_1422 = tpu.memref_slice %arg5[%dma_wait3A_1421, %multiple_of3A_423] : memref<32x1000000xf32, #tpu.memory_space<hbm>> -> memref<32x128xf32, #tpu.memory_space<hbm>>
      %dma_wait3A_1423 = arith.constant 0 : i32
      %dma_wait3A_1424 = arith.constant 0 : i32
      %dma_wait3A_1425 = tpu.memref_slice %arg18[%dma_wait3A_1416, %dma_wait3A_1423, %dma_wait3A_1424] : memref<3x32x128xf32, #tpu.memory_space<vmem>> -> memref<1x32x128xf32, #tpu.memory_space<vmem>>
      %dma_wait3A_1426 = tpu.memref_squeeze %dma_wait3A_1425 : memref<1x32x128xf32, #tpu.memory_space<vmem>> -> memref<32x128xf32, #tpu.memory_space<vmem>>
      %dma_wait3A_1427 = arith.constant 0 : i32
      %dma_wait3A_1428 = tpu.memref_slice %arg5[%dma_wait3A_1427, %multiple_of3A_423] : memref<32x1000000xf32, #tpu.memory_space<hbm>> -> memref<32x128xf32, #tpu.memory_space<hbm>>
      tpu.wait_dma2 semaphore(%arg22 : memref<!tpu.dma_semaphore, #tpu.memory_space<semaphore_mem>>) src(%dma_wait3A_1428 : memref<32x128xf32, #tpu.memory_space<hbm>>) dst(%dma_wait3A_1426 : memref<32x128xf32, #tpu.memory_space<vmem>>)
      %dma_wait3A_1429 = arith.constant 1 : i32
      %dma_wait3A_1430 = arith.constant 0 : i32
      %dma_wait3A_1431 = arith.constant 0 : i32
      %dma_wait3A_1432 = tpu.memref_slice %arg18[%dma_wait3A_1429, %dma_wait3A_1430, %dma_wait3A_1431] : memref<3x32x128xf32, #tpu.memory_space<vmem>> -> memref<1x32x128xf32, #tpu.memory_space<vmem>>
      %dma_wait3A_1433 = tpu.memref_squeeze %dma_wait3A_1432 : memref<1x32x128xf32, #tpu.memory_space<vmem>> -> memref<32x128xf32, #tpu.memory_space<vmem>>
      %dma_wait3A_1434 = arith.constant 0 : i32
      %dma_wait3A_1435 = tpu.memref_slice %arg6[%dma_wait3A_1434, %multiple_of3A_443] : memref<32x1000000xf32, #tpu.memory_space<hbm>> -> memref<32x128xf32, #tpu.memory_space<hbm>>
      %dma_wait3A_1436 = arith.constant 0 : i32
      %dma_wait3A_1437 = arith.constant 0 : i32
      %dma_wait3A_1438 = tpu.memref_slice %arg18[%dma_wait3A_1429, %dma_wait3A_1436, %dma_wait3A_1437] : memref<3x32x128xf32, #tpu.memory_space<vmem>> -> memref<1x32x128xf32, #tpu.memory_space<vmem>>
      %dma_wait3A_1439 = tpu.memref_squeeze %dma_wait3A_1438 : memref<1x32x128xf32, #tpu.memory_space<vmem>> -> memref<32x128xf32, #tpu.memory_space<vmem>>
      %dma_wait3A_1440 = arith.constant 0 : i32
      %dma_wait3A_1441 = tpu.memref_slice %arg6[%dma_wait3A_1440, %multiple_of3A_443] : memref<32x1000000xf32, #tpu.memory_space<hbm>> -> memref<32x128xf32, #tpu.memory_space<hbm>>
      tpu.wait_dma2 semaphore(%arg22 : memref<!tpu.dma_semaphore, #tpu.memory_space<semaphore_mem>>) src(%dma_wait3A_1441 : memref<32x128xf32, #tpu.memory_space<hbm>>) dst(%dma_wait3A_1439 : memref<32x128xf32, #tpu.memory_space<vmem>>)
      %dma_wait3A_1442 = arith.constant 2 : i32
      %dma_wait3A_1443 = arith.constant 0 : i32
      %dma_wait3A_1444 = arith.constant 0 : i32
      %dma_wait3A_1445 = tpu.memref_slice %arg18[%dma_wait3A_1442, %dma_wait3A_1443, %dma_wait3A_1444] : memref<3x32x128xf32, #tpu.memory_space<vmem>> -> memref<1x32x128xf32, #tpu.memory_space<vmem>>
      %dma_wait3A_1446 = tpu.memref_squeeze %dma_wait3A_1445 : memref<1x32x128xf32, #tpu.memory_space<vmem>> -> memref<32x128xf32, #tpu.memory_space<vmem>>
      %dma_wait3A_1447 = arith.constant 0 : i32
      %dma_wait3A_1448 = tpu.memref_slice %arg6[%dma_wait3A_1447, %multiple_of3A_463] : memref<32x1000000xf32, #tpu.memory_space<hbm>> -> memref<32x128xf32, #tpu.memory_space<hbm>>
      %dma_wait3A_1449 = arith.constant 0 : i32
      %dma_wait3A_1450 = arith.constant 0 : i32
      %dma_wait3A_1451 = tpu.memref_slice %arg18[%dma_wait3A_1442, %dma_wait3A_1449, %dma_wait3A_1450] : memref<3x32x128xf32, #tpu.memory_space<vmem>> -> memref<1x32x128xf32, #tpu.memory_space<vmem>>
      %dma_wait3A_1452 = tpu.memref_squeeze %dma_wait3A_1451 : memref<1x32x128xf32, #tpu.memory_space<vmem>> -> memref<32x128xf32, #tpu.memory_space<vmem>>
      %dma_wait3A_1453 = arith.constant 0 : i32
      %dma_wait3A_1454 = tpu.memref_slice %arg6[%dma_wait3A_1453, %multiple_of3A_463] : memref<32x1000000xf32, #tpu.memory_space<hbm>> -> memref<32x128xf32, #tpu.memory_space<hbm>>
      tpu.wait_dma2 semaphore(%arg22 : memref<!tpu.dma_semaphore, #tpu.memory_space<semaphore_mem>>) src(%dma_wait3A_1454 : memref<32x128xf32, #tpu.memory_space<hbm>>) dst(%dma_wait3A_1452 : memref<32x128xf32, #tpu.memory_space<vmem>>)
      %broadcast_in_dim3A_1455 = arith.constant 0 : i32
      %broadcast_in_dim3A_1456 = vector.broadcast %broadcast_in_dim3A_1455 : i32 to vector<16xi32>
      %broadcast_in_dim3A_1457 = arith.constant 1 : i32
      %broadcast_in_dim3A_1458 = vector.broadcast %broadcast_in_dim3A_1457 : i32 to vector<16xi32>
      %broadcast_in_dim3A_1459 = arith.constant 2 : i32
      %broadcast_in_dim3A_1460 = vector.broadcast %broadcast_in_dim3A_1459 : i32 to vector<16xi32>
      %slice3A_1461 = vector.extract_strided_slice %get3A_53 {offsets = [6], sizes = [1], strides = [1]} : vector<16xi32> to vector<1xi32>
      %squeeze3A_1462 = vector.extract %slice3A_1461[0] : i32 from vector<1xi32>
      %and3A_1463 = arith.constant 127 : i32
      %and3A_1464 = arith.andi %squeeze3A_1462, %and3A_1463 : i32
      %broadcast_in_dim3A_1465 = vector.broadcast %and3A_1464 : i32 to vector<16xi32>
      %slice3A_1466 = vector.extract_strided_slice %get3A_56 {offsets = [6], sizes = [1], strides = [1]} : vector<16xi32> to vector<1xi32>
      %squeeze3A_1467 = vector.extract %slice3A_1466[0] : i32 from vector<1xi32>
      %and3A_1468 = arith.constant 127 : i32
      %and3A_1469 = arith.andi %squeeze3A_1467, %and3A_1468 : i32
      %broadcast_in_dim3A_1470 = vector.broadcast %and3A_1469 : i32 to vector<16xi32>
      %slice3A_1471 = vector.extract_strided_slice %get3A_59 {offsets = [6], sizes = [1], strides = [1]} : vector<16xi32> to vector<1xi32>
      %squeeze3A_1472 = vector.extract %slice3A_1471[0] : i32 from vector<1xi32>
      %and3A_1473 = arith.constant 127 : i32
      %and3A_1474 = arith.andi %squeeze3A_1472, %and3A_1473 : i32
      %broadcast_in_dim3A_1475 = vector.broadcast %and3A_1474 : i32 to vector<16xi32>
      %gather3A_1476 = tpu.vector_load_idx %arg18[%broadcast_in_dim3A_1456, %iota3A, %broadcast_in_dim3A_1465] : memref<3x32x128xf32, #tpu.memory_space<vmem>>[vector<16xi32>, vector<16xi32>, vector<16xi32>], vector<16xf32>,
      %gather3A_1477 = tpu.vector_load_idx %arg18[%broadcast_in_dim3A_1456, %add3A_11, %broadcast_in_dim3A_1465] : memref<3x32x128xf32, #tpu.memory_space<vmem>>[vector<16xi32>, vector<16xi32>, vector<16xi32>], vector<16xf32>,
      %gather3A_1478 = tpu.vector_load_idx %arg18[%broadcast_in_dim3A_1458, %iota3A, %broadcast_in_dim3A_1470] : memref<3x32x128xf32, #tpu.memory_space<vmem>>[vector<16xi32>, vector<16xi32>, vector<16xi32>], vector<16xf32>,
      %gather3A_1479 = tpu.vector_load_idx %arg18[%broadcast_in_dim3A_1458, %add3A_11, %broadcast_in_dim3A_1470] : memref<3x32x128xf32, #tpu.memory_space<vmem>>[vector<16xi32>, vector<16xi32>, vector<16xi32>], vector<16xf32>,
      %gather3A_1480 = tpu.vector_load_idx %arg18[%broadcast_in_dim3A_1460, %iota3A, %broadcast_in_dim3A_1475] : memref<3x32x128xf32, #tpu.memory_space<vmem>>[vector<16xi32>, vector<16xi32>, vector<16xi32>], vector<16xf32>,
      %gather3A_1481 = tpu.vector_load_idx %arg18[%broadcast_in_dim3A_1460, %add3A_11, %broadcast_in_dim3A_1475] : memref<3x32x128xf32, #tpu.memory_space<vmem>>[vector<16xi32>, vector<16xi32>, vector<16xi32>], vector<16xf32>,
      %mul3A_1482 = arith.mulf %gather3A_1476, %gather3A_1478 : vector<16xf32>
      %mul3A_1483 = arith.mulf %gather3A_1477, %gather3A_1479 : vector<16xf32>
      %add3A_1484 = arith.addf %mul3A_1482, %mul3A_1483 : vector<16xf32>
      %reduce_sum3A_1485 = arith.constant true
      %reduce_sum3A_1486 = vector.broadcast %reduce_sum3A_1485 : i1 to vector<16xi1>
      %reduce_sum3A_1487 = tpu.scan <sum>, %add3A_1484 masked %reduce_sum3A_1486 : vector<16xf32>, vector<16xi1> -> vector<16xf32>
      %reduce_sum3A_1488 = vector.extract %reduce_sum3A_1487[15] : f32 from vector<16xf32>
      %mul3A_1489 = arith.mulf %gather3A_1476, %gather3A_1480 : vector<16xf32>
      %mul3A_1490 = arith.mulf %gather3A_1477, %gather3A_1481 : vector<16xf32>
      %add3A_1491 = arith.addf %mul3A_1489, %mul3A_1490 : vector<16xf32>
      %reduce_sum3A_1492 = arith.constant true
      %reduce_sum3A_1493 = vector.broadcast %reduce_sum3A_1492 : i1 to vector<16xi1>
      %reduce_sum3A_1494 = tpu.scan <sum>, %add3A_1491 masked %reduce_sum3A_1493 : vector<16xf32>, vector<16xi1> -> vector<16xf32>
      %reduce_sum3A_1495 = vector.extract %reduce_sum3A_1494[15] : f32 from vector<16xf32>
      %eq3A_1496 = arith.constant 6 : i32
      %eq3A_1497 = vector.broadcast %eq3A_1496 : i32 to vector<16xi32>
      %eq3A_1498 = arith.cmpi eq, %iota3A, %eq3A_1497 : vector<16xi32>
      %broadcast_in_dim3A_1499 = vector.broadcast %reduce_sum3A_1488 : f32 to vector<16xf32>
      %select_n3A_1500 = arith.select %eq3A_1498, %broadcast_in_dim3A_1499, %select_n3A_1353 : vector<16xi1>, vector<16xf32>
      %broadcast_in_dim3A_1501 = vector.broadcast %reduce_sum3A_1495 : f32 to vector<16xf32>
      %select_n3A_1502 = arith.select %eq3A_1498, %broadcast_in_dim3A_1501, %select_n3A_1355 : vector<16xi1>, vector<16xf32>
      %slice3A_1503 = vector.extract_strided_slice %get3A_53 {offsets = [14], sizes = [1], strides = [1]} : vector<16xi32> to vector<1xi32>
      %squeeze3A_1504 = vector.extract %slice3A_1503[0] : i32 from vector<1xi32>
      %shift_right_arithmetic3A_1505 = arith.constant 7 : i32
      %shift_right_arithmetic3A_1506 = arith.shrsi %squeeze3A_1504, %shift_right_arithmetic3A_1505 : i32
      %shift_left3A_1507 = arith.constant 7 : i32
      %shift_left3A_1508 = arith.shli %shift_right_arithmetic3A_1506, %shift_left3A_1507 : i32
      %multiple_of3A_1509 = tpu.assume_multiple %shift_left3A_1508, 128 : i32
      %dma_start3A_1510 = arith.constant 0 : i32
      %dma_start3A_1511 = arith.constant 0 : i32
      %dma_start3A_1512 = arith.constant 0 : i32
      %dma_start3A_1513 = tpu.memref_slice %arg18[%dma_start3A_1510, %dma_start3A_1511, %dma_start3A_1512] : memref<3x32x128xf32, #tpu.memory_space<vmem>> -> memref<1x32x128xf32, #tpu.memory_space<vmem>>
      %dma_start3A_1514 = tpu.memref_squeeze %dma_start3A_1513 : memref<1x32x128xf32, #tpu.memory_space<vmem>> -> memref<32x128xf32, #tpu.memory_space<vmem>>
      %dma_start3A_1515 = arith.constant 0 : i32
      %dma_start3A_1516 = tpu.memref_slice %arg5[%dma_start3A_1515, %multiple_of3A_1509] : memref<32x1000000xf32, #tpu.memory_space<hbm>> -> memref<32x128xf32, #tpu.memory_space<hbm>>
      %dma_start3A_1517 = arith.constant 0 : i32
      %dma_start3A_1518 = arith.constant 0 : i32
      %dma_start3A_1519 = tpu.memref_slice %arg18[%dma_start3A_1510, %dma_start3A_1517, %dma_start3A_1518] : memref<3x32x128xf32, #tpu.memory_space<vmem>> -> memref<1x32x128xf32, #tpu.memory_space<vmem>>
      %dma_start3A_1520 = tpu.memref_squeeze %dma_start3A_1519 : memref<1x32x128xf32, #tpu.memory_space<vmem>> -> memref<32x128xf32, #tpu.memory_space<vmem>>
      %dma_start3A_1521 = arith.constant 0 : i32
      %dma_start3A_1522 = tpu.memref_slice %arg5[%dma_start3A_1521, %multiple_of3A_1509] : memref<32x1000000xf32, #tpu.memory_space<hbm>> -> memref<32x128xf32, #tpu.memory_space<hbm>>
      tpu.enqueue_dma source(%dma_start3A_1522 : memref<32x128xf32, #tpu.memory_space<hbm>>) target(%dma_start3A_1520 : memref<32x128xf32, #tpu.memory_space<vmem>>) target_semaphore(%arg22 : memref<!tpu.dma_semaphore, #tpu.memory_space<semaphore_mem>>)
      %slice3A_1523 = vector.extract_strided_slice %get3A_56 {offsets = [14], sizes = [1], strides = [1]} : vector<16xi32> to vector<1xi32>
      %squeeze3A_1524 = vector.extract %slice3A_1523[0] : i32 from vector<1xi32>
      %shift_right_arithmetic3A_1525 = arith.constant 7 : i32
      %shift_right_arithmetic3A_1526 = arith.shrsi %squeeze3A_1524, %shift_right_arithmetic3A_1525 : i32
      %shift_left3A_1527 = arith.constant 7 : i32
      %shift_left3A_1528 = arith.shli %shift_right_arithmetic3A_1526, %shift_left3A_1527 : i32
      %multiple_of3A_1529 = tpu.assume_multiple %shift_left3A_1528, 128 : i32
      %dma_start3A_1530 = arith.constant 1 : i32
      %dma_start3A_1531 = arith.constant 0 : i32
      %dma_start3A_1532 = arith.constant 0 : i32
      %dma_start3A_1533 = tpu.memref_slice %arg18[%dma_start3A_1530, %dma_start3A_1531, %dma_start3A_1532] : memref<3x32x128xf32, #tpu.memory_space<vmem>> -> memref<1x32x128xf32, #tpu.memory_space<vmem>>
      %dma_start3A_1534 = tpu.memref_squeeze %dma_start3A_1533 : memref<1x32x128xf32, #tpu.memory_space<vmem>> -> memref<32x128xf32, #tpu.memory_space<vmem>>
      %dma_start3A_1535 = arith.constant 0 : i32
      %dma_start3A_1536 = tpu.memref_slice %arg6[%dma_start3A_1535, %multiple_of3A_1529] : memref<32x1000000xf32, #tpu.memory_space<hbm>> -> memref<32x128xf32, #tpu.memory_space<hbm>>
      %dma_start3A_1537 = arith.constant 0 : i32
      %dma_start3A_1538 = arith.constant 0 : i32
      %dma_start3A_1539 = tpu.memref_slice %arg18[%dma_start3A_1530, %dma_start3A_1537, %dma_start3A_1538] : memref<3x32x128xf32, #tpu.memory_space<vmem>> -> memref<1x32x128xf32, #tpu.memory_space<vmem>>
      %dma_start3A_1540 = tpu.memref_squeeze %dma_start3A_1539 : memref<1x32x128xf32, #tpu.memory_space<vmem>> -> memref<32x128xf32, #tpu.memory_space<vmem>>
      %dma_start3A_1541 = arith.constant 0 : i32
      %dma_start3A_1542 = tpu.memref_slice %arg6[%dma_start3A_1541, %multiple_of3A_1529] : memref<32x1000000xf32, #tpu.memory_space<hbm>> -> memref<32x128xf32, #tpu.memory_space<hbm>>
      tpu.enqueue_dma source(%dma_start3A_1542 : memref<32x128xf32, #tpu.memory_space<hbm>>) target(%dma_start3A_1540 : memref<32x128xf32, #tpu.memory_space<vmem>>) target_semaphore(%arg22 : memref<!tpu.dma_semaphore, #tpu.memory_space<semaphore_mem>>)
      %slice3A_1543 = vector.extract_strided_slice %get3A_59 {offsets = [14], sizes = [1], strides = [1]} : vector<16xi32> to vector<1xi32>
      %squeeze3A_1544 = vector.extract %slice3A_1543[0] : i32 from vector<1xi32>
      %shift_right_arithmetic3A_1545 = arith.constant 7 : i32
      %shift_right_arithmetic3A_1546 = arith.shrsi %squeeze3A_1544, %shift_right_arithmetic3A_1545 : i32
      %shift_left3A_1547 = arith.constant 7 : i32
      %shift_left3A_1548 = arith.shli %shift_right_arithmetic3A_1546, %shift_left3A_1547 : i32
      %multiple_of3A_1549 = tpu.assume_multiple %shift_left3A_1548, 128 : i32
      %dma_start3A_1550 = arith.constant 2 : i32
      %dma_start3A_1551 = arith.constant 0 : i32
      %dma_start3A_1552 = arith.constant 0 : i32
      %dma_start3A_1553 = tpu.memref_slice %arg18[%dma_start3A_1550, %dma_start3A_1551, %dma_start3A_1552] : memref<3x32x128xf32, #tpu.memory_space<vmem>> -> memref<1x32x128xf32, #tpu.memory_space<vmem>>
      %dma_start3A_1554 = tpu.memref_squeeze %dma_start3A_1553 : memref<1x32x128xf32, #tpu.memory_space<vmem>> -> memref<32x128xf32, #tpu.memory_space<vmem>>
      %dma_start3A_1555 = arith.constant 0 : i32
      %dma_start3A_1556 = tpu.memref_slice %arg6[%dma_start3A_1555, %multiple_of3A_1549] : memref<32x1000000xf32, #tpu.memory_space<hbm>> -> memref<32x128xf32, #tpu.memory_space<hbm>>
      %dma_start3A_1557 = arith.constant 0 : i32
      %dma_start3A_1558 = arith.constant 0 : i32
      %dma_start3A_1559 = tpu.memref_slice %arg18[%dma_start3A_1550, %dma_start3A_1557, %dma_start3A_1558] : memref<3x32x128xf32, #tpu.memory_space<vmem>> -> memref<1x32x128xf32, #tpu.memory_space<vmem>>
      %dma_start3A_1560 = tpu.memref_squeeze %dma_start3A_1559 : memref<1x32x128xf32, #tpu.memory_space<vmem>> -> memref<32x128xf32, #tpu.memory_space<vmem>>
      %dma_start3A_1561 = arith.constant 0 : i32
      %dma_start3A_1562 = tpu.memref_slice %arg6[%dma_start3A_1561, %multiple_of3A_1549] : memref<32x1000000xf32, #tpu.memory_space<hbm>> -> memref<32x128xf32, #tpu.memory_space<hbm>>
      tpu.enqueue_dma source(%dma_start3A_1562 : memref<32x128xf32, #tpu.memory_space<hbm>>) target(%dma_start3A_1560 : memref<32x128xf32, #tpu.memory_space<vmem>>) target_semaphore(%arg22 : memref<!tpu.dma_semaphore, #tpu.memory_space<semaphore_mem>>)
      %dma_wait3A_1563 = arith.constant 0 : i32
      %dma_wait3A_1564 = arith.constant 0 : i32
      %dma_wait3A_1565 = arith.constant 0 : i32
      %dma_wait3A_1566 = tpu.memref_slice %arg19[%dma_wait3A_1563, %dma_wait3A_1564, %dma_wait3A_1565] : memref<3x32x128xf32, #tpu.memory_space<vmem>> -> memref<1x32x128xf32, #tpu.memory_space<vmem>>
      %dma_wait3A_1567 = tpu.memref_squeeze %dma_wait3A_1566 : memref<1x32x128xf32, #tpu.memory_space<vmem>> -> memref<32x128xf32, #tpu.memory_space<vmem>>
      %dma_wait3A_1568 = arith.constant 0 : i32
      %dma_wait3A_1569 = tpu.memref_slice %arg5[%dma_wait3A_1568, %multiple_of3A_483] : memref<32x1000000xf32, #tpu.memory_space<hbm>> -> memref<32x128xf32, #tpu.memory_space<hbm>>
      %dma_wait3A_1570 = arith.constant 0 : i32
      %dma_wait3A_1571 = arith.constant 0 : i32
      %dma_wait3A_1572 = tpu.memref_slice %arg19[%dma_wait3A_1563, %dma_wait3A_1570, %dma_wait3A_1571] : memref<3x32x128xf32, #tpu.memory_space<vmem>> -> memref<1x32x128xf32, #tpu.memory_space<vmem>>
      %dma_wait3A_1573 = tpu.memref_squeeze %dma_wait3A_1572 : memref<1x32x128xf32, #tpu.memory_space<vmem>> -> memref<32x128xf32, #tpu.memory_space<vmem>>
      %dma_wait3A_1574 = arith.constant 0 : i32
      %dma_wait3A_1575 = tpu.memref_slice %arg5[%dma_wait3A_1574, %multiple_of3A_483] : memref<32x1000000xf32, #tpu.memory_space<hbm>> -> memref<32x128xf32, #tpu.memory_space<hbm>>
      tpu.wait_dma2 semaphore(%arg22 : memref<!tpu.dma_semaphore, #tpu.memory_space<semaphore_mem>>) src(%dma_wait3A_1575 : memref<32x128xf32, #tpu.memory_space<hbm>>) dst(%dma_wait3A_1573 : memref<32x128xf32, #tpu.memory_space<vmem>>)
      %dma_wait3A_1576 = arith.constant 1 : i32
      %dma_wait3A_1577 = arith.constant 0 : i32
      %dma_wait3A_1578 = arith.constant 0 : i32
      %dma_wait3A_1579 = tpu.memref_slice %arg19[%dma_wait3A_1576, %dma_wait3A_1577, %dma_wait3A_1578] : memref<3x32x128xf32, #tpu.memory_space<vmem>> -> memref<1x32x128xf32, #tpu.memory_space<vmem>>
      %dma_wait3A_1580 = tpu.memref_squeeze %dma_wait3A_1579 : memref<1x32x128xf32, #tpu.memory_space<vmem>> -> memref<32x128xf32, #tpu.memory_space<vmem>>
      %dma_wait3A_1581 = arith.constant 0 : i32
      %dma_wait3A_1582 = tpu.memref_slice %arg6[%dma_wait3A_1581, %multiple_of3A_503] : memref<32x1000000xf32, #tpu.memory_space<hbm>> -> memref<32x128xf32, #tpu.memory_space<hbm>>
      %dma_wait3A_1583 = arith.constant 0 : i32
      %dma_wait3A_1584 = arith.constant 0 : i32
      %dma_wait3A_1585 = tpu.memref_slice %arg19[%dma_wait3A_1576, %dma_wait3A_1583, %dma_wait3A_1584] : memref<3x32x128xf32, #tpu.memory_space<vmem>> -> memref<1x32x128xf32, #tpu.memory_space<vmem>>
      %dma_wait3A_1586 = tpu.memref_squeeze %dma_wait3A_1585 : memref<1x32x128xf32, #tpu.memory_space<vmem>> -> memref<32x128xf32, #tpu.memory_space<vmem>>
      %dma_wait3A_1587 = arith.constant 0 : i32
      %dma_wait3A_1588 = tpu.memref_slice %arg6[%dma_wait3A_1587, %multiple_of3A_503] : memref<32x1000000xf32, #tpu.memory_space<hbm>> -> memref<32x128xf32, #tpu.memory_space<hbm>>
      tpu.wait_dma2 semaphore(%arg22 : memref<!tpu.dma_semaphore, #tpu.memory_space<semaphore_mem>>) src(%dma_wait3A_1588 : memref<32x128xf32, #tpu.memory_space<hbm>>) dst(%dma_wait3A_1586 : memref<32x128xf32, #tpu.memory_space<vmem>>)
      %dma_wait3A_1589 = arith.constant 2 : i32
      %dma_wait3A_1590 = arith.constant 0 : i32
      %dma_wait3A_1591 = arith.constant 0 : i32
      %dma_wait3A_1592 = tpu.memref_slice %arg19[%dma_wait3A_1589, %dma_wait3A_1590, %dma_wait3A_1591] : memref<3x32x128xf32, #tpu.memory_space<vmem>> -> memref<1x32x128xf32, #tpu.memory_space<vmem>>
      %dma_wait3A_1593 = tpu.memref_squeeze %dma_wait3A_1592 : memref<1x32x128xf32, #tpu.memory_space<vmem>> -> memref<32x128xf32, #tpu.memory_space<vmem>>
      %dma_wait3A_1594 = arith.constant 0 : i32
      %dma_wait3A_1595 = tpu.memref_slice %arg6[%dma_wait3A_1594, %multiple_of3A_523] : memref<32x1000000xf32, #tpu.memory_space<hbm>> -> memref<32x128xf32, #tpu.memory_space<hbm>>
      %dma_wait3A_1596 = arith.constant 0 : i32
      %dma_wait3A_1597 = arith.constant 0 : i32
      %dma_wait3A_1598 = tpu.memref_slice %arg19[%dma_wait3A_1589, %dma_wait3A_1596, %dma_wait3A_1597] : memref<3x32x128xf32, #tpu.memory_space<vmem>> -> memref<1x32x128xf32, #tpu.memory_space<vmem>>
      %dma_wait3A_1599 = tpu.memref_squeeze %dma_wait3A_1598 : memref<1x32x128xf32, #tpu.memory_space<vmem>> -> memref<32x128xf32, #tpu.memory_space<vmem>>
      %dma_wait3A_1600 = arith.constant 0 : i32
      %dma_wait3A_1601 = tpu.memref_slice %arg6[%dma_wait3A_1600, %multiple_of3A_523] : memref<32x1000000xf32, #tpu.memory_space<hbm>> -> memref<32x128xf32, #tpu.memory_space<hbm>>
      tpu.wait_dma2 semaphore(%arg22 : memref<!tpu.dma_semaphore, #tpu.memory_space<semaphore_mem>>) src(%dma_wait3A_1601 : memref<32x128xf32, #tpu.memory_space<hbm>>) dst(%dma_wait3A_1599 : memref<32x128xf32, #tpu.memory_space<vmem>>)
      %broadcast_in_dim3A_1602 = arith.constant 0 : i32
      %broadcast_in_dim3A_1603 = vector.broadcast %broadcast_in_dim3A_1602 : i32 to vector<16xi32>
      %broadcast_in_dim3A_1604 = arith.constant 1 : i32
      %broadcast_in_dim3A_1605 = vector.broadcast %broadcast_in_dim3A_1604 : i32 to vector<16xi32>
      %broadcast_in_dim3A_1606 = arith.constant 2 : i32
      %broadcast_in_dim3A_1607 = vector.broadcast %broadcast_in_dim3A_1606 : i32 to vector<16xi32>
      %slice3A_1608 = vector.extract_strided_slice %get3A_53 {offsets = [7], sizes = [1], strides = [1]} : vector<16xi32> to vector<1xi32>
      %squeeze3A_1609 = vector.extract %slice3A_1608[0] : i32 from vector<1xi32>
      %and3A_1610 = arith.constant 127 : i32
      %and3A_1611 = arith.andi %squeeze3A_1609, %and3A_1610 : i32
      %broadcast_in_dim3A_1612 = vector.broadcast %and3A_1611 : i32 to vector<16xi32>
      %slice3A_1613 = vector.extract_strided_slice %get3A_56 {offsets = [7], sizes = [1], strides = [1]} : vector<16xi32> to vector<1xi32>
      %squeeze3A_1614 = vector.extract %slice3A_1613[0] : i32 from vector<1xi32>
      %and3A_1615 = arith.constant 127 : i32
      %and3A_1616 = arith.andi %squeeze3A_1614, %and3A_1615 : i32
      %broadcast_in_dim3A_1617 = vector.broadcast %and3A_1616 : i32 to vector<16xi32>
      %slice3A_1618 = vector.extract_strided_slice %get3A_59 {offsets = [7], sizes = [1], strides = [1]} : vector<16xi32> to vector<1xi32>
      %squeeze3A_1619 = vector.extract %slice3A_1618[0] : i32 from vector<1xi32>
      %and3A_1620 = arith.constant 127 : i32
      %and3A_1621 = arith.andi %squeeze3A_1619, %and3A_1620 : i32
      %broadcast_in_dim3A_1622 = vector.broadcast %and3A_1621 : i32 to vector<16xi32>
      %gather3A_1623 = tpu.vector_load_idx %arg19[%broadcast_in_dim3A_1603, %iota3A, %broadcast_in_dim3A_1612] : memref<3x32x128xf32, #tpu.memory_space<vmem>>[vector<16xi32>, vector<16xi32>, vector<16xi32>], vector<16xf32>,
      %gather3A_1624 = tpu.vector_load_idx %arg19[%broadcast_in_dim3A_1603, %add3A_11, %broadcast_in_dim3A_1612] : memref<3x32x128xf32, #tpu.memory_space<vmem>>[vector<16xi32>, vector<16xi32>, vector<16xi32>], vector<16xf32>,
      %gather3A_1625 = tpu.vector_load_idx %arg19[%broadcast_in_dim3A_1605, %iota3A, %broadcast_in_dim3A_1617] : memref<3x32x128xf32, #tpu.memory_space<vmem>>[vector<16xi32>, vector<16xi32>, vector<16xi32>], vector<16xf32>,
      %gather3A_1626 = tpu.vector_load_idx %arg19[%broadcast_in_dim3A_1605, %add3A_11, %broadcast_in_dim3A_1617] : memref<3x32x128xf32, #tpu.memory_space<vmem>>[vector<16xi32>, vector<16xi32>, vector<16xi32>], vector<16xf32>,
      %gather3A_1627 = tpu.vector_load_idx %arg19[%broadcast_in_dim3A_1607, %iota3A, %broadcast_in_dim3A_1622] : memref<3x32x128xf32, #tpu.memory_space<vmem>>[vector<16xi32>, vector<16xi32>, vector<16xi32>], vector<16xf32>,
      %gather3A_1628 = tpu.vector_load_idx %arg19[%broadcast_in_dim3A_1607, %add3A_11, %broadcast_in_dim3A_1622] : memref<3x32x128xf32, #tpu.memory_space<vmem>>[vector<16xi32>, vector<16xi32>, vector<16xi32>], vector<16xf32>,
      %mul3A_1629 = arith.mulf %gather3A_1623, %gather3A_1625 : vector<16xf32>
      %mul3A_1630 = arith.mulf %gather3A_1624, %gather3A_1626 : vector<16xf32>
      %add3A_1631 = arith.addf %mul3A_1629, %mul3A_1630 : vector<16xf32>
      %reduce_sum3A_1632 = arith.constant true
      %reduce_sum3A_1633 = vector.broadcast %reduce_sum3A_1632 : i1 to vector<16xi1>
      %reduce_sum3A_1634 = tpu.scan <sum>, %add3A_1631 masked %reduce_sum3A_1633 : vector<16xf32>, vector<16xi1> -> vector<16xf32>
      %reduce_sum3A_1635 = vector.extract %reduce_sum3A_1634[15] : f32 from vector<16xf32>
      %mul3A_1636 = arith.mulf %gather3A_1623, %gather3A_1627 : vector<16xf32>
      %mul3A_1637 = arith.mulf %gather3A_1624, %gather3A_1628 : vector<16xf32>
      %add3A_1638 = arith.addf %mul3A_1636, %mul3A_1637 : vector<16xf32>
      %reduce_sum3A_1639 = arith.constant true
      %reduce_sum3A_1640 = vector.broadcast %reduce_sum3A_1639 : i1 to vector<16xi1>
      %reduce_sum3A_1641 = tpu.scan <sum>, %add3A_1638 masked %reduce_sum3A_1640 : vector<16xf32>, vector<16xi1> -> vector<16xf32>
      %reduce_sum3A_1642 = vector.extract %reduce_sum3A_1641[15] : f32 from vector<16xf32>
      %eq3A_1643 = arith.constant 7 : i32
      %eq3A_1644 = vector.broadcast %eq3A_1643 : i32 to vector<16xi32>
      %eq3A_1645 = arith.cmpi eq, %iota3A, %eq3A_1644 : vector<16xi32>
      %broadcast_in_dim3A_1646 = vector.broadcast %reduce_sum3A_1635 : f32 to vector<16xf32>
      %select_n3A_1647 = arith.select %eq3A_1645, %broadcast_in_dim3A_1646, %select_n3A_1500 : vector<16xi1>, vector<16xf32>
      %broadcast_in_dim3A_1648 = vector.broadcast %reduce_sum3A_1642 : f32 to vector<16xf32>
      %select_n3A_1649 = arith.select %eq3A_1645, %broadcast_in_dim3A_1648, %select_n3A_1502 : vector<16xi1>, vector<16xf32>
      %slice3A_1650 = vector.extract_strided_slice %get3A_53 {offsets = [15], sizes = [1], strides = [1]} : vector<16xi32> to vector<1xi32>
      %squeeze3A_1651 = vector.extract %slice3A_1650[0] : i32 from vector<1xi32>
      %shift_right_arithmetic3A_1652 = arith.constant 7 : i32
      %shift_right_arithmetic3A_1653 = arith.shrsi %squeeze3A_1651, %shift_right_arithmetic3A_1652 : i32
      %shift_left3A_1654 = arith.constant 7 : i32
      %shift_left3A_1655 = arith.shli %shift_right_arithmetic3A_1653, %shift_left3A_1654 : i32
      %multiple_of3A_1656 = tpu.assume_multiple %shift_left3A_1655, 128 : i32
      %dma_start3A_1657 = arith.constant 0 : i32
      %dma_start3A_1658 = arith.constant 0 : i32
      %dma_start3A_1659 = arith.constant 0 : i32
      %dma_start3A_1660 = tpu.memref_slice %arg19[%dma_start3A_1657, %dma_start3A_1658, %dma_start3A_1659] : memref<3x32x128xf32, #tpu.memory_space<vmem>> -> memref<1x32x128xf32, #tpu.memory_space<vmem>>
      %dma_start3A_1661 = tpu.memref_squeeze %dma_start3A_1660 : memref<1x32x128xf32, #tpu.memory_space<vmem>> -> memref<32x128xf32, #tpu.memory_space<vmem>>
      %dma_start3A_1662 = arith.constant 0 : i32
      %dma_start3A_1663 = tpu.memref_slice %arg5[%dma_start3A_1662, %multiple_of3A_1656] : memref<32x1000000xf32, #tpu.memory_space<hbm>> -> memref<32x128xf32, #tpu.memory_space<hbm>>
      %dma_start3A_1664 = arith.constant 0 : i32
      %dma_start3A_1665 = arith.constant 0 : i32
      %dma_start3A_1666 = tpu.memref_slice %arg19[%dma_start3A_1657, %dma_start3A_1664, %dma_start3A_1665] : memref<3x32x128xf32, #tpu.memory_space<vmem>> -> memref<1x32x128xf32, #tpu.memory_space<vmem>>
      %dma_start3A_1667 = tpu.memref_squeeze %dma_start3A_1666 : memref<1x32x128xf32, #tpu.memory_space<vmem>> -> memref<32x128xf32, #tpu.memory_space<vmem>>
      %dma_start3A_1668 = arith.constant 0 : i32
      %dma_start3A_1669 = tpu.memref_slice %arg5[%dma_start3A_1668, %multiple_of3A_1656] : memref<32x1000000xf32, #tpu.memory_space<hbm>> -> memref<32x128xf32, #tpu.memory_space<hbm>>
      tpu.enqueue_dma source(%dma_start3A_1669 : memref<32x128xf32, #tpu.memory_space<hbm>>) target(%dma_start3A_1667 : memref<32x128xf32, #tpu.memory_space<vmem>>) target_semaphore(%arg22 : memref<!tpu.dma_semaphore, #tpu.memory_space<semaphore_mem>>)
      %slice3A_1670 = vector.extract_strided_slice %get3A_56 {offsets = [15], sizes = [1], strides = [1]} : vector<16xi32> to vector<1xi32>
      %squeeze3A_1671 = vector.extract %slice3A_1670[0] : i32 from vector<1xi32>
      %shift_right_arithmetic3A_1672 = arith.constant 7 : i32
      %shift_right_arithmetic3A_1673 = arith.shrsi %squeeze3A_1671, %shift_right_arithmetic3A_1672 : i32
      %shift_left3A_1674 = arith.constant 7 : i32
      %shift_left3A_1675 = arith.shli %shift_right_arithmetic3A_1673, %shift_left3A_1674 : i32
      %multiple_of3A_1676 = tpu.assume_multiple %shift_left3A_1675, 128 : i32
      %dma_start3A_1677 = arith.constant 1 : i32
      %dma_start3A_1678 = arith.constant 0 : i32
      %dma_start3A_1679 = arith.constant 0 : i32
      %dma_start3A_1680 = tpu.memref_slice %arg19[%dma_start3A_1677, %dma_start3A_1678, %dma_start3A_1679] : memref<3x32x128xf32, #tpu.memory_space<vmem>> -> memref<1x32x128xf32, #tpu.memory_space<vmem>>
      %dma_start3A_1681 = tpu.memref_squeeze %dma_start3A_1680 : memref<1x32x128xf32, #tpu.memory_space<vmem>> -> memref<32x128xf32, #tpu.memory_space<vmem>>
      %dma_start3A_1682 = arith.constant 0 : i32
      %dma_start3A_1683 = tpu.memref_slice %arg6[%dma_start3A_1682, %multiple_of3A_1676] : memref<32x1000000xf32, #tpu.memory_space<hbm>> -> memref<32x128xf32, #tpu.memory_space<hbm>>
      %dma_start3A_1684 = arith.constant 0 : i32
      %dma_start3A_1685 = arith.constant 0 : i32
      %dma_start3A_1686 = tpu.memref_slice %arg19[%dma_start3A_1677, %dma_start3A_1684, %dma_start3A_1685] : memref<3x32x128xf32, #tpu.memory_space<vmem>> -> memref<1x32x128xf32, #tpu.memory_space<vmem>>
      %dma_start3A_1687 = tpu.memref_squeeze %dma_start3A_1686 : memref<1x32x128xf32, #tpu.memory_space<vmem>> -> memref<32x128xf32, #tpu.memory_space<vmem>>
      %dma_start3A_1688 = arith.constant 0 : i32
      %dma_start3A_1689 = tpu.memref_slice %arg6[%dma_start3A_1688, %multiple_of3A_1676] : memref<32x1000000xf32, #tpu.memory_space<hbm>> -> memref<32x128xf32, #tpu.memory_space<hbm>>
      tpu.enqueue_dma source(%dma_start3A_1689 : memref<32x128xf32, #tpu.memory_space<hbm>>) target(%dma_start3A_1687 : memref<32x128xf32, #tpu.memory_space<vmem>>) target_semaphore(%arg22 : memref<!tpu.dma_semaphore, #tpu.memory_space<semaphore_mem>>)
      %slice3A_1690 = vector.extract_strided_slice %get3A_59 {offsets = [15], sizes = [1], strides = [1]} : vector<16xi32> to vector<1xi32>
      %squeeze3A_1691 = vector.extract %slice3A_1690[0] : i32 from vector<1xi32>
      %shift_right_arithmetic3A_1692 = arith.constant 7 : i32
      %shift_right_arithmetic3A_1693 = arith.shrsi %squeeze3A_1691, %shift_right_arithmetic3A_1692 : i32
      %shift_left3A_1694 = arith.constant 7 : i32
      %shift_left3A_1695 = arith.shli %shift_right_arithmetic3A_1693, %shift_left3A_1694 : i32
      %multiple_of3A_1696 = tpu.assume_multiple %shift_left3A_1695, 128 : i32
      %dma_start3A_1697 = arith.constant 2 : i32
      %dma_start3A_1698 = arith.constant 0 : i32
      %dma_start3A_1699 = arith.constant 0 : i32
      %dma_start3A_1700 = tpu.memref_slice %arg19[%dma_start3A_1697, %dma_start3A_1698, %dma_start3A_1699] : memref<3x32x128xf32, #tpu.memory_space<vmem>> -> memref<1x32x128xf32, #tpu.memory_space<vmem>>
      %dma_start3A_1701 = tpu.memref_squeeze %dma_start3A_1700 : memref<1x32x128xf32, #tpu.memory_space<vmem>> -> memref<32x128xf32, #tpu.memory_space<vmem>>
      %dma_start3A_1702 = arith.constant 0 : i32
      %dma_start3A_1703 = tpu.memref_slice %arg6[%dma_start3A_1702, %multiple_of3A_1696] : memref<32x1000000xf32, #tpu.memory_space<hbm>> -> memref<32x128xf32, #tpu.memory_space<hbm>>
      %dma_start3A_1704 = arith.constant 0 : i32
      %dma_start3A_1705 = arith.constant 0 : i32
      %dma_start3A_1706 = tpu.memref_slice %arg19[%dma_start3A_1697, %dma_start3A_1704, %dma_start3A_1705] : memref<3x32x128xf32, #tpu.memory_space<vmem>> -> memref<1x32x128xf32, #tpu.memory_space<vmem>>
      %dma_start3A_1707 = tpu.memref_squeeze %dma_start3A_1706 : memref<1x32x128xf32, #tpu.memory_space<vmem>> -> memref<32x128xf32, #tpu.memory_space<vmem>>
      %dma_start3A_1708 = arith.constant 0 : i32
      %dma_start3A_1709 = tpu.memref_slice %arg6[%dma_start3A_1708, %multiple_of3A_1696] : memref<32x1000000xf32, #tpu.memory_space<hbm>> -> memref<32x128xf32, #tpu.memory_space<hbm>>
      tpu.enqueue_dma source(%dma_start3A_1709 : memref<32x128xf32, #tpu.memory_space<hbm>>) target(%dma_start3A_1707 : memref<32x128xf32, #tpu.memory_space<vmem>>) target_semaphore(%arg22 : memref<!tpu.dma_semaphore, #tpu.memory_space<semaphore_mem>>)
      %dma_wait3A_1710 = arith.constant 0 : i32
      %dma_wait3A_1711 = arith.constant 0 : i32
      %dma_wait3A_1712 = arith.constant 0 : i32
      %dma_wait3A_1713 = tpu.memref_slice %arg12[%dma_wait3A_1710, %dma_wait3A_1711, %dma_wait3A_1712] : memref<3x32x128xf32, #tpu.memory_space<vmem>> -> memref<1x32x128xf32, #tpu.memory_space<vmem>>
      %dma_wait3A_1714 = tpu.memref_squeeze %dma_wait3A_1713 : memref<1x32x128xf32, #tpu.memory_space<vmem>> -> memref<32x128xf32, #tpu.memory_space<vmem>>
      %dma_wait3A_1715 = arith.constant 0 : i32
      %dma_wait3A_1716 = tpu.memref_slice %arg5[%dma_wait3A_1715, %multiple_of3A_627] : memref<32x1000000xf32, #tpu.memory_space<hbm>> -> memref<32x128xf32, #tpu.memory_space<hbm>>
      %dma_wait3A_1717 = arith.constant 0 : i32
      %dma_wait3A_1718 = arith.constant 0 : i32
      %dma_wait3A_1719 = tpu.memref_slice %arg12[%dma_wait3A_1710, %dma_wait3A_1717, %dma_wait3A_1718] : memref<3x32x128xf32, #tpu.memory_space<vmem>> -> memref<1x32x128xf32, #tpu.memory_space<vmem>>
      %dma_wait3A_1720 = tpu.memref_squeeze %dma_wait3A_1719 : memref<1x32x128xf32, #tpu.memory_space<vmem>> -> memref<32x128xf32, #tpu.memory_space<vmem>>
      %dma_wait3A_1721 = arith.constant 0 : i32
      %dma_wait3A_1722 = tpu.memref_slice %arg5[%dma_wait3A_1721, %multiple_of3A_627] : memref<32x1000000xf32, #tpu.memory_space<hbm>> -> memref<32x128xf32, #tpu.memory_space<hbm>>
      tpu.wait_dma2 semaphore(%arg22 : memref<!tpu.dma_semaphore, #tpu.memory_space<semaphore_mem>>) src(%dma_wait3A_1722 : memref<32x128xf32, #tpu.memory_space<hbm>>) dst(%dma_wait3A_1720 : memref<32x128xf32, #tpu.memory_space<vmem>>)
      %dma_wait3A_1723 = arith.constant 1 : i32
      %dma_wait3A_1724 = arith.constant 0 : i32
      %dma_wait3A_1725 = arith.constant 0 : i32
      %dma_wait3A_1726 = tpu.memref_slice %arg12[%dma_wait3A_1723, %dma_wait3A_1724, %dma_wait3A_1725] : memref<3x32x128xf32, #tpu.memory_space<vmem>> -> memref<1x32x128xf32, #tpu.memory_space<vmem>>
      %dma_wait3A_1727 = tpu.memref_squeeze %dma_wait3A_1726 : memref<1x32x128xf32, #tpu.memory_space<vmem>> -> memref<32x128xf32, #tpu.memory_space<vmem>>
      %dma_wait3A_1728 = arith.constant 0 : i32
      %dma_wait3A_1729 = tpu.memref_slice %arg6[%dma_wait3A_1728, %multiple_of3A_647] : memref<32x1000000xf32, #tpu.memory_space<hbm>> -> memref<32x128xf32, #tpu.memory_space<hbm>>
      %dma_wait3A_1730 = arith.constant 0 : i32
      %dma_wait3A_1731 = arith.constant 0 : i32
      %dma_wait3A_1732 = tpu.memref_slice %arg12[%dma_wait3A_1723, %dma_wait3A_1730, %dma_wait3A_1731] : memref<3x32x128xf32, #tpu.memory_space<vmem>> -> memref<1x32x128xf32, #tpu.memory_space<vmem>>
      %dma_wait3A_1733 = tpu.memref_squeeze %dma_wait3A_1732 : memref<1x32x128xf32, #tpu.memory_space<vmem>> -> memref<32x128xf32, #tpu.memory_space<vmem>>
      %dma_wait3A_1734 = arith.constant 0 : i32
      %dma_wait3A_1735 = tpu.memref_slice %arg6[%dma_wait3A_1734, %multiple_of3A_647] : memref<32x1000000xf32, #tpu.memory_space<hbm>> -> memref<32x128xf32, #tpu.memory_space<hbm>>
      tpu.wait_dma2 semaphore(%arg22 : memref<!tpu.dma_semaphore, #tpu.memory_space<semaphore_mem>>) src(%dma_wait3A_1735 : memref<32x128xf32, #tpu.memory_space<hbm>>) dst(%dma_wait3A_1733 : memref<32x128xf32, #tpu.memory_space<vmem>>)
      %dma_wait3A_1736 = arith.constant 2 : i32
      %dma_wait3A_1737 = arith.constant 0 : i32
      %dma_wait3A_1738 = arith.constant 0 : i32
      %dma_wait3A_1739 = tpu.memref_slice %arg12[%dma_wait3A_1736, %dma_wait3A_1737, %dma_wait3A_1738] : memref<3x32x128xf32, #tpu.memory_space<vmem>> -> memref<1x32x128xf32, #tpu.memory_space<vmem>>
      %dma_wait3A_1740 = tpu.memref_squeeze %dma_wait3A_1739 : memref<1x32x128xf32, #tpu.memory_space<vmem>> -> memref<32x128xf32, #tpu.memory_space<vmem>>
      %dma_wait3A_1741 = arith.constant 0 : i32
      %dma_wait3A_1742 = tpu.memref_slice %arg6[%dma_wait3A_1741, %multiple_of3A_667] : memref<32x1000000xf32, #tpu.memory_space<hbm>> -> memref<32x128xf32, #tpu.memory_space<hbm>>
      %dma_wait3A_1743 = arith.constant 0 : i32
      %dma_wait3A_1744 = arith.constant 0 : i32
      %dma_wait3A_1745 = tpu.memref_slice %arg12[%dma_wait3A_1736, %dma_wait3A_1743, %dma_wait3A_1744] : memref<3x32x128xf32, #tpu.memory_space<vmem>> -> memref<1x32x128xf32, #tpu.memory_space<vmem>>
      %dma_wait3A_1746 = tpu.memref_squeeze %dma_wait3A_1745 : memref<1x32x128xf32, #tpu.memory_space<vmem>> -> memref<32x128xf32, #tpu.memory_space<vmem>>
      %dma_wait3A_1747 = arith.constant 0 : i32
      %dma_wait3A_1748 = tpu.memref_slice %arg6[%dma_wait3A_1747, %multiple_of3A_667] : memref<32x1000000xf32, #tpu.memory_space<hbm>> -> memref<32x128xf32, #tpu.memory_space<hbm>>
      tpu.wait_dma2 semaphore(%arg22 : memref<!tpu.dma_semaphore, #tpu.memory_space<semaphore_mem>>) src(%dma_wait3A_1748 : memref<32x128xf32, #tpu.memory_space<hbm>>) dst(%dma_wait3A_1746 : memref<32x128xf32, #tpu.memory_space<vmem>>)
      %broadcast_in_dim3A_1749 = arith.constant 0 : i32
      %broadcast_in_dim3A_1750 = vector.broadcast %broadcast_in_dim3A_1749 : i32 to vector<16xi32>
      %broadcast_in_dim3A_1751 = arith.constant 1 : i32
      %broadcast_in_dim3A_1752 = vector.broadcast %broadcast_in_dim3A_1751 : i32 to vector<16xi32>
      %broadcast_in_dim3A_1753 = arith.constant 2 : i32
      %broadcast_in_dim3A_1754 = vector.broadcast %broadcast_in_dim3A_1753 : i32 to vector<16xi32>
      %slice3A_1755 = vector.extract_strided_slice %get3A_53 {offsets = [8], sizes = [1], strides = [1]} : vector<16xi32> to vector<1xi32>
      %squeeze3A_1756 = vector.extract %slice3A_1755[0] : i32 from vector<1xi32>
      %and3A_1757 = arith.constant 127 : i32
      %and3A_1758 = arith.andi %squeeze3A_1756, %and3A_1757 : i32
      %broadcast_in_dim3A_1759 = vector.broadcast %and3A_1758 : i32 to vector<16xi32>
      %slice3A_1760 = vector.extract_strided_slice %get3A_56 {offsets = [8], sizes = [1], strides = [1]} : vector<16xi32> to vector<1xi32>
      %squeeze3A_1761 = vector.extract %slice3A_1760[0] : i32 from vector<1xi32>
      %and3A_1762 = arith.constant 127 : i32
      %and3A_1763 = arith.andi %squeeze3A_1761, %and3A_1762 : i32
      %broadcast_in_dim3A_1764 = vector.broadcast %and3A_1763 : i32 to vector<16xi32>
      %slice3A_1765 = vector.extract_strided_slice %get3A_59 {offsets = [8], sizes = [1], strides = [1]} : vector<16xi32> to vector<1xi32>
      %squeeze3A_1766 = vector.extract %slice3A_1765[0] : i32 from vector<1xi32>
      %and3A_1767 = arith.constant 127 : i32
      %and3A_1768 = arith.andi %squeeze3A_1766, %and3A_1767 : i32
      %broadcast_in_dim3A_1769 = vector.broadcast %and3A_1768 : i32 to vector<16xi32>
      %gather3A_1770 = tpu.vector_load_idx %arg12[%broadcast_in_dim3A_1750, %iota3A, %broadcast_in_dim3A_1759] : memref<3x32x128xf32, #tpu.memory_space<vmem>>[vector<16xi32>, vector<16xi32>, vector<16xi32>], vector<16xf32>,
      %gather3A_1771 = tpu.vector_load_idx %arg12[%broadcast_in_dim3A_1750, %add3A_11, %broadcast_in_dim3A_1759] : memref<3x32x128xf32, #tpu.memory_space<vmem>>[vector<16xi32>, vector<16xi32>, vector<16xi32>], vector<16xf32>,
      %gather3A_1772 = tpu.vector_load_idx %arg12[%broadcast_in_dim3A_1752, %iota3A, %broadcast_in_dim3A_1764] : memref<3x32x128xf32, #tpu.memory_space<vmem>>[vector<16xi32>, vector<16xi32>, vector<16xi32>], vector<16xf32>,
      %gather3A_1773 = tpu.vector_load_idx %arg12[%broadcast_in_dim3A_1752, %add3A_11, %broadcast_in_dim3A_1764] : memref<3x32x128xf32, #tpu.memory_space<vmem>>[vector<16xi32>, vector<16xi32>, vector<16xi32>], vector<16xf32>,
      %gather3A_1774 = tpu.vector_load_idx %arg12[%broadcast_in_dim3A_1754, %iota3A, %broadcast_in_dim3A_1769] : memref<3x32x128xf32, #tpu.memory_space<vmem>>[vector<16xi32>, vector<16xi32>, vector<16xi32>], vector<16xf32>,
      %gather3A_1775 = tpu.vector_load_idx %arg12[%broadcast_in_dim3A_1754, %add3A_11, %broadcast_in_dim3A_1769] : memref<3x32x128xf32, #tpu.memory_space<vmem>>[vector<16xi32>, vector<16xi32>, vector<16xi32>], vector<16xf32>,
      %mul3A_1776 = arith.mulf %gather3A_1770, %gather3A_1772 : vector<16xf32>
      %mul3A_1777 = arith.mulf %gather3A_1771, %gather3A_1773 : vector<16xf32>
      %add3A_1778 = arith.addf %mul3A_1776, %mul3A_1777 : vector<16xf32>
      %reduce_sum3A_1779 = arith.constant true
      %reduce_sum3A_1780 = vector.broadcast %reduce_sum3A_1779 : i1 to vector<16xi1>
      %reduce_sum3A_1781 = tpu.scan <sum>, %add3A_1778 masked %reduce_sum3A_1780 : vector<16xf32>, vector<16xi1> -> vector<16xf32>
      %reduce_sum3A_1782 = vector.extract %reduce_sum3A_1781[15] : f32 from vector<16xf32>
      %mul3A_1783 = arith.mulf %gather3A_1770, %gather3A_1774 : vector<16xf32>
      %mul3A_1784 = arith.mulf %gather3A_1771, %gather3A_1775 : vector<16xf32>
      %add3A_1785 = arith.addf %mul3A_1783, %mul3A_1784 : vector<16xf32>
      %reduce_sum3A_1786 = arith.constant true
      %reduce_sum3A_1787 = vector.broadcast %reduce_sum3A_1786 : i1 to vector<16xi1>
      %reduce_sum3A_1788 = tpu.scan <sum>, %add3A_1785 masked %reduce_sum3A_1787 : vector<16xf32>, vector<16xi1> -> vector<16xf32>
      %reduce_sum3A_1789 = vector.extract %reduce_sum3A_1788[15] : f32 from vector<16xf32>
      %eq3A_1790 = arith.constant 8 : i32
      %eq3A_1791 = vector.broadcast %eq3A_1790 : i32 to vector<16xi32>
      %eq3A_1792 = arith.cmpi eq, %iota3A, %eq3A_1791 : vector<16xi32>
      %broadcast_in_dim3A_1793 = vector.broadcast %reduce_sum3A_1782 : f32 to vector<16xf32>
      %select_n3A_1794 = arith.select %eq3A_1792, %broadcast_in_dim3A_1793, %select_n3A_1647 : vector<16xi1>, vector<16xf32>
      %broadcast_in_dim3A_1795 = vector.broadcast %reduce_sum3A_1789 : f32 to vector<16xf32>
      %select_n3A_1796 = arith.select %eq3A_1792, %broadcast_in_dim3A_1795, %select_n3A_1649 : vector<16xi1>, vector<16xf32>
      %dma_wait3A_1797 = arith.constant 0 : i32
      %dma_wait3A_1798 = arith.constant 0 : i32
      %dma_wait3A_1799 = arith.constant 0 : i32
      %dma_wait3A_1800 = tpu.memref_slice %arg13[%dma_wait3A_1797, %dma_wait3A_1798, %dma_wait3A_1799] : memref<3x32x128xf32, #tpu.memory_space<vmem>> -> memref<1x32x128xf32, #tpu.memory_space<vmem>>
      %dma_wait3A_1801 = tpu.memref_squeeze %dma_wait3A_1800 : memref<1x32x128xf32, #tpu.memory_space<vmem>> -> memref<32x128xf32, #tpu.memory_space<vmem>>
      %dma_wait3A_1802 = arith.constant 0 : i32
      %dma_wait3A_1803 = tpu.memref_slice %arg5[%dma_wait3A_1802, %multiple_of3A_774] : memref<32x1000000xf32, #tpu.memory_space<hbm>> -> memref<32x128xf32, #tpu.memory_space<hbm>>
      %dma_wait3A_1804 = arith.constant 0 : i32
      %dma_wait3A_1805 = arith.constant 0 : i32
      %dma_wait3A_1806 = tpu.memref_slice %arg13[%dma_wait3A_1797, %dma_wait3A_1804, %dma_wait3A_1805] : memref<3x32x128xf32, #tpu.memory_space<vmem>> -> memref<1x32x128xf32, #tpu.memory_space<vmem>>
      %dma_wait3A_1807 = tpu.memref_squeeze %dma_wait3A_1806 : memref<1x32x128xf32, #tpu.memory_space<vmem>> -> memref<32x128xf32, #tpu.memory_space<vmem>>
      %dma_wait3A_1808 = arith.constant 0 : i32
      %dma_wait3A_1809 = tpu.memref_slice %arg5[%dma_wait3A_1808, %multiple_of3A_774] : memref<32x1000000xf32, #tpu.memory_space<hbm>> -> memref<32x128xf32, #tpu.memory_space<hbm>>
      tpu.wait_dma2 semaphore(%arg22 : memref<!tpu.dma_semaphore, #tpu.memory_space<semaphore_mem>>) src(%dma_wait3A_1809 : memref<32x128xf32, #tpu.memory_space<hbm>>) dst(%dma_wait3A_1807 : memref<32x128xf32, #tpu.memory_space<vmem>>)
      %dma_wait3A_1810 = arith.constant 1 : i32
      %dma_wait3A_1811 = arith.constant 0 : i32
      %dma_wait3A_1812 = arith.constant 0 : i32
      %dma_wait3A_1813 = tpu.memref_slice %arg13[%dma_wait3A_1810, %dma_wait3A_1811, %dma_wait3A_1812] : memref<3x32x128xf32, #tpu.memory_space<vmem>> -> memref<1x32x128xf32, #tpu.memory_space<vmem>>
      %dma_wait3A_1814 = tpu.memref_squeeze %dma_wait3A_1813 : memref<1x32x128xf32, #tpu.memory_space<vmem>> -> memref<32x128xf32, #tpu.memory_space<vmem>>
      %dma_wait3A_1815 = arith.constant 0 : i32
      %dma_wait3A_1816 = tpu.memref_slice %arg6[%dma_wait3A_1815, %multiple_of3A_794] : memref<32x1000000xf32, #tpu.memory_space<hbm>> -> memref<32x128xf32, #tpu.memory_space<hbm>>
      %dma_wait3A_1817 = arith.constant 0 : i32
      %dma_wait3A_1818 = arith.constant 0 : i32
      %dma_wait3A_1819 = tpu.memref_slice %arg13[%dma_wait3A_1810, %dma_wait3A_1817, %dma_wait3A_1818] : memref<3x32x128xf32, #tpu.memory_space<vmem>> -> memref<1x32x128xf32, #tpu.memory_space<vmem>>
      %dma_wait3A_1820 = tpu.memref_squeeze %dma_wait3A_1819 : memref<1x32x128xf32, #tpu.memory_space<vmem>> -> memref<32x128xf32, #tpu.memory_space<vmem>>
      %dma_wait3A_1821 = arith.constant 0 : i32
      %dma_wait3A_1822 = tpu.memref_slice %arg6[%dma_wait3A_1821, %multiple_of3A_794] : memref<32x1000000xf32, #tpu.memory_space<hbm>> -> memref<32x128xf32, #tpu.memory_space<hbm>>
      tpu.wait_dma2 semaphore(%arg22 : memref<!tpu.dma_semaphore, #tpu.memory_space<semaphore_mem>>) src(%dma_wait3A_1822 : memref<32x128xf32, #tpu.memory_space<hbm>>) dst(%dma_wait3A_1820 : memref<32x128xf32, #tpu.memory_space<vmem>>)
      %dma_wait3A_1823 = arith.constant 2 : i32
      %dma_wait3A_1824 = arith.constant 0 : i32
      %dma_wait3A_1825 = arith.constant 0 : i32
      %dma_wait3A_1826 = tpu.memref_slice %arg13[%dma_wait3A_1823, %dma_wait3A_1824, %dma_wait3A_1825] : memref<3x32x128xf32, #tpu.memory_space<vmem>> -> memref<1x32x128xf32, #tpu.memory_space<vmem>>
      %dma_wait3A_1827 = tpu.memref_squeeze %dma_wait3A_1826 : memref<1x32x128xf32, #tpu.memory_space<vmem>> -> memref<32x128xf32, #tpu.memory_space<vmem>>
      %dma_wait3A_1828 = arith.constant 0 : i32
      %dma_wait3A_1829 = tpu.memref_slice %arg6[%dma_wait3A_1828, %multiple_of3A_814] : memref<32x1000000xf32, #tpu.memory_space<hbm>> -> memref<32x128xf32, #tpu.memory_space<hbm>>
      %dma_wait3A_1830 = arith.constant 0 : i32
      %dma_wait3A_1831 = arith.constant 0 : i32
      %dma_wait3A_1832 = tpu.memref_slice %arg13[%dma_wait3A_1823, %dma_wait3A_1830, %dma_wait3A_1831] : memref<3x32x128xf32, #tpu.memory_space<vmem>> -> memref<1x32x128xf32, #tpu.memory_space<vmem>>
      %dma_wait3A_1833 = tpu.memref_squeeze %dma_wait3A_1832 : memref<1x32x128xf32, #tpu.memory_space<vmem>> -> memref<32x128xf32, #tpu.memory_space<vmem>>
      %dma_wait3A_1834 = arith.constant 0 : i32
      %dma_wait3A_1835 = tpu.memref_slice %arg6[%dma_wait3A_1834, %multiple_of3A_814] : memref<32x1000000xf32, #tpu.memory_space<hbm>> -> memref<32x128xf32, #tpu.memory_space<hbm>>
      tpu.wait_dma2 semaphore(%arg22 : memref<!tpu.dma_semaphore, #tpu.memory_space<semaphore_mem>>) src(%dma_wait3A_1835 : memref<32x128xf32, #tpu.memory_space<hbm>>) dst(%dma_wait3A_1833 : memref<32x128xf32, #tpu.memory_space<vmem>>)
      %broadcast_in_dim3A_1836 = arith.constant 0 : i32
      %broadcast_in_dim3A_1837 = vector.broadcast %broadcast_in_dim3A_1836 : i32 to vector<16xi32>
      %broadcast_in_dim3A_1838 = arith.constant 1 : i32
      %broadcast_in_dim3A_1839 = vector.broadcast %broadcast_in_dim3A_1838 : i32 to vector<16xi32>
      %broadcast_in_dim3A_1840 = arith.constant 2 : i32
      %broadcast_in_dim3A_1841 = vector.broadcast %broadcast_in_dim3A_1840 : i32 to vector<16xi32>
      %slice3A_1842 = vector.extract_strided_slice %get3A_53 {offsets = [9], sizes = [1], strides = [1]} : vector<16xi32> to vector<1xi32>
      %squeeze3A_1843 = vector.extract %slice3A_1842[0] : i32 from vector<1xi32>
      %and3A_1844 = arith.constant 127 : i32
      %and3A_1845 = arith.andi %squeeze3A_1843, %and3A_1844 : i32
      %broadcast_in_dim3A_1846 = vector.broadcast %and3A_1845 : i32 to vector<16xi32>
      %slice3A_1847 = vector.extract_strided_slice %get3A_56 {offsets = [9], sizes = [1], strides = [1]} : vector<16xi32> to vector<1xi32>
      %squeeze3A_1848 = vector.extract %slice3A_1847[0] : i32 from vector<1xi32>
      %and3A_1849 = arith.constant 127 : i32
      %and3A_1850 = arith.andi %squeeze3A_1848, %and3A_1849 : i32
      %broadcast_in_dim3A_1851 = vector.broadcast %and3A_1850 : i32 to vector<16xi32>
      %slice3A_1852 = vector.extract_strided_slice %get3A_59 {offsets = [9], sizes = [1], strides = [1]} : vector<16xi32> to vector<1xi32>
      %squeeze3A_1853 = vector.extract %slice3A_1852[0] : i32 from vector<1xi32>
      %and3A_1854 = arith.constant 127 : i32
      %and3A_1855 = arith.andi %squeeze3A_1853, %and3A_1854 : i32
      %broadcast_in_dim3A_1856 = vector.broadcast %and3A_1855 : i32 to vector<16xi32>
      %gather3A_1857 = tpu.vector_load_idx %arg13[%broadcast_in_dim3A_1837, %iota3A, %broadcast_in_dim3A_1846] : memref<3x32x128xf32, #tpu.memory_space<vmem>>[vector<16xi32>, vector<16xi32>, vector<16xi32>], vector<16xf32>,
      %gather3A_1858 = tpu.vector_load_idx %arg13[%broadcast_in_dim3A_1837, %add3A_11, %broadcast_in_dim3A_1846] : memref<3x32x128xf32, #tpu.memory_space<vmem>>[vector<16xi32>, vector<16xi32>, vector<16xi32>], vector<16xf32>,
      %gather3A_1859 = tpu.vector_load_idx %arg13[%broadcast_in_dim3A_1839, %iota3A, %broadcast_in_dim3A_1851] : memref<3x32x128xf32, #tpu.memory_space<vmem>>[vector<16xi32>, vector<16xi32>, vector<16xi32>], vector<16xf32>,
      %gather3A_1860 = tpu.vector_load_idx %arg13[%broadcast_in_dim3A_1839, %add3A_11, %broadcast_in_dim3A_1851] : memref<3x32x128xf32, #tpu.memory_space<vmem>>[vector<16xi32>, vector<16xi32>, vector<16xi32>], vector<16xf32>,
      %gather3A_1861 = tpu.vector_load_idx %arg13[%broadcast_in_dim3A_1841, %iota3A, %broadcast_in_dim3A_1856] : memref<3x32x128xf32, #tpu.memory_space<vmem>>[vector<16xi32>, vector<16xi32>, vector<16xi32>], vector<16xf32>,
      %gather3A_1862 = tpu.vector_load_idx %arg13[%broadcast_in_dim3A_1841, %add3A_11, %broadcast_in_dim3A_1856] : memref<3x32x128xf32, #tpu.memory_space<vmem>>[vector<16xi32>, vector<16xi32>, vector<16xi32>], vector<16xf32>,
      %mul3A_1863 = arith.mulf %gather3A_1857, %gather3A_1859 : vector<16xf32>
      %mul3A_1864 = arith.mulf %gather3A_1858, %gather3A_1860 : vector<16xf32>
      %add3A_1865 = arith.addf %mul3A_1863, %mul3A_1864 : vector<16xf32>
      %reduce_sum3A_1866 = arith.constant true
      %reduce_sum3A_1867 = vector.broadcast %reduce_sum3A_1866 : i1 to vector<16xi1>
      %reduce_sum3A_1868 = tpu.scan <sum>, %add3A_1865 masked %reduce_sum3A_1867 : vector<16xf32>, vector<16xi1> -> vector<16xf32>
      %reduce_sum3A_1869 = vector.extract %reduce_sum3A_1868[15] : f32 from vector<16xf32>
      %mul3A_1870 = arith.mulf %gather3A_1857, %gather3A_1861 : vector<16xf32>
      %mul3A_1871 = arith.mulf %gather3A_1858, %gather3A_1862 : vector<16xf32>
      %add3A_1872 = arith.addf %mul3A_1870, %mul3A_1871 : vector<16xf32>
      %reduce_sum3A_1873 = arith.constant true
      %reduce_sum3A_1874 = vector.broadcast %reduce_sum3A_1873 : i1 to vector<16xi1>
      %reduce_sum3A_1875 = tpu.scan <sum>, %add3A_1872 masked %reduce_sum3A_1874 : vector<16xf32>, vector<16xi1> -> vector<16xf32>
      %reduce_sum3A_1876 = vector.extract %reduce_sum3A_1875[15] : f32 from vector<16xf32>
      %eq3A_1877 = arith.constant 9 : i32
      %eq3A_1878 = vector.broadcast %eq3A_1877 : i32 to vector<16xi32>
      %eq3A_1879 = arith.cmpi eq, %iota3A, %eq3A_1878 : vector<16xi32>
      %broadcast_in_dim3A_1880 = vector.broadcast %reduce_sum3A_1869 : f32 to vector<16xf32>
      %select_n3A_1881 = arith.select %eq3A_1879, %broadcast_in_dim3A_1880, %select_n3A_1794 : vector<16xi1>, vector<16xf32>
      %broadcast_in_dim3A_1882 = vector.broadcast %reduce_sum3A_1876 : f32 to vector<16xf32>
      %select_n3A_1883 = arith.select %eq3A_1879, %broadcast_in_dim3A_1882, %select_n3A_1796 : vector<16xi1>, vector<16xf32>
      %dma_wait3A_1884 = arith.constant 0 : i32
      %dma_wait3A_1885 = arith.constant 0 : i32
      %dma_wait3A_1886 = arith.constant 0 : i32
      %dma_wait3A_1887 = tpu.memref_slice %arg14[%dma_wait3A_1884, %dma_wait3A_1885, %dma_wait3A_1886] : memref<3x32x128xf32, #tpu.memory_space<vmem>> -> memref<1x32x128xf32, #tpu.memory_space<vmem>>
      %dma_wait3A_1888 = tpu.memref_squeeze %dma_wait3A_1887 : memref<1x32x128xf32, #tpu.memory_space<vmem>> -> memref<32x128xf32, #tpu.memory_space<vmem>>
      %dma_wait3A_1889 = arith.constant 0 : i32
      %dma_wait3A_1890 = tpu.memref_slice %arg5[%dma_wait3A_1889, %multiple_of3A_921] : memref<32x1000000xf32, #tpu.memory_space<hbm>> -> memref<32x128xf32, #tpu.memory_space<hbm>>
      %dma_wait3A_1891 = arith.constant 0 : i32
      %dma_wait3A_1892 = arith.constant 0 : i32
      %dma_wait3A_1893 = tpu.memref_slice %arg14[%dma_wait3A_1884, %dma_wait3A_1891, %dma_wait3A_1892] : memref<3x32x128xf32, #tpu.memory_space<vmem>> -> memref<1x32x128xf32, #tpu.memory_space<vmem>>
      %dma_wait3A_1894 = tpu.memref_squeeze %dma_wait3A_1893 : memref<1x32x128xf32, #tpu.memory_space<vmem>> -> memref<32x128xf32, #tpu.memory_space<vmem>>
      %dma_wait3A_1895 = arith.constant 0 : i32
      %dma_wait3A_1896 = tpu.memref_slice %arg5[%dma_wait3A_1895, %multiple_of3A_921] : memref<32x1000000xf32, #tpu.memory_space<hbm>> -> memref<32x128xf32, #tpu.memory_space<hbm>>
      tpu.wait_dma2 semaphore(%arg22 : memref<!tpu.dma_semaphore, #tpu.memory_space<semaphore_mem>>) src(%dma_wait3A_1896 : memref<32x128xf32, #tpu.memory_space<hbm>>) dst(%dma_wait3A_1894 : memref<32x128xf32, #tpu.memory_space<vmem>>)
      %dma_wait3A_1897 = arith.constant 1 : i32
      %dma_wait3A_1898 = arith.constant 0 : i32
      %dma_wait3A_1899 = arith.constant 0 : i32
      %dma_wait3A_1900 = tpu.memref_slice %arg14[%dma_wait3A_1897, %dma_wait3A_1898, %dma_wait3A_1899] : memref<3x32x128xf32, #tpu.memory_space<vmem>> -> memref<1x32x128xf32, #tpu.memory_space<vmem>>
      %dma_wait3A_1901 = tpu.memref_squeeze %dma_wait3A_1900 : memref<1x32x128xf32, #tpu.memory_space<vmem>> -> memref<32x128xf32, #tpu.memory_space<vmem>>
      %dma_wait3A_1902 = arith.constant 0 : i32
      %dma_wait3A_1903 = tpu.memref_slice %arg6[%dma_wait3A_1902, %multiple_of3A_941] : memref<32x1000000xf32, #tpu.memory_space<hbm>> -> memref<32x128xf32, #tpu.memory_space<hbm>>
      %dma_wait3A_1904 = arith.constant 0 : i32
      %dma_wait3A_1905 = arith.constant 0 : i32
      %dma_wait3A_1906 = tpu.memref_slice %arg14[%dma_wait3A_1897, %dma_wait3A_1904, %dma_wait3A_1905] : memref<3x32x128xf32, #tpu.memory_space<vmem>> -> memref<1x32x128xf32, #tpu.memory_space<vmem>>
      %dma_wait3A_1907 = tpu.memref_squeeze %dma_wait3A_1906 : memref<1x32x128xf32, #tpu.memory_space<vmem>> -> memref<32x128xf32, #tpu.memory_space<vmem>>
      %dma_wait3A_1908 = arith.constant 0 : i32
      %dma_wait3A_1909 = tpu.memref_slice %arg6[%dma_wait3A_1908, %multiple_of3A_941] : memref<32x1000000xf32, #tpu.memory_space<hbm>> -> memref<32x128xf32, #tpu.memory_space<hbm>>
      tpu.wait_dma2 semaphore(%arg22 : memref<!tpu.dma_semaphore, #tpu.memory_space<semaphore_mem>>) src(%dma_wait3A_1909 : memref<32x128xf32, #tpu.memory_space<hbm>>) dst(%dma_wait3A_1907 : memref<32x128xf32, #tpu.memory_space<vmem>>)
      %dma_wait3A_1910 = arith.constant 2 : i32
      %dma_wait3A_1911 = arith.constant 0 : i32
      %dma_wait3A_1912 = arith.constant 0 : i32
      %dma_wait3A_1913 = tpu.memref_slice %arg14[%dma_wait3A_1910, %dma_wait3A_1911, %dma_wait3A_1912] : memref<3x32x128xf32, #tpu.memory_space<vmem>> -> memref<1x32x128xf32, #tpu.memory_space<vmem>>
      %dma_wait3A_1914 = tpu.memref_squeeze %dma_wait3A_1913 : memref<1x32x128xf32, #tpu.memory_space<vmem>> -> memref<32x128xf32, #tpu.memory_space<vmem>>
      %dma_wait3A_1915 = arith.constant 0 : i32
      %dma_wait3A_1916 = tpu.memref_slice %arg6[%dma_wait3A_1915, %multiple_of3A_961] : memref<32x1000000xf32, #tpu.memory_space<hbm>> -> memref<32x128xf32, #tpu.memory_space<hbm>>
      %dma_wait3A_1917 = arith.constant 0 : i32
      %dma_wait3A_1918 = arith.constant 0 : i32
      %dma_wait3A_1919 = tpu.memref_slice %arg14[%dma_wait3A_1910, %dma_wait3A_1917, %dma_wait3A_1918] : memref<3x32x128xf32, #tpu.memory_space<vmem>> -> memref<1x32x128xf32, #tpu.memory_space<vmem>>
      %dma_wait3A_1920 = tpu.memref_squeeze %dma_wait3A_1919 : memref<1x32x128xf32, #tpu.memory_space<vmem>> -> memref<32x128xf32, #tpu.memory_space<vmem>>
      %dma_wait3A_1921 = arith.constant 0 : i32
      %dma_wait3A_1922 = tpu.memref_slice %arg6[%dma_wait3A_1921, %multiple_of3A_961] : memref<32x1000000xf32, #tpu.memory_space<hbm>> -> memref<32x128xf32, #tpu.memory_space<hbm>>
      tpu.wait_dma2 semaphore(%arg22 : memref<!tpu.dma_semaphore, #tpu.memory_space<semaphore_mem>>) src(%dma_wait3A_1922 : memref<32x128xf32, #tpu.memory_space<hbm>>) dst(%dma_wait3A_1920 : memref<32x128xf32, #tpu.memory_space<vmem>>)
      %broadcast_in_dim3A_1923 = arith.constant 0 : i32
      %broadcast_in_dim3A_1924 = vector.broadcast %broadcast_in_dim3A_1923 : i32 to vector<16xi32>
      %broadcast_in_dim3A_1925 = arith.constant 1 : i32
      %broadcast_in_dim3A_1926 = vector.broadcast %broadcast_in_dim3A_1925 : i32 to vector<16xi32>
      %broadcast_in_dim3A_1927 = arith.constant 2 : i32
      %broadcast_in_dim3A_1928 = vector.broadcast %broadcast_in_dim3A_1927 : i32 to vector<16xi32>
      %slice3A_1929 = vector.extract_strided_slice %get3A_53 {offsets = [10], sizes = [1], strides = [1]} : vector<16xi32> to vector<1xi32>
      %squeeze3A_1930 = vector.extract %slice3A_1929[0] : i32 from vector<1xi32>
      %and3A_1931 = arith.constant 127 : i32
      %and3A_1932 = arith.andi %squeeze3A_1930, %and3A_1931 : i32
      %broadcast_in_dim3A_1933 = vector.broadcast %and3A_1932 : i32 to vector<16xi32>
      %slice3A_1934 = vector.extract_strided_slice %get3A_56 {offsets = [10], sizes = [1], strides = [1]} : vector<16xi32> to vector<1xi32>
      %squeeze3A_1935 = vector.extract %slice3A_1934[0] : i32 from vector<1xi32>
      %and3A_1936 = arith.constant 127 : i32
      %and3A_1937 = arith.andi %squeeze3A_1935, %and3A_1936 : i32
      %broadcast_in_dim3A_1938 = vector.broadcast %and3A_1937 : i32 to vector<16xi32>
      %slice3A_1939 = vector.extract_strided_slice %get3A_59 {offsets = [10], sizes = [1], strides = [1]} : vector<16xi32> to vector<1xi32>
      %squeeze3A_1940 = vector.extract %slice3A_1939[0] : i32 from vector<1xi32>
      %and3A_1941 = arith.constant 127 : i32
      %and3A_1942 = arith.andi %squeeze3A_1940, %and3A_1941 : i32
      %broadcast_in_dim3A_1943 = vector.broadcast %and3A_1942 : i32 to vector<16xi32>
      %gather3A_1944 = tpu.vector_load_idx %arg14[%broadcast_in_dim3A_1924, %iota3A, %broadcast_in_dim3A_1933] : memref<3x32x128xf32, #tpu.memory_space<vmem>>[vector<16xi32>, vector<16xi32>, vector<16xi32>], vector<16xf32>,
      %gather3A_1945 = tpu.vector_load_idx %arg14[%broadcast_in_dim3A_1924, %add3A_11, %broadcast_in_dim3A_1933] : memref<3x32x128xf32, #tpu.memory_space<vmem>>[vector<16xi32>, vector<16xi32>, vector<16xi32>], vector<16xf32>,
      %gather3A_1946 = tpu.vector_load_idx %arg14[%broadcast_in_dim3A_1926, %iota3A, %broadcast_in_dim3A_1938] : memref<3x32x128xf32, #tpu.memory_space<vmem>>[vector<16xi32>, vector<16xi32>, vector<16xi32>], vector<16xf32>,
      %gather3A_1947 = tpu.vector_load_idx %arg14[%broadcast_in_dim3A_1926, %add3A_11, %broadcast_in_dim3A_1938] : memref<3x32x128xf32, #tpu.memory_space<vmem>>[vector<16xi32>, vector<16xi32>, vector<16xi32>], vector<16xf32>,
      %gather3A_1948 = tpu.vector_load_idx %arg14[%broadcast_in_dim3A_1928, %iota3A, %broadcast_in_dim3A_1943] : memref<3x32x128xf32, #tpu.memory_space<vmem>>[vector<16xi32>, vector<16xi32>, vector<16xi32>], vector<16xf32>,
      %gather3A_1949 = tpu.vector_load_idx %arg14[%broadcast_in_dim3A_1928, %add3A_11, %broadcast_in_dim3A_1943] : memref<3x32x128xf32, #tpu.memory_space<vmem>>[vector<16xi32>, vector<16xi32>, vector<16xi32>], vector<16xf32>,
      %mul3A_1950 = arith.mulf %gather3A_1944, %gather3A_1946 : vector<16xf32>
      %mul3A_1951 = arith.mulf %gather3A_1945, %gather3A_1947 : vector<16xf32>
      %add3A_1952 = arith.addf %mul3A_1950, %mul3A_1951 : vector<16xf32>
      %reduce_sum3A_1953 = arith.constant true
      %reduce_sum3A_1954 = vector.broadcast %reduce_sum3A_1953 : i1 to vector<16xi1>
      %reduce_sum3A_1955 = tpu.scan <sum>, %add3A_1952 masked %reduce_sum3A_1954 : vector<16xf32>, vector<16xi1> -> vector<16xf32>
      %reduce_sum3A_1956 = vector.extract %reduce_sum3A_1955[15] : f32 from vector<16xf32>
      %mul3A_1957 = arith.mulf %gather3A_1944, %gather3A_1948 : vector<16xf32>
      %mul3A_1958 = arith.mulf %gather3A_1945, %gather3A_1949 : vector<16xf32>
      %add3A_1959 = arith.addf %mul3A_1957, %mul3A_1958 : vector<16xf32>
      %reduce_sum3A_1960 = arith.constant true
      %reduce_sum3A_1961 = vector.broadcast %reduce_sum3A_1960 : i1 to vector<16xi1>
      %reduce_sum3A_1962 = tpu.scan <sum>, %add3A_1959 masked %reduce_sum3A_1961 : vector<16xf32>, vector<16xi1> -> vector<16xf32>
      %reduce_sum3A_1963 = vector.extract %reduce_sum3A_1962[15] : f32 from vector<16xf32>
      %eq3A_1964 = arith.constant 10 : i32
      %eq3A_1965 = vector.broadcast %eq3A_1964 : i32 to vector<16xi32>
      %eq3A_1966 = arith.cmpi eq, %iota3A, %eq3A_1965 : vector<16xi32>
      %broadcast_in_dim3A_1967 = vector.broadcast %reduce_sum3A_1956 : f32 to vector<16xf32>
      %select_n3A_1968 = arith.select %eq3A_1966, %broadcast_in_dim3A_1967, %select_n3A_1881 : vector<16xi1>, vector<16xf32>
      %broadcast_in_dim3A_1969 = vector.broadcast %reduce_sum3A_1963 : f32 to vector<16xf32>
      %select_n3A_1970 = arith.select %eq3A_1966, %broadcast_in_dim3A_1969, %select_n3A_1883 : vector<16xi1>, vector<16xf32>
      %dma_wait3A_1971 = arith.constant 0 : i32
      %dma_wait3A_1972 = arith.constant 0 : i32
      %dma_wait3A_1973 = arith.constant 0 : i32
      %dma_wait3A_1974 = tpu.memref_slice %arg15[%dma_wait3A_1971, %dma_wait3A_1972, %dma_wait3A_1973] : memref<3x32x128xf32, #tpu.memory_space<vmem>> -> memref<1x32x128xf32, #tpu.memory_space<vmem>>
      %dma_wait3A_1975 = tpu.memref_squeeze %dma_wait3A_1974 : memref<1x32x128xf32, #tpu.memory_space<vmem>> -> memref<32x128xf32, #tpu.memory_space<vmem>>
      %dma_wait3A_1976 = arith.constant 0 : i32
      %dma_wait3A_1977 = tpu.memref_slice %arg5[%dma_wait3A_1976, %multiple_of3A_1068] : memref<32x1000000xf32, #tpu.memory_space<hbm>> -> memref<32x128xf32, #tpu.memory_space<hbm>>
      %dma_wait3A_1978 = arith.constant 0 : i32
      %dma_wait3A_1979 = arith.constant 0 : i32
      %dma_wait3A_1980 = tpu.memref_slice %arg15[%dma_wait3A_1971, %dma_wait3A_1978, %dma_wait3A_1979] : memref<3x32x128xf32, #tpu.memory_space<vmem>> -> memref<1x32x128xf32, #tpu.memory_space<vmem>>
      %dma_wait3A_1981 = tpu.memref_squeeze %dma_wait3A_1980 : memref<1x32x128xf32, #tpu.memory_space<vmem>> -> memref<32x128xf32, #tpu.memory_space<vmem>>
      %dma_wait3A_1982 = arith.constant 0 : i32
      %dma_wait3A_1983 = tpu.memref_slice %arg5[%dma_wait3A_1982, %multiple_of3A_1068] : memref<32x1000000xf32, #tpu.memory_space<hbm>> -> memref<32x128xf32, #tpu.memory_space<hbm>>
      tpu.wait_dma2 semaphore(%arg22 : memref<!tpu.dma_semaphore, #tpu.memory_space<semaphore_mem>>) src(%dma_wait3A_1983 : memref<32x128xf32, #tpu.memory_space<hbm>>) dst(%dma_wait3A_1981 : memref<32x128xf32, #tpu.memory_space<vmem>>)
      %dma_wait3A_1984 = arith.constant 1 : i32
      %dma_wait3A_1985 = arith.constant 0 : i32
      %dma_wait3A_1986 = arith.constant 0 : i32
      %dma_wait3A_1987 = tpu.memref_slice %arg15[%dma_wait3A_1984, %dma_wait3A_1985, %dma_wait3A_1986] : memref<3x32x128xf32, #tpu.memory_space<vmem>> -> memref<1x32x128xf32, #tpu.memory_space<vmem>>
      %dma_wait3A_1988 = tpu.memref_squeeze %dma_wait3A_1987 : memref<1x32x128xf32, #tpu.memory_space<vmem>> -> memref<32x128xf32, #tpu.memory_space<vmem>>
      %dma_wait3A_1989 = arith.constant 0 : i32
      %dma_wait3A_1990 = tpu.memref_slice %arg6[%dma_wait3A_1989, %multiple_of3A_1088] : memref<32x1000000xf32, #tpu.memory_space<hbm>> -> memref<32x128xf32, #tpu.memory_space<hbm>>
      %dma_wait3A_1991 = arith.constant 0 : i32
      %dma_wait3A_1992 = arith.constant 0 : i32
      %dma_wait3A_1993 = tpu.memref_slice %arg15[%dma_wait3A_1984, %dma_wait3A_1991, %dma_wait3A_1992] : memref<3x32x128xf32, #tpu.memory_space<vmem>> -> memref<1x32x128xf32, #tpu.memory_space<vmem>>
      %dma_wait3A_1994 = tpu.memref_squeeze %dma_wait3A_1993 : memref<1x32x128xf32, #tpu.memory_space<vmem>> -> memref<32x128xf32, #tpu.memory_space<vmem>>
      %dma_wait3A_1995 = arith.constant 0 : i32
      %dma_wait3A_1996 = tpu.memref_slice %arg6[%dma_wait3A_1995, %multiple_of3A_1088] : memref<32x1000000xf32, #tpu.memory_space<hbm>> -> memref<32x128xf32, #tpu.memory_space<hbm>>
      tpu.wait_dma2 semaphore(%arg22 : memref<!tpu.dma_semaphore, #tpu.memory_space<semaphore_mem>>) src(%dma_wait3A_1996 : memref<32x128xf32, #tpu.memory_space<hbm>>) dst(%dma_wait3A_1994 : memref<32x128xf32, #tpu.memory_space<vmem>>)
      %dma_wait3A_1997 = arith.constant 2 : i32
      %dma_wait3A_1998 = arith.constant 0 : i32
      %dma_wait3A_1999 = arith.constant 0 : i32
      %dma_wait3A_2000 = tpu.memref_slice %arg15[%dma_wait3A_1997, %dma_wait3A_1998, %dma_wait3A_1999] : memref<3x32x128xf32, #tpu.memory_space<vmem>> -> memref<1x32x128xf32, #tpu.memory_space<vmem>>
      %dma_wait3A_2001 = tpu.memref_squeeze %dma_wait3A_2000 : memref<1x32x128xf32, #tpu.memory_space<vmem>> -> memref<32x128xf32, #tpu.memory_space<vmem>>
      %dma_wait3A_2002 = arith.constant 0 : i32
      %dma_wait3A_2003 = tpu.memref_slice %arg6[%dma_wait3A_2002, %multiple_of3A_1108] : memref<32x1000000xf32, #tpu.memory_space<hbm>> -> memref<32x128xf32, #tpu.memory_space<hbm>>
      %dma_wait3A_2004 = arith.constant 0 : i32
      %dma_wait3A_2005 = arith.constant 0 : i32
      %dma_wait3A_2006 = tpu.memref_slice %arg15[%dma_wait3A_1997, %dma_wait3A_2004, %dma_wait3A_2005] : memref<3x32x128xf32, #tpu.memory_space<vmem>> -> memref<1x32x128xf32, #tpu.memory_space<vmem>>
      %dma_wait3A_2007 = tpu.memref_squeeze %dma_wait3A_2006 : memref<1x32x128xf32, #tpu.memory_space<vmem>> -> memref<32x128xf32, #tpu.memory_space<vmem>>
      %dma_wait3A_2008 = arith.constant 0 : i32
      %dma_wait3A_2009 = tpu.memref_slice %arg6[%dma_wait3A_2008, %multiple_of3A_1108] : memref<32x1000000xf32, #tpu.memory_space<hbm>> -> memref<32x128xf32, #tpu.memory_space<hbm>>
      tpu.wait_dma2 semaphore(%arg22 : memref<!tpu.dma_semaphore, #tpu.memory_space<semaphore_mem>>) src(%dma_wait3A_2009 : memref<32x128xf32, #tpu.memory_space<hbm>>) dst(%dma_wait3A_2007 : memref<32x128xf32, #tpu.memory_space<vmem>>)
      %broadcast_in_dim3A_2010 = arith.constant 0 : i32
      %broadcast_in_dim3A_2011 = vector.broadcast %broadcast_in_dim3A_2010 : i32 to vector<16xi32>
      %broadcast_in_dim3A_2012 = arith.constant 1 : i32
      %broadcast_in_dim3A_2013 = vector.broadcast %broadcast_in_dim3A_2012 : i32 to vector<16xi32>
      %broadcast_in_dim3A_2014 = arith.constant 2 : i32
      %broadcast_in_dim3A_2015 = vector.broadcast %broadcast_in_dim3A_2014 : i32 to vector<16xi32>
      %slice3A_2016 = vector.extract_strided_slice %get3A_53 {offsets = [11], sizes = [1], strides = [1]} : vector<16xi32> to vector<1xi32>
      %squeeze3A_2017 = vector.extract %slice3A_2016[0] : i32 from vector<1xi32>
      %and3A_2018 = arith.constant 127 : i32
      %and3A_2019 = arith.andi %squeeze3A_2017, %and3A_2018 : i32
      %broadcast_in_dim3A_2020 = vector.broadcast %and3A_2019 : i32 to vector<16xi32>
      %slice3A_2021 = vector.extract_strided_slice %get3A_56 {offsets = [11], sizes = [1], strides = [1]} : vector<16xi32> to vector<1xi32>
      %squeeze3A_2022 = vector.extract %slice3A_2021[0] : i32 from vector<1xi32>
      %and3A_2023 = arith.constant 127 : i32
      %and3A_2024 = arith.andi %squeeze3A_2022, %and3A_2023 : i32
      %broadcast_in_dim3A_2025 = vector.broadcast %and3A_2024 : i32 to vector<16xi32>
      %slice3A_2026 = vector.extract_strided_slice %get3A_59 {offsets = [11], sizes = [1], strides = [1]} : vector<16xi32> to vector<1xi32>
      %squeeze3A_2027 = vector.extract %slice3A_2026[0] : i32 from vector<1xi32>
      %and3A_2028 = arith.constant 127 : i32
      %and3A_2029 = arith.andi %squeeze3A_2027, %and3A_2028 : i32
      %broadcast_in_dim3A_2030 = vector.broadcast %and3A_2029 : i32 to vector<16xi32>
      %gather3A_2031 = tpu.vector_load_idx %arg15[%broadcast_in_dim3A_2011, %iota3A, %broadcast_in_dim3A_2020] : memref<3x32x128xf32, #tpu.memory_space<vmem>>[vector<16xi32>, vector<16xi32>, vector<16xi32>], vector<16xf32>,
      %gather3A_2032 = tpu.vector_load_idx %arg15[%broadcast_in_dim3A_2011, %add3A_11, %broadcast_in_dim3A_2020] : memref<3x32x128xf32, #tpu.memory_space<vmem>>[vector<16xi32>, vector<16xi32>, vector<16xi32>], vector<16xf32>,
      %gather3A_2033 = tpu.vector_load_idx %arg15[%broadcast_in_dim3A_2013, %iota3A, %broadcast_in_dim3A_2025] : memref<3x32x128xf32, #tpu.memory_space<vmem>>[vector<16xi32>, vector<16xi32>, vector<16xi32>], vector<16xf32>,
      %gather3A_2034 = tpu.vector_load_idx %arg15[%broadcast_in_dim3A_2013, %add3A_11, %broadcast_in_dim3A_2025] : memref<3x32x128xf32, #tpu.memory_space<vmem>>[vector<16xi32>, vector<16xi32>, vector<16xi32>], vector<16xf32>,
      %gather3A_2035 = tpu.vector_load_idx %arg15[%broadcast_in_dim3A_2015, %iota3A, %broadcast_in_dim3A_2030] : memref<3x32x128xf32, #tpu.memory_space<vmem>>[vector<16xi32>, vector<16xi32>, vector<16xi32>], vector<16xf32>,
      %gather3A_2036 = tpu.vector_load_idx %arg15[%broadcast_in_dim3A_2015, %add3A_11, %broadcast_in_dim3A_2030] : memref<3x32x128xf32, #tpu.memory_space<vmem>>[vector<16xi32>, vector<16xi32>, vector<16xi32>], vector<16xf32>,
      %mul3A_2037 = arith.mulf %gather3A_2031, %gather3A_2033 : vector<16xf32>
      %mul3A_2038 = arith.mulf %gather3A_2032, %gather3A_2034 : vector<16xf32>
      %add3A_2039 = arith.addf %mul3A_2037, %mul3A_2038 : vector<16xf32>
      %reduce_sum3A_2040 = arith.constant true
      %reduce_sum3A_2041 = vector.broadcast %reduce_sum3A_2040 : i1 to vector<16xi1>
      %reduce_sum3A_2042 = tpu.scan <sum>, %add3A_2039 masked %reduce_sum3A_2041 : vector<16xf32>, vector<16xi1> -> vector<16xf32>
      %reduce_sum3A_2043 = vector.extract %reduce_sum3A_2042[15] : f32 from vector<16xf32>
      %mul3A_2044 = arith.mulf %gather3A_2031, %gather3A_2035 : vector<16xf32>
      %mul3A_2045 = arith.mulf %gather3A_2032, %gather3A_2036 : vector<16xf32>
      %add3A_2046 = arith.addf %mul3A_2044, %mul3A_2045 : vector<16xf32>
      %reduce_sum3A_2047 = arith.constant true
      %reduce_sum3A_2048 = vector.broadcast %reduce_sum3A_2047 : i1 to vector<16xi1>
      %reduce_sum3A_2049 = tpu.scan <sum>, %add3A_2046 masked %reduce_sum3A_2048 : vector<16xf32>, vector<16xi1> -> vector<16xf32>
      %reduce_sum3A_2050 = vector.extract %reduce_sum3A_2049[15] : f32 from vector<16xf32>
      %eq3A_2051 = arith.constant 11 : i32
      %eq3A_2052 = vector.broadcast %eq3A_2051 : i32 to vector<16xi32>
      %eq3A_2053 = arith.cmpi eq, %iota3A, %eq3A_2052 : vector<16xi32>
      %broadcast_in_dim3A_2054 = vector.broadcast %reduce_sum3A_2043 : f32 to vector<16xf32>
      %select_n3A_2055 = arith.select %eq3A_2053, %broadcast_in_dim3A_2054, %select_n3A_1968 : vector<16xi1>, vector<16xf32>
      %broadcast_in_dim3A_2056 = vector.broadcast %reduce_sum3A_2050 : f32 to vector<16xf32>
      %select_n3A_2057 = arith.select %eq3A_2053, %broadcast_in_dim3A_2056, %select_n3A_1970 : vector<16xi1>, vector<16xf32>
      %dma_wait3A_2058 = arith.constant 0 : i32
      %dma_wait3A_2059 = arith.constant 0 : i32
      %dma_wait3A_2060 = arith.constant 0 : i32
      %dma_wait3A_2061 = tpu.memref_slice %arg16[%dma_wait3A_2058, %dma_wait3A_2059, %dma_wait3A_2060] : memref<3x32x128xf32, #tpu.memory_space<vmem>> -> memref<1x32x128xf32, #tpu.memory_space<vmem>>
      %dma_wait3A_2062 = tpu.memref_squeeze %dma_wait3A_2061 : memref<1x32x128xf32, #tpu.memory_space<vmem>> -> memref<32x128xf32, #tpu.memory_space<vmem>>
      %dma_wait3A_2063 = arith.constant 0 : i32
      %dma_wait3A_2064 = tpu.memref_slice %arg5[%dma_wait3A_2063, %multiple_of3A_1215] : memref<32x1000000xf32, #tpu.memory_space<hbm>> -> memref<32x128xf32, #tpu.memory_space<hbm>>
      %dma_wait3A_2065 = arith.constant 0 : i32
      %dma_wait3A_2066 = arith.constant 0 : i32
      %dma_wait3A_2067 = tpu.memref_slice %arg16[%dma_wait3A_2058, %dma_wait3A_2065, %dma_wait3A_2066] : memref<3x32x128xf32, #tpu.memory_space<vmem>> -> memref<1x32x128xf32, #tpu.memory_space<vmem>>
      %dma_wait3A_2068 = tpu.memref_squeeze %dma_wait3A_2067 : memref<1x32x128xf32, #tpu.memory_space<vmem>> -> memref<32x128xf32, #tpu.memory_space<vmem>>
      %dma_wait3A_2069 = arith.constant 0 : i32
      %dma_wait3A_2070 = tpu.memref_slice %arg5[%dma_wait3A_2069, %multiple_of3A_1215] : memref<32x1000000xf32, #tpu.memory_space<hbm>> -> memref<32x128xf32, #tpu.memory_space<hbm>>
      tpu.wait_dma2 semaphore(%arg22 : memref<!tpu.dma_semaphore, #tpu.memory_space<semaphore_mem>>) src(%dma_wait3A_2070 : memref<32x128xf32, #tpu.memory_space<hbm>>) dst(%dma_wait3A_2068 : memref<32x128xf32, #tpu.memory_space<vmem>>)
      %dma_wait3A_2071 = arith.constant 1 : i32
      %dma_wait3A_2072 = arith.constant 0 : i32
      %dma_wait3A_2073 = arith.constant 0 : i32
      %dma_wait3A_2074 = tpu.memref_slice %arg16[%dma_wait3A_2071, %dma_wait3A_2072, %dma_wait3A_2073] : memref<3x32x128xf32, #tpu.memory_space<vmem>> -> memref<1x32x128xf32, #tpu.memory_space<vmem>>
      %dma_wait3A_2075 = tpu.memref_squeeze %dma_wait3A_2074 : memref<1x32x128xf32, #tpu.memory_space<vmem>> -> memref<32x128xf32, #tpu.memory_space<vmem>>
      %dma_wait3A_2076 = arith.constant 0 : i32
      %dma_wait3A_2077 = tpu.memref_slice %arg6[%dma_wait3A_2076, %multiple_of3A_1235] : memref<32x1000000xf32, #tpu.memory_space<hbm>> -> memref<32x128xf32, #tpu.memory_space<hbm>>
      %dma_wait3A_2078 = arith.constant 0 : i32
      %dma_wait3A_2079 = arith.constant 0 : i32
      %dma_wait3A_2080 = tpu.memref_slice %arg16[%dma_wait3A_2071, %dma_wait3A_2078, %dma_wait3A_2079] : memref<3x32x128xf32, #tpu.memory_space<vmem>> -> memref<1x32x128xf32, #tpu.memory_space<vmem>>
      %dma_wait3A_2081 = tpu.memref_squeeze %dma_wait3A_2080 : memref<1x32x128xf32, #tpu.memory_space<vmem>> -> memref<32x128xf32, #tpu.memory_space<vmem>>
      %dma_wait3A_2082 = arith.constant 0 : i32
      %dma_wait3A_2083 = tpu.memref_slice %arg6[%dma_wait3A_2082, %multiple_of3A_1235] : memref<32x1000000xf32, #tpu.memory_space<hbm>> -> memref<32x128xf32, #tpu.memory_space<hbm>>
      tpu.wait_dma2 semaphore(%arg22 : memref<!tpu.dma_semaphore, #tpu.memory_space<semaphore_mem>>) src(%dma_wait3A_2083 : memref<32x128xf32, #tpu.memory_space<hbm>>) dst(%dma_wait3A_2081 : memref<32x128xf32, #tpu.memory_space<vmem>>)
      %dma_wait3A_2084 = arith.constant 2 : i32
      %dma_wait3A_2085 = arith.constant 0 : i32
      %dma_wait3A_2086 = arith.constant 0 : i32
      %dma_wait3A_2087 = tpu.memref_slice %arg16[%dma_wait3A_2084, %dma_wait3A_2085, %dma_wait3A_2086] : memref<3x32x128xf32, #tpu.memory_space<vmem>> -> memref<1x32x128xf32, #tpu.memory_space<vmem>>
      %dma_wait3A_2088 = tpu.memref_squeeze %dma_wait3A_2087 : memref<1x32x128xf32, #tpu.memory_space<vmem>> -> memref<32x128xf32, #tpu.memory_space<vmem>>
      %dma_wait3A_2089 = arith.constant 0 : i32
      %dma_wait3A_2090 = tpu.memref_slice %arg6[%dma_wait3A_2089, %multiple_of3A_1255] : memref<32x1000000xf32, #tpu.memory_space<hbm>> -> memref<32x128xf32, #tpu.memory_space<hbm>>
      %dma_wait3A_2091 = arith.constant 0 : i32
      %dma_wait3A_2092 = arith.constant 0 : i32
      %dma_wait3A_2093 = tpu.memref_slice %arg16[%dma_wait3A_2084, %dma_wait3A_2091, %dma_wait3A_2092] : memref<3x32x128xf32, #tpu.memory_space<vmem>> -> memref<1x32x128xf32, #tpu.memory_space<vmem>>
      %dma_wait3A_2094 = tpu.memref_squeeze %dma_wait3A_2093 : memref<1x32x128xf32, #tpu.memory_space<vmem>> -> memref<32x128xf32, #tpu.memory_space<vmem>>
      %dma_wait3A_2095 = arith.constant 0 : i32
      %dma_wait3A_2096 = tpu.memref_slice %arg6[%dma_wait3A_2095, %multiple_of3A_1255] : memref<32x1000000xf32, #tpu.memory_space<hbm>> -> memref<32x128xf32, #tpu.memory_space<hbm>>
      tpu.wait_dma2 semaphore(%arg22 : memref<!tpu.dma_semaphore, #tpu.memory_space<semaphore_mem>>) src(%dma_wait3A_2096 : memref<32x128xf32, #tpu.memory_space<hbm>>) dst(%dma_wait3A_2094 : memref<32x128xf32, #tpu.memory_space<vmem>>)
      %broadcast_in_dim3A_2097 = arith.constant 0 : i32
      %broadcast_in_dim3A_2098 = vector.broadcast %broadcast_in_dim3A_2097 : i32 to vector<16xi32>
      %broadcast_in_dim3A_2099 = arith.constant 1 : i32
      %broadcast_in_dim3A_2100 = vector.broadcast %broadcast_in_dim3A_2099 : i32 to vector<16xi32>
      %broadcast_in_dim3A_2101 = arith.constant 2 : i32
      %broadcast_in_dim3A_2102 = vector.broadcast %broadcast_in_dim3A_2101 : i32 to vector<16xi32>
      %slice3A_2103 = vector.extract_strided_slice %get3A_53 {offsets = [12], sizes = [1], strides = [1]} : vector<16xi32> to vector<1xi32>
      %squeeze3A_2104 = vector.extract %slice3A_2103[0] : i32 from vector<1xi32>
      %and3A_2105 = arith.constant 127 : i32
      %and3A_2106 = arith.andi %squeeze3A_2104, %and3A_2105 : i32
      %broadcast_in_dim3A_2107 = vector.broadcast %and3A_2106 : i32 to vector<16xi32>
      %slice3A_2108 = vector.extract_strided_slice %get3A_56 {offsets = [12], sizes = [1], strides = [1]} : vector<16xi32> to vector<1xi32>
      %squeeze3A_2109 = vector.extract %slice3A_2108[0] : i32 from vector<1xi32>
      %and3A_2110 = arith.constant 127 : i32
      %and3A_2111 = arith.andi %squeeze3A_2109, %and3A_2110 : i32
      %broadcast_in_dim3A_2112 = vector.broadcast %and3A_2111 : i32 to vector<16xi32>
      %slice3A_2113 = vector.extract_strided_slice %get3A_59 {offsets = [12], sizes = [1], strides = [1]} : vector<16xi32> to vector<1xi32>
      %squeeze3A_2114 = vector.extract %slice3A_2113[0] : i32 from vector<1xi32>
      %and3A_2115 = arith.constant 127 : i32
      %and3A_2116 = arith.andi %squeeze3A_2114, %and3A_2115 : i32
      %broadcast_in_dim3A_2117 = vector.broadcast %and3A_2116 : i32 to vector<16xi32>
      %gather3A_2118 = tpu.vector_load_idx %arg16[%broadcast_in_dim3A_2098, %iota3A, %broadcast_in_dim3A_2107] : memref<3x32x128xf32, #tpu.memory_space<vmem>>[vector<16xi32>, vector<16xi32>, vector<16xi32>], vector<16xf32>,
      %gather3A_2119 = tpu.vector_load_idx %arg16[%broadcast_in_dim3A_2098, %add3A_11, %broadcast_in_dim3A_2107] : memref<3x32x128xf32, #tpu.memory_space<vmem>>[vector<16xi32>, vector<16xi32>, vector<16xi32>], vector<16xf32>,
      %gather3A_2120 = tpu.vector_load_idx %arg16[%broadcast_in_dim3A_2100, %iota3A, %broadcast_in_dim3A_2112] : memref<3x32x128xf32, #tpu.memory_space<vmem>>[vector<16xi32>, vector<16xi32>, vector<16xi32>], vector<16xf32>,
      %gather3A_2121 = tpu.vector_load_idx %arg16[%broadcast_in_dim3A_2100, %add3A_11, %broadcast_in_dim3A_2112] : memref<3x32x128xf32, #tpu.memory_space<vmem>>[vector<16xi32>, vector<16xi32>, vector<16xi32>], vector<16xf32>,
      %gather3A_2122 = tpu.vector_load_idx %arg16[%broadcast_in_dim3A_2102, %iota3A, %broadcast_in_dim3A_2117] : memref<3x32x128xf32, #tpu.memory_space<vmem>>[vector<16xi32>, vector<16xi32>, vector<16xi32>], vector<16xf32>,
      %gather3A_2123 = tpu.vector_load_idx %arg16[%broadcast_in_dim3A_2102, %add3A_11, %broadcast_in_dim3A_2117] : memref<3x32x128xf32, #tpu.memory_space<vmem>>[vector<16xi32>, vector<16xi32>, vector<16xi32>], vector<16xf32>,
      %mul3A_2124 = arith.mulf %gather3A_2118, %gather3A_2120 : vector<16xf32>
      %mul3A_2125 = arith.mulf %gather3A_2119, %gather3A_2121 : vector<16xf32>
      %add3A_2126 = arith.addf %mul3A_2124, %mul3A_2125 : vector<16xf32>
      %reduce_sum3A_2127 = arith.constant true
      %reduce_sum3A_2128 = vector.broadcast %reduce_sum3A_2127 : i1 to vector<16xi1>
      %reduce_sum3A_2129 = tpu.scan <sum>, %add3A_2126 masked %reduce_sum3A_2128 : vector<16xf32>, vector<16xi1> -> vector<16xf32>
      %reduce_sum3A_2130 = vector.extract %reduce_sum3A_2129[15] : f32 from vector<16xf32>
      %mul3A_2131 = arith.mulf %gather3A_2118, %gather3A_2122 : vector<16xf32>
      %mul3A_2132 = arith.mulf %gather3A_2119, %gather3A_2123 : vector<16xf32>
      %add3A_2133 = arith.addf %mul3A_2131, %mul3A_2132 : vector<16xf32>
      %reduce_sum3A_2134 = arith.constant true
      %reduce_sum3A_2135 = vector.broadcast %reduce_sum3A_2134 : i1 to vector<16xi1>
      %reduce_sum3A_2136 = tpu.scan <sum>, %add3A_2133 masked %reduce_sum3A_2135 : vector<16xf32>, vector<16xi1> -> vector<16xf32>
      %reduce_sum3A_2137 = vector.extract %reduce_sum3A_2136[15] : f32 from vector<16xf32>
      %eq3A_2138 = arith.constant 12 : i32
      %eq3A_2139 = vector.broadcast %eq3A_2138 : i32 to vector<16xi32>
      %eq3A_2140 = arith.cmpi eq, %iota3A, %eq3A_2139 : vector<16xi32>
      %broadcast_in_dim3A_2141 = vector.broadcast %reduce_sum3A_2130 : f32 to vector<16xf32>
      %select_n3A_2142 = arith.select %eq3A_2140, %broadcast_in_dim3A_2141, %select_n3A_2055 : vector<16xi1>, vector<16xf32>
      %broadcast_in_dim3A_2143 = vector.broadcast %reduce_sum3A_2137 : f32 to vector<16xf32>
      %select_n3A_2144 = arith.select %eq3A_2140, %broadcast_in_dim3A_2143, %select_n3A_2057 : vector<16xi1>, vector<16xf32>
      %dma_wait3A_2145 = arith.constant 0 : i32
      %dma_wait3A_2146 = arith.constant 0 : i32
      %dma_wait3A_2147 = arith.constant 0 : i32
      %dma_wait3A_2148 = tpu.memref_slice %arg17[%dma_wait3A_2145, %dma_wait3A_2146, %dma_wait3A_2147] : memref<3x32x128xf32, #tpu.memory_space<vmem>> -> memref<1x32x128xf32, #tpu.memory_space<vmem>>
      %dma_wait3A_2149 = tpu.memref_squeeze %dma_wait3A_2148 : memref<1x32x128xf32, #tpu.memory_space<vmem>> -> memref<32x128xf32, #tpu.memory_space<vmem>>
      %dma_wait3A_2150 = arith.constant 0 : i32
      %dma_wait3A_2151 = tpu.memref_slice %arg5[%dma_wait3A_2150, %multiple_of3A_1362] : memref<32x1000000xf32, #tpu.memory_space<hbm>> -> memref<32x128xf32, #tpu.memory_space<hbm>>
      %dma_wait3A_2152 = arith.constant 0 : i32
      %dma_wait3A_2153 = arith.constant 0 : i32
      %dma_wait3A_2154 = tpu.memref_slice %arg17[%dma_wait3A_2145, %dma_wait3A_2152, %dma_wait3A_2153] : memref<3x32x128xf32, #tpu.memory_space<vmem>> -> memref<1x32x128xf32, #tpu.memory_space<vmem>>
      %dma_wait3A_2155 = tpu.memref_squeeze %dma_wait3A_2154 : memref<1x32x128xf32, #tpu.memory_space<vmem>> -> memref<32x128xf32, #tpu.memory_space<vmem>>
      %dma_wait3A_2156 = arith.constant 0 : i32
      %dma_wait3A_2157 = tpu.memref_slice %arg5[%dma_wait3A_2156, %multiple_of3A_1362] : memref<32x1000000xf32, #tpu.memory_space<hbm>> -> memref<32x128xf32, #tpu.memory_space<hbm>>
      tpu.wait_dma2 semaphore(%arg22 : memref<!tpu.dma_semaphore, #tpu.memory_space<semaphore_mem>>) src(%dma_wait3A_2157 : memref<32x128xf32, #tpu.memory_space<hbm>>) dst(%dma_wait3A_2155 : memref<32x128xf32, #tpu.memory_space<vmem>>)
      %dma_wait3A_2158 = arith.constant 1 : i32
      %dma_wait3A_2159 = arith.constant 0 : i32
      %dma_wait3A_2160 = arith.constant 0 : i32
      %dma_wait3A_2161 = tpu.memref_slice %arg17[%dma_wait3A_2158, %dma_wait3A_2159, %dma_wait3A_2160] : memref<3x32x128xf32, #tpu.memory_space<vmem>> -> memref<1x32x128xf32, #tpu.memory_space<vmem>>
      %dma_wait3A_2162 = tpu.memref_squeeze %dma_wait3A_2161 : memref<1x32x128xf32, #tpu.memory_space<vmem>> -> memref<32x128xf32, #tpu.memory_space<vmem>>
      %dma_wait3A_2163 = arith.constant 0 : i32
      %dma_wait3A_2164 = tpu.memref_slice %arg6[%dma_wait3A_2163, %multiple_of3A_1382] : memref<32x1000000xf32, #tpu.memory_space<hbm>> -> memref<32x128xf32, #tpu.memory_space<hbm>>
      %dma_wait3A_2165 = arith.constant 0 : i32
      %dma_wait3A_2166 = arith.constant 0 : i32
      %dma_wait3A_2167 = tpu.memref_slice %arg17[%dma_wait3A_2158, %dma_wait3A_2165, %dma_wait3A_2166] : memref<3x32x128xf32, #tpu.memory_space<vmem>> -> memref<1x32x128xf32, #tpu.memory_space<vmem>>
      %dma_wait3A_2168 = tpu.memref_squeeze %dma_wait3A_2167 : memref<1x32x128xf32, #tpu.memory_space<vmem>> -> memref<32x128xf32, #tpu.memory_space<vmem>>
      %dma_wait3A_2169 = arith.constant 0 : i32
      %dma_wait3A_2170 = tpu.memref_slice %arg6[%dma_wait3A_2169, %multiple_of3A_1382] : memref<32x1000000xf32, #tpu.memory_space<hbm>> -> memref<32x128xf32, #tpu.memory_space<hbm>>
      tpu.wait_dma2 semaphore(%arg22 : memref<!tpu.dma_semaphore, #tpu.memory_space<semaphore_mem>>) src(%dma_wait3A_2170 : memref<32x128xf32, #tpu.memory_space<hbm>>) dst(%dma_wait3A_2168 : memref<32x128xf32, #tpu.memory_space<vmem>>)
      %dma_wait3A_2171 = arith.constant 2 : i32
      %dma_wait3A_2172 = arith.constant 0 : i32
      %dma_wait3A_2173 = arith.constant 0 : i32
      %dma_wait3A_2174 = tpu.memref_slice %arg17[%dma_wait3A_2171, %dma_wait3A_2172, %dma_wait3A_2173] : memref<3x32x128xf32, #tpu.memory_space<vmem>> -> memref<1x32x128xf32, #tpu.memory_space<vmem>>
      %dma_wait3A_2175 = tpu.memref_squeeze %dma_wait3A_2174 : memref<1x32x128xf32, #tpu.memory_space<vmem>> -> memref<32x128xf32, #tpu.memory_space<vmem>>
      %dma_wait3A_2176 = arith.constant 0 : i32
      %dma_wait3A_2177 = tpu.memref_slice %arg6[%dma_wait3A_2176, %multiple_of3A_1402] : memref<32x1000000xf32, #tpu.memory_space<hbm>> -> memref<32x128xf32, #tpu.memory_space<hbm>>
      %dma_wait3A_2178 = arith.constant 0 : i32
      %dma_wait3A_2179 = arith.constant 0 : i32
      %dma_wait3A_2180 = tpu.memref_slice %arg17[%dma_wait3A_2171, %dma_wait3A_2178, %dma_wait3A_2179] : memref<3x32x128xf32, #tpu.memory_space<vmem>> -> memref<1x32x128xf32, #tpu.memory_space<vmem>>
      %dma_wait3A_2181 = tpu.memref_squeeze %dma_wait3A_2180 : memref<1x32x128xf32, #tpu.memory_space<vmem>> -> memref<32x128xf32, #tpu.memory_space<vmem>>
      %dma_wait3A_2182 = arith.constant 0 : i32
      %dma_wait3A_2183 = tpu.memref_slice %arg6[%dma_wait3A_2182, %multiple_of3A_1402] : memref<32x1000000xf32, #tpu.memory_space<hbm>> -> memref<32x128xf32, #tpu.memory_space<hbm>>
      tpu.wait_dma2 semaphore(%arg22 : memref<!tpu.dma_semaphore, #tpu.memory_space<semaphore_mem>>) src(%dma_wait3A_2183 : memref<32x128xf32, #tpu.memory_space<hbm>>) dst(%dma_wait3A_2181 : memref<32x128xf32, #tpu.memory_space<vmem>>)
      %broadcast_in_dim3A_2184 = arith.constant 0 : i32
      %broadcast_in_dim3A_2185 = vector.broadcast %broadcast_in_dim3A_2184 : i32 to vector<16xi32>
      %broadcast_in_dim3A_2186 = arith.constant 1 : i32
      %broadcast_in_dim3A_2187 = vector.broadcast %broadcast_in_dim3A_2186 : i32 to vector<16xi32>
      %broadcast_in_dim3A_2188 = arith.constant 2 : i32
      %broadcast_in_dim3A_2189 = vector.broadcast %broadcast_in_dim3A_2188 : i32 to vector<16xi32>
      %slice3A_2190 = vector.extract_strided_slice %get3A_53 {offsets = [13], sizes = [1], strides = [1]} : vector<16xi32> to vector<1xi32>
      %squeeze3A_2191 = vector.extract %slice3A_2190[0] : i32 from vector<1xi32>
      %and3A_2192 = arith.constant 127 : i32
      %and3A_2193 = arith.andi %squeeze3A_2191, %and3A_2192 : i32
      %broadcast_in_dim3A_2194 = vector.broadcast %and3A_2193 : i32 to vector<16xi32>
      %slice3A_2195 = vector.extract_strided_slice %get3A_56 {offsets = [13], sizes = [1], strides = [1]} : vector<16xi32> to vector<1xi32>
      %squeeze3A_2196 = vector.extract %slice3A_2195[0] : i32 from vector<1xi32>
      %and3A_2197 = arith.constant 127 : i32
      %and3A_2198 = arith.andi %squeeze3A_2196, %and3A_2197 : i32
      %broadcast_in_dim3A_2199 = vector.broadcast %and3A_2198 : i32 to vector<16xi32>
      %slice3A_2200 = vector.extract_strided_slice %get3A_59 {offsets = [13], sizes = [1], strides = [1]} : vector<16xi32> to vector<1xi32>
      %squeeze3A_2201 = vector.extract %slice3A_2200[0] : i32 from vector<1xi32>
      %and3A_2202 = arith.constant 127 : i32
      %and3A_2203 = arith.andi %squeeze3A_2201, %and3A_2202 : i32
      %broadcast_in_dim3A_2204 = vector.broadcast %and3A_2203 : i32 to vector<16xi32>
      %gather3A_2205 = tpu.vector_load_idx %arg17[%broadcast_in_dim3A_2185, %iota3A, %broadcast_in_dim3A_2194] : memref<3x32x128xf32, #tpu.memory_space<vmem>>[vector<16xi32>, vector<16xi32>, vector<16xi32>], vector<16xf32>,
      %gather3A_2206 = tpu.vector_load_idx %arg17[%broadcast_in_dim3A_2185, %add3A_11, %broadcast_in_dim3A_2194] : memref<3x32x128xf32, #tpu.memory_space<vmem>>[vector<16xi32>, vector<16xi32>, vector<16xi32>], vector<16xf32>,
      %gather3A_2207 = tpu.vector_load_idx %arg17[%broadcast_in_dim3A_2187, %iota3A, %broadcast_in_dim3A_2199] : memref<3x32x128xf32, #tpu.memory_space<vmem>>[vector<16xi32>, vector<16xi32>, vector<16xi32>], vector<16xf32>,
      %gather3A_2208 = tpu.vector_load_idx %arg17[%broadcast_in_dim3A_2187, %add3A_11, %broadcast_in_dim3A_2199] : memref<3x32x128xf32, #tpu.memory_space<vmem>>[vector<16xi32>, vector<16xi32>, vector<16xi32>], vector<16xf32>,
      %gather3A_2209 = tpu.vector_load_idx %arg17[%broadcast_in_dim3A_2189, %iota3A, %broadcast_in_dim3A_2204] : memref<3x32x128xf32, #tpu.memory_space<vmem>>[vector<16xi32>, vector<16xi32>, vector<16xi32>], vector<16xf32>,
      %gather3A_2210 = tpu.vector_load_idx %arg17[%broadcast_in_dim3A_2189, %add3A_11, %broadcast_in_dim3A_2204] : memref<3x32x128xf32, #tpu.memory_space<vmem>>[vector<16xi32>, vector<16xi32>, vector<16xi32>], vector<16xf32>,
      %mul3A_2211 = arith.mulf %gather3A_2205, %gather3A_2207 : vector<16xf32>
      %mul3A_2212 = arith.mulf %gather3A_2206, %gather3A_2208 : vector<16xf32>
      %add3A_2213 = arith.addf %mul3A_2211, %mul3A_2212 : vector<16xf32>
      %reduce_sum3A_2214 = arith.constant true
      %reduce_sum3A_2215 = vector.broadcast %reduce_sum3A_2214 : i1 to vector<16xi1>
      %reduce_sum3A_2216 = tpu.scan <sum>, %add3A_2213 masked %reduce_sum3A_2215 : vector<16xf32>, vector<16xi1> -> vector<16xf32>
      %reduce_sum3A_2217 = vector.extract %reduce_sum3A_2216[15] : f32 from vector<16xf32>
      %mul3A_2218 = arith.mulf %gather3A_2205, %gather3A_2209 : vector<16xf32>
      %mul3A_2219 = arith.mulf %gather3A_2206, %gather3A_2210 : vector<16xf32>
      %add3A_2220 = arith.addf %mul3A_2218, %mul3A_2219 : vector<16xf32>
      %reduce_sum3A_2221 = arith.constant true
      %reduce_sum3A_2222 = vector.broadcast %reduce_sum3A_2221 : i1 to vector<16xi1>
      %reduce_sum3A_2223 = tpu.scan <sum>, %add3A_2220 masked %reduce_sum3A_2222 : vector<16xf32>, vector<16xi1> -> vector<16xf32>
      %reduce_sum3A_2224 = vector.extract %reduce_sum3A_2223[15] : f32 from vector<16xf32>
      %eq3A_2225 = arith.constant 13 : i32
      %eq3A_2226 = vector.broadcast %eq3A_2225 : i32 to vector<16xi32>
      %eq3A_2227 = arith.cmpi eq, %iota3A, %eq3A_2226 : vector<16xi32>
      %broadcast_in_dim3A_2228 = vector.broadcast %reduce_sum3A_2217 : f32 to vector<16xf32>
      %select_n3A_2229 = arith.select %eq3A_2227, %broadcast_in_dim3A_2228, %select_n3A_2142 : vector<16xi1>, vector<16xf32>
      %broadcast_in_dim3A_2230 = vector.broadcast %reduce_sum3A_2224 : f32 to vector<16xf32>
      %select_n3A_2231 = arith.select %eq3A_2227, %broadcast_in_dim3A_2230, %select_n3A_2144 : vector<16xi1>, vector<16xf32>
      %dma_wait3A_2232 = arith.constant 0 : i32
      %dma_wait3A_2233 = arith.constant 0 : i32
      %dma_wait3A_2234 = arith.constant 0 : i32
      %dma_wait3A_2235 = tpu.memref_slice %arg18[%dma_wait3A_2232, %dma_wait3A_2233, %dma_wait3A_2234] : memref<3x32x128xf32, #tpu.memory_space<vmem>> -> memref<1x32x128xf32, #tpu.memory_space<vmem>>
      %dma_wait3A_2236 = tpu.memref_squeeze %dma_wait3A_2235 : memref<1x32x128xf32, #tpu.memory_space<vmem>> -> memref<32x128xf32, #tpu.memory_space<vmem>>
      %dma_wait3A_2237 = arith.constant 0 : i32
      %dma_wait3A_2238 = tpu.memref_slice %arg5[%dma_wait3A_2237, %multiple_of3A_1509] : memref<32x1000000xf32, #tpu.memory_space<hbm>> -> memref<32x128xf32, #tpu.memory_space<hbm>>
      %dma_wait3A_2239 = arith.constant 0 : i32
      %dma_wait3A_2240 = arith.constant 0 : i32
      %dma_wait3A_2241 = tpu.memref_slice %arg18[%dma_wait3A_2232, %dma_wait3A_2239, %dma_wait3A_2240] : memref<3x32x128xf32, #tpu.memory_space<vmem>> -> memref<1x32x128xf32, #tpu.memory_space<vmem>>
      %dma_wait3A_2242 = tpu.memref_squeeze %dma_wait3A_2241 : memref<1x32x128xf32, #tpu.memory_space<vmem>> -> memref<32x128xf32, #tpu.memory_space<vmem>>
      %dma_wait3A_2243 = arith.constant 0 : i32
      %dma_wait3A_2244 = tpu.memref_slice %arg5[%dma_wait3A_2243, %multiple_of3A_1509] : memref<32x1000000xf32, #tpu.memory_space<hbm>> -> memref<32x128xf32, #tpu.memory_space<hbm>>
      tpu.wait_dma2 semaphore(%arg22 : memref<!tpu.dma_semaphore, #tpu.memory_space<semaphore_mem>>) src(%dma_wait3A_2244 : memref<32x128xf32, #tpu.memory_space<hbm>>) dst(%dma_wait3A_2242 : memref<32x128xf32, #tpu.memory_space<vmem>>)
      %dma_wait3A_2245 = arith.constant 1 : i32
      %dma_wait3A_2246 = arith.constant 0 : i32
      %dma_wait3A_2247 = arith.constant 0 : i32
      %dma_wait3A_2248 = tpu.memref_slice %arg18[%dma_wait3A_2245, %dma_wait3A_2246, %dma_wait3A_2247] : memref<3x32x128xf32, #tpu.memory_space<vmem>> -> memref<1x32x128xf32, #tpu.memory_space<vmem>>
      %dma_wait3A_2249 = tpu.memref_squeeze %dma_wait3A_2248 : memref<1x32x128xf32, #tpu.memory_space<vmem>> -> memref<32x128xf32, #tpu.memory_space<vmem>>
      %dma_wait3A_2250 = arith.constant 0 : i32
      %dma_wait3A_2251 = tpu.memref_slice %arg6[%dma_wait3A_2250, %multiple_of3A_1529] : memref<32x1000000xf32, #tpu.memory_space<hbm>> -> memref<32x128xf32, #tpu.memory_space<hbm>>
      %dma_wait3A_2252 = arith.constant 0 : i32
      %dma_wait3A_2253 = arith.constant 0 : i32
      %dma_wait3A_2254 = tpu.memref_slice %arg18[%dma_wait3A_2245, %dma_wait3A_2252, %dma_wait3A_2253] : memref<3x32x128xf32, #tpu.memory_space<vmem>> -> memref<1x32x128xf32, #tpu.memory_space<vmem>>
      %dma_wait3A_2255 = tpu.memref_squeeze %dma_wait3A_2254 : memref<1x32x128xf32, #tpu.memory_space<vmem>> -> memref<32x128xf32, #tpu.memory_space<vmem>>
      %dma_wait3A_2256 = arith.constant 0 : i32
      %dma_wait3A_2257 = tpu.memref_slice %arg6[%dma_wait3A_2256, %multiple_of3A_1529] : memref<32x1000000xf32, #tpu.memory_space<hbm>> -> memref<32x128xf32, #tpu.memory_space<hbm>>
      tpu.wait_dma2 semaphore(%arg22 : memref<!tpu.dma_semaphore, #tpu.memory_space<semaphore_mem>>) src(%dma_wait3A_2257 : memref<32x128xf32, #tpu.memory_space<hbm>>) dst(%dma_wait3A_2255 : memref<32x128xf32, #tpu.memory_space<vmem>>)
      %dma_wait3A_2258 = arith.constant 2 : i32
      %dma_wait3A_2259 = arith.constant 0 : i32
      %dma_wait3A_2260 = arith.constant 0 : i32
      %dma_wait3A_2261 = tpu.memref_slice %arg18[%dma_wait3A_2258, %dma_wait3A_2259, %dma_wait3A_2260] : memref<3x32x128xf32, #tpu.memory_space<vmem>> -> memref<1x32x128xf32, #tpu.memory_space<vmem>>
      %dma_wait3A_2262 = tpu.memref_squeeze %dma_wait3A_2261 : memref<1x32x128xf32, #tpu.memory_space<vmem>> -> memref<32x128xf32, #tpu.memory_space<vmem>>
      %dma_wait3A_2263 = arith.constant 0 : i32
      %dma_wait3A_2264 = tpu.memref_slice %arg6[%dma_wait3A_2263, %multiple_of3A_1549] : memref<32x1000000xf32, #tpu.memory_space<hbm>> -> memref<32x128xf32, #tpu.memory_space<hbm>>
      %dma_wait3A_2265 = arith.constant 0 : i32
      %dma_wait3A_2266 = arith.constant 0 : i32
      %dma_wait3A_2267 = tpu.memref_slice %arg18[%dma_wait3A_2258, %dma_wait3A_2265, %dma_wait3A_2266] : memref<3x32x128xf32, #tpu.memory_space<vmem>> -> memref<1x32x128xf32, #tpu.memory_space<vmem>>
      %dma_wait3A_2268 = tpu.memref_squeeze %dma_wait3A_2267 : memref<1x32x128xf32, #tpu.memory_space<vmem>> -> memref<32x128xf32, #tpu.memory_space<vmem>>
      %dma_wait3A_2269 = arith.constant 0 : i32
      %dma_wait3A_2270 = tpu.memref_slice %arg6[%dma_wait3A_2269, %multiple_of3A_1549] : memref<32x1000000xf32, #tpu.memory_space<hbm>> -> memref<32x128xf32, #tpu.memory_space<hbm>>
      tpu.wait_dma2 semaphore(%arg22 : memref<!tpu.dma_semaphore, #tpu.memory_space<semaphore_mem>>) src(%dma_wait3A_2270 : memref<32x128xf32, #tpu.memory_space<hbm>>) dst(%dma_wait3A_2268 : memref<32x128xf32, #tpu.memory_space<vmem>>)
      %broadcast_in_dim3A_2271 = arith.constant 0 : i32
      %broadcast_in_dim3A_2272 = vector.broadcast %broadcast_in_dim3A_2271 : i32 to vector<16xi32>
      %broadcast_in_dim3A_2273 = arith.constant 1 : i32
      %broadcast_in_dim3A_2274 = vector.broadcast %broadcast_in_dim3A_2273 : i32 to vector<16xi32>
      %broadcast_in_dim3A_2275 = arith.constant 2 : i32
      %broadcast_in_dim3A_2276 = vector.broadcast %broadcast_in_dim3A_2275 : i32 to vector<16xi32>
      %slice3A_2277 = vector.extract_strided_slice %get3A_53 {offsets = [14], sizes = [1], strides = [1]} : vector<16xi32> to vector<1xi32>
      %squeeze3A_2278 = vector.extract %slice3A_2277[0] : i32 from vector<1xi32>
      %and3A_2279 = arith.constant 127 : i32
      %and3A_2280 = arith.andi %squeeze3A_2278, %and3A_2279 : i32
      %broadcast_in_dim3A_2281 = vector.broadcast %and3A_2280 : i32 to vector<16xi32>
      %slice3A_2282 = vector.extract_strided_slice %get3A_56 {offsets = [14], sizes = [1], strides = [1]} : vector<16xi32> to vector<1xi32>
      %squeeze3A_2283 = vector.extract %slice3A_2282[0] : i32 from vector<1xi32>
      %and3A_2284 = arith.constant 127 : i32
      %and3A_2285 = arith.andi %squeeze3A_2283, %and3A_2284 : i32
      %broadcast_in_dim3A_2286 = vector.broadcast %and3A_2285 : i32 to vector<16xi32>
      %slice3A_2287 = vector.extract_strided_slice %get3A_59 {offsets = [14], sizes = [1], strides = [1]} : vector<16xi32> to vector<1xi32>
      %squeeze3A_2288 = vector.extract %slice3A_2287[0] : i32 from vector<1xi32>
      %and3A_2289 = arith.constant 127 : i32
      %and3A_2290 = arith.andi %squeeze3A_2288, %and3A_2289 : i32
      %broadcast_in_dim3A_2291 = vector.broadcast %and3A_2290 : i32 to vector<16xi32>
      %gather3A_2292 = tpu.vector_load_idx %arg18[%broadcast_in_dim3A_2272, %iota3A, %broadcast_in_dim3A_2281] : memref<3x32x128xf32, #tpu.memory_space<vmem>>[vector<16xi32>, vector<16xi32>, vector<16xi32>], vector<16xf32>,
      %gather3A_2293 = tpu.vector_load_idx %arg18[%broadcast_in_dim3A_2272, %add3A_11, %broadcast_in_dim3A_2281] : memref<3x32x128xf32, #tpu.memory_space<vmem>>[vector<16xi32>, vector<16xi32>, vector<16xi32>], vector<16xf32>,
      %gather3A_2294 = tpu.vector_load_idx %arg18[%broadcast_in_dim3A_2274, %iota3A, %broadcast_in_dim3A_2286] : memref<3x32x128xf32, #tpu.memory_space<vmem>>[vector<16xi32>, vector<16xi32>, vector<16xi32>], vector<16xf32>,
      %gather3A_2295 = tpu.vector_load_idx %arg18[%broadcast_in_dim3A_2274, %add3A_11, %broadcast_in_dim3A_2286] : memref<3x32x128xf32, #tpu.memory_space<vmem>>[vector<16xi32>, vector<16xi32>, vector<16xi32>], vector<16xf32>,
      %gather3A_2296 = tpu.vector_load_idx %arg18[%broadcast_in_dim3A_2276, %iota3A, %broadcast_in_dim3A_2291] : memref<3x32x128xf32, #tpu.memory_space<vmem>>[vector<16xi32>, vector<16xi32>, vector<16xi32>], vector<16xf32>,
      %gather3A_2297 = tpu.vector_load_idx %arg18[%broadcast_in_dim3A_2276, %add3A_11, %broadcast_in_dim3A_2291] : memref<3x32x128xf32, #tpu.memory_space<vmem>>[vector<16xi32>, vector<16xi32>, vector<16xi32>], vector<16xf32>,
      %mul3A_2298 = arith.mulf %gather3A_2292, %gather3A_2294 : vector<16xf32>
      %mul3A_2299 = arith.mulf %gather3A_2293, %gather3A_2295 : vector<16xf32>
      %add3A_2300 = arith.addf %mul3A_2298, %mul3A_2299 : vector<16xf32>
      %reduce_sum3A_2301 = arith.constant true
      %reduce_sum3A_2302 = vector.broadcast %reduce_sum3A_2301 : i1 to vector<16xi1>
      %reduce_sum3A_2303 = tpu.scan <sum>, %add3A_2300 masked %reduce_sum3A_2302 : vector<16xf32>, vector<16xi1> -> vector<16xf32>
      %reduce_sum3A_2304 = vector.extract %reduce_sum3A_2303[15] : f32 from vector<16xf32>
      %mul3A_2305 = arith.mulf %gather3A_2292, %gather3A_2296 : vector<16xf32>
      %mul3A_2306 = arith.mulf %gather3A_2293, %gather3A_2297 : vector<16xf32>
      %add3A_2307 = arith.addf %mul3A_2305, %mul3A_2306 : vector<16xf32>
      %reduce_sum3A_2308 = arith.constant true
      %reduce_sum3A_2309 = vector.broadcast %reduce_sum3A_2308 : i1 to vector<16xi1>
      %reduce_sum3A_2310 = tpu.scan <sum>, %add3A_2307 masked %reduce_sum3A_2309 : vector<16xf32>, vector<16xi1> -> vector<16xf32>
      %reduce_sum3A_2311 = vector.extract %reduce_sum3A_2310[15] : f32 from vector<16xf32>
      %eq3A_2312 = arith.constant 14 : i32
      %eq3A_2313 = vector.broadcast %eq3A_2312 : i32 to vector<16xi32>
      %eq3A_2314 = arith.cmpi eq, %iota3A, %eq3A_2313 : vector<16xi32>
      %broadcast_in_dim3A_2315 = vector.broadcast %reduce_sum3A_2304 : f32 to vector<16xf32>
      %select_n3A_2316 = arith.select %eq3A_2314, %broadcast_in_dim3A_2315, %select_n3A_2229 : vector<16xi1>, vector<16xf32>
      %broadcast_in_dim3A_2317 = vector.broadcast %reduce_sum3A_2311 : f32 to vector<16xf32>
      %select_n3A_2318 = arith.select %eq3A_2314, %broadcast_in_dim3A_2317, %select_n3A_2231 : vector<16xi1>, vector<16xf32>
      %dma_wait3A_2319 = arith.constant 0 : i32
      %dma_wait3A_2320 = arith.constant 0 : i32
      %dma_wait3A_2321 = arith.constant 0 : i32
      %dma_wait3A_2322 = tpu.memref_slice %arg19[%dma_wait3A_2319, %dma_wait3A_2320, %dma_wait3A_2321] : memref<3x32x128xf32, #tpu.memory_space<vmem>> -> memref<1x32x128xf32, #tpu.memory_space<vmem>>
      %dma_wait3A_2323 = tpu.memref_squeeze %dma_wait3A_2322 : memref<1x32x128xf32, #tpu.memory_space<vmem>> -> memref<32x128xf32, #tpu.memory_space<vmem>>
      %dma_wait3A_2324 = arith.constant 0 : i32
      %dma_wait3A_2325 = tpu.memref_slice %arg5[%dma_wait3A_2324, %multiple_of3A_1656] : memref<32x1000000xf32, #tpu.memory_space<hbm>> -> memref<32x128xf32, #tpu.memory_space<hbm>>
      %dma_wait3A_2326 = arith.constant 0 : i32
      %dma_wait3A_2327 = arith.constant 0 : i32
      %dma_wait3A_2328 = tpu.memref_slice %arg19[%dma_wait3A_2319, %dma_wait3A_2326, %dma_wait3A_2327] : memref<3x32x128xf32, #tpu.memory_space<vmem>> -> memref<1x32x128xf32, #tpu.memory_space<vmem>>
      %dma_wait3A_2329 = tpu.memref_squeeze %dma_wait3A_2328 : memref<1x32x128xf32, #tpu.memory_space<vmem>> -> memref<32x128xf32, #tpu.memory_space<vmem>>
      %dma_wait3A_2330 = arith.constant 0 : i32
      %dma_wait3A_2331 = tpu.memref_slice %arg5[%dma_wait3A_2330, %multiple_of3A_1656] : memref<32x1000000xf32, #tpu.memory_space<hbm>> -> memref<32x128xf32, #tpu.memory_space<hbm>>
      tpu.wait_dma2 semaphore(%arg22 : memref<!tpu.dma_semaphore, #tpu.memory_space<semaphore_mem>>) src(%dma_wait3A_2331 : memref<32x128xf32, #tpu.memory_space<hbm>>) dst(%dma_wait3A_2329 : memref<32x128xf32, #tpu.memory_space<vmem>>)
      %dma_wait3A_2332 = arith.constant 1 : i32
      %dma_wait3A_2333 = arith.constant 0 : i32
      %dma_wait3A_2334 = arith.constant 0 : i32
      %dma_wait3A_2335 = tpu.memref_slice %arg19[%dma_wait3A_2332, %dma_wait3A_2333, %dma_wait3A_2334] : memref<3x32x128xf32, #tpu.memory_space<vmem>> -> memref<1x32x128xf32, #tpu.memory_space<vmem>>
      %dma_wait3A_2336 = tpu.memref_squeeze %dma_wait3A_2335 : memref<1x32x128xf32, #tpu.memory_space<vmem>> -> memref<32x128xf32, #tpu.memory_space<vmem>>
      %dma_wait3A_2337 = arith.constant 0 : i32
      %dma_wait3A_2338 = tpu.memref_slice %arg6[%dma_wait3A_2337, %multiple_of3A_1676] : memref<32x1000000xf32, #tpu.memory_space<hbm>> -> memref<32x128xf32, #tpu.memory_space<hbm>>
      %dma_wait3A_2339 = arith.constant 0 : i32
      %dma_wait3A_2340 = arith.constant 0 : i32
      %dma_wait3A_2341 = tpu.memref_slice %arg19[%dma_wait3A_2332, %dma_wait3A_2339, %dma_wait3A_2340] : memref<3x32x128xf32, #tpu.memory_space<vmem>> -> memref<1x32x128xf32, #tpu.memory_space<vmem>>
      %dma_wait3A_2342 = tpu.memref_squeeze %dma_wait3A_2341 : memref<1x32x128xf32, #tpu.memory_space<vmem>> -> memref<32x128xf32, #tpu.memory_space<vmem>>
      %dma_wait3A_2343 = arith.constant 0 : i32
      %dma_wait3A_2344 = tpu.memref_slice %arg6[%dma_wait3A_2343, %multiple_of3A_1676] : memref<32x1000000xf32, #tpu.memory_space<hbm>> -> memref<32x128xf32, #tpu.memory_space<hbm>>
      tpu.wait_dma2 semaphore(%arg22 : memref<!tpu.dma_semaphore, #tpu.memory_space<semaphore_mem>>) src(%dma_wait3A_2344 : memref<32x128xf32, #tpu.memory_space<hbm>>) dst(%dma_wait3A_2342 : memref<32x128xf32, #tpu.memory_space<vmem>>)
      %dma_wait3A_2345 = arith.constant 2 : i32
      %dma_wait3A_2346 = arith.constant 0 : i32
      %dma_wait3A_2347 = arith.constant 0 : i32
      %dma_wait3A_2348 = tpu.memref_slice %arg19[%dma_wait3A_2345, %dma_wait3A_2346, %dma_wait3A_2347] : memref<3x32x128xf32, #tpu.memory_space<vmem>> -> memref<1x32x128xf32, #tpu.memory_space<vmem>>
      %dma_wait3A_2349 = tpu.memref_squeeze %dma_wait3A_2348 : memref<1x32x128xf32, #tpu.memory_space<vmem>> -> memref<32x128xf32, #tpu.memory_space<vmem>>
      %dma_wait3A_2350 = arith.constant 0 : i32
      %dma_wait3A_2351 = tpu.memref_slice %arg6[%dma_wait3A_2350, %multiple_of3A_1696] : memref<32x1000000xf32, #tpu.memory_space<hbm>> -> memref<32x128xf32, #tpu.memory_space<hbm>>
      %dma_wait3A_2352 = arith.constant 0 : i32
      %dma_wait3A_2353 = arith.constant 0 : i32
      %dma_wait3A_2354 = tpu.memref_slice %arg19[%dma_wait3A_2345, %dma_wait3A_2352, %dma_wait3A_2353] : memref<3x32x128xf32, #tpu.memory_space<vmem>> -> memref<1x32x128xf32, #tpu.memory_space<vmem>>
      %dma_wait3A_2355 = tpu.memref_squeeze %dma_wait3A_2354 : memref<1x32x128xf32, #tpu.memory_space<vmem>> -> memref<32x128xf32, #tpu.memory_space<vmem>>
      %dma_wait3A_2356 = arith.constant 0 : i32
      %dma_wait3A_2357 = tpu.memref_slice %arg6[%dma_wait3A_2356, %multiple_of3A_1696] : memref<32x1000000xf32, #tpu.memory_space<hbm>> -> memref<32x128xf32, #tpu.memory_space<hbm>>
      tpu.wait_dma2 semaphore(%arg22 : memref<!tpu.dma_semaphore, #tpu.memory_space<semaphore_mem>>) src(%dma_wait3A_2357 : memref<32x128xf32, #tpu.memory_space<hbm>>) dst(%dma_wait3A_2355 : memref<32x128xf32, #tpu.memory_space<vmem>>)
      %broadcast_in_dim3A_2358 = arith.constant 0 : i32
      %broadcast_in_dim3A_2359 = vector.broadcast %broadcast_in_dim3A_2358 : i32 to vector<16xi32>
      %broadcast_in_dim3A_2360 = arith.constant 1 : i32
      %broadcast_in_dim3A_2361 = vector.broadcast %broadcast_in_dim3A_2360 : i32 to vector<16xi32>
      %broadcast_in_dim3A_2362 = arith.constant 2 : i32
      %broadcast_in_dim3A_2363 = vector.broadcast %broadcast_in_dim3A_2362 : i32 to vector<16xi32>
      %slice3A_2364 = vector.extract_strided_slice %get3A_53 {offsets = [15], sizes = [1], strides = [1]} : vector<16xi32> to vector<1xi32>
      %squeeze3A_2365 = vector.extract %slice3A_2364[0] : i32 from vector<1xi32>
      %and3A_2366 = arith.constant 127 : i32
      %and3A_2367 = arith.andi %squeeze3A_2365, %and3A_2366 : i32
      %broadcast_in_dim3A_2368 = vector.broadcast %and3A_2367 : i32 to vector<16xi32>
      %slice3A_2369 = vector.extract_strided_slice %get3A_56 {offsets = [15], sizes = [1], strides = [1]} : vector<16xi32> to vector<1xi32>
      %squeeze3A_2370 = vector.extract %slice3A_2369[0] : i32 from vector<1xi32>
      %and3A_2371 = arith.constant 127 : i32
      %and3A_2372 = arith.andi %squeeze3A_2370, %and3A_2371 : i32
      %broadcast_in_dim3A_2373 = vector.broadcast %and3A_2372 : i32 to vector<16xi32>
      %slice3A_2374 = vector.extract_strided_slice %get3A_59 {offsets = [15], sizes = [1], strides = [1]} : vector<16xi32> to vector<1xi32>
      %squeeze3A_2375 = vector.extract %slice3A_2374[0] : i32 from vector<1xi32>
      %and3A_2376 = arith.constant 127 : i32
      %and3A_2377 = arith.andi %squeeze3A_2375, %and3A_2376 : i32
      %broadcast_in_dim3A_2378 = vector.broadcast %and3A_2377 : i32 to vector<16xi32>
      %gather3A_2379 = tpu.vector_load_idx %arg19[%broadcast_in_dim3A_2359, %iota3A, %broadcast_in_dim3A_2368] : memref<3x32x128xf32, #tpu.memory_space<vmem>>[vector<16xi32>, vector<16xi32>, vector<16xi32>], vector<16xf32>,
      %gather3A_2380 = tpu.vector_load_idx %arg19[%broadcast_in_dim3A_2359, %add3A_11, %broadcast_in_dim3A_2368] : memref<3x32x128xf32, #tpu.memory_space<vmem>>[vector<16xi32>, vector<16xi32>, vector<16xi32>], vector<16xf32>,
      %gather3A_2381 = tpu.vector_load_idx %arg19[%broadcast_in_dim3A_2361, %iota3A, %broadcast_in_dim3A_2373] : memref<3x32x128xf32, #tpu.memory_space<vmem>>[vector<16xi32>, vector<16xi32>, vector<16xi32>], vector<16xf32>,
      %gather3A_2382 = tpu.vector_load_idx %arg19[%broadcast_in_dim3A_2361, %add3A_11, %broadcast_in_dim3A_2373] : memref<3x32x128xf32, #tpu.memory_space<vmem>>[vector<16xi32>, vector<16xi32>, vector<16xi32>], vector<16xf32>,
      %gather3A_2383 = tpu.vector_load_idx %arg19[%broadcast_in_dim3A_2363, %iota3A, %broadcast_in_dim3A_2378] : memref<3x32x128xf32, #tpu.memory_space<vmem>>[vector<16xi32>, vector<16xi32>, vector<16xi32>], vector<16xf32>,
      %gather3A_2384 = tpu.vector_load_idx %arg19[%broadcast_in_dim3A_2363, %add3A_11, %broadcast_in_dim3A_2378] : memref<3x32x128xf32, #tpu.memory_space<vmem>>[vector<16xi32>, vector<16xi32>, vector<16xi32>], vector<16xf32>,
      %mul3A_2385 = arith.mulf %gather3A_2379, %gather3A_2381 : vector<16xf32>
      %mul3A_2386 = arith.mulf %gather3A_2380, %gather3A_2382 : vector<16xf32>
      %add3A_2387 = arith.addf %mul3A_2385, %mul3A_2386 : vector<16xf32>
      %reduce_sum3A_2388 = arith.constant true
      %reduce_sum3A_2389 = vector.broadcast %reduce_sum3A_2388 : i1 to vector<16xi1>
      %reduce_sum3A_2390 = tpu.scan <sum>, %add3A_2387 masked %reduce_sum3A_2389 : vector<16xf32>, vector<16xi1> -> vector<16xf32>
      %reduce_sum3A_2391 = vector.extract %reduce_sum3A_2390[15] : f32 from vector<16xf32>
      %mul3A_2392 = arith.mulf %gather3A_2379, %gather3A_2383 : vector<16xf32>
      %mul3A_2393 = arith.mulf %gather3A_2380, %gather3A_2384 : vector<16xf32>
      %add3A_2394 = arith.addf %mul3A_2392, %mul3A_2393 : vector<16xf32>
      %reduce_sum3A_2395 = arith.constant true
      %reduce_sum3A_2396 = vector.broadcast %reduce_sum3A_2395 : i1 to vector<16xi1>
      %reduce_sum3A_2397 = tpu.scan <sum>, %add3A_2394 masked %reduce_sum3A_2396 : vector<16xf32>, vector<16xi1> -> vector<16xf32>
      %reduce_sum3A_2398 = vector.extract %reduce_sum3A_2397[15] : f32 from vector<16xf32>
      %eq3A_2399 = arith.constant 15 : i32
      %eq3A_2400 = vector.broadcast %eq3A_2399 : i32 to vector<16xi32>
      %eq3A_2401 = arith.cmpi eq, %iota3A, %eq3A_2400 : vector<16xi32>
      %broadcast_in_dim3A_2402 = vector.broadcast %reduce_sum3A_2391 : f32 to vector<16xf32>
      %select_n3A_2403 = arith.select %eq3A_2401, %broadcast_in_dim3A_2402, %select_n3A_2316 : vector<16xi1>, vector<16xf32>
      %broadcast_in_dim3A_2404 = vector.broadcast %reduce_sum3A_2398 : f32 to vector<16xf32>
      %select_n3A_2405 = arith.select %eq3A_2401, %broadcast_in_dim3A_2404, %select_n3A_2318 : vector<16xi1>, vector<16xf32>
      %mul3A_2406 = arith.constant 16 : i32
      %mul3A_2407 = arith.muli %scan3A_18, %mul3A_2406 : i32
      %swap3A = arith.index_cast %mul3A_2407 : i32 to index
      %swap3A_2408 = tpu.vector_load %arg20[%swap3A] {strides = array<i32>} : memref<512xf32, #tpu.memory_space<vmem>>, vector<16xf32>,
      tpu.vector_store %arg20[%swap3A], %select_n3A_2403 {strides = array<i32>} : memref<512xf32, #tpu.memory_space<vmem>>, vector<16xf32>,
      %mul3A_2409 = arith.constant 16 : i32
      %mul3A_2410 = arith.muli %scan3A_18, %mul3A_2409 : i32
      %swap3A_2411 = arith.index_cast %mul3A_2410 : i32 to index
      %swap3A_2412 = tpu.vector_load %arg21[%swap3A_2411] {strides = array<i32>} : memref<512xf32, #tpu.memory_space<vmem>>, vector<16xf32>,
      tpu.vector_store %arg21[%swap3A_2411], %select_n3A_2405 {strides = array<i32>} : memref<512xf32, #tpu.memory_space<vmem>>, vector<16xf32>,
      %scan3A_2413 = arith.constant 0 : i32
      scf.yield %scan3A_2413 : i32
    }
    %scan3A_17 = arith.constant 32 : i32
    "tpu.region"() ({
      %run_scoped3A = tpu.sem_alloc : memref<!tpu.dma_semaphore, #tpu.memory_space<semaphore_mem>>
      %dma_start3A = tpu.memref_slice %arg7[%mul3A_2] : memref<16384xf32, #tpu.memory_space<hbm>> -> memref<512xf32, #tpu.memory_space<hbm>>
      %dma_start3A_18 = tpu.memref_slice %arg7[%mul3A_2] : memref<16384xf32, #tpu.memory_space<hbm>> -> memref<512xf32, #tpu.memory_space<hbm>>
      tpu.enqueue_dma source(%arg20 : memref<512xf32, #tpu.memory_space<vmem>>) target(%dma_start3A_18 : memref<512xf32, #tpu.memory_space<hbm>>) target_semaphore(%run_scoped3A : memref<!tpu.dma_semaphore, #tpu.memory_space<semaphore_mem>>)
      %dma_wait3A = tpu.memref_slice %arg7[%mul3A_2] : memref<16384xf32, #tpu.memory_space<hbm>> -> memref<512xf32, #tpu.memory_space<hbm>>
      %dma_wait3A_19 = tpu.memref_slice %arg7[%mul3A_2] : memref<16384xf32, #tpu.memory_space<hbm>> -> memref<512xf32, #tpu.memory_space<hbm>>
      tpu.wait_dma2 semaphore(%run_scoped3A : memref<!tpu.dma_semaphore, #tpu.memory_space<semaphore_mem>>) src(%arg20 : memref<512xf32, #tpu.memory_space<vmem>>) dst(%dma_wait3A_19 : memref<512xf32, #tpu.memory_space<hbm>>)
      tpu.yield
    }) : () -> ()
    "tpu.region"() ({
      %run_scoped3A = tpu.sem_alloc : memref<!tpu.dma_semaphore, #tpu.memory_space<semaphore_mem>>
      %dma_start3A = tpu.memref_slice %arg8[%mul3A_2] : memref<16384xf32, #tpu.memory_space<hbm>> -> memref<512xf32, #tpu.memory_space<hbm>>
      %dma_start3A_18 = tpu.memref_slice %arg8[%mul3A_2] : memref<16384xf32, #tpu.memory_space<hbm>> -> memref<512xf32, #tpu.memory_space<hbm>>
      tpu.enqueue_dma source(%arg21 : memref<512xf32, #tpu.memory_space<vmem>>) target(%dma_start3A_18 : memref<512xf32, #tpu.memory_space<hbm>>) target_semaphore(%run_scoped3A : memref<!tpu.dma_semaphore, #tpu.memory_space<semaphore_mem>>)
      %dma_wait3A = tpu.memref_slice %arg8[%mul3A_2] : memref<16384xf32, #tpu.memory_space<hbm>> -> memref<512xf32, #tpu.memory_space<hbm>>
      %dma_wait3A_19 = tpu.memref_slice %arg8[%mul3A_2] : memref<16384xf32, #tpu.memory_space<hbm>> -> memref<512xf32, #tpu.memory_space<hbm>>
      tpu.wait_dma2 semaphore(%run_scoped3A : memref<!tpu.dma_semaphore, #tpu.memory_space<semaphore_mem>>) src(%arg21 : memref<512xf32, #tpu.memory_space<vmem>>) dst(%dma_wait3A_19 : memref<512xf32, #tpu.memory_space<hbm>>)
      tpu.yield
    }) : () -> ()
    return
  }
}

</mosaic_0001>

<sc_bundles>
// kernel: kernel.3.cloned.1.call-start
scs
__scs_entry_jumppad:
0x0: {  	(pc) =	sbr.rel $0x88, $3  }
0x1: {  	(tag) =	ssettag $0x0;
	lr =	simm.s32 $0x1  }
0x2: {  	[smem:$0x3F9C] =	sst lr;
	_ =	strace $0xD0000000  }
0x3: {  	_ = 	snop  }
0x4: {  	_ = 	snop  }
0x5: {  	_ = 	snop  }
0x6: {  	_ = 	snop  }
0x7: {  	_ = 	snop  }
__scs_overlays_trampoline_lowered:
0x8: {  	[smem:$0x3FAB] =	sst s0  }
0x9: {  	[smem:$0x3FAC] =	sst s1  }
0xa: {  	[smem:$0x3FAD] =	sst s2  }
0xb: {  	[smem:$0x3FAE] =	sst s3  }
0xc: {  	[smem:$0x3FAF] =	sst s4  }
0xd: {  	[smem:$0x3FB0] =	sst s5  }
0xe: {  	[smem:$0x3FB1] =	sst s6  }
0xf: {  	[smem:$0x3FB2] =	sst s7  }
0x10: {  	[smem:$0x3FB3] =	sst s8  }
0x11: {  	[smem:$0x3FB4] =	sst s9;
	s0 =	simm.s32 @!p0 $0x0  }
0x12: {  	s1 =	sld [smem:$0x3F9A];
	s0 =	simm.s32 @p0 $0x1  }
0x13: {  	[smem:$0x3FB5] =	sst s0;
	s0 =	simm.s32 @!p1 $0x0  }
0x14: {  	s2 =	sld [smem:$0x3F99];
	s0 =	simm.s32 @p1 $0x1  }
0x15: {  	[smem:$0x3FB6] =	sst s0;
	s0 =	simm.s32 @!p2 $0x0  }
0x16: {  	s3 =	sld [smem:$0x3FDB];
	s0 =	simm.s32 @p2 $0x1  }
0x17: {  	s4 =	simm.s32 $0x1BF5;
	[smem:$0x3FB8] =	sst s0  }
0x18: {  	s0 =	sld [smem:$0x3F9B];
	_ =	swait.ge [sflag:s4], $0x0  }
0x19: {  	s7 =	sld [smem:$0x3F9C]  }
0x1a: {  	s8 =	sadd.s32 $0xFFFFE003, lr  }
0x1b: {  	s9 =	sadd.s32 $0xFFFFFEF7, lr;
	s5 =	simm.s32 $0xFFFFFFFF;
	p2 =	slt.u32 s8, $0xFFFFF086  }
0x1c: {  	p1 =	slt.u32 s9, $0xF7A;
	s5 =	simm.s32 @!p2 $0x0  }
0x1d: {  	s5 =	simm.s32 @p1 $0x1;
	p0 =	seq.s32 s7, s2  }
0x1e: {  	s7 =	smul.u32 @!p0 $0xF7A, s2;
	p2 =	seq.s32 @!p0 s5, $0x0  }
0x1f: {  	s9 =	smul.u32 $0xF7A, s1;
	s8 =	simm.s32 @!p0 $0x1BF5;
	p2 =	por !p2, p0  }
0x20: {  	[sflag:s8] =	ssyncset.s32 @!p0 $0xFFFFF086;
	s6 =	sadd.s32 @!p0 s3, s7;
	s7 =	simm.s32 @!p0 $0x108  }
0x21: {  	s3 =	sadd.s32 s3, s9;
	s6 =	sadd.s32 @!p0 $0x88, s6;
	s7 =	simm.s32 @p2 $0x1082  }
0x22: {  	[simem:s7], [sflag:s8] =	dma.local @!p0 [hbm:s6], $0xF7A  }
0x23: {  	s9 =	sor.u32 $0xD0000000, s2;
	s6 =	simm.s32 $0x108;
	_ =	swait.ge @!p0 [sflag:s8], $0x0  }
0x24: {  	s3 =	sadd.s32 $0x88, s3;
	s6 =	simm.s32 @!p1 $0x1082;
	[sflag:s4] =	ssyncset.s32 $0xFFFFF086  }
0x25: {  	[simem:s6], [sflag:s4] =	dma.local [hbm:s3], $0xF7A  }
0x26: {  	[smem:$0x3F9C] =	sst s1;
	(tag) =	ssettag s2;
	_ =	strace s9  }
0x27: {  	s1 =	sld [smem:$0x3FAC]  }
0x28: {  	s2 =	sld [smem:$0x3FAD]  }
0x29: {  	s4 =	sld [smem:$0x3FAF]  }
0x2a: {  	p0 =	seq.s32 s5, $0x0;
	s5 =	sld [smem:$0x3FB0]  }
0x2b: {  	s6 =	sld [smem:$0x3FB1]  }
0x2c: {  	s7 =	sld [smem:$0x3FB2]  }
0x2d: {  	s3 =	simm.s32 $0x108;
	s8 =	sld [smem:$0x3FB3]  }
0x2e: {  	s3 =	simm.s32 @!p0 $0x1082;
	s9 =	sld [smem:$0x3FB4]  }
0x2f: {  	lr =	sadd.s32 s0, s3;
	s0 =	sld [smem:$0x3FAB]  }
0x30: {  	s3 =	sld [smem:$0x3FAE]  }
0x31: {  	[smem:$0x3FB7] =	sst s10  }
0x32: {  	s10 =	sld [smem:$0x3FB5];
	_ =	sdelay $0x3  }
0x33: {  	p0 =	seq.s32 s10, $0x1;
	s10 =	sld [smem:$0x3FB7];
	_ =	sdelay $0x3  }
0x34: {  	[smem:$0x3FB7] =	sst s10  }
0x35: {  	s10 =	sld [smem:$0x3FB6];
	_ =	sdelay $0x3  }
0x36: {  	p1 =	seq.s32 s10, $0x1;
	s10 =	sld [smem:$0x3FB7];
	_ =	sdelay $0x3  }
0x37: {  	[smem:$0x3FB7] =	sst s10  }
0x38: {  	s10 =	sld [smem:$0x3FB8]  }
0x39: {  	_ = 	snop;
	(pc) =	sbr.ind lr, $3  }
0x3a: {  	_ = 	snop  }
0x3b: {  	_ = 	snop  }
0x3c: {  	p2 =	seq.s32 s10, $0x1;
	s10 =	sld [smem:$0x3FB7]  }
0x3d: {  	_ =	shalt  }
0x3e: {  	_ =	shalt  }
0x3f: {  	_ =	shalt  }
0x40: {  	_ =	shalt  }
0x41: {  	_ =	shalt  }
0x42: {  	_ =	shalt  }
0x43: {  	_ =	shalt  }
0x44: {  	_ =	shalt  }
0x45: {  	_ =	shalt  }
0x46: {  	_ =	shalt  }
0x47: {  	_ =	shalt  }
0x48: {  	_ =	shalt  }
0x49: {  	_ =	shalt  }
0x4a: {  	_ =	shalt  }
0x4b: {  	_ =	shalt  }
0x4c: {  	_ =	shalt  }
0x4d: {  	_ =	shalt  }
0x4e: {  	_ =	shalt  }
0x4f: {  	_ =	shalt  }
0x50: {  	_ =	shalt  }
0x51: {  	_ =	shalt  }
0x52: {  	_ =	shalt  }
0x53: {  	_ =	shalt  }
0x54: {  	_ =	shalt  }
0x55: {  	_ =	shalt  }
0x56: {  	_ =	shalt  }
0x57: {  	_ =	shalt  }
0x58: {  	_ =	shalt  }
0x59: {  	_ =	shalt  }
0x5a: {  	_ =	shalt  }
0x5b: {  	_ =	shalt  }
0x5c: {  	_ =	shalt  }
0x5d: {  	_ =	shalt  }
0x5e: {  	_ =	shalt  }
0x5f: {  	_ =	shalt  }
0x60: {  	_ =	shalt  }
0x61: {  	_ =	shalt  }
0x62: {  	_ =	shalt  }
0x63: {  	_ =	shalt  }
0x64: {  	_ =	shalt  }
0x65: {  	_ =	shalt  }
0x66: {  	_ =	shalt  }
0x67: {  	_ =	shalt  }
0x68: {  	_ =	shalt  }
0x69: {  	_ =	shalt  }
0x6a: {  	_ =	shalt  }
0x6b: {  	_ =	shalt  }
0x6c: {  	_ =	shalt  }
0x6d: {  	_ =	shalt  }
0x6e: {  	_ =	shalt  }
0x6f: {  	_ =	shalt  }
0x70: {  	_ =	shalt  }
0x71: {  	_ =	shalt  }
0x72: {  	_ =	shalt  }
0x73: {  	_ =	shalt  }
0x74: {  	_ =	shalt  }
0x75: {  	_ =	shalt  }
0x76: {  	_ =	shalt  }
0x77: {  	_ =	shalt  }
0x78: {  	_ =	shalt  }
0x79: {  	_ =	shalt  }
0x7a: {  	_ =	shalt  }
0x7b: {  	_ =	shalt  }
0x7c: {  	_ =	shalt  }
0x7d: {  	_ =	shalt  }
0x7e: {  	_ =	shalt  }
0x7f: {  	_ =	shalt  }
0x80: {  	_ =	shalt  }
0x81: {  	_ =	shalt  }
0x82: {  	_ =	shalt  }
0x83: {  	_ =	shalt  }
0x84: {  	_ =	shalt  }
0x85: {  	_ =	shalt  }
0x86: {  	_ =	shalt  }
0x87: {  	_ =	shalt  }
.Lfunc_end0:
.L_simem_size_0:
called_computation_lowered:
.L_overlay_start_0:
0x88: {  	s2 =	sld [smem:$0x3FD9]  }
0x89: {  	s3 =	sld [smem:$0x3FFE];
	_ =	sdelay $0x1  }
0x8a: {  	s1 =	srdreg.scid  }
0x8b: {  	s0 =	sand.u32 $0x1, s1  }
0x8c: {  	s15 =	sshll.u32 s0, $0xA;
	s2 =	sadd.s32 s3, s2  }
0x8d: {  	s2 =	sadd.s32 s2, s15  }
0x8e: {  	[smem:$0x3FC3] =	sst s2  }
0x8f: {  	_ = 	snop  }
0x90: {  	s2 =	sld [smem:$0x3FC9]  }
0x91: {  	s16 =	sld [smem:$0x3FC8]  }
0x92: {  	s4 =	sld [smem:$0x3FD0]  }
0x93: {  	s5 =	sld [smem:$0x3FC7]  }
0x94: {  	s6 =	sld [smem:$0x3FC6]  }
0x95: {  	s8 =	simm.s32 $0xA;
	s9 =	simm.s32 $0x10;
	s7 =	sld [smem:$0x3FC5]  }
0x96: {  	[smem:s9], [sflag:s8] =	dma.local [hbm:s4], $0x1  }
0x97: {  	_ =	swait.eq [sflag:s8], $0x1  }
0x98: {  	[sflag:s8] =	ssyncset.done $0x0  }
0x99: {  	s17 =	sld [smem:$0x10];
	[sflag:s8] =	ssyncadd.s32 $0xFFFFFFFF  }
0x9a: {  	s18 =	sld [smem:$0x11];
	(tm) =	ssettm $0x1  }
0x9b: {  	s19 =	sld [smem:$0x3FFB];
	_ =	sdelay $0x3  }
0x9c: {  	_ =	strace s19  }
0x9d: {  	s9 =	sld [smem:$0x3FFC];
	_ =	sdelay $0x3  }
0x9e: {  	_ =	strace s9  }
0x9f: {  	s9 =	sld [smem:$0x3FFD];
	_ =	sdelay $0x3  }
0xa0: {  	_ =	strace s9  }
0xa1: {  	_ =	strace $0x8FFFFFFF  }
0xa2: {  	s20 =	sld [smem:$0x3FDB];
	_ =	sdelay $0x1  }
0xa3: {  	s10 =	simm.s32 $_scs_section_size  }
0xa4: {  	s11 =	simm.s32 $_size__tile_overlayer_lowered;
	s12 =	simm.s32 $_tile_overlayer_lowered  }
0xa5: {  	s23 =	simm.s32 $0x1BFF;
	s22 =	sshll.u32 s12, $0x1;
	s9 =	sadd.s32 s10, s20  }
0xa6: {  	s13 =	simm.s32 $0x0;
	s21 =	sshll.u32 s11, $0x1;
	s11 =	sadd.s32 s22, s9  }
0xa7: {  	[timem:s13], [sflag:s23] =	dma.local [hbm:s11], s21  }
0xa8: {  	_ =	swait.ge [sflag:s23], s21  }
0xa9: {  	s10 =	ssub.s32 $0x0, s21;
	[sflag:s23] =	ssyncset.done $0x0  }
0xaa: {  	[sflag:s23] =	ssyncadd.s32 s10;
	_ =	sdelay $0x1  }
0xab: {  	s24 =	simm.s32 $0x1B8B  }
0xac: {  	_ =	swait.ge [sflag:s24], $0x1  }
0xad: {  	[sflag:s24] =	ssyncset.done $0x0  }
0xae: {  	s25 =	simm.s32 $0x1B8E;
	[sflag:s24] =	ssyncadd.s32 $0xFFFFFFFF  }
0xaf: {  	s26 =	simm.s32 $execute0_lowered;
	[smem:$0x3FD2] =	sst s25  }
0xb0: {  	s10 =	sshll.u32 s26, $0x1;
	_ =	strace $0x80000046;
	[dreg:$0x1] =	wrdreg $0xFFFFFFFF  }
0xb1: {  	s28 =	simm.s32 $_size_execute0_lowered;
	s9 =	sadd.s32 s9, s10;
	[dreg:$0x0] =	wrdreg $0x0  }
0xb2: {  	s10 =	sshll.u32 s28, $0x1;
	[dreg:$0x2] =	wrdreg s9  }
0xb3: {  	[dreg:$0x3] =	wrdreg s10  }
0xb4: {  	[dreg:$0x4] =	wrdreg $0xC0  }
0xb5: {  	_ =	task [dreg:s13], $0x5FFFF  }
0xb6: {  	[dreg:$0x1] =	wrdreg $0xFFFFFFFF  }
0xb7: {  	[dreg:$0x0] =	wrdreg $0x60  }
0xb8: {  	[dreg:$0x2] =	wrdreg s2  }
0xb9: {  	[dreg:$0x3] =	wrdreg s16  }
0xba: {  	[dreg:$0x4] =	wrdreg s5  }
0xbb: {  	[dreg:$0x5] =	wrdreg s6  }
0xbc: {  	[dreg:$0x6] =	wrdreg s7  }
0xbd: {  	[dreg:$0x7] =	wrdreg s17  }
0xbe: {  	[dreg:$0x8] =	wrdreg s18  }
0xbf: {  	[dreg:$0x9] =	wrdreg $0x9  }
0xc0: {  	_ =	task.clear_ibuf [dreg:s13], $0xAFFFF;
	_ =	strace $0x90000046  }
0xc1: {  	s29 =	simm.s32 $0x9;
	_ =	strace $0x80000048  }
0xc2: {  	_ =	swait.ge [sflag:s29], $0x1  }
0xc3: {  	[sflag:s29] =	ssyncadd.s32 $0xFFFFFFFF  }
0xc4: {  	_ =	strace $0x90000048  }
0xc5: {  	_ =	sfence  }
0xc6: {  	s30 =	sld [smem:$0x0];
	_ =	sdelay $0x2  }
0xc7: {  	s31 =	sshll.u32 s1, $0xD;
	s1 =	sshrl.u32 s1, $0x2  }
0xc8: {  	s3 =	sand.u32 $0x4000, s31;
	s1 =	sadd.s32 s1, s30  }
0xc9: {  	s0 =	sor.u32 s3, s0;
	s1 =	sshll.u32 s1, $0x11  }
0xca: {  	s0 =	sor.u32 s1, s0  }
0xcb: {  	s0 =	sadd.s32 $0x8F2B, s0  }
0xcc: {  	[sflag:s0] =	ssyncadd.remote.s32 $0x1  }
0xcd: {  	_ =	sfence.sel $0xFFFF  }
0xce: {  	[dreg:$0x0] =	wrdreg $0xFFFFFFFF;
	(pc) =	sbr.abs _section_cstart, $3  }
0xcf: {  	[dreg:$0x1] =	wrdreg $0xFFFFFFFF  }
0xd0: {  	_ =	task.clear_ibuf [dreg:s13], $0x2FFFF;
	_ =	strace $0x9FFFFFFF  }
0xd1: {  	(tm) =	ssettm $0x7FFFFFFF  }
tec
execute0_lowered:
.L_overlay_start_1:
0x0: {  	(tag) =	ssettag $0x1  }
0x1: {  	s0 =	rddreg [dreg:$0x0]  }
0x2: {  	s3 =	rddreg [dreg:$0x1]  }
0x3: {  	s4 =	rddreg [dreg:$0x2]  }
0x4: {  	s1 =	rddreg [dreg:$0x3]  }
0x5: {  	s12 =	rddreg [dreg:$0x4]  }
0x6: {  	s5 =	rddreg [dreg:$0x5]  }
0x7: {  	s6 =	rddreg [dreg:$0x6];
	s11 =	simm.s32 $0x0;
	s7 =	srdreg.scid  }
0x8: {  	s9 =	stileid.u32;
	s13 =	simm.s32 $0x400;
	s14 =	simm.s32 $0x7A1400  }
0x9: {  	s17 =	simm.s32 $0x600;
	s30 =	simm.s32 $0x6600;
	s15 =	simm.s32 $0x7600  }
0xa: {  	s18 =	simm.s32 $0x8600;
	s20 =	simm.s32 $0xA600;
	s21 =	simm.s32 $0xB600  }
0xb: {  	s28 =	simm.s32 $0xE600;
	s31 =	simm.s32 $0xF600;
	s2 =	simm.s32 $0x0  }
0xc: {  	[smem:$0x7FF] =	sst s11;
	s7 =	sand.u32 $0x1, s7;
	s9 =	sshll.u32 s9, $0x7  }
0xd: {  	s8 =	ssub.s32 $0x2, s7;
	s7 =	sshll.u32 s7, $0x6;
	_ =	strace $0x80000047  }
0xe: {  	v0 =	vlaneseq.u32;
	s10 =	sshrl.u32 s8, $0x1;
	s7 =	sor.u32 s7, s9;
	s9 =	simm.s32 $0x5600  }
0xf: {  	vm0 =	vmmov $0x1;
	vm1 =	vmmov $0x3;
	vm2 =	vmmov $0x7;
	s8 =	ssub.s32 s8, s10;
	s0 =	sadd.s32 s0, s7;
	s23 =	sadd.s32 s3, s7  }
0x10: {  	vm3 =	vmmov $0xf;
	vm4 =	vmmov $0x1f;
	vm5 =	vmmov $0x3f;
	s24 =	sadd.s32 s4, s7;
	s25 =	sadd.s32 s5, s7;
	[dreg:$0x8] =	wrdreg s0  }
0x11: {  	vm6 =	vmmov $0x7f;
	vm7 =	vmmov $0xff;
	vm8 =	vmmov $0x1ff;
	s26 =	sadd.s32 s6, s7;
	s3 =	simm.s32 $0x2;
	[dreg:$0x9] =	wrdreg s23  }
0x12: {  	vm9 =	vmmov $0x3ff;
	vm10 =	vmmov $0x7ff;
	v0 =	vmul.u32 $0x80, v0;
	s5 =	simm.s32 $0x1600;
	s6 =	simm.s32 $0x2600;
	[dreg:$0xa] =	wrdreg s24  }
0x13: {  	vm11 =	vmmov $0xfff;
	vm12 =	vmmov $0x1fff;
	vm13 =	vmmov $0x3fff;
	s7 =	simm.s32 $0x3600;
	s10 =	simm.s32 $0x1;
	[dreg:$0xb] =	wrdreg s25  }
0x14: {  	vm14 =	vmmov $0x7fff;
	v1 =	vor.u32 $0x800, v0;
	v2 =	vor.u32 $0x1000, v0;
	[dreg:$0xc] =	wrdreg s26;
	s29 =	smax.u32 s8, $0x1;
	s8 =	simm.s32 $0x4600  }
0x15: {  	v3 =	vor.u32 $0x1800, v0;
	v4 =	vor.u32 $0x2000, v0;
	v5 =	vor.u32 $0x2800, v0;
	s24 =	simm.s32 $0xC600;
	s23 =	simm.s32 $0xD600;
	[dreg:$0xd] =	wrdreg s29  }
.LBB2_1:
0x16: {  	[dreg:$0xe] =	wrdreg s2  }
0x17: {  	s0 =	rddreg [dreg:$0x8]  }
0x18: {  	[tilespmem:s11], [sflag:$0x2] =	stream.linear.gather [hbm4b:s0+s11], $0x200, $0x38;
	[tilespmem:$0x18A00] =	vst v63  }
0x19: {  	_ =	swait.ge [sflag:s3], $0x200  }
0x1a: {  	[sflag:s3] =	ssyncset.done $0x0  }
0x1b: {  	s4 =	simm.s32 $0x200;
	s26 =	rddreg [dreg:$0x9];
	[sflag:s3] =	ssyncadd.s32 $0xFFFFFE00  }
0x1c: {  	[tilespmem:s4], [sflag:$0x2] =	stream.linear.gather [hbm4b:s26+s11], $0x200, $0x38;
	[tilespmem:$0x18A00] =	vst v63  }
0x1d: {  	_ =	swait.ge [sflag:s3], $0x200  }
0x1e: {  	[sflag:s3] =	ssyncset.done $0x0  }
0x1f: {  	s29 =	rddreg [dreg:$0xa];
	[sflag:s3] =	ssyncadd.s32 $0xFFFFFE00  }
0x20: {  	[tilespmem:s13], [sflag:$0x2] =	stream.linear.gather [hbm4b:s29+s11], $0x200, $0x38;
	[tilespmem:$0x18A00] =	vst v63  }
0x21: {  	_ =	swait.ge [sflag:s3], $0x200  }
0x22: {  	[sflag:s3] =	ssyncset.done $0x0  }
0x23: {  	s0 =	simm.s32 $0x0;
	s11 =	simm.s32 $0x9600;
	[sflag:s3] =	ssyncadd.s32 $0xFFFFFE00  }
.LBB2_2:
0x24: {  	s19 =	sshra.s32 s0, $0x2  }
0x25: {  	v14 =	vld [tilespmem:s19+$0x0];
	_ =	sdelay $0x3  }
0x26: {  	v13 =	vld [tilespmem:s19+$0x200]  }
0x27: {  	(v2sf) =	vpush v14, $0x0  }
0x28: {  	v12 =	vld [tilespmem:s19+$0x400];
	_ =	sdelay $0x2  }
0x29: {  	(v2sf) =	vpush v13, $0x0;
	_ =	sdelay $0x1  }
0x2a: {  	(v2sf) =	vpush v12, $0x0  }
0x2b: {  	(v2sf) =	vpush v14, $0x1;
	_ =	sdelay $0x1  }
0x2c: {  	(v2sf) =	vpush v13, $0x1;
	_ =	sdelay $0x5  }
0x2d: {  	s16 =	spop (v2sf);
	(v2sf) =	vpush v12, $0x1  }
0x2e: {  	s22 =	sand.u32 $0xFFFFF80, s16  }
0x2f: {  	[dreg:$0xf] =	wrdreg s0;
	s0 =	sadd.s32 s1, s22  }
0x30: {  	[tilespmem:s17], [sflag:$0x1] =	stream.strided.gather [hbm4b:s0+s13], $0x1000, s14, s13, $0x38;
	[tilespmem:$0x18A00] =	vst v63  }
0x31: {  	s17 =	spop (v2sf);
	(v2sf) =	vpush v14, $0x2;
	_ =	sdelay $0x1  }
0x32: {  	[dreg:$0x10] =	wrdreg s19;
	s25 =	sand.u32 $0xFFFFF80, s17;
	s19 =	spop (v2sf)  }
0x33: {  	s0 =	sadd.s32 s12, s25;
	s26 =	sand.u32 $0xFFFFF80, s19;
	s25 =	spop (v2sf)  }
0x34: {  	(v2sf) =	vpush v13, $0x2;
	[tilespmem:s5], [sflag:$0x1] =	stream.strided.gather [hbm4b:s0+s13], $0x1000, s14, s13, $0x38;
	[tilespmem:$0x18A00] =	vst v63  }
0x35: {  	s0 =	sadd.s32 s12, s26;
	s29 =	sand.u32 $0xFFFFF80, s25;
	s26 =	spop (v2sf)  }
0x36: {  	(v2sf) =	vpush v12, $0x2;
	[tilespmem:s6], [sflag:$0x1] =	stream.strided.gather [hbm4b:s0+s13], $0x1000, s14, s13, $0x38;
	[tilespmem:$0x18A00] =	vst v63  }
0x37: {  	s2 =	sand.u32 $0xFFFFF80, s26;
	s0 =	sadd.s32 s1, s29  }
0x38: {  	[tilespmem:s7], [sflag:$0x1] =	stream.strided.gather [hbm4b:s0+s13], $0x1000, s14, s13, $0x38;
	[tilespmem:$0x18A00] =	vst v63  }
0x39: {  	s0 =	sadd.s32 s12, s2  }
0x3a: {  	[tilespmem:s8], [sflag:$0x1] =	stream.strided.gather [hbm4b:s0+s13], $0x1000, s14, s13, $0x38;
	[tilespmem:$0x18A00] =	vst v63  }
0x3b: {  	s29 =	spop (v2sf);
	(v2sf) =	vpush v14, $0x3  }
0x3c: {  	s3 =	sand.u32 $0xFFFFF80, s29  }
0x3d: {  	s0 =	sadd.s32 s12, s3  }
0x3e: {  	[tilespmem:s9], [sflag:$0x1] =	stream.strided.gather [hbm4b:s0+s13], $0x1000, s14, s13, $0x38;
	[tilespmem:$0x18A00] =	vst v63  }
0x3f: {  	s8 =	spop (v2sf);
	(v2sf) =	vpush v13, $0x3  }
0x40: {  	s3 =	sand.u32 $0xFFFFF80, s8  }
0x41: {  	s3 =	sadd.s32 s1, s3  }
0x42: {  	[tilespmem:s30], [sflag:$0x1] =	stream.strided.gather [hbm4b:s3+s13], $0x1000, s14, s13, $0x38;
	[tilespmem:$0x18A00] =	vst v63  }
0x43: {  	s30 =	spop (v2sf);
	(v2sf) =	vpush v12, $0x3;
	_ =	sdelay $0x1  }
0x44: {  	s5 =	sand.u32 $0xFFFFF80, s30;
	s3 =	spop (v2sf);
	(v2sf) =	vpush v14, $0x4  }
0x45: {  	s6 =	sadd.s32 s12, s5;
	s7 =	sand.u32 $0xFFFFF80, s3  }
0x46: {  	[tilespmem:s15], [sflag:$0x1] =	stream.strided.gather [hbm4b:s6+s13], $0x1000, s14, s13, $0x38;
	[tilespmem:$0x18A00] =	vst v63  }
0x47: {  	s5 =	sadd.s32 s12, s7  }
0x48: {  	[tilespmem:s18], [sflag:$0x1] =	stream.strided.gather [hbm4b:s5+s13], $0x1000, s14, s13, $0x38;
	[tilespmem:$0x18A00] =	vst v63  }
0x49: {  	s18 =	spop (v2sf);
	(v2sf) =	vpush v13, $0x4;
	_ =	sdelay $0x2  }
0x4a: {  	s9 =	sand.u32 $0xFFFFF80, s18  }
0x4b: {  	s5 =	sadd.s32 s1, s9;
	s9 =	spop (v2sf);
	(v2sf) =	vpush v12, $0x4;
	_ =	sdelay $0x1  }
0x4c: {  	[tilespmem:s11], [sflag:$0x1] =	stream.strided.gather [hbm4b:s5+s13], $0x1000, s14, s13, $0x38;
	[tilespmem:$0x18A00] =	vst v63  }
0x4d: {  	s15 =	sand.u32 $0xFFFFF80, s9  }
0x4e: {  	s5 =	sadd.s32 s12, s15;
	s15 =	spop (v2sf);
	(v2sf) =	vpush v14, $0x5  }
0x4f: {  	[tilespmem:s20], [sflag:$0x1] =	stream.strided.gather [hbm4b:s5+s13], $0x1000, s14, s13, $0x38;
	[tilespmem:$0x18A00] =	vst v63  }
0x50: {  	s20 =	sand.u32 $0xFFFFF80, s15;
	s22 =	spop (v2sf);
	(v2sf) =	vpush v13, $0x5  }
0x51: {  	s5 =	sadd.s32 s12, s20;
	s7 =	sand.u32 $0xFFFFF80, s22  }
0x52: {  	[tilespmem:s21], [sflag:$0x1] =	stream.strided.gather [hbm4b:s5+s13], $0x1000, s14, s13, $0x38;
	[tilespmem:$0x18A00] =	vst v63  }
0x53: {  	s5 =	sadd.s32 s1, s7  }
0x54: {  	[tilespmem:s24], [sflag:$0x1] =	stream.strided.gather [hbm4b:s5+s13], $0x1000, s14, s13, $0x38;
	[tilespmem:$0x18A00] =	vst v63  }
0x55: {  	[dreg:$0x18] =	wrdreg s22;
	s22 =	spop (v2sf);
	(v2sf) =	vpush v12, $0x5  }
0x56: {  	s11 =	sand.u32 $0xFFFFF80, s22  }
0x57: {  	s5 =	sadd.s32 s12, s11  }
0x58: {  	[tilespmem:s23], [sflag:$0x1] =	stream.strided.gather [hbm4b:s5+s13], $0x1000, s14, s13, $0x38;
	[tilespmem:$0x18A00] =	vst v63  }
0x59: {  	s24 =	spop (v2sf);
	(v2sf) =	vpush v14, $0x6  }
0x5a: {  	s20 =	sand.u32 $0xFFFFF80, s24  }
0x5b: {  	s5 =	sadd.s32 s12, s20  }
0x5c: {  	[tilespmem:s28], [sflag:$0x1] =	stream.strided.gather [hbm4b:s5+s13], $0x1000, s14, s13, $0x38;
	[tilespmem:$0x18A00] =	vst v63  }
0x5d: {  	s28 =	spop (v2sf);
	(v2sf) =	vpush v13, $0x6;
	_ =	sdelay $0x1  }
0x5e: {  	s21 =	sand.u32 $0xFFFFF80, s28;
	s23 =	spop (v2sf);
	(v2sf) =	vpush v12, $0x6  }
0x5f: {  	s5 =	sadd.s32 s1, s21;
	s0 =	sand.u32 $0xFFFFF80, s23  }
0x60: {  	[tilespmem:s31], [sflag:$0x1] =	stream.strided.gather [hbm4b:s5+s13], $0x1000, s14, s13, $0x38;
	[tilespmem:$0x18A00] =	vst v63  }
0x61: {  	s7 =	simm.s32 $0x10600;
	s5 =	sadd.s32 s12, s0  }
0x62: {  	[tilespmem:s7], [sflag:$0x1] =	stream.strided.gather [hbm4b:s5+s13], $0x1000, s14, s13, $0x38;
	[tilespmem:$0x18A00] =	vst v63  }
0x63: {  	s31 =	spop (v2sf);
	(v2sf) =	vpush v14, $0x7  }
0x64: {  	s20 =	sand.u32 $0xFFFFF80, s31  }
0x65: {  	[dreg:$0x17] =	wrdreg s23;
	s23 =	simm.s32 $0x11600;
	s5 =	sadd.s32 s12, s20  }
0x66: {  	[tilespmem:s23], [sflag:$0x1] =	stream.strided.gather [hbm4b:s5+s13], $0x1000, s14, s13, $0x38;
	[tilespmem:$0x18A00] =	vst v63  }
0x67: {  	s5 =	spop (v2sf);
	(v2sf) =	vpush v13, $0x7  }
0x68: {  	s7 =	sand.u32 $0xFFFFF80, s5  }
0x69: {  	s20 =	simm.s32 $0x12600;
	[dreg:$0x16] =	wrdreg s5;
	s5 =	sadd.s32 s1, s7  }
0x6a: {  	[tilespmem:s20], [sflag:$0x1] =	stream.strided.gather [hbm4b:s5+s13], $0x1000, s14, s13, $0x38;
	[tilespmem:$0x18A00] =	vst v63  }
0x6b: {  	s5 =	spop (v2sf);
	(v2sf) =	vpush v12, $0x7  }
0x6c: {  	s0 =	sand.u32 $0xFFFFF80, s5  }
0x6d: {  	s7 =	spop (v2sf);
	s20 =	sadd.s32 s12, s0;
	s0 =	simm.s32 $0x13600  }
0x6e: {  	[tilespmem:s0], [sflag:$0x1] =	stream.strided.gather [hbm4b:s20+s13], $0x1000, s14, s13, $0x38;
	[tilespmem:$0x18A00] =	vst v63  }
0x6f: {  	s0 =	sand.u32 $0xFFFFF80, s7  }
0x70: {  	[dreg:$0x15] =	wrdreg s7;
	s7 =	simm.s32 $0x14600;
	s20 =	sadd.s32 s12, s0  }
0x71: {  	[tilespmem:s7], [sflag:$0x1] =	stream.strided.gather [hbm4b:s20+s13], $0x1000, s14, s13, $0x38;
	[tilespmem:$0x18A00] =	vst v63  }
0x72: {  	s20 =	spop (v2sf)  }
0x73: {  	s0 =	sand.u32 $0xFFFFF80, s20  }
0x74: {  	s7 =	simm.s32 $0x15600;
	[dreg:$0x13] =	wrdreg s20;
	s20 =	sadd.s32 s1, s0  }
0x75: {  	[tilespmem:s7], [sflag:$0x1] =	stream.strided.gather [hbm4b:s20+s13], $0x1000, s14, s13, $0x38;
	[tilespmem:$0x18A00] =	vst v63  }
0x76: {  	s20 =	spop (v2sf)  }
0x77: {  	s0 =	sand.u32 $0xFFFFF80, s20  }
0x78: {  	s7 =	simm.s32 $0x16600;
	[dreg:$0x14] =	wrdreg s20;
	s20 =	sadd.s32 s12, s0  }
0x79: {  	[tilespmem:s7], [sflag:$0x1] =	stream.strided.gather [hbm4b:s20+s13], $0x1000, s14, s13, $0x38;
	[tilespmem:$0x18A00] =	vst v63  }
0x7a: {  	s20 =	spop (v2sf)  }
0x7b: {  	s7 =	sand.u32 $0xFFFFF80, s20  }
0x7c: {  	[dreg:$0x12] =	wrdreg s20;
	s20 =	simm.s32 $0x17600;
	s7 =	sadd.s32 s12, s7  }
0x7d: {  	[tilespmem:s20], [sflag:$0x1] =	stream.strided.gather [hbm4b:s7+s13], $0x1000, s14, s13, $0x38;
	[tilespmem:$0x18A00] =	vst v63  }
0x7e: {  	_ =	swait.ge [sflag:s10], $0x1000  }
0x7f: {  	[sflag:s10] =	ssyncset.done $0x0  }
0x80: {  	[sflag:s10] =	ssyncadd.s32 $0xFFFFF000  }
0x81: {  	s16 =	sand.u32 $0x7F, s16;
	_ =	swait.ge [sflag:s10], $0x1000  }
0x82: {  	v6 =	vor.u32 s16, v0;
	[sflag:s10] =	ssyncset.done $0x0  }
0x83: {  	v7 =	vor.u32 s16, v1;
	s17 =	sand.u32 $0x7F, s17;
	[sflag:s10] =	ssyncadd.s32 $0xFFFFF000  }
0x84: {  	v8 =	vor.u32 s17, v2;
	_ =	swait.ge [sflag:s10], $0x1000  }
0x85: {  	s19 =	sand.u32 $0x7F, s19;
	v9 =	vor.u32 s17, v3;
	[sflag:s10] =	ssyncset.done $0x0  }
0x86: {  	s4 =	simm.s32 $0x600;
	v10 =	vor.u32 s19, v4;
	[sflag:s10] =	ssyncadd.s32 $0xFFFFF000  }
0x87: {  	v11 =	vor.u32 s19, v5;
	v6 =	vld.idx.msk [tilespmem:v6+s4+$0x0], $0xffff  }
0x88: {  	(v2sf) =	vpush v14, $0x8;
	v7 =	vld.idx.msk [tilespmem:v7+s4+$0x0], $0xffff  }
0x89: {  	(v2sf) =	vpush v13, $0x8;
	v8 =	vld.idx.msk [tilespmem:v8+s4+$0x0], $0xffff  }
0x8a: {  	v9 =	vld.idx.msk [tilespmem:v9+s4+$0x0], $0xffff  }
0x8b: {  	v10 =	vld.idx.msk [tilespmem:v10+s4+$0x0], $0xffff  }
0x8c: {  	v11 =	vld.idx.msk [tilespmem:v11+s4+$0x0], $0xffff;
	(v2sf) =	vpush v12, $0x8;
	_ =	sdelay $0x3  }
0x8d: {  	v8 =	vmul.f32 v8, v6;
	v9 =	vmul.f32 v9, v7  }
0x8e: {  	v6 =	vmul.f32 v10, v6;
	v7 =	vmul.f32 v11, v7  }
0x8f: {  	v8 =	vadd.f32 v9, v8  }
0x90: {  	v6 =	vadd.f32 v7, v6  }
0x91: {  	(xrf2) =	vadd.scan.msk.f32 $0xffff, v8  }
0x92: {  	(xrf2) =	vadd.scan.msk.f32 $0xffff, v6;
	_ =	sdelay $0x1  }
0x93: {  	s17 =	spop (v2sf)  }
0x94: {  	s20 =	sand.u32 $0xFFFFF80, s17;
	s19 =	spop (v2sf)  }
0x95: {  	s7 =	sadd.s32 s1, s20;
	s16 =	sand.u32 $0xFFFFF80, s19  }
0x96: {  	[tilespmem:s4], [sflag:$0x1] =	stream.strided.gather [hbm4b:s7+s13], $0x1000, s14, s13, $0x38;
	[tilespmem:$0x18A00] =	vst v63  }
0x97: {  	s20 =	simm.s32 $0x1600;
	s7 =	sadd.s32 s12, s16;
	s16 =	spop (v2sf)  }
0x98: {  	[tilespmem:s20], [sflag:$0x1] =	stream.strided.gather [hbm4b:s7+s13], $0x1000, s14, s13, $0x38;
	[tilespmem:$0x18A00] =	vst v63  }
0x99: {  	s20 =	sand.u32 $0xFFFFF80, s16  }
0x9a: {  	s23 =	simm.s32 $0x2600;
	[dreg:$0x11] =	wrdreg s16;
	v7, _, _ =	vpop (xrf2);
	s7 =	sadd.s32 s12, s20  }
0x9b: {  	v6, _, _ =	vpop (xrf2);
	[tilespmem:s23], [sflag:$0x1] =	stream.strided.gather [hbm4b:s7+s13], $0x1000, s14, s13, $0x38;
	[tilespmem:$0x18A00] =	vst v63  }
0x9c: {  	_ =	swait.ge [sflag:s10], $0x1000  }
0x9d: {  	[sflag:s10] =	ssyncset.done $0x0  }
0x9e: {  	[sflag:s10] =	ssyncadd.s32 $0xFFFFF000  }
0x9f: {  	s25 =	sand.u32 $0x7F, s25;
	_ =	swait.ge [sflag:s10], $0x1000  }
0xa0: {  	v19 =	vor.u32 s25, v0;
	[sflag:s10] =	ssyncset.done $0x0  }
0xa1: {  	v20 =	vor.u32 s25, v1;
	s4 =	sand.u32 $0x7F, s26;
	[sflag:s10] =	ssyncadd.s32 $0xFFFFF000  }
0xa2: {  	v21 =	vor.u32 s4, v2;
	_ =	swait.ge [sflag:s10], $0x1000  }
0xa3: {  	v22 =	vor.u32 s4, v3;
	s16 =	sand.u32 $0x7F, s29;
	[sflag:s10] =	ssyncset.done $0x0  }
0xa4: {  	s0 =	simm.s32 $0x3600;
	v15 =	vor.u32 s16, v4;
	[sflag:s10] =	ssyncadd.s32 $0xFFFFF000  }
0xa5: {  	v16 =	vor.u32 s16, v5;
	(v2sf) =	vpush v14, $0x9;
	v8 =	vld.idx.msk [tilespmem:v19+s0+$0x0], $0xffff  }
0xa6: {  	(v2sf) =	vpush v13, $0x9;
	v9 =	vld.idx.msk [tilespmem:v20+s0+$0x0], $0xffff  }
0xa7: {  	v10 =	vld.idx.msk [tilespmem:v21+s0+$0x0], $0xffff  }
0xa8: {  	v11 =	vld.idx.msk [tilespmem:v22+s0+$0x0], $0xffff  }
0xa9: {  	v15 =	vld.idx.msk [tilespmem:v15+s0+$0x0], $0xffff  }
0xaa: {  	v16 =	vld.idx.msk [tilespmem:v16+s0+$0x0], $0xffff  }
0xab: {  	(v2sf) =	vpush v12, $0x9;
	_ =	sdelay $0x2  }
0xac: {  	v10 =	vmul.f32 v10, v8;
	v11 =	vmul.f32 v11, v9  }
0xad: {  	v8 =	vmul.f32 v15, v8;
	v9 =	vmul.f32 v16, v9  }
0xae: {  	v10 =	vadd.f32 v11, v10  }
0xaf: {  	v8 =	vadd.f32 v9, v8  }
0xb0: {  	(xrf2) =	vadd.scan.msk.f32 $0xffff, v10  }
0xb1: {  	(xrf2) =	vadd.scan.msk.f32 $0xffff, v8  }
0xb2: {  	s26 =	spop (v2sf)  }
0xb3: {  	s20 =	sand.u32 $0xFFFFF80, s26;
	s29 =	spop (v2sf)  }
0xb4: {  	s7 =	sadd.s32 s1, s20;
	s23 =	sand.u32 $0xFFFFF80, s29  }
0xb5: {  	[tilespmem:s0], [sflag:$0x1] =	stream.strided.gather [hbm4b:s7+s13], $0x1000, s14, s13, $0x38;
	[tilespmem:$0x18A00] =	vst v63  }
0xb6: {  	s25 =	simm.s32 $0x4600;
	s7 =	sadd.s32 s12, s23  }
0xb7: {  	[tilespmem:s25], [sflag:$0x1] =	stream.strided.gather [hbm4b:s7+s13], $0x1000, s14, s13, $0x38;
	[tilespmem:$0x18A00] =	vst v63  }
0xb8: {  	s25 =	spop (v2sf)  }
0xb9: {  	s0 =	sand.u32 $0xFFFFF80, s25  }
0xba: {  	s4 =	simm.s32 $0x5600;
	v9, _, _ =	vpop (xrf2);
	s7 =	sadd.s32 s12, s0  }
0xbb: {  	v8, _, _ =	vpop (xrf2);
	[tilespmem:s4], [sflag:$0x1] =	stream.strided.gather [hbm4b:s7+s13], $0x1000, s14, s13, $0x38;
	[tilespmem:$0x18A00] =	vst v63  }
0xbc: {  	_ =	swait.ge [sflag:s10], $0x1000  }
0xbd: {  	[sflag:s10] =	ssyncset.done $0x0  }
0xbe: {  	[sflag:s10] =	ssyncadd.s32 $0xFFFFF000  }
0xbf: {  	s8 =	sand.u32 $0x7F, s8;
	_ =	swait.ge [sflag:s10], $0x1000  }
0xc0: {  	v23 =	vor.u32 s8, v0;
	[sflag:s10] =	ssyncset.done $0x0  }
0xc1: {  	v24 =	vor.u32 s8, v1;
	s16 =	sand.u32 $0x7F, s30;
	[sflag:s10] =	ssyncadd.s32 $0xFFFFF000  }
0xc2: {  	v25 =	vor.u32 s16, v2;
	_ =	swait.ge [sflag:s10], $0x1000  }
0xc3: {  	v26 =	vor.u32 s16, v3;
	s20 =	sand.u32 $0x7F, s3;
	[sflag:s10] =	ssyncset.done $0x0  }
0xc4: {  	s2 =	simm.s32 $0x6600;
	v17 =	vor.u32 s20, v4;
	[sflag:s10] =	ssyncadd.s32 $0xFFFFF000  }
0xc5: {  	v18 =	vor.u32 s20, v5;
	v10 =	vld.idx.msk [tilespmem:v23+s2+$0x0], $0xffff  }
0xc6: {  	v11 =	vld.idx.msk [tilespmem:v24+s2+$0x0], $0xffff  }
0xc7: {  	(v2sf) =	vpush v14, $0xA;
	v15 =	vld.idx.msk [tilespmem:v25+s2+$0x0], $0xffff  }
0xc8: {  	(v2sf) =	vpush v13, $0xA;
	v16 =	vld.idx.msk [tilespmem:v26+s2+$0x0], $0xffff  }
0xc9: {  	v17 =	vld.idx.msk [tilespmem:v17+s2+$0x0], $0xffff;
	(v2sf) =	vpush v12, $0xA  }
0xca: {  	v18 =	vld.idx.msk [tilespmem:v18+s2+$0x0], $0xffff;
	_ =	sdelay $0x3  }
0xcb: {  	v15 =	vmul.f32 v15, v10;
	v16 =	vmul.f32 v16, v11  }
0xcc: {  	v10 =	vmul.f32 v17, v10;
	v11 =	vmul.f32 v18, v11  }
0xcd: {  	v15 =	vadd.f32 v16, v15  }
0xce: {  	v10 =	vadd.f32 v11, v10  }
0xcf: {  	(xrf2) =	vadd.scan.msk.f32 $0xffff, v15  }
0xd0: {  	(xrf2) =	vadd.scan.msk.f32 $0xffff, v10;
	_ =	sdelay $0x2  }
0xd1: {  	s0 =	spop (v2sf)  }
0xd2: {  	s23 =	sand.u32 $0xFFFFF80, s0;
	s16 =	spop (v2sf)  }
0xd3: {  	s3 =	sadd.s32 s1, s23;
	s4 =	sand.u32 $0xFFFFF80, s16;
	s30 =	spop (v2sf)  }
0xd4: {  	[tilespmem:s2], [sflag:$0x1] =	stream.strided.gather [hbm4b:s3+s13], $0x1000, s14, s13, $0x38;
	[tilespmem:$0x18A00] =	vst v63  }
0xd5: {  	s8 =	simm.s32 $0x7600;
	s7 =	sadd.s32 s12, s4;
	s20 =	sand.u32 $0xFFFFF80, s30  }
0xd6: {  	[tilespmem:s8], [sflag:$0x1] =	stream.strided.gather [hbm4b:s7+s13], $0x1000, s14, s13, $0x38;
	[tilespmem:$0x18A00] =	vst v63  }
0xd7: {  	s23 =	simm.s32 $0x8600;
	s7 =	sadd.s32 s12, s20;
	v10, _, _ =	vpop (xrf2)  }
0xd8: {  	v11, _, _ =	vpop (xrf2);
	[tilespmem:s23], [sflag:$0x1] =	stream.strided.gather [hbm4b:s7+s13], $0x1000, s14, s13, $0x38;
	[tilespmem:$0x18A00] =	vst v63  }
0xd9: {  	_ =	swait.ge [sflag:s10], $0x1000  }
0xda: {  	[sflag:s10] =	ssyncset.done $0x0  }
0xdb: {  	[sflag:s10] =	ssyncadd.s32 $0xFFFFF000  }
0xdc: {  	s2 =	sand.u32 $0x7F, s18;
	_ =	swait.ge [sflag:s10], $0x1000  }
0xdd: {  	v27 =	vor.u32 s2, v0;
	[sflag:s10] =	ssyncset.done $0x0  }
0xde: {  	s9 =	sand.u32 $0x7F, s9;
	v28 =	vor.u32 s2, v1;
	[sflag:s10] =	ssyncadd.s32 $0xFFFFF000  }
0xdf: {  	v29 =	vor.u32 s9, v2;
	_ =	swait.ge [sflag:s10], $0x1000  }
0xe0: {  	v30 =	vor.u32 s9, v3;
	s3 =	sand.u32 $0x7F, s15;
	[sflag:s10] =	ssyncset.done $0x0  }
0xe1: {  	s6 =	simm.s32 $0x9600;
	v19 =	vor.u32 s3, v4;
	(v2sf) =	vpush v14, $0xB;
	[sflag:s10] =	ssyncadd.s32 $0xFFFFF000  }
0xe2: {  	v20 =	vor.u32 s3, v5;
	v15 =	vld.idx.msk [tilespmem:v27+s6+$0x0], $0xffff  }
0xe3: {  	(v2sf) =	vpush v13, $0xB;
	v16 =	vld.idx.msk [tilespmem:v28+s6+$0x0], $0xffff  }
0xe4: {  	v17 =	vld.idx.msk [tilespmem:v29+s6+$0x0], $0xffff  }
0xe5: {  	v18 =	vld.idx.msk [tilespmem:v30+s6+$0x0], $0xffff  }
0xe6: {  	v19 =	vld.idx.msk [tilespmem:v19+s6+$0x0], $0xffff  }
0xe7: {  	v20 =	vld.idx.msk [tilespmem:v20+s6+$0x0], $0xffff  }
0xe8: {  	(v2sf) =	vpush v12, $0xB;
	_ =	sdelay $0x2  }
0xe9: {  	v17 =	vmul.f32 v17, v15;
	v18 =	vmul.f32 v18, v16  }
0xea: {  	v15 =	vmul.f32 v19, v15;
	v16 =	vmul.f32 v20, v16  }
0xeb: {  	v17 =	vadd.f32 v18, v17  }
0xec: {  	v15 =	vadd.f32 v16, v15  }
0xed: {  	(xrf2) =	vadd.scan.msk.f32 $0xffff, v17  }
0xee: {  	(xrf2) =	vadd.scan.msk.f32 $0xffff, v15;
	s15 =	spop (v2sf)  }
0xef: {  	s4 =	sand.u32 $0xFFFFF80, s15  }
0xf0: {  	s7 =	sadd.s32 s1, s4;
	s4 =	spop (v2sf)  }
0xf1: {  	[tilespmem:s6], [sflag:$0x1] =	stream.strided.gather [hbm4b:s7+s13], $0x1000, s14, s13, $0x38;
	[tilespmem:$0x18A00] =	vst v63  }
0xf2: {  	s8 =	sand.u32 $0xFFFFF80, s4  }
0xf3: {  	s9 =	simm.s32 $0xA600;
	s7 =	sadd.s32 s12, s8  }
0xf4: {  	[tilespmem:s9], [sflag:$0x1] =	stream.strided.gather [hbm4b:s7+s13], $0x1000, s14, s13, $0x38;
	[tilespmem:$0x18A00] =	vst v63  }
0xf5: {  	s9 =	spop (v2sf)  }
0xf6: {  	s18 =	sand.u32 $0xFFFFF80, s9  }
0xf7: {  	s20 =	simm.s32 $0xB600;
	v15, _, _ =	vpop (xrf2);
	s7 =	sadd.s32 s12, s18  }
0xf8: {  	v16, _, _ =	vpop (xrf2);
	[tilespmem:s20], [sflag:$0x1] =	stream.strided.gather [hbm4b:s7+s13], $0x1000, s14, s13, $0x38;
	[tilespmem:$0x18A00] =	vst v63  }
0xf9: {  	_ =	swait.ge [sflag:s10], $0x1000  }
0xfa: {  	[sflag:s10] =	ssyncset.done $0x0  }
0xfb: {  	[sflag:s10] =	ssyncadd.s32 $0xFFFFF000  }
0xfc: {  	s3 =	sand.u32 $0x7F, s22;
	_ =	swait.ge [sflag:s10], $0x1000  }
0xfd: {  	v33 =	vor.u32 s3, v2;
	[sflag:s10] =	ssyncset.done $0x0  }
0xfe: {  	v34 =	vor.u32 s3, v3;
	s6 =	sand.u32 $0x7F, s24;
	s23 =	rddreg [dreg:$0x18];
	[sflag:s10] =	ssyncadd.s32 $0xFFFFF000  }
0xff: {  	v21 =	vor.u32 s6, v4;
	s2 =	sand.u32 $0x7F, s23;
	_ =	swait.ge [sflag:s10], $0x1000  }
0x100: {  	v31 =	vor.u32 s2, v0;
	[sflag:s10] =	ssyncset.done $0x0  }
0x101: {  	s11 =	simm.s32 $0xC600;
	v32 =	vor.u32 s2, v1;
	[sflag:s10] =	ssyncadd.s32 $0xFFFFF000  }
0x102: {  	v22 =	vor.u32 s6, v5;
	v19 =	vld.idx.msk [tilespmem:v33+s11+$0x0], $0xffff  }
0x103: {  	(v2sf) =	vpush v14, $0xC;
	v20 =	vld.idx.msk [tilespmem:v34+s11+$0x0], $0xffff  }
0x104: {  	(v2sf) =	vpush v13, $0xC;
	v21 =	vld.idx.msk [tilespmem:v21+s11+$0x0], $0xffff  }
0x105: {  	v17 =	vld.idx.msk [tilespmem:v31+s11+$0x0], $0xffff  }
0x106: {  	v18 =	vld.idx.msk [tilespmem:v32+s11+$0x0], $0xffff  }
0x107: {  	v22 =	vld.idx.msk [tilespmem:v22+s11+$0x0], $0xffff;
	(v2sf) =	vpush v12, $0xC;
	_ =	sdelay $0x3  }
0x108: {  	v19 =	vmul.f32 v19, v17;
	v20 =	vmul.f32 v20, v18  }
0x109: {  	v17 =	vmul.f32 v21, v17;
	v18 =	vmul.f32 v22, v18  }
0x10a: {  	v19 =	vadd.f32 v20, v19  }
0x10b: {  	v17 =	vadd.f32 v18, v17  }
0x10c: {  	(xrf2) =	vadd.scan.msk.f32 $0xffff, v19  }
0x10d: {  	(xrf2) =	vadd.scan.msk.f32 $0xffff, v17;
	_ =	sdelay $0x1  }
0x10e: {  	s3 =	spop (v2sf)  }
0x10f: {  	s8 =	sand.u32 $0xFFFFF80, s3;
	s24 =	spop (v2sf)  }
0x110: {  	s7 =	sadd.s32 s1, s8;
	s18 =	sand.u32 $0xFFFFF80, s24  }
0x111: {  	[tilespmem:s11], [sflag:$0x1] =	stream.strided.gather [hbm4b:s7+s13], $0x1000, s14, s13, $0x38;
	[tilespmem:$0x18A00] =	vst v63  }
0x112: {  	s7 =	sadd.s32 s12, s18;
	s18 =	spop (v2sf)  }
0x113: {  	s20 =	simm.s32 $0xD600;
	s22 =	sand.u32 $0xFFFFF80, s18  }
0x114: {  	[tilespmem:s20], [sflag:$0x1] =	stream.strided.gather [hbm4b:s7+s13], $0x1000, s14, s13, $0x38;
	[tilespmem:$0x18A00] =	vst v63  }
0x115: {  	s23 =	simm.s32 $0xE600;
	s7 =	sadd.s32 s12, s22;
	v18, _, _ =	vpop (xrf2)  }
0x116: {  	[tilespmem:s23], [sflag:$0x1] =	stream.strided.gather [hbm4b:s7+s13], $0x1000, s14, s13, $0x38;
	v17, _, _ =	vpop (xrf2);
	[tilespmem:$0x18A00] =	vst v63  }
0x117: {  	_ =	swait.ge [sflag:s10], $0x1000  }
0x118: {  	[sflag:s10] =	ssyncset.done $0x0  }
0x119: {  	[sflag:s10] =	ssyncadd.s32 $0xFFFFF000  }
0x11a: {  	s6 =	sand.u32 $0x7F, s28;
	_ =	swait.ge [sflag:s10], $0x1000  }
0x11b: {  	v35 =	vor.u32 s6, v0;
	[sflag:s10] =	ssyncset.done $0x0  }
0x11c: {  	v36 =	vor.u32 s6, v1;
	s11 =	sand.u32 $0x7F, s31;
	s8 =	rddreg [dreg:$0x17];
	[sflag:s10] =	ssyncadd.s32 $0xFFFFF000  }
0x11d: {  	v23 =	vor.u32 s11, v4;
	s28 =	sand.u32 $0x7F, s8;
	_ =	swait.ge [sflag:s10], $0x1000  }
0x11e: {  	v37 =	vor.u32 s28, v2;
	[sflag:s10] =	ssyncset.done $0x0  }
0x11f: {  	s21 =	simm.s32 $0xF600;
	v38 =	vor.u32 s28, v3;
	[sflag:s10] =	ssyncadd.s32 $0xFFFFF000  }
0x120: {  	v24 =	vor.u32 s11, v5;
	v19 =	vld.idx.msk [tilespmem:v35+s21+$0x0], $0xffff  }
0x121: {  	v20 =	vld.idx.msk [tilespmem:v36+s21+$0x0], $0xffff  }
0x122: {  	(v2sf) =	vpush v14, $0xD;
	v23 =	vld.idx.msk [tilespmem:v23+s21+$0x0], $0xffff  }
0x123: {  	(v2sf) =	vpush v13, $0xD;
	v21 =	vld.idx.msk [tilespmem:v37+s21+$0x0], $0xffff  }
0x124: {  	(v2sf) =	vpush v12, $0xD;
	v22 =	vld.idx.msk [tilespmem:v38+s21+$0x0], $0xffff  }
0x125: {  	v24 =	vld.idx.msk [tilespmem:v24+s21+$0x0], $0xffff;
	_ =	sdelay $0x3  }
0x126: {  	v21 =	vmul.f32 v21, v19;
	v22 =	vmul.f32 v22, v20  }
0x127: {  	v19 =	vmul.f32 v23, v19;
	v20 =	vmul.f32 v24, v20  }
0x128: {  	v21 =	vadd.f32 v22, v21  }
0x129: {  	v19 =	vadd.f32 v20, v19  }
0x12a: {  	(xrf2) =	vadd.scan.msk.f32 $0xffff, v21  }
0x12b: {  	(xrf2) =	vadd.scan.msk.f32 $0xffff, v19;
	_ =	sdelay $0x2  }
0x12c: {  	s28 =	spop (v2sf)  }
0x12d: {  	s20 =	sand.u32 $0xFFFFF80, s28;
	s31 =	spop (v2sf)  }
0x12e: {  	s7 =	sadd.s32 s1, s20;
	s22 =	sand.u32 $0xFFFFF80, s31;
	s2 =	spop (v2sf)  }
0x12f: {  	[tilespmem:s21], [sflag:$0x1] =	stream.strided.gather [hbm4b:s7+s13], $0x1000, s14, s13, $0x38;
	[tilespmem:$0x18A00] =	vst v63  }
0x130: {  	s23 =	simm.s32 $0x10600;
	s7 =	sadd.s32 s12, s22;
	s6 =	sand.u32 $0xFFFFF80, s2  }
0x131: {  	[tilespmem:s23], [sflag:$0x1] =	stream.strided.gather [hbm4b:s7+s13], $0x1000, s14, s13, $0x38;
	[tilespmem:$0x18A00] =	vst v63  }
0x132: {  	s8 =	simm.s32 $0x11600;
	s7 =	sadd.s32 s12, s6;
	v19, _, _ =	vpop (xrf2)  }
0x133: {  	[tilespmem:s8], [sflag:$0x1] =	stream.strided.gather [hbm4b:s7+s13], $0x1000, s14, s13, $0x38;
	v20, _, _ =	vpop (xrf2);
	[tilespmem:$0x18A00] =	vst v63  }
0x134: {  	_ =	swait.ge [sflag:s10], $0x1000  }
0x135: {  	[sflag:s10] =	ssyncset.done $0x0  }
0x136: {  	[sflag:s10] =	ssyncadd.s32 $0xFFFFF000  }
0x137: {  	_ =	swait.ge [sflag:s10], $0x1000  }
0x138: {  	s20 =	sand.u32 $0x7F, s5;
	[sflag:s10] =	ssyncset.done $0x0  }
0x139: {  	v41 =	vor.u32 s20, v2;
	s11 =	rddreg [dreg:$0x16];
	[sflag:s10] =	ssyncadd.s32 $0xFFFFF000  }
0x13a: {  	v42 =	vor.u32 s20, v3;
	s6 =	sand.u32 $0x7F, s11;
	_ =	swait.ge [sflag:s10], $0x1000  }
0x13b: {  	v39 =	vor.u32 s6, v0;
	s21 =	rddreg [dreg:$0x15]  }
0x13c: {  	v40 =	vor.u32 s6, v1;
	[sflag:s10] =	ssyncset.done $0x0;
	s5 =	sand.u32 $0x7F, s21  }
0x13d: {  	s6 =	simm.s32 $0x12600;
	[sflag:s10] =	ssyncadd.s32 $0xFFFFF000;
	v25 =	vor.u32 s5, v4  }
0x13e: {  	s7 =	simm.s32 $0x12600;
	(v2sf) =	vpush v14, $0xE;
	v26 =	vor.u32 s5, v5;
	v23 =	vld.idx.msk [tilespmem:v41+s6+$0x0], $0xffff  }
0x13f: {  	s22 =	simm.s32 $0x12600;
	(v2sf) =	vpush v13, $0xE;
	v24 =	vld.idx.msk [tilespmem:v42+s7+$0x0], $0xffff  }
0x140: {  	s23 =	simm.s32 $0x12600;
	v21 =	vld.idx.msk [tilespmem:v39+s22+$0x0], $0xffff  }
0x141: {  	s8 =	simm.s32 $0x12600;
	v22 =	vld.idx.msk [tilespmem:v40+s23+$0x0], $0xffff  }
0x142: {  	s11 =	simm.s32 $0x12600;
	v25 =	vld.idx.msk [tilespmem:v25+s8+$0x0], $0xffff  }
0x143: {  	v26 =	vld.idx.msk [tilespmem:v26+s11+$0x0], $0xffff  }
0x144: {  	(v2sf) =	vpush v12, $0xE;
	_ =	sdelay $0x2  }
0x145: {  	v23 =	vmul.f32 v23, v21;
	v24 =	vmul.f32 v24, v22  }
0x146: {  	v21 =	vmul.f32 v25, v21;
	v22 =	vmul.f32 v26, v22  }
0x147: {  	v23 =	vadd.f32 v24, v23  }
0x148: {  	v21 =	vadd.f32 v22, v21  }
0x149: {  	(xrf2) =	vadd.scan.msk.f32 $0xffff, v23  }
0x14a: {  	(xrf2) =	vadd.scan.msk.f32 $0xffff, v21  }
0x14b: {  	s6 =	spop (v2sf)  }
0x14c: {  	s20 =	sand.u32 $0xFFFFF80, s6;
	s8 =	spop (v2sf)  }
0x14d: {  	s21 =	simm.s32 $0x12600;
	s5 =	sadd.s32 s1, s20;
	s22 =	sand.u32 $0xFFFFF80, s8  }
0x14e: {  	[tilespmem:s21], [sflag:$0x1] =	stream.strided.gather [hbm4b:s5+s13], $0x1000, s14, s13, $0x38;
	[tilespmem:$0x18A00] =	vst v63  }
0x14f: {  	s23 =	simm.s32 $0x13600;
	s5 =	sadd.s32 s12, s22  }
0x150: {  	[tilespmem:s23], [sflag:$0x1] =	stream.strided.gather [hbm4b:s5+s13], $0x1000, s14, s13, $0x38;
	[tilespmem:$0x18A00] =	vst v63  }
0x151: {  	s5 =	spop (v2sf)  }
0x152: {  	s11 =	sand.u32 $0xFFFFF80, s5  }
0x153: {  	s20 =	simm.s32 $0x14600;
	s7 =	sadd.s32 s12, s11;
	v21, _, _ =	vpop (xrf2)  }
0x154: {  	[tilespmem:s20], [sflag:$0x1] =	stream.strided.gather [hbm4b:s7+s13], $0x1000, s14, s13, $0x38;
	v22, _, _ =	vpop (xrf2);
	[tilespmem:$0x18A00] =	vst v63  }
0x155: {  	_ =	swait.ge [sflag:s10], $0x1000  }
0x156: {  	[sflag:s10] =	ssyncset.done $0x0  }
0x157: {  	[sflag:s10] =	ssyncadd.s32 $0xFFFFF000  }
0x158: {  	_ =	swait.ge [sflag:s10], $0x1000  }
0x159: {  	s21 =	rddreg [dreg:$0x13]  }
0x15a: {  	[sflag:s10] =	ssyncset.done $0x0;
	s7 =	sand.u32 $0x7F, s21  }
0x15b: {  	s22 =	rddreg [dreg:$0x14];
	[sflag:s10] =	ssyncadd.s32 $0xFFFFF000;
	v43 =	vor.u32 s7, v0  }
0x15c: {  	s23 =	sand.u32 $0x7F, s22;
	v44 =	vor.u32 s7, v1;
	_ =	swait.ge [sflag:s10], $0x1000  }
0x15d: {  	v45 =	vor.u32 s23, v2;
	s11 =	rddreg [dreg:$0x12]  }
0x15e: {  	v46 =	vor.u32 s23, v3;
	[sflag:s10] =	ssyncset.done $0x0;
	s7 =	sand.u32 $0x7F, s11  }
0x15f: {  	s20 =	simm.s32 $0x15600;
	[sflag:s10] =	ssyncadd.s32 $0xFFFFF000;
	v27 =	vor.u32 s7, v4  }
0x160: {  	s21 =	simm.s32 $0x15600;
	(v2sf) =	vpush v14, $0xF;
	v48 =	vor.u32 s7, v5;
	v47 =	vld.idx.msk [tilespmem:v43+s20+$0x0], $0xffff  }
0x161: {  	s22 =	simm.s32 $0x15600;
	(v2sf) =	vpush v13, $0xF;
	v24 =	vld.idx.msk [tilespmem:v44+s21+$0x0], $0xffff  }
0x162: {  	s23 =	simm.s32 $0x15600;
	v49 =	vld.idx.msk [tilespmem:v45+s22+$0x0], $0xffff  }
0x163: {  	s11 =	simm.s32 $0x15600;
	v50 =	vld.idx.msk [tilespmem:v46+s23+$0x0], $0xffff  }
0x164: {  	s20 =	simm.s32 $0x15600;
	v51 =	vld.idx.msk [tilespmem:v27+s11+$0x0], $0xffff  }
0x165: {  	v23 =	vld.idx.msk [tilespmem:v48+s20+$0x0], $0xffff  }
0x166: {  	(v2sf) =	vpush v12, $0xF;
	_ =	sdelay $0x2  }
0x167: {  	v52 =	vmul.f32 v49, v47;
	v53 =	vmul.f32 v50, v24  }
0x168: {  	v14 =	vmul.f32 v51, v47;
	v23 =	vmul.f32 v23, v24  }
0x169: {  	v12 =	vadd.f32 v53, v52  }
0x16a: {  	v54 =	vadd.f32 v23, v14  }
0x16b: {  	(xrf2) =	vadd.scan.msk.f32 $0xffff, v12  }
0x16c: {  	(xrf2) =	vadd.scan.msk.f32 $0xffff, v54  }
0x16d: {  	s23 =	spop (v2sf)  }
0x16e: {  	s21 =	sand.u32 $0xFFFFF80, s23;
	s20 =	spop (v2sf)  }
0x16f: {  	s22 =	simm.s32 $0x15600;
	s7 =	sadd.s32 s1, s21;
	s21 =	sand.u32 $0xFFFFF80, s20  }
0x170: {  	[tilespmem:s22], [sflag:$0x1] =	stream.strided.gather [hbm4b:s7+s13], $0x1000, s14, s13, $0x38;
	[tilespmem:$0x18A00] =	vst v63  }
0x171: {  	s7 =	sadd.s32 s12, s21;
	s22 =	simm.s32 $0x16600  }
0x172: {  	[tilespmem:s22], [sflag:$0x1] =	stream.strided.gather [hbm4b:s7+s13], $0x1000, s14, s13, $0x38;
	[tilespmem:$0x18A00] =	vst v63  }
0x173: {  	s22 =	spop (v2sf)  }
0x174: {  	s11 =	sand.u32 $0xFFFFF80, s22  }
0x175: {  	s21 =	simm.s32 $0x17600;
	s7 =	sadd.s32 s12, s11;
	v12, _, _ =	vpop (xrf2)  }
0x176: {  	[tilespmem:s21], [sflag:$0x1] =	stream.strided.gather [hbm4b:s7+s13], $0x1000, s14, s13, $0x38;
	v13, _, _ =	vpop (xrf2);
	[tilespmem:$0x18A00] =	vst v63  }
0x177: {  	_ =	swait.ge [sflag:s10], $0x1000  }
0x178: {  	[sflag:s10] =	ssyncset.done $0x0  }
0x179: {  	[sflag:s10] =	ssyncadd.s32 $0xFFFFF000  }
0x17a: {  	_ =	swait.ge [sflag:s10], $0x1000  }
0x17b: {  	s21 =	sand.u32 $0x7F, s17;
	[sflag:s10] =	ssyncset.done $0x0  }
0x17c: {  	v55 =	vor.u32 s21, v0;
	[sflag:s10] =	ssyncadd.s32 $0xFFFFF000  }
0x17d: {  	s11 =	sand.u32 $0x7F, s19;
	v56 =	vor.u32 s21, v1;
	_ =	swait.ge [sflag:s10], $0x1000  }
0x17e: {  	v57 =	vor.u32 s11, v2;
	s19 =	rddreg [dreg:$0x11]  }
0x17f: {  	v58 =	vor.u32 s11, v3;
	[sflag:s10] =	ssyncset.done $0x0;
	s7 =	sand.u32 $0x7F, s19  }
0x180: {  	s17 =	simm.s32 $0x600;
	[sflag:s10] =	ssyncadd.s32 $0xFFFFF000;
	v59 =	vor.u32 s7, v4  }
0x181: {  	v60 =	vor.u32 s7, v5;
	v14 =	vld.idx.msk [tilespmem:v55+s17+$0x0], $0xffff  }
0x182: {  	v23 =	vld.idx.msk [tilespmem:v56+s17+$0x0], $0xffff  }
0x183: {  	v24 =	vld.idx.msk [tilespmem:v57+s17+$0x0], $0xffff  }
0x184: {  	v25 =	vld.idx.msk [tilespmem:v58+s17+$0x0], $0xffff  }
0x185: {  	v26 =	vld.idx.msk [tilespmem:v59+s17+$0x0], $0xffff  }
0x186: {  	v27 =	vld.idx.msk [tilespmem:v60+s17+$0x0], $0xffff;
	_ =	sdelay $0x3  }
0x187: {  	v24 =	vmul.f32 v24, v14;
	v25 =	vmul.f32 v25, v23  }
0x188: {  	v14 =	vmul.f32 v26, v14;
	v23 =	vmul.f32 v27, v23  }
0x189: {  	v24 =	vadd.f32 v25, v24  }
0x18a: {  	v14 =	vadd.f32 v23, v14  }
0x18b: {  	(xrf2) =	vadd.scan.msk.f32 $0xffff, v24  }
0x18c: {  	(xrf2) =	vadd.scan.msk.f32 $0xffff, v14;
	_ =	sdelay $0x8  }
0x18d: {  	v23, _, _ =	vpop (xrf2)  }
0x18e: {  	v14, _, _ =	vpop (xrf2)  }
0x18f: {  	_ =	swait.ge [sflag:s10], $0x1000  }
0x190: {  	[sflag:s10] =	ssyncset.done $0x0  }
0x191: {  	[sflag:s10] =	ssyncadd.s32 $0xFFFFF000  }
0x192: {  	s21 =	sand.u32 $0x7F, s26;
	_ =	swait.ge [sflag:s10], $0x1000  }
0x193: {  	v61 =	vor.u32 s21, v0;
	[sflag:s10] =	ssyncset.done $0x0  }
0x194: {  	s26 =	sand.u32 $0x7F, s29;
	v62 =	vor.u32 s21, v1;
	[sflag:s10] =	ssyncadd.s32 $0xFFFFF000  }
0x195: {  	v63 =	vor.u32 s26, v2;
	_ =	swait.ge [sflag:s10], $0x1000  }
0x196: {  	s29 =	sand.u32 $0x7F, s25;
	v32 =	vor.u32 s26, v3;
	[sflag:s10] =	ssyncset.done $0x0  }
0x197: {  	v28 =	vor.u32 s29, v4;
	s7 =	simm.s32 $0x3600;
	[sflag:s10] =	ssyncadd.s32 $0xFFFFF000  }
0x198: {  	v29 =	vor.u32 s29, v5;
	v24 =	vld.idx.msk [tilespmem:v61+s7+$0x0], $0xffff  }
0x199: {  	v25 =	vld.idx.msk [tilespmem:v62+s7+$0x0], $0xffff  }
0x19a: {  	v26 =	vld.idx.msk [tilespmem:v63+s7+$0x0], $0xffff  }
0x19b: {  	v27 =	vld.idx.msk [tilespmem:v32+s7+$0x0], $0xffff  }
0x19c: {  	v28 =	vld.idx.msk [tilespmem:v28+s7+$0x0], $0xffff  }
0x19d: {  	v29 =	vld.idx.msk [tilespmem:v29+s7+$0x0], $0xffff;
	_ =	sdelay $0x3  }
0x19e: {  	v26 =	vmul.f32 v26, v24;
	v27 =	vmul.f32 v27, v25  }
0x19f: {  	v24 =	vmul.f32 v28, v24;
	v25 =	vmul.f32 v29, v25  }
0x1a0: {  	v26 =	vadd.f32 v27, v26  }
0x1a1: {  	v24 =	vadd.f32 v25, v24  }
0x1a2: {  	(xrf2) =	vadd.scan.msk.f32 $0xffff, v26  }
0x1a3: {  	(xrf2) =	vadd.scan.msk.f32 $0xffff, v24;
	_ =	sdelay $0x8  }
0x1a4: {  	v25, _, _ =	vpop (xrf2)  }
0x1a5: {  	v24, _, _ =	vpop (xrf2)  }
0x1a6: {  	_ =	swait.ge [sflag:s10], $0x1000  }
0x1a7: {  	[sflag:s10] =	ssyncset.done $0x0  }
0x1a8: {  	[sflag:s10] =	ssyncadd.s32 $0xFFFFF000  }
0x1a9: {  	s0 =	sand.u32 $0x7F, s0;
	_ =	swait.ge [sflag:s10], $0x1000  }
0x1aa: {  	v33 =	vor.u32 s0, v0;
	[sflag:s10] =	ssyncset.done $0x0  }
0x1ab: {  	v34 =	vor.u32 s0, v1;
	s11 =	sand.u32 $0x7F, s16;
	[sflag:s10] =	ssyncadd.s32 $0xFFFFF000  }
0x1ac: {  	v35 =	vor.u32 s11, v2;
	_ =	swait.ge [sflag:s10], $0x1000  }
0x1ad: {  	s16 =	sand.u32 $0x7F, s30;
	v36 =	vor.u32 s11, v3;
	[sflag:s10] =	ssyncset.done $0x0  }
0x1ae: {  	s30 =	simm.s32 $0x6600;
	v30 =	vor.u32 s16, v4;
	[sflag:s10] =	ssyncadd.s32 $0xFFFFF000  }
0x1af: {  	v31 =	vor.u32 s16, v5;
	v26 =	vld.idx.msk [tilespmem:v33+s30+$0x0], $0xffff  }
0x1b0: {  	v27 =	vld.idx.msk [tilespmem:v34+s30+$0x0], $0xffff  }
0x1b1: {  	v28 =	vld.idx.msk [tilespmem:v35+s30+$0x0], $0xffff  }
0x1b2: {  	v29 =	vld.idx.msk [tilespmem:v36+s30+$0x0], $0xffff  }
0x1b3: {  	v30 =	vld.idx.msk [tilespmem:v30+s30+$0x0], $0xffff  }
0x1b4: {  	v31 =	vld.idx.msk [tilespmem:v31+s30+$0x0], $0xffff;
	_ =	sdelay $0x3  }
0x1b5: {  	v28 =	vmul.f32 v28, v26;
	v29 =	vmul.f32 v29, v27  }
0x1b6: {  	v26 =	vmul.f32 v30, v26;
	v27 =	vmul.f32 v31, v27  }
0x1b7: {  	v28 =	vadd.f32 v29, v28  }
0x1b8: {  	v26 =	vadd.f32 v27, v26  }
0x1b9: {  	(xrf2) =	vadd.scan.msk.f32 $0xffff, v28  }
0x1ba: {  	(xrf2) =	vadd.scan.msk.f32 $0xffff, v26;
	_ =	sdelay $0x8  }
0x1bb: {  	v27, _, _ =	vpop (xrf2)  }
0x1bc: {  	v26, _, _ =	vpop (xrf2)  }
0x1bd: {  	_ =	swait.ge [sflag:s10], $0x1000  }
0x1be: {  	[sflag:s10] =	ssyncset.done $0x0  }
0x1bf: {  	[sflag:s10] =	ssyncadd.s32 $0xFFFFF000  }
0x1c0: {  	s19 =	sand.u32 $0x7F, s15;
	_ =	swait.ge [sflag:s10], $0x1000  }
0x1c1: {  	v37 =	vor.u32 s19, v0;
	[sflag:s10] =	ssyncset.done $0x0  }
0x1c2: {  	s21 =	sand.u32 $0x7F, s4;
	v38 =	vor.u32 s19, v1;
	[sflag:s10] =	ssyncadd.s32 $0xFFFFF000  }
0x1c3: {  	v39 =	vor.u32 s21, v2;
	_ =	swait.ge [sflag:s10], $0x1000  }
0x1c4: {  	s25 =	sand.u32 $0x7F, s9;
	v40 =	vor.u32 s21, v3;
	[sflag:s10] =	ssyncset.done $0x0  }
0x1c5: {  	s11 =	simm.s32 $0x9600;
	v32 =	vor.u32 s25, v4;
	[sflag:s10] =	ssyncadd.s32 $0xFFFFF000  }
0x1c6: {  	v33 =	vor.u32 s25, v5;
	v28 =	vld.idx.msk [tilespmem:v37+s11+$0x0], $0xffff  }
0x1c7: {  	v29 =	vld.idx.msk [tilespmem:v38+s11+$0x0], $0xffff  }
0x1c8: {  	v30 =	vld.idx.msk [tilespmem:v39+s11+$0x0], $0xffff  }
0x1c9: {  	v31 =	vld.idx.msk [tilespmem:v40+s11+$0x0], $0xffff  }
0x1ca: {  	v32 =	vld.idx.msk [tilespmem:v32+s11+$0x0], $0xffff  }
0x1cb: {  	v33 =	vld.idx.msk [tilespmem:v33+s11+$0x0], $0xffff;
	_ =	sdelay $0x3  }
0x1cc: {  	v30 =	vmul.f32 v30, v28;
	v31 =	vmul.f32 v31, v29  }
0x1cd: {  	v28 =	vmul.f32 v32, v28;
	v29 =	vmul.f32 v33, v29  }
0x1ce: {  	v30 =	vadd.f32 v31, v30  }
0x1cf: {  	v28 =	vadd.f32 v29, v28  }
0x1d0: {  	(xrf2) =	vadd.scan.msk.f32 $0xffff, v30  }
0x1d1: {  	(xrf2) =	vadd.scan.msk.f32 $0xffff, v28;
	_ =	sdelay $0x8  }
0x1d2: {  	v29, _, _ =	vpop (xrf2)  }
0x1d3: {  	v28, _, _ =	vpop (xrf2)  }
0x1d4: {  	_ =	swait.ge [sflag:s10], $0x1000  }
0x1d5: {  	[sflag:s10] =	ssyncset.done $0x0  }
0x1d6: {  	[sflag:s10] =	ssyncadd.s32 $0xFFFFF000  }
0x1d7: {  	s26 =	sand.u32 $0x7F, s3;
	_ =	swait.ge [sflag:s10], $0x1000  }
0x1d8: {  	v41 =	vor.u32 s26, v0;
	[sflag:s10] =	ssyncset.done $0x0  }
0x1d9: {  	s29 =	sand.u32 $0x7F, s24;
	v42 =	vor.u32 s26, v1;
	[sflag:s10] =	ssyncadd.s32 $0xFFFFF000  }
0x1da: {  	v43 =	vor.u32 s29, v2;
	_ =	swait.ge [sflag:s10], $0x1000  }
0x1db: {  	s3 =	sand.u32 $0x7F, s18;
	v44 =	vor.u32 s29, v3;
	[sflag:s10] =	ssyncset.done $0x0  }
0x1dc: {  	s24 =	simm.s32 $0xC600;
	v34 =	vor.u32 s3, v4;
	[sflag:s10] =	ssyncadd.s32 $0xFFFFF000  }
0x1dd: {  	v35 =	vor.u32 s3, v5;
	v30 =	vld.idx.msk [tilespmem:v41+s24+$0x0], $0xffff  }
0x1de: {  	v31 =	vld.idx.msk [tilespmem:v42+s24+$0x0], $0xffff  }
0x1df: {  	v32 =	vld.idx.msk [tilespmem:v43+s24+$0x0], $0xffff  }
0x1e0: {  	v33 =	vld.idx.msk [tilespmem:v44+s24+$0x0], $0xffff  }
0x1e1: {  	v34 =	vld.idx.msk [tilespmem:v34+s24+$0x0], $0xffff  }
0x1e2: {  	v35 =	vld.idx.msk [tilespmem:v35+s24+$0x0], $0xffff;
	_ =	sdelay $0x3  }
0x1e3: {  	v32 =	vmul.f32 v32, v30;
	v33 =	vmul.f32 v33, v31  }
0x1e4: {  	v30 =	vmul.f32 v34, v30;
	v31 =	vmul.f32 v35, v31  }
0x1e5: {  	v32 =	vadd.f32 v33, v32  }
0x1e6: {  	v30 =	vadd.f32 v31, v30  }
0x1e7: {  	(xrf2) =	vadd.scan.msk.f32 $0xffff, v32  }
0x1e8: {  	(xrf2) =	vadd.scan.msk.f32 $0xffff, v30;
	_ =	sdelay $0x8  }
0x1e9: {  	v31, _, _ =	vpop (xrf2)  }
0x1ea: {  	v30, _, _ =	vpop (xrf2)  }
0x1eb: {  	_ =	swait.ge [sflag:s10], $0x1000  }
0x1ec: {  	[sflag:s10] =	ssyncset.done $0x0  }
0x1ed: {  	[sflag:s10] =	ssyncadd.s32 $0xFFFFF000  }
0x1ee: {  	s4 =	sand.u32 $0x7F, s28;
	_ =	swait.ge [sflag:s10], $0x1000  }
0x1ef: {  	v45 =	vor.u32 s4, v0;
	[sflag:s10] =	ssyncset.done $0x0  }
0x1f0: {  	s16 =	sand.u32 $0x7F, s31;
	v46 =	vor.u32 s4, v1;
	[sflag:s10] =	ssyncadd.s32 $0xFFFFF000  }
0x1f1: {  	v47 =	vor.u32 s16, v2;
	_ =	swait.ge [sflag:s10], $0x1000  }
0x1f2: {  	v48 =	vor.u32 s16, v3;
	s19 =	sand.u32 $0x7F, s2;
	[sflag:s10] =	ssyncset.done $0x0  }
0x1f3: {  	s31 =	simm.s32 $0xF600;
	v36 =	vor.u32 s19, v4;
	[sflag:s10] =	ssyncadd.s32 $0xFFFFF000  }
0x1f4: {  	v37 =	vor.u32 s19, v5;
	v32 =	vld.idx.msk [tilespmem:v45+s31+$0x0], $0xffff  }
0x1f5: {  	v33 =	vld.idx.msk [tilespmem:v46+s31+$0x0], $0xffff  }
0x1f6: {  	v34 =	vld.idx.msk [tilespmem:v47+s31+$0x0], $0xffff  }
0x1f7: {  	v35 =	vld.idx.msk [tilespmem:v48+s31+$0x0], $0xffff  }
0x1f8: {  	v36 =	vld.idx.msk [tilespmem:v36+s31+$0x0], $0xffff  }
0x1f9: {  	v37 =	vld.idx.msk [tilespmem:v37+s31+$0x0], $0xffff;
	_ =	sdelay $0x3  }
0x1fa: {  	v34 =	vmul.f32 v34, v32;
	v35 =	vmul.f32 v35, v33  }
0x1fb: {  	v32 =	vmul.f32 v36, v32;
	v33 =	vmul.f32 v37, v33  }
0x1fc: {  	v34 =	vadd.f32 v35, v34  }
0x1fd: {  	v32 =	vadd.f32 v33, v32  }
0x1fe: {  	(xrf2) =	vadd.scan.msk.f32 $0xffff, v34  }
0x1ff: {  	(xrf2) =	vadd.scan.msk.f32 $0xffff, v32;
	_ =	sdelay $0x8  }
0x200: {  	v32, _, _ =	vpop (xrf2)  }
0x201: {  	v33, _, _ =	vpop (xrf2)  }
0x202: {  	_ =	swait.ge [sflag:s10], $0x1000  }
0x203: {  	[sflag:s10] =	ssyncset.done $0x0  }
0x204: {  	[sflag:s10] =	ssyncadd.s32 $0xFFFFF000  }
0x205: {  	s26 =	sand.u32 $0x7F, s6;
	_ =	swait.ge [sflag:s10], $0x1000  }
0x206: {  	v49 =	vor.u32 s26, v0;
	[sflag:s10] =	ssyncset.done $0x0  }
0x207: {  	s29 =	sand.u32 $0x7F, s8;
	v50 =	vor.u32 s26, v1;
	[sflag:s10] =	ssyncadd.s32 $0xFFFFF000  }
0x208: {  	v51 =	vor.u32 s29, v2;
	_ =	swait.ge [sflag:s10], $0x1000  }
0x209: {  	v52 =	vor.u32 s29, v3;
	s3 =	sand.u32 $0x7F, s5;
	[sflag:s10] =	ssyncset.done $0x0  }
0x20a: {  	s25 =	simm.s32 $0x12600;
	v38 =	vor.u32 s3, v4;
	[sflag:s10] =	ssyncadd.s32 $0xFFFFF000  }
0x20b: {  	v39 =	vor.u32 s3, v5;
	v34 =	vld.idx.msk [tilespmem:v49+s25+$0x0], $0xffff  }
0x20c: {  	v35 =	vld.idx.msk [tilespmem:v50+s25+$0x0], $0xffff  }
0x20d: {  	v36 =	vld.idx.msk [tilespmem:v51+s25+$0x0], $0xffff  }
0x20e: {  	v37 =	vld.idx.msk [tilespmem:v52+s25+$0x0], $0xffff  }
0x20f: {  	v38 =	vld.idx.msk [tilespmem:v38+s25+$0x0], $0xffff  }
0x210: {  	v39 =	vld.idx.msk [tilespmem:v39+s25+$0x0], $0xffff;
	_ =	sdelay $0x3  }
0x211: {  	v36 =	vmul.f32 v36, v34;
	v37 =	vmul.f32 v37, v35  }
0x212: {  	v34 =	vmul.f32 v38, v34;
	v35 =	vmul.f32 v39, v35  }
0x213: {  	v36 =	vadd.f32 v37, v36  }
0x214: {  	v34 =	vadd.f32 v35, v34  }
0x215: {  	(xrf2) =	vadd.scan.msk.f32 $0xffff, v36  }
0x216: {  	(xrf2) =	vadd.scan.msk.f32 $0xffff, v34;
	_ =	sdelay $0x8  }
0x217: {  	v34, _, _ =	vpop (xrf2)  }
0x218: {  	v35, _, _ =	vpop (xrf2)  }
0x219: {  	_ =	swait.ge [sflag:s10], $0x1000  }
0x21a: {  	[sflag:s10] =	ssyncset.done $0x0  }
0x21b: {  	[sflag:s10] =	ssyncadd.s32 $0xFFFFF000  }
0x21c: {  	s16 =	sand.u32 $0x7F, s23;
	_ =	swait.ge [sflag:s10], $0x1000  }
0x21d: {  	v53 =	vor.u32 s16, v0;
	[sflag:s10] =	ssyncset.done $0x0  }
0x21e: {  	v54 =	vor.u32 s16, v1;
	s19 =	sand.u32 $0x7F, s20;
	[sflag:s10] =	ssyncadd.s32 $0xFFFFF000  }
0x21f: {  	v55 =	vor.u32 s19, v2;
	_ =	swait.ge [sflag:s10], $0x1000  }
0x220: {  	v56 =	vor.u32 s19, v3;
	s25 =	sand.u32 $0x7F, s22;
	[sflag:s10] =	ssyncset.done $0x0  }
0x221: {  	s4 =	simm.s32 $0x15600;
	v40 =	vor.u32 s25, v4;
	[sflag:s10] =	ssyncadd.s32 $0xFFFFF000  }
0x222: {  	v41 =	vor.u32 s25, v5;
	v36 =	vld.idx.msk [tilespmem:v53+s4+$0x0], $0xffff  }
0x223: {  	v37 =	vld.idx.msk [tilespmem:v54+s4+$0x0], $0xffff  }
0x224: {  	v7 =	vbroadcast v7, $0xF;
	v9 =	vbroadcast v9, $0xF;
	v38 =	vld.idx.msk [tilespmem:v55+s4+$0x0], $0xffff  }
0x225: {  	v6 =	vbroadcast v6, $0xF;
	v8 =	vbroadcast v8, $0xF;
	v39 =	vld.idx.msk [tilespmem:v56+s4+$0x0], $0xffff  }
0x226: {  	v7 =	vsel vm0, v7, v9;
	v19 =	vbroadcast v19, $0xF;
	v57 =	vbroadcast v10, $0xF;
	v59 =	vld.idx.msk [tilespmem:v40+s4+$0x0], $0xffff  }
0x227: {  	v6 =	vsel vm0, v6, v8;
	v58 =	vbroadcast v11, $0xF;
	v60 =	vbroadcast v15, $0xF;
	v62 =	vld.idx.msk [tilespmem:v41+s4+$0x0], $0xffff  }
0x228: {  	v12 =	vbroadcast v12, $0xF;
	v7 =	vsel vm1, v7, v57;
	v61 =	vbroadcast v16, $0xF  }
0x229: {  	v6 =	vsel vm1, v6, v58;
	v7 =	vsel vm2, v7, v60;
	v63 =	vbroadcast v18, $0xF  }
0x22a: {  	v18 =	vbroadcast v17, $0xF;
	v6 =	vsel vm2, v6, v61;
	v45 =	vbroadcast v21, $0xF  }
0x22b: {  	v7 =	vsel vm3, v7, v63;
	v41 =	vmul.f32 v38, v36;
	v42 =	vmul.f32 v39, v37  }
0x22c: {  	v6 =	vsel vm3, v6, v18;
	v43 =	vmul.f32 v59, v36;
	v44 =	vmul.f32 v62, v37  }
0x22d: {  	v7 =	vsel vm4, v7, v19;
	v57 =	vbroadcast v30, $0xF;
	v8 =	vadd.f32 v42, v41  }
0x22e: {  	v48 =	vbroadcast v23, $0xF;
	v7 =	vsel vm5, v7, v45;
	v9 =	vadd.f32 v44, v43  }
0x22f: {  	v46 =	vbroadcast v22, $0xF;
	v7 =	vsel vm6, v7, v12;
	v40 =	vbroadcast v20, $0xF;
	(xrf2) =	vadd.scan.msk.f32 $0xffff, v8  }
0x230: {  	v47 =	vbroadcast v13, $0xF;
	v7 =	vsel vm7, v7, v48;
	v50 =	vbroadcast v25, $0xF;
	(xrf2) =	vadd.scan.msk.f32 $0xffff, v9  }
0x231: {  	v58 =	vbroadcast v32, $0xF;
	v52 =	vbroadcast v27, $0xF;
	v6 =	vsel vm4, v6, v40  }
0x232: {  	v49 =	vbroadcast v14, $0xF;
	v7 =	vsel vm8, v7, v50;
	v6 =	vsel vm5, v6, v46  }
0x233: {  	v51 =	vbroadcast v24, $0xF;
	v7 =	vsel vm9, v7, v52;
	v6 =	vsel vm6, v6, v47  }
0x234: {  	v53 =	vbroadcast v26, $0xF;
	v54 =	vbroadcast v29, $0xF;
	v6 =	vsel vm7, v6, v49  }
0x235: {  	v55 =	vbroadcast v28, $0xF;
	v56 =	vbroadcast v31, $0xF;
	v6 =	vsel vm8, v6, v51  }
0x236: {  	v60 =	vbroadcast v34, $0xF;
	s26 =	rddreg [dreg:$0xf];
	v7 =	vsel vm10, v7, v54;
	v6 =	vsel vm9, v6, v53  }
0x237: {  	p0 =	sne.s32 s26, $0x7C0;
	v7 =	vsel vm11, v7, v56;
	v59 =	vbroadcast v33, $0xF;
	v6 =	vsel vm10, v6, v55  }
.Ltmp0:
0x238: {  	v61 =	vbroadcast v35, $0xF;
	v7 =	vsel vm12, v7, v58;
	v6 =	vsel vm11, v6, v57;
	(pc) =	sbr.rel @p0 .LBB2_2-.Ltmp0, $4  }
0x239: {  	s9 =	simm.s32 $0x5600;
	s18 =	simm.s32 $0x8600;
	s28 =	simm.s32 $0xE600;
	v7 =	vsel vm13, v7, v60;
	v6 =	vsel vm12, v6, v59;
	v62, _, _ =	vpop (xrf2)  }
0x23a: {  	s23 =	simm.s32 $0xD600;
	s21 =	simm.s32 $0xB600;
	s29 =	rddreg [dreg:$0x10];
	v6 =	vsel vm13, v6, v61;
	v63, _, _ =	vpop (xrf2);
	v7 =	vsel vm14, v7, v62  }
0x23b: {  	s6 =	simm.s32 $0x2600;
	s8 =	simm.s32 $0x4600;
	s15 =	simm.s32 $0x7600;
	v6 =	vsel vm14, v6, v63;
	[tilespmem:s29+$0x18600] =	vst v7  }
0x23c: {  	s5 =	simm.s32 $0x1600;
	s20 =	simm.s32 $0xA600;
	s0 =	sadd.s32 $0x40, s26;
	[tilespmem:s29+$0x18800] =	vst v6  }
0x23d: {  	s11 =	simm.s32 $0x0  }
0x23e: {  	s0 =	rddreg [dreg:$0xb];
	s2 =	simm.s32 $0x18600;
	s3 =	simm.s32 $0x2  }
0x23f: {  	[hbm4b:s0+s11] =	stream.linear.scatter [tilespmem:s2], [sflag:$0x2], $0x200, $0x38;
	[tilespmem:$0x18A00] =	vst v63  }
0x240: {  	_ =	swait.ge [sflag:s3], $0x200  }
0x241: {  	[sflag:s3] =	ssyncset.done $0x0  }
0x242: {  	s25 =	simm.s32 $0x18800;
	s22 =	rddreg [dreg:$0xc];
	[sflag:s3] =	ssyncadd.s32 $0xFFFFFE00  }
0x243: {  	[hbm4b:s22+s11] =	stream.linear.scatter [tilespmem:s25], [sflag:$0x2], $0x200, $0x38;
	[tilespmem:$0x18A00] =	vst v63  }
0x244: {  	_ =	swait.ge [sflag:s3], $0x200  }
0x245: {  	s26 =	rddreg [dreg:$0xe]  }
0x246: {  	s29 =	rddreg [dreg:$0xd];
	s2 =	sadd.s32 $0x1, s26  }
0x247: {  	p0 =	sne.s32 s2, s29  }
.Ltmp1:
0x248: {  	_ = 	snop;
	(pc) =	sbr.rel @p0 .LBB2_1-.Ltmp1, $3  }
0x249: {  	_ =	sdelay $0x1  }
0x24a: {  	[sflag:s3] =	ssyncset.done $0x0  }
0x24b: {  	[sflag:s3] =	ssyncadd.s32 $0xFFFFFE00  }
0x24c: {  	_ =	sfence.sel $0x180000  }
0x24d: {  	[bflag:$0x0] =	sbarrier.arrive $0xFFFF  }
0x24e: {  	_ =	strace $0x90000047  }
0x24f: {  	s0 =	stileid.u32;
	[bflag:$0x2] =	sbarrier.arrive $0xFFFF  }
0x250: {  	p0 =	sne.s32 s0, $0x0;
	s0 =	rddreg [dreg:$0x7]  }
0x251: {  	s0 =	sadd.s32 @!p0 $0x100000, s0  }
0x252: {  	[sflag:s0] =	ssyncadd.tile.s32 @!p0 $0x1;
	_ =	shalt  }
.Lfunc_end2:
_tile_overlayer_lowered:
.L_overlay_start_2:
0x253: {  	(tag) =	ssettag $0x2  }
0x254: {  	s0 =	rddreg [dreg:$0x0];
	s2 =	stileid.u32  }
0x255: {  	s1 =	rddreg [dreg:$0x1];
	p0 =	sne.s32 s2, $0x0  }
0x256: {  	s3 =	rddreg [dreg:$0x2];
	[bflag:$0x3] =	sbarrier.arrive $0xFFFF;
	s2 =	simm.s32 @!p0 $0x1C02  }
0x257: {  	[timem:s3], [sflag:s2] =	dma.local @!p0 [hbm:s0], s1  }
0x258: {  	s0 =	simm.s32 @!p0 $0x2  }
0x259: {  	_ =	swait.ge @!p0 [sflag:s0], s1  }
0x25a: {  	s1 =	ssub.s32 @!p0 $0x0, s1;
	[sflag:s0] =	ssyncset.done @!p0 $0x0  }
0x25b: {  	[sflag:s0] =	ssyncadd.s32 @!p0 s1  }
0x25c: {  	[bflag:$0x3] =	sbarrier.arrive $0xFFFF  }
0x25d: {  	_ =	shalt  }

</sc_bundles>
